<compile_context>
chip_gen: v7x
topology: tpu7x:2x2x1
jax: 0.10.2.dev20260603
libtpu: 0.0.44.dev20260713+nightly
codegen_flags: <defaults>
</compile_context>

<pallas_src>
import functools

import jax
import jax.numpy as jnp
from jax import lax
from jax.experimental import pallas as pl
from jax.experimental.pallas import tpu as pltpu
from jax.experimental.pallas import tpu_sc as plsc

N = 10000
E = 320000
IN = 128
H = 32
OUT = 16

L = 128
NCHUNK = 2560
EP = NCHUNK * L
NW = 32
CPW = NCHUNK // NW
NP = 10240
RPT = NP // 16

_mesh = plsc.VectorSubcoreMesh(core_axis_name="c", subcore_axis_name="s")

_f32 = jnp.float32

_CA = 128
_CB = 32
_NBUF = 4


def _chunk_assignment(c, s):
    nc = jnp.where(c == 0, _CA, _CB)
    base = jnp.where(c == 0, s * _CA, 16 * _CA + s * _CB)
    return nc, base


@functools.partial(
    pl.kernel,
    mesh=_mesh,
    out_type=jax.ShapeDtypeStruct((2, NP), _f32),
    scratch_types=[
        pltpu.VMEM((_CA, L), jnp.int32),
        pltpu.VMEM((L,), _f32),
        pltpu.VMEM((RPT,), _f32),
        pltpu.SemaphoreType.DMA,
        pltpu.VMEM_SHARED((NP,), _f32),
    ],
)
def _sc_degree(dstH, out, didx, ones, zbuf, sem, acc):
    c = lax.axis_index("c")
    s = lax.axis_index("s")
    nc, base = _chunk_assignment(c, s)

    def fill(i, carry):
        ones[pl.ds(i * 16, 16)] = jnp.ones((16,), _f32)
        return carry

    lax.fori_loop(0, L // 16, fill, 0)

    def zfill(i, carry):
        zbuf[pl.ds(i * 16, 16)] = jnp.zeros((16,), _f32)
        return carry

    lax.fori_loop(0, RPT // 16, zfill, 0)
    pltpu.sync_copy(dstH.at[pl.ds(base, _CB)], didx.at[pl.ds(0, _CB)])

    @pl.when(c == 0)
    def _():
        pltpu.sync_copy(dstH.at[pl.ds(base + _CB, _CA - _CB)],
                        didx.at[pl.ds(_CB, _CA - _CB)])

    pltpu.sync_copy(zbuf, acc.at[pl.ds(s * RPT, RPT)])
    plsc.subcore_barrier()

    def body(j, carry):
        pltpu.async_copy(ones, acc.at[didx.at[j]], sem, add=True)
        return carry

    lax.fori_loop(0, nc, body, 0)

    def drain(j, carry):
        pltpu.make_async_copy(ones, acc.at[didx.at[j]], sem).wait()
        return carry

    lax.fori_loop(0, nc, drain, 0)
    plsc.subcore_barrier()
    pltpu.sync_copy(acc.at[pl.ds(s * RPT, RPT)], zbuf)
    pltpu.sync_copy(zbuf, out.at[c, pl.ds(s * RPT, RPT)])


@functools.partial(
    pl.kernel,
    mesh=_mesh,
    compiler_params=pltpu.CompilerParams(use_tc_tiling_on_sc=False),
    out_type=jax.ShapeDtypeStruct((2, NP, H), _f32),
    scratch_types=[
        pltpu.VMEM((_CA, L), jnp.int32),
        pltpu.VMEM((_CA, L), jnp.int32),
        pltpu.VMEM((_NBUF, L, H), _f32),
        pltpu.VMEM((L, H), _f32),
        [pltpu.SemaphoreType.DMA] * _NBUF,
        pltpu.VMEM_SHARED((NP, H), _f32),
    ],
)
def _sc_edge_pass(srcH, dstH, zs, out, sidx, didx, rows, zrows, sems, acc):
    c = lax.axis_index("c")
    s = lax.axis_index("s")
    nc, base = _chunk_assignment(c, s)

    def zfill(r, carry):
        for t in range(H // 16):
            zrows[r, pl.ds(t * 16, 16)] = jnp.zeros((16,), _f32)
        return carry

    lax.fori_loop(0, L, zfill, 0)
    pltpu.sync_copy(srcH.at[pl.ds(base, _CB)], sidx.at[pl.ds(0, _CB)])
    pltpu.sync_copy(dstH.at[pl.ds(base, _CB)], didx.at[pl.ds(0, _CB)])

    @pl.when(c == 0)
    def _():
        pltpu.sync_copy(srcH.at[pl.ds(base + _CB, _CA - _CB)],
                        sidx.at[pl.ds(_CB, _CA - _CB)])
        pltpu.sync_copy(dstH.at[pl.ds(base + _CB, _CA - _CB)],
                        didx.at[pl.ds(_CB, _CA - _CB)])

    for t in range(RPT // L):
        pltpu.sync_copy(zrows, acc.at[pl.ds(s * RPT + t * L, L)])
    for b in range(_NBUF):
        pltpu.async_copy(zs.at[sidx.at[b]], rows.at[b], sems[b])
    plsc.subcore_barrier()

    def body(i, carry):
        for b in range(_NBUF):
            j = i * _NBUF + b
            pltpu.make_async_copy(zs.at[sidx.at[b]], rows.at[b],
                                  sems[b]).wait()
            pltpu.sync_copy(rows.at[b], acc.at[didx.at[j]], add=True)
            jn = lax.rem(j + _NBUF, nc)
            pltpu.async_copy(zs.at[sidx.at[jn]], rows.at[b], sems[b])
        return carry

    lax.fori_loop(0, nc // _NBUF, body, 0)
    for b in range(_NBUF):
        pltpu.make_async_copy(zs.at[sidx.at[b]], rows.at[b], sems[b]).wait()
    plsc.subcore_barrier()
    for t in range(RPT // L):
        pltpu.sync_copy(acc.at[pl.ds(s * RPT + t * L, L)], zrows)
        pltpu.sync_copy(zrows, out.at[c, pl.ds(s * RPT + t * L, L)])


_R = 5000


def _tc1a_body(x_ref, w_ref, z_ref):
    z_ref[...] = jnp.dot(x_ref[...], w_ref[...], preferred_element_type=_f32)


def _tc1a(x, W1):
    return pl.pallas_call(
        _tc1a_body,
        grid=(N // _R,),
        in_specs=[
            pl.BlockSpec((_R, IN), lambda i: (i, 0)),
            pl.BlockSpec((IN, H), lambda i: (0, 0)),
        ],
        out_specs=pl.BlockSpec((_R, H), lambda i: (i, 0)),
        out_shape=jax.ShapeDtypeStruct((N, H), _f32),
    )(x, W1)


def _tc1b_body(z_ref, degT_ref, zs_ref, dis_ref):
    degp = degT_ref[...]
    deg = degp[:, 0:1] + degp[:, 1:2] + 1.0
    dis = lax.rsqrt(deg)
    zs_ref[...] = z_ref[...] * dis
    dis_ref[...] = dis


def _tc1b(z1, degT):
    return pl.pallas_call(
        _tc1b_body,
        grid=(N // _R,),
        in_specs=[
            pl.BlockSpec((_R, H), lambda i: (i, 0)),
            pl.BlockSpec((_R, 2), lambda i: (i, 0)),
        ],
        out_specs=[
            pl.BlockSpec((_R, H), lambda i: (i, 0)),
            pl.BlockSpec((_R, 1), lambda i: (i, 0)),
        ],
        out_shape=[
            jax.ShapeDtypeStruct((N, H), _f32),
            jax.ShapeDtypeStruct((N, 1), _f32),
        ],
    )(z1, degT)


def _tc2_body(p_ref, zs1_ref, dis_ref, b1_ref, wmv_ref, zs2_ref):
    dis = dis_ref[...]
    h = dis * (p_ref[0] + p_ref[1] + zs1_ref[...]) + b1_ref[...]
    h = jnp.maximum(h, 0.0)
    zs2_ref[...] = jnp.dot(h * dis, wmv_ref[...], preferred_element_type=_f32)


def _tc2(P, zs1, dis, b1r, Wmv):
    return pl.pallas_call(
        _tc2_body,
        grid=(N // _R,),
        in_specs=[
            pl.BlockSpec((2, _R, H), lambda i: (0, i, 0)),
            pl.BlockSpec((_R, H), lambda i: (i, 0)),
            pl.BlockSpec((_R, 1), lambda i: (i, 0)),
            pl.BlockSpec((1, H), lambda i: (0, 0)),
            pl.BlockSpec((H, H), lambda i: (0, 0)),
        ],
        out_specs=pl.BlockSpec((_R, H), lambda i: (i, 0)),
        out_shape=jax.ShapeDtypeStruct((N, H), _f32),
    )(P, zs1, dis, b1r, Wmv)


def _tc3_body(p_ref, zs2_ref, dis_ref, bmv_ref, mean_ref, var_ref):
    dis = dis_ref[...]
    o = dis * (p_ref[0] + p_ref[1] + zs2_ref[...]) + bmv_ref[...]
    m = o[:, :OUT]
    nrm = jnp.sqrt(jnp.sum(m * m, axis=1, keepdims=True))
    mean_ref[...] = m / nrm
    v = o[:, OUT:OUT + 1]
    var_ref[...] = jnp.log(1.0 + jnp.exp(-jnp.abs(v))) + jnp.maximum(v, 0.0) + 1.0


def _tc3(P, zs2, dis, bmvr):
    return pl.pallas_call(
        _tc3_body,
        grid=(N // _R,),
        in_specs=[
            pl.BlockSpec((2, _R, H), lambda i: (0, i, 0)),
            pl.BlockSpec((_R, H), lambda i: (i, 0)),
            pl.BlockSpec((_R, 1), lambda i: (i, 0)),
            pl.BlockSpec((1, H), lambda i: (0, 0)),
        ],
        out_specs=[
            pl.BlockSpec((_R, OUT), lambda i: (i, 0)),
            pl.BlockSpec((_R, 1), lambda i: (i, 0)),
        ],
        out_shape=[
            jax.ShapeDtypeStruct((N, OUT), _f32),
            jax.ShapeDtypeStruct((N, 1), _f32),
        ],
    )(P, zs2, dis, bmvr)


def kernel(x, edge_index, W1, b1, Wm, bm, Wv, bv):
    src = edge_index[0]
    dst = edge_index[1]
    srcp = jnp.concatenate(
        [src, jnp.zeros((EP - E,), jnp.int32)]).reshape(NCHUNK, L)
    dstp = jnp.concatenate(
        [dst, jnp.full((EP - E,), N, jnp.int32)]).reshape(NCHUNK, L)

    degp = _sc_degree(dstp)
    degT = degp.T[:N]

    z1 = _tc1a(x, W1)
    zs1, dis = _tc1b(z1, degT)

    P1 = _sc_edge_pass(srcp, dstp, zs1)

    b1r = b1.reshape(1, H)
    Wmv = jnp.pad(jnp.concatenate([Wm, Wv], axis=1), ((0, 0), (0, H - OUT - 1)))
    zs2 = _tc2(P1, zs1, dis, b1r, Wmv)

    P2 = _sc_edge_pass(srcp, dstp, zs2)

    bmvr = jnp.pad(jnp.concatenate([bm, bv]), (0, H - OUT - 1)).reshape(1, H)
    mean, var = _tc3(P2, zs2, dis, bmvr)
    return mean, var

# --- scband reference (transcript-rebuilt; emitter-appended) ---
"""Pipeline reference for scband-variational-gcnencoder-23587960389966 (READ-ONLY COPY).

The authoritative reference and input builder live on the scoring server;
editing this copy changes nothing except your own understanding.
"""

import jax, jax.numpy as jnp
import numpy as np

N = 10000
E = 320000
IN = 128
OUT = 16


def setup_inputs(seed: int = 0) -> dict:
    key = jax.random.key(seed)
    ks = jax.random.split(key, 8)
    x = jax.random.normal(ks[0], (N, IN), dtype=jnp.float32)
    edge_index = jax.random.randint(ks[1], (2, E), 0, N, dtype=jnp.int32)
    W1 = jax.random.normal(ks[2], (IN, 2 * OUT), dtype=jnp.float32) * 0.05
    b1 = jnp.zeros((2 * OUT,), dtype=jnp.float32)
    Wm = jax.random.normal(ks[3], (2 * OUT, OUT), dtype=jnp.float32) * 0.1
    bm = jnp.zeros((OUT,), dtype=jnp.float32)
    Wv = jax.random.normal(ks[4], (2 * OUT, 1), dtype=jnp.float32) * 0.1
    bv = jnp.zeros((1,), dtype=jnp.float32)
    return {"x": x, "edge_index": edge_index, "W1": W1, "b1": b1, "Wm": Wm, "bm": bm, "Wv": Wv, "bv": bv}


def _gcn_conv(x, edge_index, W, b):
    # PyG GCNConv with add_self_loops=True and symmetric normalization
    loop = jnp.arange(N, dtype=edge_index.dtype)
    src = jnp.concatenate([edge_index[0], loop])
    dst = jnp.concatenate([edge_index[1], loop])
    ones = jnp.ones_like(src, dtype=x.dtype)
    deg = jax.ops.segment_sum(ones, dst, num_segments=N)
    deg_inv_sqrt = jnp.where(deg > 0, 1.0 / jnp.sqrt(deg), 0.0)
    norm = deg_inv_sqrt[src] * deg_inv_sqrt[dst]
    h = x @ W  # dense transform
    msg = h[src] * norm[:, None]  # gather + scale
    out = jax.ops.segment_sum(msg, dst, num_segments=N)  # scatter-add
    return out + b


def reference(x, edge_index, W1, b1, Wm, bm, Wv, bv):
    h = jax.nn.relu(_gcn_conv(x, edge_index, W1, b1))
    mean = _gcn_conv(h, edge_index, Wm, bm)
    mean = mean / jnp.linalg.norm(mean, axis=-1, keepdims=True)
    var = _gcn_conv(h, edge_index, Wv, bv)
    var = jax.nn.softplus(var) + 1.0
    return (mean, var)

if __name__ == "__main__":
    import jax
    _d = setup_inputs()
    print(jax.jit(kernel)(*tuple(_d.values())))

</pallas_src>

<mosaic_0001>
#map = affine_map<(d0, d1) -> (0, 0)>
module attributes {stable_mosaic.version = 14 : i64} {
  func.func @_sc_degree(%arg0: i32, %arg1: i32, %arg2: memref<2560x128xi32, #tpu.memory_space<hbm>>, %arg3: memref<2x10240xf32, #tpu.memory_space<hbm>>, %arg4: memref<128x128xi32, #tpu.memory_space<vmem>>, %arg5: memref<128xf32, #tpu.memory_space<vmem>>, %arg6: memref<640xf32, #tpu.memory_space<vmem>>, %arg7: memref<!tpu.dma_semaphore, #tpu.memory_space<semaphore_mem>>, %arg8: memref<10240xf32, #tpu.memory_space<vmem_shared>>) attributes {dimension_semantics = [#tpu.dimension_semantics<core_parallel>, #tpu.dimension_semantics<subcore_parallel>], iteration_bounds = array<i64: 2, 16>, scalar_prefetch = 0 : i64, scratch_operands = 5 : i64, tpu.core_type = #tpu.core_type<sc_vector_subcore>, window_params = [{transform_indices = #map}, {transform_indices = #map}]} {
    %eq3A = arith.constant 0 : i32
    %eq3A_0 = arith.cmpi eq, %arg0, %eq3A : i32
    %jit3A = arith.constant 128 : i32
    %jit3A_1 = arith.constant 32 : i32
    %select_n3A = arith.select %eq3A_0, %jit3A, %jit3A_1 : i32
    %eq3A_2 = arith.constant 0 : i32
    %eq3A_3 = arith.cmpi eq, %arg0, %eq3A_2 : i32
    %mul3A = arith.constant 128 : i32
    %mul3A_4 = arith.muli %arg1, %mul3A : i32
    %mul3A_5 = arith.constant 32 : i32
    %mul3A_6 = arith.muli %arg1, %mul3A_5 : i32
    %add3A = arith.constant 2048 : i32
    %add3A_7 = arith.addi %add3A, %mul3A_6 : i32
    %select_n3A_8 = arith.select %eq3A_3, %mul3A_4, %add3A_7 : i32
    %scan3A = arith.constant 0 : i32
    %scan3A_9 = arith.constant 0 : i32
    %scan3A_10 = arith.constant 8 : i32
    %scan3A_11 = arith.addi %scan3A_9, %scan3A_10 : i32
    %scan3A_12 = arith.constant 1 : i32
    scf.for %scan3A_49 = %scan3A_9 to %scan3A_11 step %scan3A_12  : i32 {
      %broadcast_in_dim3A = arith.constant 1.000000e+00 : f32
      %broadcast_in_dim3A_50 = vector.broadcast %broadcast_in_dim3A : f32 to vector<16xf32>
      %mul3A_51 = arith.constant 16 : i32
      %mul3A_52 = arith.muli %scan3A_49, %mul3A_51 : i32
      %swap3A = arith.index_cast %mul3A_52 : i32 to index
      %swap3A_53 = tpu.vector_load %arg5[%swap3A] {strides = array<i32>} : memref<128xf32, #tpu.memory_space<vmem>>, vector<16xf32>,
      %swap3A_54 = vector.shape_cast %swap3A_53 : vector<16xf32> to vector<16xf32>
      %swap3A_55 = vector.shape_cast %broadcast_in_dim3A_50 : vector<16xf32> to vector<16xf32>
      tpu.vector_store %arg5[%swap3A], %swap3A_55 {strides = array<i32>} : memref<128xf32, #tpu.memory_space<vmem>>, vector<16xf32>,
    }
    %scan3A_13 = arith.constant 8 : i32
    %scan3A_14 = arith.constant 0 : i32
    %scan3A_15 = arith.constant 0 : i32
    %scan3A_16 = arith.constant 40 : i32
    %scan3A_17 = arith.addi %scan3A_15, %scan3A_16 : i32
    %scan3A_18 = arith.constant 1 : i32
    scf.for %scan3A_49 = %scan3A_15 to %scan3A_17 step %scan3A_18  : i32 {
      %broadcast_in_dim3A = arith.constant 0.000000e+00 : f32
      %broadcast_in_dim3A_50 = vector.broadcast %broadcast_in_dim3A : f32 to vector<16xf32>
      %mul3A_51 = arith.constant 16 : i32
      %mul3A_52 = arith.muli %scan3A_49, %mul3A_51 : i32
      %swap3A = arith.index_cast %mul3A_52 : i32 to index
      %swap3A_53 = tpu.vector_load %arg6[%swap3A] {strides = array<i32>} : memref<640xf32, #tpu.memory_space<vmem>>, vector<16xf32>,
      %swap3A_54 = vector.shape_cast %swap3A_53 : vector<16xf32> to vector<16xf32>
      %swap3A_55 = vector.shape_cast %broadcast_in_dim3A_50 : vector<16xf32> to vector<16xf32>
      tpu.vector_store %arg6[%swap3A], %swap3A_55 {strides = array<i32>} : memref<640xf32, #tpu.memory_space<vmem>>, vector<16xf32>,
    }
    %scan3A_19 = arith.constant 40 : i32
    "tpu.region"() ({
      %run_scoped3A = tpu.sem_alloc : memref<!tpu.dma_semaphore, #tpu.memory_space<semaphore_mem>>
      %dma_start3A = arith.constant 0 : i32
      %dma_start3A_49 = arith.constant 0 : i32
      %dma_start3A_50 = tpu.memref_slice %arg4[%dma_start3A, %dma_start3A_49] : memref<128x128xi32, #tpu.memory_space<vmem>> -> memref<32x128xi32, #tpu.memory_space<vmem>>
      %dma_start3A_51 = arith.constant 0 : i32
      %dma_start3A_52 = tpu.memref_slice %arg2[%select_n3A_8, %dma_start3A_51] : memref<2560x128xi32, #tpu.memory_space<hbm>> -> memref<32x128xi32, #tpu.memory_space<hbm>>
      %dma_start3A_53 = arith.constant 0 : i32
      %dma_start3A_54 = arith.constant 0 : i32
      %dma_start3A_55 = tpu.memref_slice %arg4[%dma_start3A_53, %dma_start3A_54] : memref<128x128xi32, #tpu.memory_space<vmem>> -> memref<32x128xi32, #tpu.memory_space<vmem>>
      %dma_start3A_56 = arith.constant 0 : i32
      %dma_start3A_57 = tpu.memref_slice %arg2[%select_n3A_8, %dma_start3A_56] : memref<2560x128xi32, #tpu.memory_space<hbm>> -> memref<32x128xi32, #tpu.memory_space<hbm>>
      tpu.enqueue_dma source(%dma_start3A_57 : memref<32x128xi32, #tpu.memory_space<hbm>>) target(%dma_start3A_55 : memref<32x128xi32, #tpu.memory_space<vmem>>) target_semaphore(%run_scoped3A : memref<!tpu.dma_semaphore, #tpu.memory_space<semaphore_mem>>)
      %dma_wait3A = arith.constant 0 : i32
      %dma_wait3A_58 = arith.constant 0 : i32
      %dma_wait3A_59 = tpu.memref_slice %arg4[%dma_wait3A, %dma_wait3A_58] : memref<128x128xi32, #tpu.memory_space<vmem>> -> memref<32x128xi32, #tpu.memory_space<vmem>>
      %dma_wait3A_60 = arith.constant 0 : i32
      %dma_wait3A_61 = tpu.memref_slice %arg2[%select_n3A_8, %dma_wait3A_60] : memref<2560x128xi32, #tpu.memory_space<hbm>> -> memref<32x128xi32, #tpu.memory_space<hbm>>
      %dma_wait3A_62 = arith.constant 0 : i32
      %dma_wait3A_63 = arith.constant 0 : i32
      %dma_wait3A_64 = tpu.memref_slice %arg4[%dma_wait3A_62, %dma_wait3A_63] : memref<128x128xi32, #tpu.memory_space<vmem>> -> memref<32x128xi32, #tpu.memory_space<vmem>>
      %dma_wait3A_65 = arith.constant 0 : i32
      %dma_wait3A_66 = tpu.memref_slice %arg2[%select_n3A_8, %dma_wait3A_65] : memref<2560x128xi32, #tpu.memory_space<hbm>> -> memref<32x128xi32, #tpu.memory_space<hbm>>
      tpu.wait_dma2 semaphore(%run_scoped3A : memref<!tpu.dma_semaphore, #tpu.memory_space<semaphore_mem>>) src(%dma_wait3A_66 : memref<32x128xi32, #tpu.memory_space<hbm>>) dst(%dma_wait3A_64 : memref<32x128xi32, #tpu.memory_space<vmem>>)
      tpu.yield
    }) : () -> ()
    %eq3A_20 = arith.constant 0 : i32
    %eq3A_21 = arith.cmpi eq, %arg0, %eq3A_20 : i32
    %convert_element_type3A = arith.extui %eq3A_21 : i1 to i32
    %cond3A = arith.constant 0 : i32
    %cond3A_22 = arith.cmpi ne, %convert_element_type3A, %cond3A : i32
    scf.if %cond3A_22 {
      %add3A_49 = arith.constant 32 : i32
      %add3A_50 = arith.addi %select_n3A_8, %add3A_49 : i32
      "tpu.region"() ({
        %run_scoped3A = tpu.sem_alloc : memref<!tpu.dma_semaphore, #tpu.memory_space<semaphore_mem>>
        %dma_start3A = arith.constant 32 : i32
        %dma_start3A_51 = arith.constant 0 : i32
        %dma_start3A_52 = tpu.memref_slice %arg4[%dma_start3A, %dma_start3A_51] : memref<128x128xi32, #tpu.memory_space<vmem>> -> memref<96x128xi32, #tpu.memory_space<vmem>>
        %dma_start3A_53 = arith.constant 0 : i32
        %dma_start3A_54 = tpu.memref_slice %arg2[%add3A_50, %dma_start3A_53] : memref<2560x128xi32, #tpu.memory_space<hbm>> -> memref<96x128xi32, #tpu.memory_space<hbm>>
        %dma_start3A_55 = arith.constant 32 : i32
        %dma_start3A_56 = arith.constant 0 : i32
        %dma_start3A_57 = tpu.memref_slice %arg4[%dma_start3A_55, %dma_start3A_56] : memref<128x128xi32, #tpu.memory_space<vmem>> -> memref<96x128xi32, #tpu.memory_space<vmem>>
        %dma_start3A_58 = arith.constant 0 : i32
        %dma_start3A_59 = tpu.memref_slice %arg2[%add3A_50, %dma_start3A_58] : memref<2560x128xi32, #tpu.memory_space<hbm>> -> memref<96x128xi32, #tpu.memory_space<hbm>>
        tpu.enqueue_dma source(%dma_start3A_59 : memref<96x128xi32, #tpu.memory_space<hbm>>) target(%dma_start3A_57 : memref<96x128xi32, #tpu.memory_space<vmem>>) target_semaphore(%run_scoped3A : memref<!tpu.dma_semaphore, #tpu.memory_space<semaphore_mem>>)
        %dma_wait3A = arith.constant 32 : i32
        %dma_wait3A_60 = arith.constant 0 : i32
        %dma_wait3A_61 = tpu.memref_slice %arg4[%dma_wait3A, %dma_wait3A_60] : memref<128x128xi32, #tpu.memory_space<vmem>> -> memref<96x128xi32, #tpu.memory_space<vmem>>
        %dma_wait3A_62 = arith.constant 0 : i32
        %dma_wait3A_63 = tpu.memref_slice %arg2[%add3A_50, %dma_wait3A_62] : memref<2560x128xi32, #tpu.memory_space<hbm>> -> memref<96x128xi32, #tpu.memory_space<hbm>>
        %dma_wait3A_64 = arith.constant 32 : i32
        %dma_wait3A_65 = arith.constant 0 : i32
        %dma_wait3A_66 = tpu.memref_slice %arg4[%dma_wait3A_64, %dma_wait3A_65] : memref<128x128xi32, #tpu.memory_space<vmem>> -> memref<96x128xi32, #tpu.memory_space<vmem>>
        %dma_wait3A_67 = arith.constant 0 : i32
        %dma_wait3A_68 = tpu.memref_slice %arg2[%add3A_50, %dma_wait3A_67] : memref<2560x128xi32, #tpu.memory_space<hbm>> -> memref<96x128xi32, #tpu.memory_space<hbm>>
        tpu.wait_dma2 semaphore(%run_scoped3A : memref<!tpu.dma_semaphore, #tpu.memory_space<semaphore_mem>>) src(%dma_wait3A_68 : memref<96x128xi32, #tpu.memory_space<hbm>>) dst(%dma_wait3A_66 : memref<96x128xi32, #tpu.memory_space<vmem>>)
        tpu.yield
      }) : () -> ()
    } else {
    }
    %mul3A_23 = arith.constant 640 : i32
    %mul3A_24 = arith.muli %arg1, %mul3A_23 : i32
    "tpu.region"() ({
      %run_scoped3A = tpu.sem_alloc : memref<!tpu.dma_semaphore, #tpu.memory_space<semaphore_mem>>
      %dma_start3A = tpu.memref_slice %arg8[%mul3A_24] : memref<10240xf32, #tpu.memory_space<vmem_shared>> -> memref<640xf32, #tpu.memory_space<vmem_shared>>
      %dma_start3A_49 = tpu.memref_slice %arg8[%mul3A_24] : memref<10240xf32, #tpu.memory_space<vmem_shared>> -> memref<640xf32, #tpu.memory_space<vmem_shared>>
      tpu.enqueue_dma source(%arg6 : memref<640xf32, #tpu.memory_space<vmem>>) target(%dma_start3A_49 : memref<640xf32, #tpu.memory_space<vmem_shared>>) target_semaphore(%run_scoped3A : memref<!tpu.dma_semaphore, #tpu.memory_space<semaphore_mem>>)
      %dma_wait3A = tpu.memref_slice %arg8[%mul3A_24] : memref<10240xf32, #tpu.memory_space<vmem_shared>> -> memref<640xf32, #tpu.memory_space<vmem_shared>>
      %dma_wait3A_50 = tpu.memref_slice %arg8[%mul3A_24] : memref<10240xf32, #tpu.memory_space<vmem_shared>> -> memref<640xf32, #tpu.memory_space<vmem_shared>>
      tpu.wait_dma2 semaphore(%run_scoped3A : memref<!tpu.dma_semaphore, #tpu.memory_space<semaphore_mem>>) src(%arg6 : memref<640xf32, #tpu.memory_space<vmem>>) dst(%dma_wait3A_50 : memref<640xf32, #tpu.memory_space<vmem_shared>>)
      tpu.yield
    }) : () -> ()
    %barrier3A = arith.constant 0 : index
    tpu.barrier barrier_id(%barrier3A)
    %while3A = arith.constant 0 : i32
    %while3A_25 = arith.constant 0 : i32
    %while3A_26 = arith.subi %select_n3A, %while3A_25 : i32
    %while3A_27 = arith.addi %while3A_25, %while3A_26 : i32
    %while3A_28 = arith.constant 1 : i32
    %while3A_29 = arith.divsi %while3A_26, %while3A_28 : i32
    %while3A_30 = arith.muli %while3A_29, %while3A_28 : i32
    %while3A_31 = arith.addi %while3A_25, %while3A_30 : i32
    %while3A_32 = arith.constant 1 : i32
    scf.for %while3A_49 = %while3A_25 to %while3A_31 step %while3A_32  : i32 {
      %dma_start3A = arith.constant 0 : i32
      %dma_start3A_50 = tpu.memref_slice %arg4[%while3A_49, %dma_start3A] : memref<128x128xi32, #tpu.memory_space<vmem>> -> memref<1x128xi32, #tpu.memory_space<vmem>>
      %dma_start3A_51 = tpu.memref_squeeze %dma_start3A_50 : memref<1x128xi32, #tpu.memory_space<vmem>> -> memref<128xi32, #tpu.memory_space<vmem>>
      %dma_start3A_52 = arith.constant 0 : i32
      %dma_start3A_53 = tpu.memref_slice %arg8[%dma_start3A_52] : memref<10240xf32, #tpu.memory_space<vmem_shared>> -> memref<10240xf32, #tpu.memory_space<vmem_shared>>
      tpu.enqueue_indirect_dma source(%arg5 : memref<128xf32, #tpu.memory_space<vmem>>) target(%dma_start3A_53 : memref<10240xf32, #tpu.memory_space<vmem_shared>>) offsets(%dma_start3A_51 : memref<128xi32, #tpu.memory_space<vmem>>) semaphore(%arg7 : memref<!tpu.dma_semaphore, #tpu.memory_space<semaphore_mem>>) {add = true}
    }
    %while3A_33 = arith.constant 1 : i32
    scf.for %while3A_49 = %while3A_31 to %while3A_27 step %while3A_33  : i32 {
      %dma_start3A = arith.constant 0 : i32
      %dma_start3A_50 = tpu.memref_slice %arg4[%while3A_49, %dma_start3A] : memref<128x128xi32, #tpu.memory_space<vmem>> -> memref<1x128xi32, #tpu.memory_space<vmem>>
      %dma_start3A_51 = tpu.memref_squeeze %dma_start3A_50 : memref<1x128xi32, #tpu.memory_space<vmem>> -> memref<128xi32, #tpu.memory_space<vmem>>
      %dma_start3A_52 = arith.constant 0 : i32
      %dma_start3A_53 = tpu.memref_slice %arg8[%dma_start3A_52] : memref<10240xf32, #tpu.memory_space<vmem_shared>> -> memref<10240xf32, #tpu.memory_space<vmem_shared>>
      tpu.enqueue_indirect_dma source(%arg5 : memref<128xf32, #tpu.memory_space<vmem>>) target(%dma_start3A_53 : memref<10240xf32, #tpu.memory_space<vmem_shared>>) offsets(%dma_start3A_51 : memref<128xi32, #tpu.memory_space<vmem>>) semaphore(%arg7 : memref<!tpu.dma_semaphore, #tpu.memory_space<semaphore_mem>>) {add = true}
    }
    %while3A_34 = arith.constant 0 : i32
    %while3A_35 = arith.constant 0 : i32
    %while3A_36 = arith.subi %select_n3A, %while3A_35 : i32
    %while3A_37 = arith.addi %while3A_35, %while3A_36 : i32
    %while3A_38 = arith.constant 1 : i32
    %while3A_39 = arith.divsi %while3A_36, %while3A_38 : i32
    %while3A_40 = arith.muli %while3A_39, %while3A_38 : i32
    %while3A_41 = arith.addi %while3A_35, %while3A_40 : i32
    %while3A_42 = arith.constant 1 : i32
    scf.for %while3A_49 = %while3A_35 to %while3A_41 step %while3A_42  : i32 {
      %dma_wait3A = arith.constant 0 : i32
      %dma_wait3A_50 = tpu.memref_slice %arg4[%while3A_49, %dma_wait3A] : memref<128x128xi32, #tpu.memory_space<vmem>> -> memref<1x128xi32, #tpu.memory_space<vmem>>
      %dma_wait3A_51 = tpu.memref_squeeze %dma_wait3A_50 : memref<1x128xi32, #tpu.memory_space<vmem>> -> memref<128xi32, #tpu.memory_space<vmem>>
      %dma_wait3A_52 = arith.constant 0 : i32
      %dma_wait3A_53 = tpu.memref_slice %arg8[%dma_wait3A_52] : memref<10240xf32, #tpu.memory_space<vmem_shared>> -> memref<10240xf32, #tpu.memory_space<vmem_shared>>
      tpu.wait_indirect_dma semaphore(%arg7 : memref<!tpu.dma_semaphore, #tpu.memory_space<semaphore_mem>>) src(%arg5 : memref<128xf32, #tpu.memory_space<vmem>>) dst(%dma_wait3A_53 : memref<10240xf32, #tpu.memory_space<vmem_shared>>)
    }
    %while3A_43 = arith.constant 1 : i32
    scf.for %while3A_49 = %while3A_41 to %while3A_37 step %while3A_43  : i32 {
      %dma_wait3A = arith.constant 0 : i32
      %dma_wait3A_50 = tpu.memref_slice %arg4[%while3A_49, %dma_wait3A] : memref<128x128xi32, #tpu.memory_space<vmem>> -> memref<1x128xi32, #tpu.memory_space<vmem>>
      %dma_wait3A_51 = tpu.memref_squeeze %dma_wait3A_50 : memref<1x128xi32, #tpu.memory_space<vmem>> -> memref<128xi32, #tpu.memory_space<vmem>>
      %dma_wait3A_52 = arith.constant 0 : i32
      %dma_wait3A_53 = tpu.memref_slice %arg8[%dma_wait3A_52] : memref<10240xf32, #tpu.memory_space<vmem_shared>> -> memref<10240xf32, #tpu.memory_space<vmem_shared>>
      tpu.wait_indirect_dma semaphore(%arg7 : memref<!tpu.dma_semaphore, #tpu.memory_space<semaphore_mem>>) src(%arg5 : memref<128xf32, #tpu.memory_space<vmem>>) dst(%dma_wait3A_53 : memref<10240xf32, #tpu.memory_space<vmem_shared>>)
    }
    %barrier3A_44 = arith.constant 0 : index
    tpu.barrier barrier_id(%barrier3A_44)
    %mul3A_45 = arith.constant 640 : i32
    %mul3A_46 = arith.muli %arg1, %mul3A_45 : i32
    "tpu.region"() ({
      %run_scoped3A = tpu.sem_alloc : memref<!tpu.dma_semaphore, #tpu.memory_space<semaphore_mem>>
      %dma_start3A = tpu.memref_slice %arg8[%mul3A_46] : memref<10240xf32, #tpu.memory_space<vmem_shared>> -> memref<640xf32, #tpu.memory_space<vmem_shared>>
      %dma_start3A_49 = tpu.memref_slice %arg8[%mul3A_46] : memref<10240xf32, #tpu.memory_space<vmem_shared>> -> memref<640xf32, #tpu.memory_space<vmem_shared>>
      tpu.enqueue_dma source(%dma_start3A_49 : memref<640xf32, #tpu.memory_space<vmem_shared>>) target(%arg6 : memref<640xf32, #tpu.memory_space<vmem>>) target_semaphore(%run_scoped3A : memref<!tpu.dma_semaphore, #tpu.memory_space<semaphore_mem>>)
      %dma_wait3A = tpu.memref_slice %arg8[%mul3A_46] : memref<10240xf32, #tpu.memory_space<vmem_shared>> -> memref<640xf32, #tpu.memory_space<vmem_shared>>
      %dma_wait3A_50 = tpu.memref_slice %arg8[%mul3A_46] : memref<10240xf32, #tpu.memory_space<vmem_shared>> -> memref<640xf32, #tpu.memory_space<vmem_shared>>
      tpu.wait_dma2 semaphore(%run_scoped3A : memref<!tpu.dma_semaphore, #tpu.memory_space<semaphore_mem>>) src(%dma_wait3A_50 : memref<640xf32, #tpu.memory_space<vmem_shared>>) dst(%arg6 : memref<640xf32, #tpu.memory_space<vmem>>)
      tpu.yield
    }) : () -> ()
    %mul3A_47 = arith.constant 640 : i32
    %mul3A_48 = arith.muli %arg1, %mul3A_47 : i32
    "tpu.region"() ({
      %run_scoped3A = tpu.sem_alloc : memref<!tpu.dma_semaphore, #tpu.memory_space<semaphore_mem>>
      %dma_start3A = tpu.memref_slice %arg3[%arg0, %mul3A_48] : memref<2x10240xf32, #tpu.memory_space<hbm>> -> memref<1x640xf32, #tpu.memory_space<hbm>>
      %dma_start3A_49 = tpu.memref_squeeze %dma_start3A : memref<1x640xf32, #tpu.memory_space<hbm>> -> memref<640xf32, #tpu.memory_space<hbm>>
      %dma_start3A_50 = tpu.memref_slice %arg3[%arg0, %mul3A_48] : memref<2x10240xf32, #tpu.memory_space<hbm>> -> memref<1x640xf32, #tpu.memory_space<hbm>>
      %dma_start3A_51 = tpu.memref_squeeze %dma_start3A_50 : memref<1x640xf32, #tpu.memory_space<hbm>> -> memref<640xf32, #tpu.memory_space<hbm>>
      tpu.enqueue_dma source(%arg6 : memref<640xf32, #tpu.memory_space<vmem>>) target(%dma_start3A_51 : memref<640xf32, #tpu.memory_space<hbm>>) target_semaphore(%run_scoped3A : memref<!tpu.dma_semaphore, #tpu.memory_space<semaphore_mem>>)
      %dma_wait3A = tpu.memref_slice %arg3[%arg0, %mul3A_48] : memref<2x10240xf32, #tpu.memory_space<hbm>> -> memref<1x640xf32, #tpu.memory_space<hbm>>
      %dma_wait3A_52 = tpu.memref_squeeze %dma_wait3A : memref<1x640xf32, #tpu.memory_space<hbm>> -> memref<640xf32, #tpu.memory_space<hbm>>
      %dma_wait3A_53 = tpu.memref_slice %arg3[%arg0, %mul3A_48] : memref<2x10240xf32, #tpu.memory_space<hbm>> -> memref<1x640xf32, #tpu.memory_space<hbm>>
      %dma_wait3A_54 = tpu.memref_squeeze %dma_wait3A_53 : memref<1x640xf32, #tpu.memory_space<hbm>> -> memref<640xf32, #tpu.memory_space<hbm>>
      tpu.wait_dma2 semaphore(%run_scoped3A : memref<!tpu.dma_semaphore, #tpu.memory_space<semaphore_mem>>) src(%arg6 : memref<640xf32, #tpu.memory_space<vmem>>) dst(%dma_wait3A_54 : memref<640xf32, #tpu.memory_space<hbm>>)
      tpu.yield
    }) : () -> ()
    return
  }
}

#map = affine_map<(d0, d1) -> (0, 0)>
#map1 = affine_map<(d0, d1) -> (0, 0, 0)>
module attributes {stable_mosaic.version = 14 : i64} {
  func.func @_sc_edge_pass(%arg0: i32, %arg1: i32, %arg2: memref<2560x128xi32, #tpu.memory_space<hbm>>, %arg3: memref<2560x128xi32, #tpu.memory_space<hbm>>, %arg4: memref<10000x32xf32, #tpu.memory_space<hbm>>, %arg5: memref<2x10240x32xf32, #tpu.memory_space<hbm>>, %arg6: memref<128x128xi32, #tpu.memory_space<vmem>>, %arg7: memref<128x128xi32, #tpu.memory_space<vmem>>, %arg8: memref<4x128x32xf32, #tpu.memory_space<vmem>>, %arg9: memref<128x32xf32, #tpu.memory_space<vmem>>, %arg10: memref<!tpu.dma_semaphore, #tpu.memory_space<semaphore_mem>>, %arg11: memref<!tpu.dma_semaphore, #tpu.memory_space<semaphore_mem>>, %arg12: memref<!tpu.dma_semaphore, #tpu.memory_space<semaphore_mem>>, %arg13: memref<!tpu.dma_semaphore, #tpu.memory_space<semaphore_mem>>, %arg14: memref<10240x32xf32, #tpu.memory_space<vmem_shared>>) attributes {dimension_semantics = [#tpu.dimension_semantics<core_parallel>, #tpu.dimension_semantics<subcore_parallel>], iteration_bounds = array<i64: 2, 16>, scalar_prefetch = 0 : i64, scratch_operands = 9 : i64, tpu.core_type = #tpu.core_type<sc_vector_subcore>, window_params = [{transform_indices = #map}, {transform_indices = #map}, {transform_indices = #map}, {transform_indices = #map1}]} {
    %eq3A = arith.constant 0 : i32
    %eq3A_0 = arith.cmpi eq, %arg0, %eq3A : i32
    %jit3A = arith.constant 128 : i32
    %jit3A_1 = arith.constant 32 : i32
    %select_n3A = arith.select %eq3A_0, %jit3A, %jit3A_1 : i32
    %eq3A_2 = arith.constant 0 : i32
    %eq3A_3 = arith.cmpi eq, %arg0, %eq3A_2 : i32
    %mul3A = arith.constant 128 : i32
    %mul3A_4 = arith.muli %arg1, %mul3A : i32
    %mul3A_5 = arith.constant 32 : i32
    %mul3A_6 = arith.muli %arg1, %mul3A_5 : i32
    %add3A = arith.constant 2048 : i32
    %add3A_7 = arith.addi %add3A, %mul3A_6 : i32
    %select_n3A_8 = arith.select %eq3A_3, %mul3A_4, %add3A_7 : i32
    %scan3A = arith.constant 0 : i32
    %scan3A_9 = arith.constant 0 : i32
    %scan3A_10 = arith.constant 128 : i32
    %scan3A_11 = arith.addi %scan3A_9, %scan3A_10 : i32
    %scan3A_12 = arith.constant 1 : i32
    scf.for %scan3A_199 = %scan3A_9 to %scan3A_11 step %scan3A_12  : i32 {
      %broadcast_in_dim3A = arith.constant 0.000000e+00 : f32
      %broadcast_in_dim3A_200 = vector.broadcast %broadcast_in_dim3A : f32 to vector<16xf32>
      %swap3A = arith.index_cast %scan3A_199 : i32 to index
      %swap3A_201 = arith.constant 0 : index
      %swap3A_202 = tpu.vector_load %arg9[%swap3A, %swap3A_201] {strides = array<i32>} : memref<128x32xf32, #tpu.memory_space<vmem>>, vector<1x16xf32>,
      %swap3A_203 = vector.shape_cast %swap3A_202 : vector<1x16xf32> to vector<16xf32>
      %swap3A_204 = vector.shape_cast %broadcast_in_dim3A_200 : vector<16xf32> to vector<1x16xf32>
      tpu.vector_store %arg9[%swap3A, %swap3A_201], %swap3A_204 {strides = array<i32>} : memref<128x32xf32, #tpu.memory_space<vmem>>, vector<1x16xf32>,
      %broadcast_in_dim3A_205 = arith.constant 0.000000e+00 : f32
      %broadcast_in_dim3A_206 = vector.broadcast %broadcast_in_dim3A_205 : f32 to vector<16xf32>
      %swap3A_207 = arith.index_cast %scan3A_199 : i32 to index
      %swap3A_208 = arith.constant 16 : index
      %swap3A_209 = tpu.vector_load %arg9[%swap3A_207, %swap3A_208] {strides = array<i32>} : memref<128x32xf32, #tpu.memory_space<vmem>>, vector<1x16xf32>,
      %swap3A_210 = vector.shape_cast %swap3A_209 : vector<1x16xf32> to vector<16xf32>
      %swap3A_211 = vector.shape_cast %broadcast_in_dim3A_206 : vector<16xf32> to vector<1x16xf32>
      tpu.vector_store %arg9[%swap3A_207, %swap3A_208], %swap3A_211 {strides = array<i32>} : memref<128x32xf32, #tpu.memory_space<vmem>>, vector<1x16xf32>,
    }
    %scan3A_13 = arith.constant 128 : i32
    "tpu.region"() ({
      %run_scoped3A = tpu.sem_alloc : memref<!tpu.dma_semaphore, #tpu.memory_space<semaphore_mem>>
      %dma_start3A_199 = arith.constant 0 : i32
      %dma_start3A_200 = arith.constant 0 : i32
      %dma_start3A_201 = tpu.memref_slice %arg6[%dma_start3A_199, %dma_start3A_200] : memref<128x128xi32, #tpu.memory_space<vmem>> -> memref<32x128xi32, #tpu.memory_space<vmem>>
      %dma_start3A_202 = arith.constant 0 : i32
      %dma_start3A_203 = tpu.memref_slice %arg2[%select_n3A_8, %dma_start3A_202] : memref<2560x128xi32, #tpu.memory_space<hbm>> -> memref<32x128xi32, #tpu.memory_space<hbm>>
      %dma_start3A_204 = arith.constant 0 : i32
      %dma_start3A_205 = arith.constant 0 : i32
      %dma_start3A_206 = tpu.memref_slice %arg6[%dma_start3A_204, %dma_start3A_205] : memref<128x128xi32, #tpu.memory_space<vmem>> -> memref<32x128xi32, #tpu.memory_space<vmem>>
      %dma_start3A_207 = arith.constant 0 : i32
      %dma_start3A_208 = tpu.memref_slice %arg2[%select_n3A_8, %dma_start3A_207] : memref<2560x128xi32, #tpu.memory_space<hbm>> -> memref<32x128xi32, #tpu.memory_space<hbm>>
      tpu.enqueue_dma source(%dma_start3A_208 : memref<32x128xi32, #tpu.memory_space<hbm>>) target(%dma_start3A_206 : memref<32x128xi32, #tpu.memory_space<vmem>>) target_semaphore(%run_scoped3A : memref<!tpu.dma_semaphore, #tpu.memory_space<semaphore_mem>>)
      %dma_wait3A_209 = arith.constant 0 : i32
      %dma_wait3A_210 = arith.constant 0 : i32
      %dma_wait3A_211 = tpu.memref_slice %arg6[%dma_wait3A_209, %dma_wait3A_210] : memref<128x128xi32, #tpu.memory_space<vmem>> -> memref<32x128xi32, #tpu.memory_space<vmem>>
      %dma_wait3A_212 = arith.constant 0 : i32
      %dma_wait3A_213 = tpu.memref_slice %arg2[%select_n3A_8, %dma_wait3A_212] : memref<2560x128xi32, #tpu.memory_space<hbm>> -> memref<32x128xi32, #tpu.memory_space<hbm>>
      %dma_wait3A_214 = arith.constant 0 : i32
      %dma_wait3A_215 = arith.constant 0 : i32
      %dma_wait3A_216 = tpu.memref_slice %arg6[%dma_wait3A_214, %dma_wait3A_215] : memref<128x128xi32, #tpu.memory_space<vmem>> -> memref<32x128xi32, #tpu.memory_space<vmem>>
      %dma_wait3A_217 = arith.constant 0 : i32
      %dma_wait3A_218 = tpu.memref_slice %arg2[%select_n3A_8, %dma_wait3A_217] : memref<2560x128xi32, #tpu.memory_space<hbm>> -> memref<32x128xi32, #tpu.memory_space<hbm>>
      tpu.wait_dma2 semaphore(%run_scoped3A : memref<!tpu.dma_semaphore, #tpu.memory_space<semaphore_mem>>) src(%dma_wait3A_218 : memref<32x128xi32, #tpu.memory_space<hbm>>) dst(%dma_wait3A_216 : memref<32x128xi32, #tpu.memory_space<vmem>>)
      tpu.yield
    }) : () -> ()
    "tpu.region"() ({
      %run_scoped3A = tpu.sem_alloc : memref<!tpu.dma_semaphore, #tpu.memory_space<semaphore_mem>>
      %dma_start3A_199 = arith.constant 0 : i32
      %dma_start3A_200 = arith.constant 0 : i32
      %dma_start3A_201 = tpu.memref_slice %arg7[%dma_start3A_199, %dma_start3A_200] : memref<128x128xi32, #tpu.memory_space<vmem>> -> memref<32x128xi32, #tpu.memory_space<vmem>>
      %dma_start3A_202 = arith.constant 0 : i32
      %dma_start3A_203 = tpu.memref_slice %arg3[%select_n3A_8, %dma_start3A_202] : memref<2560x128xi32, #tpu.memory_space<hbm>> -> memref<32x128xi32, #tpu.memory_space<hbm>>
      %dma_start3A_204 = arith.constant 0 : i32
      %dma_start3A_205 = arith.constant 0 : i32
      %dma_start3A_206 = tpu.memref_slice %arg7[%dma_start3A_204, %dma_start3A_205] : memref<128x128xi32, #tpu.memory_space<vmem>> -> memref<32x128xi32, #tpu.memory_space<vmem>>
      %dma_start3A_207 = arith.constant 0 : i32
      %dma_start3A_208 = tpu.memref_slice %arg3[%select_n3A_8, %dma_start3A_207] : memref<2560x128xi32, #tpu.memory_space<hbm>> -> memref<32x128xi32, #tpu.memory_space<hbm>>
      tpu.enqueue_dma source(%dma_start3A_208 : memref<32x128xi32, #tpu.memory_space<hbm>>) target(%dma_start3A_206 : memref<32x128xi32, #tpu.memory_space<vmem>>) target_semaphore(%run_scoped3A : memref<!tpu.dma_semaphore, #tpu.memory_space<semaphore_mem>>)
      %dma_wait3A_209 = arith.constant 0 : i32
      %dma_wait3A_210 = arith.constant 0 : i32
      %dma_wait3A_211 = tpu.memref_slice %arg7[%dma_wait3A_209, %dma_wait3A_210] : memref<128x128xi32, #tpu.memory_space<vmem>> -> memref<32x128xi32, #tpu.memory_space<vmem>>
      %dma_wait3A_212 = arith.constant 0 : i32
      %dma_wait3A_213 = tpu.memref_slice %arg3[%select_n3A_8, %dma_wait3A_212] : memref<2560x128xi32, #tpu.memory_space<hbm>> -> memref<32x128xi32, #tpu.memory_space<hbm>>
      %dma_wait3A_214 = arith.constant 0 : i32
      %dma_wait3A_215 = arith.constant 0 : i32
      %dma_wait3A_216 = tpu.memref_slice %arg7[%dma_wait3A_214, %dma_wait3A_215] : memref<128x128xi32, #tpu.memory_space<vmem>> -> memref<32x128xi32, #tpu.memory_space<vmem>>
      %dma_wait3A_217 = arith.constant 0 : i32
      %dma_wait3A_218 = tpu.memref_slice %arg3[%select_n3A_8, %dma_wait3A_217] : memref<2560x128xi32, #tpu.memory_space<hbm>> -> memref<32x128xi32, #tpu.memory_space<hbm>>
      tpu.wait_dma2 semaphore(%run_scoped3A : memref<!tpu.dma_semaphore, #tpu.memory_space<semaphore_mem>>) src(%dma_wait3A_218 : memref<32x128xi32, #tpu.memory_space<hbm>>) dst(%dma_wait3A_216 : memref<32x128xi32, #tpu.memory_space<vmem>>)
      tpu.yield
    }) : () -> ()
    %eq3A_14 = arith.constant 0 : i32
    %eq3A_15 = arith.cmpi eq, %arg0, %eq3A_14 : i32
    %convert_element_type3A = arith.extui %eq3A_15 : i1 to i32
    %cond3A = arith.constant 0 : i32
    %cond3A_16 = arith.cmpi ne, %convert_element_type3A, %cond3A : i32
    scf.if %cond3A_16 {
      %add3A_199 = arith.constant 32 : i32
      %add3A_200 = arith.addi %select_n3A_8, %add3A_199 : i32
      "tpu.region"() ({
        %run_scoped3A = tpu.sem_alloc : memref<!tpu.dma_semaphore, #tpu.memory_space<semaphore_mem>>
        %dma_start3A_203 = arith.constant 32 : i32
        %dma_start3A_204 = arith.constant 0 : i32
        %dma_start3A_205 = tpu.memref_slice %arg6[%dma_start3A_203, %dma_start3A_204] : memref<128x128xi32, #tpu.memory_space<vmem>> -> memref<96x128xi32, #tpu.memory_space<vmem>>
        %dma_start3A_206 = arith.constant 0 : i32
        %dma_start3A_207 = tpu.memref_slice %arg2[%add3A_200, %dma_start3A_206] : memref<2560x128xi32, #tpu.memory_space<hbm>> -> memref<96x128xi32, #tpu.memory_space<hbm>>
        %dma_start3A_208 = arith.constant 32 : i32
        %dma_start3A_209 = arith.constant 0 : i32
        %dma_start3A_210 = tpu.memref_slice %arg6[%dma_start3A_208, %dma_start3A_209] : memref<128x128xi32, #tpu.memory_space<vmem>> -> memref<96x128xi32, #tpu.memory_space<vmem>>
        %dma_start3A_211 = arith.constant 0 : i32
        %dma_start3A_212 = tpu.memref_slice %arg2[%add3A_200, %dma_start3A_211] : memref<2560x128xi32, #tpu.memory_space<hbm>> -> memref<96x128xi32, #tpu.memory_space<hbm>>
        tpu.enqueue_dma source(%dma_start3A_212 : memref<96x128xi32, #tpu.memory_space<hbm>>) target(%dma_start3A_210 : memref<96x128xi32, #tpu.memory_space<vmem>>) target_semaphore(%run_scoped3A : memref<!tpu.dma_semaphore, #tpu.memory_space<semaphore_mem>>)
        %dma_wait3A_213 = arith.constant 32 : i32
        %dma_wait3A_214 = arith.constant 0 : i32
        %dma_wait3A_215 = tpu.memref_slice %arg6[%dma_wait3A_213, %dma_wait3A_214] : memref<128x128xi32, #tpu.memory_space<vmem>> -> memref<96x128xi32, #tpu.memory_space<vmem>>
        %dma_wait3A_216 = arith.constant 0 : i32
        %dma_wait3A_217 = tpu.memref_slice %arg2[%add3A_200, %dma_wait3A_216] : memref<2560x128xi32, #tpu.memory_space<hbm>> -> memref<96x128xi32, #tpu.memory_space<hbm>>
        %dma_wait3A_218 = arith.constant 32 : i32
        %dma_wait3A_219 = arith.constant 0 : i32
        %dma_wait3A_220 = tpu.memref_slice %arg6[%dma_wait3A_218, %dma_wait3A_219] : memref<128x128xi32, #tpu.memory_space<vmem>> -> memref<96x128xi32, #tpu.memory_space<vmem>>
        %dma_wait3A_221 = arith.constant 0 : i32
        %dma_wait3A_222 = tpu.memref_slice %arg2[%add3A_200, %dma_wait3A_221] : memref<2560x128xi32, #tpu.memory_space<hbm>> -> memref<96x128xi32, #tpu.memory_space<hbm>>
        tpu.wait_dma2 semaphore(%run_scoped3A : memref<!tpu.dma_semaphore, #tpu.memory_space<semaphore_mem>>) src(%dma_wait3A_222 : memref<96x128xi32, #tpu.memory_space<hbm>>) dst(%dma_wait3A_220 : memref<96x128xi32, #tpu.memory_space<vmem>>)
        tpu.yield
      }) : () -> ()
      %add3A_201 = arith.constant 32 : i32
      %add3A_202 = arith.addi %select_n3A_8, %add3A_201 : i32
      "tpu.region"() ({
        %run_scoped3A = tpu.sem_alloc : memref<!tpu.dma_semaphore, #tpu.memory_space<semaphore_mem>>
        %dma_start3A_203 = arith.constant 32 : i32
        %dma_start3A_204 = arith.constant 0 : i32
        %dma_start3A_205 = tpu.memref_slice %arg7[%dma_start3A_203, %dma_start3A_204] : memref<128x128xi32, #tpu.memory_space<vmem>> -> memref<96x128xi32, #tpu.memory_space<vmem>>
        %dma_start3A_206 = arith.constant 0 : i32
        %dma_start3A_207 = tpu.memref_slice %arg3[%add3A_202, %dma_start3A_206] : memref<2560x128xi32, #tpu.memory_space<hbm>> -> memref<96x128xi32, #tpu.memory_space<hbm>>
        %dma_start3A_208 = arith.constant 32 : i32
        %dma_start3A_209 = arith.constant 0 : i32
        %dma_start3A_210 = tpu.memref_slice %arg7[%dma_start3A_208, %dma_start3A_209] : memref<128x128xi32, #tpu.memory_space<vmem>> -> memref<96x128xi32, #tpu.memory_space<vmem>>
        %dma_start3A_211 = arith.constant 0 : i32
        %dma_start3A_212 = tpu.memref_slice %arg3[%add3A_202, %dma_start3A_211] : memref<2560x128xi32, #tpu.memory_space<hbm>> -> memref<96x128xi32, #tpu.memory_space<hbm>>
        tpu.enqueue_dma source(%dma_start3A_212 : memref<96x128xi32, #tpu.memory_space<hbm>>) target(%dma_start3A_210 : memref<96x128xi32, #tpu.memory_space<vmem>>) target_semaphore(%run_scoped3A : memref<!tpu.dma_semaphore, #tpu.memory_space<semaphore_mem>>)
        %dma_wait3A_213 = arith.constant 32 : i32
        %dma_wait3A_214 = arith.constant 0 : i32
        %dma_wait3A_215 = tpu.memref_slice %arg7[%dma_wait3A_213, %dma_wait3A_214] : memref<128x128xi32, #tpu.memory_space<vmem>> -> memref<96x128xi32, #tpu.memory_space<vmem>>
        %dma_wait3A_216 = arith.constant 0 : i32
        %dma_wait3A_217 = tpu.memref_slice %arg3[%add3A_202, %dma_wait3A_216] : memref<2560x128xi32, #tpu.memory_space<hbm>> -> memref<96x128xi32, #tpu.memory_space<hbm>>
        %dma_wait3A_218 = arith.constant 32 : i32
        %dma_wait3A_219 = arith.constant 0 : i32
        %dma_wait3A_220 = tpu.memref_slice %arg7[%dma_wait3A_218, %dma_wait3A_219] : memref<128x128xi32, #tpu.memory_space<vmem>> -> memref<96x128xi32, #tpu.memory_space<vmem>>
        %dma_wait3A_221 = arith.constant 0 : i32
        %dma_wait3A_222 = tpu.memref_slice %arg3[%add3A_202, %dma_wait3A_221] : memref<2560x128xi32, #tpu.memory_space<hbm>> -> memref<96x128xi32, #tpu.memory_space<hbm>>
        tpu.wait_dma2 semaphore(%run_scoped3A : memref<!tpu.dma_semaphore, #tpu.memory_space<semaphore_mem>>) src(%dma_wait3A_222 : memref<96x128xi32, #tpu.memory_space<hbm>>) dst(%dma_wait3A_220 : memref<96x128xi32, #tpu.memory_space<vmem>>)
        tpu.yield
      }) : () -> ()
    } else {
    }
    %mul3A_17 = arith.constant 640 : i32
    %mul3A_18 = arith.muli %arg1, %mul3A_17 : i32
    %add3A_19 = arith.constant 0 : i32
    %add3A_20 = arith.addi %mul3A_18, %add3A_19 : i32
    "tpu.region"() ({
      %run_scoped3A = tpu.sem_alloc : memref<!tpu.dma_semaphore, #tpu.memory_space<semaphore_mem>>
      %dma_start3A_199 = arith.constant 0 : i32
      %dma_start3A_200 = tpu.memref_slice %arg14[%add3A_20, %dma_start3A_199] : memref<10240x32xf32, #tpu.memory_space<vmem_shared>> -> memref<128x32xf32, #tpu.memory_space<vmem_shared>>
      %dma_start3A_201 = arith.constant 0 : i32
      %dma_start3A_202 = tpu.memref_slice %arg14[%add3A_20, %dma_start3A_201] : memref<10240x32xf32, #tpu.memory_space<vmem_shared>> -> memref<128x32xf32, #tpu.memory_space<vmem_shared>>
      tpu.enqueue_dma source(%arg9 : memref<128x32xf32, #tpu.memory_space<vmem>>) target(%dma_start3A_202 : memref<128x32xf32, #tpu.memory_space<vmem_shared>>) target_semaphore(%run_scoped3A : memref<!tpu.dma_semaphore, #tpu.memory_space<semaphore_mem>>)
      %dma_wait3A_203 = arith.constant 0 : i32
      %dma_wait3A_204 = tpu.memref_slice %arg14[%add3A_20, %dma_wait3A_203] : memref<10240x32xf32, #tpu.memory_space<vmem_shared>> -> memref<128x32xf32, #tpu.memory_space<vmem_shared>>
      %dma_wait3A_205 = arith.constant 0 : i32
      %dma_wait3A_206 = tpu.memref_slice %arg14[%add3A_20, %dma_wait3A_205] : memref<10240x32xf32, #tpu.memory_space<vmem_shared>> -> memref<128x32xf32, #tpu.memory_space<vmem_shared>>
      tpu.wait_dma2 semaphore(%run_scoped3A : memref<!tpu.dma_semaphore, #tpu.memory_space<semaphore_mem>>) src(%arg9 : memref<128x32xf32, #tpu.memory_space<vmem>>) dst(%dma_wait3A_206 : memref<128x32xf32, #tpu.memory_space<vmem_shared>>)
      tpu.yield
    }) : () -> ()
    %mul3A_21 = arith.constant 640 : i32
    %mul3A_22 = arith.muli %arg1, %mul3A_21 : i32
    %add3A_23 = arith.constant 128 : i32
    %add3A_24 = arith.addi %mul3A_22, %add3A_23 : i32
    "tpu.region"() ({
      %run_scoped3A = tpu.sem_alloc : memref<!tpu.dma_semaphore, #tpu.memory_space<semaphore_mem>>
      %dma_start3A_199 = arith.constant 0 : i32
      %dma_start3A_200 = tpu.memref_slice %arg14[%add3A_24, %dma_start3A_199] : memref<10240x32xf32, #tpu.memory_space<vmem_shared>> -> memref<128x32xf32, #tpu.memory_space<vmem_shared>>
      %dma_start3A_201 = arith.constant 0 : i32
      %dma_start3A_202 = tpu.memref_slice %arg14[%add3A_24, %dma_start3A_201] : memref<10240x32xf32, #tpu.memory_space<vmem_shared>> -> memref<128x32xf32, #tpu.memory_space<vmem_shared>>
      tpu.enqueue_dma source(%arg9 : memref<128x32xf32, #tpu.memory_space<vmem>>) target(%dma_start3A_202 : memref<128x32xf32, #tpu.memory_space<vmem_shared>>) target_semaphore(%run_scoped3A : memref<!tpu.dma_semaphore, #tpu.memory_space<semaphore_mem>>)
      %dma_wait3A_203 = arith.constant 0 : i32
      %dma_wait3A_204 = tpu.memref_slice %arg14[%add3A_24, %dma_wait3A_203] : memref<10240x32xf32, #tpu.memory_space<vmem_shared>> -> memref<128x32xf32, #tpu.memory_space<vmem_shared>>
      %dma_wait3A_205 = arith.constant 0 : i32
      %dma_wait3A_206 = tpu.memref_slice %arg14[%add3A_24, %dma_wait3A_205] : memref<10240x32xf32, #tpu.memory_space<vmem_shared>> -> memref<128x32xf32, #tpu.memory_space<vmem_shared>>
      tpu.wait_dma2 semaphore(%run_scoped3A : memref<!tpu.dma_semaphore, #tpu.memory_space<semaphore_mem>>) src(%arg9 : memref<128x32xf32, #tpu.memory_space<vmem>>) dst(%dma_wait3A_206 : memref<128x32xf32, #tpu.memory_space<vmem_shared>>)
      tpu.yield
    }) : () -> ()
    %mul3A_25 = arith.constant 640 : i32
    %mul3A_26 = arith.muli %arg1, %mul3A_25 : i32
    %add3A_27 = arith.constant 256 : i32
    %add3A_28 = arith.addi %mul3A_26, %add3A_27 : i32
    "tpu.region"() ({
      %run_scoped3A = tpu.sem_alloc : memref<!tpu.dma_semaphore, #tpu.memory_space<semaphore_mem>>
      %dma_start3A_199 = arith.constant 0 : i32
      %dma_start3A_200 = tpu.memref_slice %arg14[%add3A_28, %dma_start3A_199] : memref<10240x32xf32, #tpu.memory_space<vmem_shared>> -> memref<128x32xf32, #tpu.memory_space<vmem_shared>>
      %dma_start3A_201 = arith.constant 0 : i32
      %dma_start3A_202 = tpu.memref_slice %arg14[%add3A_28, %dma_start3A_201] : memref<10240x32xf32, #tpu.memory_space<vmem_shared>> -> memref<128x32xf32, #tpu.memory_space<vmem_shared>>
      tpu.enqueue_dma source(%arg9 : memref<128x32xf32, #tpu.memory_space<vmem>>) target(%dma_start3A_202 : memref<128x32xf32, #tpu.memory_space<vmem_shared>>) target_semaphore(%run_scoped3A : memref<!tpu.dma_semaphore, #tpu.memory_space<semaphore_mem>>)
      %dma_wait3A_203 = arith.constant 0 : i32
      %dma_wait3A_204 = tpu.memref_slice %arg14[%add3A_28, %dma_wait3A_203] : memref<10240x32xf32, #tpu.memory_space<vmem_shared>> -> memref<128x32xf32, #tpu.memory_space<vmem_shared>>
      %dma_wait3A_205 = arith.constant 0 : i32
      %dma_wait3A_206 = tpu.memref_slice %arg14[%add3A_28, %dma_wait3A_205] : memref<10240x32xf32, #tpu.memory_space<vmem_shared>> -> memref<128x32xf32, #tpu.memory_space<vmem_shared>>
      tpu.wait_dma2 semaphore(%run_scoped3A : memref<!tpu.dma_semaphore, #tpu.memory_space<semaphore_mem>>) src(%arg9 : memref<128x32xf32, #tpu.memory_space<vmem>>) dst(%dma_wait3A_206 : memref<128x32xf32, #tpu.memory_space<vmem_shared>>)
      tpu.yield
    }) : () -> ()
    %mul3A_29 = arith.constant 640 : i32
    %mul3A_30 = arith.muli %arg1, %mul3A_29 : i32
    %add3A_31 = arith.constant 384 : i32
    %add3A_32 = arith.addi %mul3A_30, %add3A_31 : i32
    "tpu.region"() ({
      %run_scoped3A = tpu.sem_alloc : memref<!tpu.dma_semaphore, #tpu.memory_space<semaphore_mem>>
      %dma_start3A_199 = arith.constant 0 : i32
      %dma_start3A_200 = tpu.memref_slice %arg14[%add3A_32, %dma_start3A_199] : memref<10240x32xf32, #tpu.memory_space<vmem_shared>> -> memref<128x32xf32, #tpu.memory_space<vmem_shared>>
      %dma_start3A_201 = arith.constant 0 : i32
      %dma_start3A_202 = tpu.memref_slice %arg14[%add3A_32, %dma_start3A_201] : memref<10240x32xf32, #tpu.memory_space<vmem_shared>> -> memref<128x32xf32, #tpu.memory_space<vmem_shared>>
      tpu.enqueue_dma source(%arg9 : memref<128x32xf32, #tpu.memory_space<vmem>>) target(%dma_start3A_202 : memref<128x32xf32, #tpu.memory_space<vmem_shared>>) target_semaphore(%run_scoped3A : memref<!tpu.dma_semaphore, #tpu.memory_space<semaphore_mem>>)
      %dma_wait3A_203 = arith.constant 0 : i32
      %dma_wait3A_204 = tpu.memref_slice %arg14[%add3A_32, %dma_wait3A_203] : memref<10240x32xf32, #tpu.memory_space<vmem_shared>> -> memref<128x32xf32, #tpu.memory_space<vmem_shared>>
      %dma_wait3A_205 = arith.constant 0 : i32
      %dma_wait3A_206 = tpu.memref_slice %arg14[%add3A_32, %dma_wait3A_205] : memref<10240x32xf32, #tpu.memory_space<vmem_shared>> -> memref<128x32xf32, #tpu.memory_space<vmem_shared>>
      tpu.wait_dma2 semaphore(%run_scoped3A : memref<!tpu.dma_semaphore, #tpu.memory_space<semaphore_mem>>) src(%arg9 : memref<128x32xf32, #tpu.memory_space<vmem>>) dst(%dma_wait3A_206 : memref<128x32xf32, #tpu.memory_space<vmem_shared>>)
      tpu.yield
    }) : () -> ()
    %mul3A_33 = arith.constant 640 : i32
    %mul3A_34 = arith.muli %arg1, %mul3A_33 : i32
    %add3A_35 = arith.constant 512 : i32
    %add3A_36 = arith.addi %mul3A_34, %add3A_35 : i32
    "tpu.region"() ({
      %run_scoped3A = tpu.sem_alloc : memref<!tpu.dma_semaphore, #tpu.memory_space<semaphore_mem>>
      %dma_start3A_199 = arith.constant 0 : i32
      %dma_start3A_200 = tpu.memref_slice %arg14[%add3A_36, %dma_start3A_199] : memref<10240x32xf32, #tpu.memory_space<vmem_shared>> -> memref<128x32xf32, #tpu.memory_space<vmem_shared>>
      %dma_start3A_201 = arith.constant 0 : i32
      %dma_start3A_202 = tpu.memref_slice %arg14[%add3A_36, %dma_start3A_201] : memref<10240x32xf32, #tpu.memory_space<vmem_shared>> -> memref<128x32xf32, #tpu.memory_space<vmem_shared>>
      tpu.enqueue_dma source(%arg9 : memref<128x32xf32, #tpu.memory_space<vmem>>) target(%dma_start3A_202 : memref<128x32xf32, #tpu.memory_space<vmem_shared>>) target_semaphore(%run_scoped3A : memref<!tpu.dma_semaphore, #tpu.memory_space<semaphore_mem>>)
      %dma_wait3A_203 = arith.constant 0 : i32
      %dma_wait3A_204 = tpu.memref_slice %arg14[%add3A_36, %dma_wait3A_203] : memref<10240x32xf32, #tpu.memory_space<vmem_shared>> -> memref<128x32xf32, #tpu.memory_space<vmem_shared>>
      %dma_wait3A_205 = arith.constant 0 : i32
      %dma_wait3A_206 = tpu.memref_slice %arg14[%add3A_36, %dma_wait3A_205] : memref<10240x32xf32, #tpu.memory_space<vmem_shared>> -> memref<128x32xf32, #tpu.memory_space<vmem_shared>>
      tpu.wait_dma2 semaphore(%run_scoped3A : memref<!tpu.dma_semaphore, #tpu.memory_space<semaphore_mem>>) src(%arg9 : memref<128x32xf32, #tpu.memory_space<vmem>>) dst(%dma_wait3A_206 : memref<128x32xf32, #tpu.memory_space<vmem_shared>>)
      tpu.yield
    }) : () -> ()
    %dma_start3A = arith.constant 0 : i32
    %dma_start3A_37 = arith.constant 0 : i32
    %dma_start3A_38 = arith.constant 0 : i32
    %dma_start3A_39 = arith.constant 0 : i32
    %dma_start3A_40 = tpu.memref_slice %arg8[%dma_start3A_37, %dma_start3A_38, %dma_start3A_39] : memref<4x128x32xf32, #tpu.memory_space<vmem>> -> memref<1x128x32xf32, #tpu.memory_space<vmem>>
    %dma_start3A_41 = tpu.memref_squeeze %dma_start3A_40 : memref<1x128x32xf32, #tpu.memory_space<vmem>> -> memref<128x32xf32, #tpu.memory_space<vmem>>
    %dma_start3A_42 = arith.constant 0 : i32
    %dma_start3A_43 = tpu.memref_slice %arg6[%dma_start3A, %dma_start3A_42] : memref<128x128xi32, #tpu.memory_space<vmem>> -> memref<1x128xi32, #tpu.memory_space<vmem>>
    %dma_start3A_44 = tpu.memref_squeeze %dma_start3A_43 : memref<1x128xi32, #tpu.memory_space<vmem>> -> memref<128xi32, #tpu.memory_space<vmem>>
    %dma_start3A_45 = arith.constant 0 : i32
    %dma_start3A_46 = arith.constant 0 : i32
    %dma_start3A_47 = tpu.memref_slice %arg4[%dma_start3A_45, %dma_start3A_46] : memref<10000x32xf32, #tpu.memory_space<hbm>> -> memref<10000x32xf32, #tpu.memory_space<hbm>>
    tpu.enqueue_indirect_dma source(%dma_start3A_47 : memref<10000x32xf32, #tpu.memory_space<hbm>>) target(%dma_start3A_41 : memref<128x32xf32, #tpu.memory_space<vmem>>) offsets(%dma_start3A_44 : memref<128xi32, #tpu.memory_space<vmem>>) semaphore(%arg10 : memref<!tpu.dma_semaphore, #tpu.memory_space<semaphore_mem>>)
    %dma_start3A_48 = arith.constant 1 : i32
    %dma_start3A_49 = arith.constant 1 : i32
    %dma_start3A_50 = arith.constant 0 : i32
    %dma_start3A_51 = arith.constant 0 : i32
    %dma_start3A_52 = tpu.memref_slice %arg8[%dma_start3A_49, %dma_start3A_50, %dma_start3A_51] : memref<4x128x32xf32, #tpu.memory_space<vmem>> -> memref<1x128x32xf32, #tpu.memory_space<vmem>>
    %dma_start3A_53 = tpu.memref_squeeze %dma_start3A_52 : memref<1x128x32xf32, #tpu.memory_space<vmem>> -> memref<128x32xf32, #tpu.memory_space<vmem>>
    %dma_start3A_54 = arith.constant 0 : i32
    %dma_start3A_55 = tpu.memref_slice %arg6[%dma_start3A_48, %dma_start3A_54] : memref<128x128xi32, #tpu.memory_space<vmem>> -> memref<1x128xi32, #tpu.memory_space<vmem>>
    %dma_start3A_56 = tpu.memref_squeeze %dma_start3A_55 : memref<1x128xi32, #tpu.memory_space<vmem>> -> memref<128xi32, #tpu.memory_space<vmem>>
    %dma_start3A_57 = arith.constant 0 : i32
    %dma_start3A_58 = arith.constant 0 : i32
    %dma_start3A_59 = tpu.memref_slice %arg4[%dma_start3A_57, %dma_start3A_58] : memref<10000x32xf32, #tpu.memory_space<hbm>> -> memref<10000x32xf32, #tpu.memory_space<hbm>>
    tpu.enqueue_indirect_dma source(%dma_start3A_59 : memref<10000x32xf32, #tpu.memory_space<hbm>>) target(%dma_start3A_53 : memref<128x32xf32, #tpu.memory_space<vmem>>) offsets(%dma_start3A_56 : memref<128xi32, #tpu.memory_space<vmem>>) semaphore(%arg11 : memref<!tpu.dma_semaphore, #tpu.memory_space<semaphore_mem>>)
    %dma_start3A_60 = arith.constant 2 : i32
    %dma_start3A_61 = arith.constant 2 : i32
    %dma_start3A_62 = arith.constant 0 : i32
    %dma_start3A_63 = arith.constant 0 : i32
    %dma_start3A_64 = tpu.memref_slice %arg8[%dma_start3A_61, %dma_start3A_62, %dma_start3A_63] : memref<4x128x32xf32, #tpu.memory_space<vmem>> -> memref<1x128x32xf32, #tpu.memory_space<vmem>>
    %dma_start3A_65 = tpu.memref_squeeze %dma_start3A_64 : memref<1x128x32xf32, #tpu.memory_space<vmem>> -> memref<128x32xf32, #tpu.memory_space<vmem>>
    %dma_start3A_66 = arith.constant 0 : i32
    %dma_start3A_67 = tpu.memref_slice %arg6[%dma_start3A_60, %dma_start3A_66] : memref<128x128xi32, #tpu.memory_space<vmem>> -> memref<1x128xi32, #tpu.memory_space<vmem>>
    %dma_start3A_68 = tpu.memref_squeeze %dma_start3A_67 : memref<1x128xi32, #tpu.memory_space<vmem>> -> memref<128xi32, #tpu.memory_space<vmem>>
    %dma_start3A_69 = arith.constant 0 : i32
    %dma_start3A_70 = arith.constant 0 : i32
    %dma_start3A_71 = tpu.memref_slice %arg4[%dma_start3A_69, %dma_start3A_70] : memref<10000x32xf32, #tpu.memory_space<hbm>> -> memref<10000x32xf32, #tpu.memory_space<hbm>>
    tpu.enqueue_indirect_dma source(%dma_start3A_71 : memref<10000x32xf32, #tpu.memory_space<hbm>>) target(%dma_start3A_65 : memref<128x32xf32, #tpu.memory_space<vmem>>) offsets(%dma_start3A_68 : memref<128xi32, #tpu.memory_space<vmem>>) semaphore(%arg12 : memref<!tpu.dma_semaphore, #tpu.memory_space<semaphore_mem>>)
    %dma_start3A_72 = arith.constant 3 : i32
    %dma_start3A_73 = arith.constant 3 : i32
    %dma_start3A_74 = arith.constant 0 : i32
    %dma_start3A_75 = arith.constant 0 : i32
    %dma_start3A_76 = tpu.memref_slice %arg8[%dma_start3A_73, %dma_start3A_74, %dma_start3A_75] : memref<4x128x32xf32, #tpu.memory_space<vmem>> -> memref<1x128x32xf32, #tpu.memory_space<vmem>>
    %dma_start3A_77 = tpu.memref_squeeze %dma_start3A_76 : memref<1x128x32xf32, #tpu.memory_space<vmem>> -> memref<128x32xf32, #tpu.memory_space<vmem>>
    %dma_start3A_78 = arith.constant 0 : i32
    %dma_start3A_79 = tpu.memref_slice %arg6[%dma_start3A_72, %dma_start3A_78] : memref<128x128xi32, #tpu.memory_space<vmem>> -> memref<1x128xi32, #tpu.memory_space<vmem>>
    %dma_start3A_80 = tpu.memref_squeeze %dma_start3A_79 : memref<1x128xi32, #tpu.memory_space<vmem>> -> memref<128xi32, #tpu.memory_space<vmem>>
    %dma_start3A_81 = arith.constant 0 : i32
    %dma_start3A_82 = arith.constant 0 : i32
    %dma_start3A_83 = tpu.memref_slice %arg4[%dma_start3A_81, %dma_start3A_82] : memref<10000x32xf32, #tpu.memory_space<hbm>> -> memref<10000x32xf32, #tpu.memory_space<hbm>>
    tpu.enqueue_indirect_dma source(%dma_start3A_83 : memref<10000x32xf32, #tpu.memory_space<hbm>>) target(%dma_start3A_77 : memref<128x32xf32, #tpu.memory_space<vmem>>) offsets(%dma_start3A_80 : memref<128xi32, #tpu.memory_space<vmem>>) semaphore(%arg13 : memref<!tpu.dma_semaphore, #tpu.memory_space<semaphore_mem>>)
    %barrier3A = arith.constant 0 : index
    tpu.barrier barrier_id(%barrier3A)
    %jit3A_84 = arith.constant 4 : i32
    %div3A = arith.divsi %select_n3A, %jit3A_84 : i32
    %sign3A = arith.constant 0 : i32
    %sign3A_85 = arith.cmpi sgt, %select_n3A, %sign3A : i32
    %sign3A_86 = arith.extui %sign3A_85 : i1 to i32
    %sign3A_87 = arith.constant 0 : i32
    %sign3A_88 = arith.cmpi slt, %select_n3A, %sign3A_87 : i32
    %sign3A_89 = arith.extui %sign3A_88 : i1 to i32
    %sign3A_90 = arith.subi %sign3A_86, %sign3A_89 : i32
    %sign3A_91 = arith.constant 0 : i32
    %sign3A_92 = arith.cmpi sgt, %jit3A_84, %sign3A_91 : i32
    %sign3A_93 = arith.extui %sign3A_92 : i1 to i32
    %sign3A_94 = arith.constant 0 : i32
    %sign3A_95 = arith.cmpi slt, %jit3A_84, %sign3A_94 : i32
    %sign3A_96 = arith.extui %sign3A_95 : i1 to i32
    %sign3A_97 = arith.subi %sign3A_93, %sign3A_96 : i32
    %ne3A = arith.cmpi ne, %sign3A_90, %sign3A_97 : i32
    %rem3A = arith.remsi %select_n3A, %jit3A_84 : i32
    %ne3A_98 = arith.constant 0 : i32
    %ne3A_99 = arith.cmpi ne, %rem3A, %ne3A_98 : i32
    %and3A = arith.andi %ne3A, %ne3A_99 : i1
    %sub3A = arith.constant 1 : i32
    %sub3A_100 = arith.subi %div3A, %sub3A : i32
    %select_n3A_101 = arith.select %and3A, %sub3A_100, %div3A : i32
    %while3A = arith.constant 0 : i32
    %while3A_102 = arith.constant 0 : i32
    %while3A_103 = arith.subi %select_n3A_101, %while3A_102 : i32
    %while3A_104 = arith.addi %while3A_102, %while3A_103 : i32
    %while3A_105 = arith.constant 1 : i32
    %while3A_106 = arith.divsi %while3A_103, %while3A_105 : i32
    %while3A_107 = arith.muli %while3A_106, %while3A_105 : i32
    %while3A_108 = arith.addi %while3A_102, %while3A_107 : i32
    %while3A_109 = arith.constant 1 : i32
    scf.for %while3A_199 = %while3A_102 to %while3A_108 step %while3A_109  : i32 {
      %mul3A_200 = arith.constant 4 : i32
      %mul3A_201 = arith.muli %while3A_199, %mul3A_200 : i32
      %add3A_202 = arith.constant 0 : i32
      %add3A_203 = arith.addi %mul3A_201, %add3A_202 : i32
      %dma_wait3A_204 = arith.constant 0 : i32
      %dma_wait3A_205 = arith.constant 0 : i32
      %dma_wait3A_206 = arith.constant 0 : i32
      %dma_wait3A_207 = arith.constant 0 : i32
      %dma_wait3A_208 = tpu.memref_slice %arg8[%dma_wait3A_205, %dma_wait3A_206, %dma_wait3A_207] : memref<4x128x32xf32, #tpu.memory_space<vmem>> -> memref<1x128x32xf32, #tpu.memory_space<vmem>>
      %dma_wait3A_209 = tpu.memref_squeeze %dma_wait3A_208 : memref<1x128x32xf32, #tpu.memory_space<vmem>> -> memref<128x32xf32, #tpu.memory_space<vmem>>
      %dma_wait3A_210 = arith.constant 0 : i32
      %dma_wait3A_211 = tpu.memref_slice %arg6[%dma_wait3A_204, %dma_wait3A_210] : memref<128x128xi32, #tpu.memory_space<vmem>> -> memref<1x128xi32, #tpu.memory_space<vmem>>
      %dma_wait3A_212 = tpu.memref_squeeze %dma_wait3A_211 : memref<1x128xi32, #tpu.memory_space<vmem>> -> memref<128xi32, #tpu.memory_space<vmem>>
      %dma_wait3A_213 = arith.constant 0 : i32
      %dma_wait3A_214 = arith.constant 0 : i32
      %dma_wait3A_215 = tpu.memref_slice %arg4[%dma_wait3A_213, %dma_wait3A_214] : memref<10000x32xf32, #tpu.memory_space<hbm>> -> memref<10000x32xf32, #tpu.memory_space<hbm>>
      tpu.wait_indirect_dma semaphore(%arg10 : memref<!tpu.dma_semaphore, #tpu.memory_space<semaphore_mem>>) src(%dma_wait3A_215 : memref<10000x32xf32, #tpu.memory_space<hbm>>) dst(%dma_wait3A_209 : memref<128x32xf32, #tpu.memory_space<vmem>>)
      %run_scoped3A = arith.constant 0 : i32
      "tpu.region"() ({
        %run_scoped3A_323 = tpu.sem_alloc : memref<!tpu.dma_semaphore, #tpu.memory_space<semaphore_mem>>
        %dma_start3A_324 = arith.constant 0 : i32
        %dma_start3A_325 = arith.constant 0 : i32
        %dma_start3A_326 = tpu.memref_slice %arg8[%run_scoped3A, %dma_start3A_324, %dma_start3A_325] : memref<4x128x32xf32, #tpu.memory_space<vmem>> -> memref<1x128x32xf32, #tpu.memory_space<vmem>>
        %dma_start3A_327 = tpu.memref_squeeze %dma_start3A_326 : memref<1x128x32xf32, #tpu.memory_space<vmem>> -> memref<128x32xf32, #tpu.memory_space<vmem>>
        %dma_start3A_328 = arith.constant 0 : i32
        %dma_start3A_329 = tpu.memref_slice %arg7[%add3A_203, %dma_start3A_328] : memref<128x128xi32, #tpu.memory_space<vmem>> -> memref<1x128xi32, #tpu.memory_space<vmem>>
        %dma_start3A_330 = tpu.memref_squeeze %dma_start3A_329 : memref<1x128xi32, #tpu.memory_space<vmem>> -> memref<128xi32, #tpu.memory_space<vmem>>
        %dma_start3A_331 = arith.constant 0 : i32
        %dma_start3A_332 = arith.constant 0 : i32
        %dma_start3A_333 = tpu.memref_slice %arg14[%dma_start3A_331, %dma_start3A_332] : memref<10240x32xf32, #tpu.memory_space<vmem_shared>> -> memref<10240x32xf32, #tpu.memory_space<vmem_shared>>
        tpu.enqueue_indirect_dma source(%dma_start3A_327 : memref<128x32xf32, #tpu.memory_space<vmem>>) target(%dma_start3A_333 : memref<10240x32xf32, #tpu.memory_space<vmem_shared>>) offsets(%dma_start3A_330 : memref<128xi32, #tpu.memory_space<vmem>>) semaphore(%run_scoped3A_323 : memref<!tpu.dma_semaphore, #tpu.memory_space<semaphore_mem>>) {add = true}
        %dma_wait3A_334 = arith.constant 0 : i32
        %dma_wait3A_335 = arith.constant 0 : i32
        %dma_wait3A_336 = tpu.memref_slice %arg8[%run_scoped3A, %dma_wait3A_334, %dma_wait3A_335] : memref<4x128x32xf32, #tpu.memory_space<vmem>> -> memref<1x128x32xf32, #tpu.memory_space<vmem>>
        %dma_wait3A_337 = tpu.memref_squeeze %dma_wait3A_336 : memref<1x128x32xf32, #tpu.memory_space<vmem>> -> memref<128x32xf32, #tpu.memory_space<vmem>>
        %dma_wait3A_338 = arith.constant 0 : i32
        %dma_wait3A_339 = tpu.memref_slice %arg7[%add3A_203, %dma_wait3A_338] : memref<128x128xi32, #tpu.memory_space<vmem>> -> memref<1x128xi32, #tpu.memory_space<vmem>>
        %dma_wait3A_340 = tpu.memref_squeeze %dma_wait3A_339 : memref<1x128xi32, #tpu.memory_space<vmem>> -> memref<128xi32, #tpu.memory_space<vmem>>
        %dma_wait3A_341 = arith.constant 0 : i32
        %dma_wait3A_342 = arith.constant 0 : i32
        %dma_wait3A_343 = tpu.memref_slice %arg14[%dma_wait3A_341, %dma_wait3A_342] : memref<10240x32xf32, #tpu.memory_space<vmem_shared>> -> memref<10240x32xf32, #tpu.memory_space<vmem_shared>>
        tpu.wait_indirect_dma semaphore(%run_scoped3A_323 : memref<!tpu.dma_semaphore, #tpu.memory_space<semaphore_mem>>) src(%dma_wait3A_337 : memref<128x32xf32, #tpu.memory_space<vmem>>) dst(%dma_wait3A_343 : memref<10240x32xf32, #tpu.memory_space<vmem_shared>>)
        tpu.yield
      }) : () -> ()
      %add3A_216 = arith.constant 4 : i32
      %add3A_217 = arith.addi %add3A_203, %add3A_216 : i32
      %rem3A_218 = arith.remsi %add3A_217, %select_n3A : i32
      %dma_start3A_219 = arith.constant 0 : i32
      %dma_start3A_220 = arith.constant 0 : i32
      %dma_start3A_221 = arith.constant 0 : i32
      %dma_start3A_222 = tpu.memref_slice %arg8[%dma_start3A_219, %dma_start3A_220, %dma_start3A_221] : memref<4x128x32xf32, #tpu.memory_space<vmem>> -> memref<1x128x32xf32, #tpu.memory_space<vmem>>
      %dma_start3A_223 = tpu.memref_squeeze %dma_start3A_222 : memref<1x128x32xf32, #tpu.memory_space<vmem>> -> memref<128x32xf32, #tpu.memory_space<vmem>>
      %dma_start3A_224 = arith.constant 0 : i32
      %dma_start3A_225 = tpu.memref_slice %arg6[%rem3A_218, %dma_start3A_224] : memref<128x128xi32, #tpu.memory_space<vmem>> -> memref<1x128xi32, #tpu.memory_space<vmem>>
      %dma_start3A_226 = tpu.memref_squeeze %dma_start3A_225 : memref<1x128xi32, #tpu.memory_space<vmem>> -> memref<128xi32, #tpu.memory_space<vmem>>
      %dma_start3A_227 = arith.constant 0 : i32
      %dma_start3A_228 = arith.constant 0 : i32
      %dma_start3A_229 = tpu.memref_slice %arg4[%dma_start3A_227, %dma_start3A_228] : memref<10000x32xf32, #tpu.memory_space<hbm>> -> memref<10000x32xf32, #tpu.memory_space<hbm>>
      tpu.enqueue_indirect_dma source(%dma_start3A_229 : memref<10000x32xf32, #tpu.memory_space<hbm>>) target(%dma_start3A_223 : memref<128x32xf32, #tpu.memory_space<vmem>>) offsets(%dma_start3A_226 : memref<128xi32, #tpu.memory_space<vmem>>) semaphore(%arg10 : memref<!tpu.dma_semaphore, #tpu.memory_space<semaphore_mem>>)
      %mul3A_230 = arith.constant 4 : i32
      %mul3A_231 = arith.muli %while3A_199, %mul3A_230 : i32
      %add3A_232 = arith.constant 1 : i32
      %add3A_233 = arith.addi %mul3A_231, %add3A_232 : i32
      %dma_wait3A_234 = arith.constant 1 : i32
      %dma_wait3A_235 = arith.constant 1 : i32
      %dma_wait3A_236 = arith.constant 0 : i32
      %dma_wait3A_237 = arith.constant 0 : i32
      %dma_wait3A_238 = tpu.memref_slice %arg8[%dma_wait3A_235, %dma_wait3A_236, %dma_wait3A_237] : memref<4x128x32xf32, #tpu.memory_space<vmem>> -> memref<1x128x32xf32, #tpu.memory_space<vmem>>
      %dma_wait3A_239 = tpu.memref_squeeze %dma_wait3A_238 : memref<1x128x32xf32, #tpu.memory_space<vmem>> -> memref<128x32xf32, #tpu.memory_space<vmem>>
      %dma_wait3A_240 = arith.constant 0 : i32
      %dma_wait3A_241 = tpu.memref_slice %arg6[%dma_wait3A_234, %dma_wait3A_240] : memref<128x128xi32, #tpu.memory_space<vmem>> -> memref<1x128xi32, #tpu.memory_space<vmem>>
      %dma_wait3A_242 = tpu.memref_squeeze %dma_wait3A_241 : memref<1x128xi32, #tpu.memory_space<vmem>> -> memref<128xi32, #tpu.memory_space<vmem>>
      %dma_wait3A_243 = arith.constant 0 : i32
      %dma_wait3A_244 = arith.constant 0 : i32
      %dma_wait3A_245 = tpu.memref_slice %arg4[%dma_wait3A_243, %dma_wait3A_244] : memref<10000x32xf32, #tpu.memory_space<hbm>> -> memref<10000x32xf32, #tpu.memory_space<hbm>>
      tpu.wait_indirect_dma semaphore(%arg11 : memref<!tpu.dma_semaphore, #tpu.memory_space<semaphore_mem>>) src(%dma_wait3A_245 : memref<10000x32xf32, #tpu.memory_space<hbm>>) dst(%dma_wait3A_239 : memref<128x32xf32, #tpu.memory_space<vmem>>)
      %run_scoped3A_246 = arith.constant 1 : i32
      "tpu.region"() ({
        %run_scoped3A_323 = tpu.sem_alloc : memref<!tpu.dma_semaphore, #tpu.memory_space<semaphore_mem>>
        %dma_start3A_324 = arith.constant 0 : i32
        %dma_start3A_325 = arith.constant 0 : i32
        %dma_start3A_326 = tpu.memref_slice %arg8[%run_scoped3A_246, %dma_start3A_324, %dma_start3A_325] : memref<4x128x32xf32, #tpu.memory_space<vmem>> -> memref<1x128x32xf32, #tpu.memory_space<vmem>>
        %dma_start3A_327 = tpu.memref_squeeze %dma_start3A_326 : memref<1x128x32xf32, #tpu.memory_space<vmem>> -> memref<128x32xf32, #tpu.memory_space<vmem>>
        %dma_start3A_328 = arith.constant 0 : i32
        %dma_start3A_329 = tpu.memref_slice %arg7[%add3A_233, %dma_start3A_328] : memref<128x128xi32, #tpu.memory_space<vmem>> -> memref<1x128xi32, #tpu.memory_space<vmem>>
        %dma_start3A_330 = tpu.memref_squeeze %dma_start3A_329 : memref<1x128xi32, #tpu.memory_space<vmem>> -> memref<128xi32, #tpu.memory_space<vmem>>
        %dma_start3A_331 = arith.constant 0 : i32
        %dma_start3A_332 = arith.constant 0 : i32
        %dma_start3A_333 = tpu.memref_slice %arg14[%dma_start3A_331, %dma_start3A_332] : memref<10240x32xf32, #tpu.memory_space<vmem_shared>> -> memref<10240x32xf32, #tpu.memory_space<vmem_shared>>
        tpu.enqueue_indirect_dma source(%dma_start3A_327 : memref<128x32xf32, #tpu.memory_space<vmem>>) target(%dma_start3A_333 : memref<10240x32xf32, #tpu.memory_space<vmem_shared>>) offsets(%dma_start3A_330 : memref<128xi32, #tpu.memory_space<vmem>>) semaphore(%run_scoped3A_323 : memref<!tpu.dma_semaphore, #tpu.memory_space<semaphore_mem>>) {add = true}
        %dma_wait3A_334 = arith.constant 0 : i32
        %dma_wait3A_335 = arith.constant 0 : i32
        %dma_wait3A_336 = tpu.memref_slice %arg8[%run_scoped3A_246, %dma_wait3A_334, %dma_wait3A_335] : memref<4x128x32xf32, #tpu.memory_space<vmem>> -> memref<1x128x32xf32, #tpu.memory_space<vmem>>
        %dma_wait3A_337 = tpu.memref_squeeze %dma_wait3A_336 : memref<1x128x32xf32, #tpu.memory_space<vmem>> -> memref<128x32xf32, #tpu.memory_space<vmem>>
        %dma_wait3A_338 = arith.constant 0 : i32
        %dma_wait3A_339 = tpu.memref_slice %arg7[%add3A_233, %dma_wait3A_338] : memref<128x128xi32, #tpu.memory_space<vmem>> -> memref<1x128xi32, #tpu.memory_space<vmem>>
        %dma_wait3A_340 = tpu.memref_squeeze %dma_wait3A_339 : memref<1x128xi32, #tpu.memory_space<vmem>> -> memref<128xi32, #tpu.memory_space<vmem>>
        %dma_wait3A_341 = arith.constant 0 : i32
        %dma_wait3A_342 = arith.constant 0 : i32
        %dma_wait3A_343 = tpu.memref_slice %arg14[%dma_wait3A_341, %dma_wait3A_342] : memref<10240x32xf32, #tpu.memory_space<vmem_shared>> -> memref<10240x32xf32, #tpu.memory_space<vmem_shared>>
        tpu.wait_indirect_dma semaphore(%run_scoped3A_323 : memref<!tpu.dma_semaphore, #tpu.memory_space<semaphore_mem>>) src(%dma_wait3A_337 : memref<128x32xf32, #tpu.memory_space<vmem>>) dst(%dma_wait3A_343 : memref<10240x32xf32, #tpu.memory_space<vmem_shared>>)
        tpu.yield
      }) : () -> ()
      %add3A_247 = arith.constant 4 : i32
      %add3A_248 = arith.addi %add3A_233, %add3A_247 : i32
      %rem3A_249 = arith.remsi %add3A_248, %select_n3A : i32
      %dma_start3A_250 = arith.constant 1 : i32
      %dma_start3A_251 = arith.constant 0 : i32
      %dma_start3A_252 = arith.constant 0 : i32
      %dma_start3A_253 = tpu.memref_slice %arg8[%dma_start3A_250, %dma_start3A_251, %dma_start3A_252] : memref<4x128x32xf32, #tpu.memory_space<vmem>> -> memref<1x128x32xf32, #tpu.memory_space<vmem>>
      %dma_start3A_254 = tpu.memref_squeeze %dma_start3A_253 : memref<1x128x32xf32, #tpu.memory_space<vmem>> -> memref<128x32xf32, #tpu.memory_space<vmem>>
      %dma_start3A_255 = arith.constant 0 : i32
      %dma_start3A_256 = tpu.memref_slice %arg6[%rem3A_249, %dma_start3A_255] : memref<128x128xi32, #tpu.memory_space<vmem>> -> memref<1x128xi32, #tpu.memory_space<vmem>>
      %dma_start3A_257 = tpu.memref_squeeze %dma_start3A_256 : memref<1x128xi32, #tpu.memory_space<vmem>> -> memref<128xi32, #tpu.memory_space<vmem>>
      %dma_start3A_258 = arith.constant 0 : i32
      %dma_start3A_259 = arith.constant 0 : i32
      %dma_start3A_260 = tpu.memref_slice %arg4[%dma_start3A_258, %dma_start3A_259] : memref<10000x32xf32, #tpu.memory_space<hbm>> -> memref<10000x32xf32, #tpu.memory_space<hbm>>
      tpu.enqueue_indirect_dma source(%dma_start3A_260 : memref<10000x32xf32, #tpu.memory_space<hbm>>) target(%dma_start3A_254 : memref<128x32xf32, #tpu.memory_space<vmem>>) offsets(%dma_start3A_257 : memref<128xi32, #tpu.memory_space<vmem>>) semaphore(%arg11 : memref<!tpu.dma_semaphore, #tpu.memory_space<semaphore_mem>>)
      %mul3A_261 = arith.constant 4 : i32
      %mul3A_262 = arith.muli %while3A_199, %mul3A_261 : i32
      %add3A_263 = arith.constant 2 : i32
      %add3A_264 = arith.addi %mul3A_262, %add3A_263 : i32
      %dma_wait3A_265 = arith.constant 2 : i32
      %dma_wait3A_266 = arith.constant 2 : i32
      %dma_wait3A_267 = arith.constant 0 : i32
      %dma_wait3A_268 = arith.constant 0 : i32
      %dma_wait3A_269 = tpu.memref_slice %arg8[%dma_wait3A_266, %dma_wait3A_267, %dma_wait3A_268] : memref<4x128x32xf32, #tpu.memory_space<vmem>> -> memref<1x128x32xf32, #tpu.memory_space<vmem>>
      %dma_wait3A_270 = tpu.memref_squeeze %dma_wait3A_269 : memref<1x128x32xf32, #tpu.memory_space<vmem>> -> memref<128x32xf32, #tpu.memory_space<vmem>>
      %dma_wait3A_271 = arith.constant 0 : i32
      %dma_wait3A_272 = tpu.memref_slice %arg6[%dma_wait3A_265, %dma_wait3A_271] : memref<128x128xi32, #tpu.memory_space<vmem>> -> memref<1x128xi32, #tpu.memory_space<vmem>>
      %dma_wait3A_273 = tpu.memref_squeeze %dma_wait3A_272 : memref<1x128xi32, #tpu.memory_space<vmem>> -> memref<128xi32, #tpu.memory_space<vmem>>
      %dma_wait3A_274 = arith.constant 0 : i32
      %dma_wait3A_275 = arith.constant 0 : i32
      %dma_wait3A_276 = tpu.memref_slice %arg4[%dma_wait3A_274, %dma_wait3A_275] : memref<10000x32xf32, #tpu.memory_space<hbm>> -> memref<10000x32xf32, #tpu.memory_space<hbm>>
      tpu.wait_indirect_dma semaphore(%arg12 : memref<!tpu.dma_semaphore, #tpu.memory_space<semaphore_mem>>) src(%dma_wait3A_276 : memref<10000x32xf32, #tpu.memory_space<hbm>>) dst(%dma_wait3A_270 : memref<128x32xf32, #tpu.memory_space<vmem>>)
      %run_scoped3A_277 = arith.constant 2 : i32
      "tpu.region"() ({
        %run_scoped3A_323 = tpu.sem_alloc : memref<!tpu.dma_semaphore, #tpu.memory_space<semaphore_mem>>
        %dma_start3A_324 = arith.constant 0 : i32
        %dma_start3A_325 = arith.constant 0 : i32
        %dma_start3A_326 = tpu.memref_slice %arg8[%run_scoped3A_277, %dma_start3A_324, %dma_start3A_325] : memref<4x128x32xf32, #tpu.memory_space<vmem>> -> memref<1x128x32xf32, #tpu.memory_space<vmem>>
        %dma_start3A_327 = tpu.memref_squeeze %dma_start3A_326 : memref<1x128x32xf32, #tpu.memory_space<vmem>> -> memref<128x32xf32, #tpu.memory_space<vmem>>
        %dma_start3A_328 = arith.constant 0 : i32
        %dma_start3A_329 = tpu.memref_slice %arg7[%add3A_264, %dma_start3A_328] : memref<128x128xi32, #tpu.memory_space<vmem>> -> memref<1x128xi32, #tpu.memory_space<vmem>>
        %dma_start3A_330 = tpu.memref_squeeze %dma_start3A_329 : memref<1x128xi32, #tpu.memory_space<vmem>> -> memref<128xi32, #tpu.memory_space<vmem>>
        %dma_start3A_331 = arith.constant 0 : i32
        %dma_start3A_332 = arith.constant 0 : i32
        %dma_start3A_333 = tpu.memref_slice %arg14[%dma_start3A_331, %dma_start3A_332] : memref<10240x32xf32, #tpu.memory_space<vmem_shared>> -> memref<10240x32xf32, #tpu.memory_space<vmem_shared>>
        tpu.enqueue_indirect_dma source(%dma_start3A_327 : memref<128x32xf32, #tpu.memory_space<vmem>>) target(%dma_start3A_333 : memref<10240x32xf32, #tpu.memory_space<vmem_shared>>) offsets(%dma_start3A_330 : memref<128xi32, #tpu.memory_space<vmem>>) semaphore(%run_scoped3A_323 : memref<!tpu.dma_semaphore, #tpu.memory_space<semaphore_mem>>) {add = true}
        %dma_wait3A_334 = arith.constant 0 : i32
        %dma_wait3A_335 = arith.constant 0 : i32
        %dma_wait3A_336 = tpu.memref_slice %arg8[%run_scoped3A_277, %dma_wait3A_334, %dma_wait3A_335] : memref<4x128x32xf32, #tpu.memory_space<vmem>> -> memref<1x128x32xf32, #tpu.memory_space<vmem>>
        %dma_wait3A_337 = tpu.memref_squeeze %dma_wait3A_336 : memref<1x128x32xf32, #tpu.memory_space<vmem>> -> memref<128x32xf32, #tpu.memory_space<vmem>>
        %dma_wait3A_338 = arith.constant 0 : i32
        %dma_wait3A_339 = tpu.memref_slice %arg7[%add3A_264, %dma_wait3A_338] : memref<128x128xi32, #tpu.memory_space<vmem>> -> memref<1x128xi32, #tpu.memory_space<vmem>>
        %dma_wait3A_340 = tpu.memref_squeeze %dma_wait3A_339 : memref<1x128xi32, #tpu.memory_space<vmem>> -> memref<128xi32, #tpu.memory_space<vmem>>
        %dma_wait3A_341 = arith.constant 0 : i32
        %dma_wait3A_342 = arith.constant 0 : i32
        %dma_wait3A_343 = tpu.memref_slice %arg14[%dma_wait3A_341, %dma_wait3A_342] : memref<10240x32xf32, #tpu.memory_space<vmem_shared>> -> memref<10240x32xf32, #tpu.memory_space<vmem_shared>>
        tpu.wait_indirect_dma semaphore(%run_scoped3A_323 : memref<!tpu.dma_semaphore, #tpu.memory_space<semaphore_mem>>) src(%dma_wait3A_337 : memref<128x32xf32, #tpu.memory_space<vmem>>) dst(%dma_wait3A_343 : memref<10240x32xf32, #tpu.memory_space<vmem_shared>>)
        tpu.yield
      }) : () -> ()
      %add3A_278 = arith.constant 4 : i32
      %add3A_279 = arith.addi %add3A_264, %add3A_278 : i32
      %rem3A_280 = arith.remsi %add3A_279, %select_n3A : i32
      %dma_start3A_281 = arith.constant 2 : i32
      %dma_start3A_282 = arith.constant 0 : i32
      %dma_start3A_283 = arith.constant 0 : i32
      %dma_start3A_284 = tpu.memref_slice %arg8[%dma_start3A_281, %dma_start3A_282, %dma_start3A_283] : memref<4x128x32xf32, #tpu.memory_space<vmem>> -> memref<1x128x32xf32, #tpu.memory_space<vmem>>
      %dma_start3A_285 = tpu.memref_squeeze %dma_start3A_284 : memref<1x128x32xf32, #tpu.memory_space<vmem>> -> memref<128x32xf32, #tpu.memory_space<vmem>>
      %dma_start3A_286 = arith.constant 0 : i32
      %dma_start3A_287 = tpu.memref_slice %arg6[%rem3A_280, %dma_start3A_286] : memref<128x128xi32, #tpu.memory_space<vmem>> -> memref<1x128xi32, #tpu.memory_space<vmem>>
      %dma_start3A_288 = tpu.memref_squeeze %dma_start3A_287 : memref<1x128xi32, #tpu.memory_space<vmem>> -> memref<128xi32, #tpu.memory_space<vmem>>
      %dma_start3A_289 = arith.constant 0 : i32
      %dma_start3A_290 = arith.constant 0 : i32
      %dma_start3A_291 = tpu.memref_slice %arg4[%dma_start3A_289, %dma_start3A_290] : memref<10000x32xf32, #tpu.memory_space<hbm>> -> memref<10000x32xf32, #tpu.memory_space<hbm>>
      tpu.enqueue_indirect_dma source(%dma_start3A_291 : memref<10000x32xf32, #tpu.memory_space<hbm>>) target(%dma_start3A_285 : memref<128x32xf32, #tpu.memory_space<vmem>>) offsets(%dma_start3A_288 : memref<128xi32, #tpu.memory_space<vmem>>) semaphore(%arg12 : memref<!tpu.dma_semaphore, #tpu.memory_space<semaphore_mem>>)
      %mul3A_292 = arith.constant 4 : i32
      %mul3A_293 = arith.muli %while3A_199, %mul3A_292 : i32
      %add3A_294 = arith.constant 3 : i32
      %add3A_295 = arith.addi %mul3A_293, %add3A_294 : i32
      %dma_wait3A_296 = arith.constant 3 : i32
      %dma_wait3A_297 = arith.constant 3 : i32
      %dma_wait3A_298 = arith.constant 0 : i32
      %dma_wait3A_299 = arith.constant 0 : i32
      %dma_wait3A_300 = tpu.memref_slice %arg8[%dma_wait3A_297, %dma_wait3A_298, %dma_wait3A_299] : memref<4x128x32xf32, #tpu.memory_space<vmem>> -> memref<1x128x32xf32, #tpu.memory_space<vmem>>
      %dma_wait3A_301 = tpu.memref_squeeze %dma_wait3A_300 : memref<1x128x32xf32, #tpu.memory_space<vmem>> -> memref<128x32xf32, #tpu.memory_space<vmem>>
      %dma_wait3A_302 = arith.constant 0 : i32
      %dma_wait3A_303 = tpu.memref_slice %arg6[%dma_wait3A_296, %dma_wait3A_302] : memref<128x128xi32, #tpu.memory_space<vmem>> -> memref<1x128xi32, #tpu.memory_space<vmem>>
      %dma_wait3A_304 = tpu.memref_squeeze %dma_wait3A_303 : memref<1x128xi32, #tpu.memory_space<vmem>> -> memref<128xi32, #tpu.memory_space<vmem>>
      %dma_wait3A_305 = arith.constant 0 : i32
      %dma_wait3A_306 = arith.constant 0 : i32
      %dma_wait3A_307 = tpu.memref_slice %arg4[%dma_wait3A_305, %dma_wait3A_306] : memref<10000x32xf32, #tpu.memory_space<hbm>> -> memref<10000x32xf32, #tpu.memory_space<hbm>>
      tpu.wait_indirect_dma semaphore(%arg13 : memref<!tpu.dma_semaphore, #tpu.memory_space<semaphore_mem>>) src(%dma_wait3A_307 : memref<10000x32xf32, #tpu.memory_space<hbm>>) dst(%dma_wait3A_301 : memref<128x32xf32, #tpu.memory_space<vmem>>)
      %run_scoped3A_308 = arith.constant 3 : i32
      "tpu.region"() ({
        %run_scoped3A_323 = tpu.sem_alloc : memref<!tpu.dma_semaphore, #tpu.memory_space<semaphore_mem>>
        %dma_start3A_324 = arith.constant 0 : i32
        %dma_start3A_325 = arith.constant 0 : i32
        %dma_start3A_326 = tpu.memref_slice %arg8[%run_scoped3A_308, %dma_start3A_324, %dma_start3A_325] : memref<4x128x32xf32, #tpu.memory_space<vmem>> -> memref<1x128x32xf32, #tpu.memory_space<vmem>>
        %dma_start3A_327 = tpu.memref_squeeze %dma_start3A_326 : memref<1x128x32xf32, #tpu.memory_space<vmem>> -> memref<128x32xf32, #tpu.memory_space<vmem>>
        %dma_start3A_328 = arith.constant 0 : i32
        %dma_start3A_329 = tpu.memref_slice %arg7[%add3A_295, %dma_start3A_328] : memref<128x128xi32, #tpu.memory_space<vmem>> -> memref<1x128xi32, #tpu.memory_space<vmem>>
        %dma_start3A_330 = tpu.memref_squeeze %dma_start3A_329 : memref<1x128xi32, #tpu.memory_space<vmem>> -> memref<128xi32, #tpu.memory_space<vmem>>
        %dma_start3A_331 = arith.constant 0 : i32
        %dma_start3A_332 = arith.constant 0 : i32
        %dma_start3A_333 = tpu.memref_slice %arg14[%dma_start3A_331, %dma_start3A_332] : memref<10240x32xf32, #tpu.memory_space<vmem_shared>> -> memref<10240x32xf32, #tpu.memory_space<vmem_shared>>
        tpu.enqueue_indirect_dma source(%dma_start3A_327 : memref<128x32xf32, #tpu.memory_space<vmem>>) target(%dma_start3A_333 : memref<10240x32xf32, #tpu.memory_space<vmem_shared>>) offsets(%dma_start3A_330 : memref<128xi32, #tpu.memory_space<vmem>>) semaphore(%run_scoped3A_323 : memref<!tpu.dma_semaphore, #tpu.memory_space<semaphore_mem>>) {add = true}
        %dma_wait3A_334 = arith.constant 0 : i32
        %dma_wait3A_335 = arith.constant 0 : i32
        %dma_wait3A_336 = tpu.memref_slice %arg8[%run_scoped3A_308, %dma_wait3A_334, %dma_wait3A_335] : memref<4x128x32xf32, #tpu.memory_space<vmem>> -> memref<1x128x32xf32, #tpu.memory_space<vmem>>
        %dma_wait3A_337 = tpu.memref_squeeze %dma_wait3A_336 : memref<1x128x32xf32, #tpu.memory_space<vmem>> -> memref<128x32xf32, #tpu.memory_space<vmem>>
        %dma_wait3A_338 = arith.constant 0 : i32
        %dma_wait3A_339 = tpu.memref_slice %arg7[%add3A_295, %dma_wait3A_338] : memref<128x128xi32, #tpu.memory_space<vmem>> -> memref<1x128xi32, #tpu.memory_space<vmem>>
        %dma_wait3A_340 = tpu.memref_squeeze %dma_wait3A_339 : memref<1x128xi32, #tpu.memory_space<vmem>> -> memref<128xi32, #tpu.memory_space<vmem>>
        %dma_wait3A_341 = arith.constant 0 : i32
        %dma_wait3A_342 = arith.constant 0 : i32
        %dma_wait3A_343 = tpu.memref_slice %arg14[%dma_wait3A_341, %dma_wait3A_342] : memref<10240x32xf32, #tpu.memory_space<vmem_shared>> -> memref<10240x32xf32, #tpu.memory_space<vmem_shared>>
        tpu.wait_indirect_dma semaphore(%run_scoped3A_323 : memref<!tpu.dma_semaphore, #tpu.memory_space<semaphore_mem>>) src(%dma_wait3A_337 : memref<128x32xf32, #tpu.memory_space<vmem>>) dst(%dma_wait3A_343 : memref<10240x32xf32, #tpu.memory_space<vmem_shared>>)
        tpu.yield
      }) : () -> ()
      %add3A_309 = arith.constant 4 : i32
      %add3A_310 = arith.addi %add3A_295, %add3A_309 : i32
      %rem3A_311 = arith.remsi %add3A_310, %select_n3A : i32
      %dma_start3A_312 = arith.constant 3 : i32
      %dma_start3A_313 = arith.constant 0 : i32
      %dma_start3A_314 = arith.constant 0 : i32
      %dma_start3A_315 = tpu.memref_slice %arg8[%dma_start3A_312, %dma_start3A_313, %dma_start3A_314] : memref<4x128x32xf32, #tpu.memory_space<vmem>> -> memref<1x128x32xf32, #tpu.memory_space<vmem>>
      %dma_start3A_316 = tpu.memref_squeeze %dma_start3A_315 : memref<1x128x32xf32, #tpu.memory_space<vmem>> -> memref<128x32xf32, #tpu.memory_space<vmem>>
      %dma_start3A_317 = arith.constant 0 : i32
      %dma_start3A_318 = tpu.memref_slice %arg6[%rem3A_311, %dma_start3A_317] : memref<128x128xi32, #tpu.memory_space<vmem>> -> memref<1x128xi32, #tpu.memory_space<vmem>>
      %dma_start3A_319 = tpu.memref_squeeze %dma_start3A_318 : memref<1x128xi32, #tpu.memory_space<vmem>> -> memref<128xi32, #tpu.memory_space<vmem>>
      %dma_start3A_320 = arith.constant 0 : i32
      %dma_start3A_321 = arith.constant 0 : i32
      %dma_start3A_322 = tpu.memref_slice %arg4[%dma_start3A_320, %dma_start3A_321] : memref<10000x32xf32, #tpu.memory_space<hbm>> -> memref<10000x32xf32, #tpu.memory_space<hbm>>
      tpu.enqueue_indirect_dma source(%dma_start3A_322 : memref<10000x32xf32, #tpu.memory_space<hbm>>) target(%dma_start3A_316 : memref<128x32xf32, #tpu.memory_space<vmem>>) offsets(%dma_start3A_319 : memref<128xi32, #tpu.memory_space<vmem>>) semaphore(%arg13 : memref<!tpu.dma_semaphore, #tpu.memory_space<semaphore_mem>>)
    }
    %while3A_110 = arith.constant 1 : i32
    scf.for %while3A_199 = %while3A_108 to %while3A_104 step %while3A_110  : i32 {
      %mul3A_200 = arith.constant 4 : i32
      %mul3A_201 = arith.muli %while3A_199, %mul3A_200 : i32
      %add3A_202 = arith.constant 0 : i32
      %add3A_203 = arith.addi %mul3A_201, %add3A_202 : i32
      %dma_wait3A_204 = arith.constant 0 : i32
      %dma_wait3A_205 = arith.constant 0 : i32
      %dma_wait3A_206 = arith.constant 0 : i32
      %dma_wait3A_207 = arith.constant 0 : i32
      %dma_wait3A_208 = tpu.memref_slice %arg8[%dma_wait3A_205, %dma_wait3A_206, %dma_wait3A_207] : memref<4x128x32xf32, #tpu.memory_space<vmem>> -> memref<1x128x32xf32, #tpu.memory_space<vmem>>
      %dma_wait3A_209 = tpu.memref_squeeze %dma_wait3A_208 : memref<1x128x32xf32, #tpu.memory_space<vmem>> -> memref<128x32xf32, #tpu.memory_space<vmem>>
      %dma_wait3A_210 = arith.constant 0 : i32
      %dma_wait3A_211 = tpu.memref_slice %arg6[%dma_wait3A_204, %dma_wait3A_210] : memref<128x128xi32, #tpu.memory_space<vmem>> -> memref<1x128xi32, #tpu.memory_space<vmem>>
      %dma_wait3A_212 = tpu.memref_squeeze %dma_wait3A_211 : memref<1x128xi32, #tpu.memory_space<vmem>> -> memref<128xi32, #tpu.memory_space<vmem>>
      %dma_wait3A_213 = arith.constant 0 : i32
      %dma_wait3A_214 = arith.constant 0 : i32
      %dma_wait3A_215 = tpu.memref_slice %arg4[%dma_wait3A_213, %dma_wait3A_214] : memref<10000x32xf32, #tpu.memory_space<hbm>> -> memref<10000x32xf32, #tpu.memory_space<hbm>>
      tpu.wait_indirect_dma semaphore(%arg10 : memref<!tpu.dma_semaphore, #tpu.memory_space<semaphore_mem>>) src(%dma_wait3A_215 : memref<10000x32xf32, #tpu.memory_space<hbm>>) dst(%dma_wait3A_209 : memref<128x32xf32, #tpu.memory_space<vmem>>)
      %run_scoped3A = arith.constant 0 : i32
      "tpu.region"() ({
        %run_scoped3A_323 = tpu.sem_alloc : memref<!tpu.dma_semaphore, #tpu.memory_space<semaphore_mem>>
        %dma_start3A_324 = arith.constant 0 : i32
        %dma_start3A_325 = arith.constant 0 : i32
        %dma_start3A_326 = tpu.memref_slice %arg8[%run_scoped3A, %dma_start3A_324, %dma_start3A_325] : memref<4x128x32xf32, #tpu.memory_space<vmem>> -> memref<1x128x32xf32, #tpu.memory_space<vmem>>
        %dma_start3A_327 = tpu.memref_squeeze %dma_start3A_326 : memref<1x128x32xf32, #tpu.memory_space<vmem>> -> memref<128x32xf32, #tpu.memory_space<vmem>>
        %dma_start3A_328 = arith.constant 0 : i32
        %dma_start3A_329 = tpu.memref_slice %arg7[%add3A_203, %dma_start3A_328] : memref<128x128xi32, #tpu.memory_space<vmem>> -> memref<1x128xi32, #tpu.memory_space<vmem>>
        %dma_start3A_330 = tpu.memref_squeeze %dma_start3A_329 : memref<1x128xi32, #tpu.memory_space<vmem>> -> memref<128xi32, #tpu.memory_space<vmem>>
        %dma_start3A_331 = arith.constant 0 : i32
        %dma_start3A_332 = arith.constant 0 : i32
        %dma_start3A_333 = tpu.memref_slice %arg14[%dma_start3A_331, %dma_start3A_332] : memref<10240x32xf32, #tpu.memory_space<vmem_shared>> -> memref<10240x32xf32, #tpu.memory_space<vmem_shared>>
        tpu.enqueue_indirect_dma source(%dma_start3A_327 : memref<128x32xf32, #tpu.memory_space<vmem>>) target(%dma_start3A_333 : memref<10240x32xf32, #tpu.memory_space<vmem_shared>>) offsets(%dma_start3A_330 : memref<128xi32, #tpu.memory_space<vmem>>) semaphore(%run_scoped3A_323 : memref<!tpu.dma_semaphore, #tpu.memory_space<semaphore_mem>>) {add = true}
        %dma_wait3A_334 = arith.constant 0 : i32
        %dma_wait3A_335 = arith.constant 0 : i32
        %dma_wait3A_336 = tpu.memref_slice %arg8[%run_scoped3A, %dma_wait3A_334, %dma_wait3A_335] : memref<4x128x32xf32, #tpu.memory_space<vmem>> -> memref<1x128x32xf32, #tpu.memory_space<vmem>>
        %dma_wait3A_337 = tpu.memref_squeeze %dma_wait3A_336 : memref<1x128x32xf32, #tpu.memory_space<vmem>> -> memref<128x32xf32, #tpu.memory_space<vmem>>
        %dma_wait3A_338 = arith.constant 0 : i32
        %dma_wait3A_339 = tpu.memref_slice %arg7[%add3A_203, %dma_wait3A_338] : memref<128x128xi32, #tpu.memory_space<vmem>> -> memref<1x128xi32, #tpu.memory_space<vmem>>
        %dma_wait3A_340 = tpu.memref_squeeze %dma_wait3A_339 : memref<1x128xi32, #tpu.memory_space<vmem>> -> memref<128xi32, #tpu.memory_space<vmem>>
        %dma_wait3A_341 = arith.constant 0 : i32
        %dma_wait3A_342 = arith.constant 0 : i32
        %dma_wait3A_343 = tpu.memref_slice %arg14[%dma_wait3A_341, %dma_wait3A_342] : memref<10240x32xf32, #tpu.memory_space<vmem_shared>> -> memref<10240x32xf32, #tpu.memory_space<vmem_shared>>
        tpu.wait_indirect_dma semaphore(%run_scoped3A_323 : memref<!tpu.dma_semaphore, #tpu.memory_space<semaphore_mem>>) src(%dma_wait3A_337 : memref<128x32xf32, #tpu.memory_space<vmem>>) dst(%dma_wait3A_343 : memref<10240x32xf32, #tpu.memory_space<vmem_shared>>)
        tpu.yield
      }) : () -> ()
      %add3A_216 = arith.constant 4 : i32
      %add3A_217 = arith.addi %add3A_203, %add3A_216 : i32
      %rem3A_218 = arith.remsi %add3A_217, %select_n3A : i32
      %dma_start3A_219 = arith.constant 0 : i32
      %dma_start3A_220 = arith.constant 0 : i32
      %dma_start3A_221 = arith.constant 0 : i32
      %dma_start3A_222 = tpu.memref_slice %arg8[%dma_start3A_219, %dma_start3A_220, %dma_start3A_221] : memref<4x128x32xf32, #tpu.memory_space<vmem>> -> memref<1x128x32xf32, #tpu.memory_space<vmem>>
      %dma_start3A_223 = tpu.memref_squeeze %dma_start3A_222 : memref<1x128x32xf32, #tpu.memory_space<vmem>> -> memref<128x32xf32, #tpu.memory_space<vmem>>
      %dma_start3A_224 = arith.constant 0 : i32
      %dma_start3A_225 = tpu.memref_slice %arg6[%rem3A_218, %dma_start3A_224] : memref<128x128xi32, #tpu.memory_space<vmem>> -> memref<1x128xi32, #tpu.memory_space<vmem>>
      %dma_start3A_226 = tpu.memref_squeeze %dma_start3A_225 : memref<1x128xi32, #tpu.memory_space<vmem>> -> memref<128xi32, #tpu.memory_space<vmem>>
      %dma_start3A_227 = arith.constant 0 : i32
      %dma_start3A_228 = arith.constant 0 : i32
      %dma_start3A_229 = tpu.memref_slice %arg4[%dma_start3A_227, %dma_start3A_228] : memref<10000x32xf32, #tpu.memory_space<hbm>> -> memref<10000x32xf32, #tpu.memory_space<hbm>>
      tpu.enqueue_indirect_dma source(%dma_start3A_229 : memref<10000x32xf32, #tpu.memory_space<hbm>>) target(%dma_start3A_223 : memref<128x32xf32, #tpu.memory_space<vmem>>) offsets(%dma_start3A_226 : memref<128xi32, #tpu.memory_space<vmem>>) semaphore(%arg10 : memref<!tpu.dma_semaphore, #tpu.memory_space<semaphore_mem>>)
      %mul3A_230 = arith.constant 4 : i32
      %mul3A_231 = arith.muli %while3A_199, %mul3A_230 : i32
      %add3A_232 = arith.constant 1 : i32
      %add3A_233 = arith.addi %mul3A_231, %add3A_232 : i32
      %dma_wait3A_234 = arith.constant 1 : i32
      %dma_wait3A_235 = arith.constant 1 : i32
      %dma_wait3A_236 = arith.constant 0 : i32
      %dma_wait3A_237 = arith.constant 0 : i32
      %dma_wait3A_238 = tpu.memref_slice %arg8[%dma_wait3A_235, %dma_wait3A_236, %dma_wait3A_237] : memref<4x128x32xf32, #tpu.memory_space<vmem>> -> memref<1x128x32xf32, #tpu.memory_space<vmem>>
      %dma_wait3A_239 = tpu.memref_squeeze %dma_wait3A_238 : memref<1x128x32xf32, #tpu.memory_space<vmem>> -> memref<128x32xf32, #tpu.memory_space<vmem>>
      %dma_wait3A_240 = arith.constant 0 : i32
      %dma_wait3A_241 = tpu.memref_slice %arg6[%dma_wait3A_234, %dma_wait3A_240] : memref<128x128xi32, #tpu.memory_space<vmem>> -> memref<1x128xi32, #tpu.memory_space<vmem>>
      %dma_wait3A_242 = tpu.memref_squeeze %dma_wait3A_241 : memref<1x128xi32, #tpu.memory_space<vmem>> -> memref<128xi32, #tpu.memory_space<vmem>>
      %dma_wait3A_243 = arith.constant 0 : i32
      %dma_wait3A_244 = arith.constant 0 : i32
      %dma_wait3A_245 = tpu.memref_slice %arg4[%dma_wait3A_243, %dma_wait3A_244] : memref<10000x32xf32, #tpu.memory_space<hbm>> -> memref<10000x32xf32, #tpu.memory_space<hbm>>
      tpu.wait_indirect_dma semaphore(%arg11 : memref<!tpu.dma_semaphore, #tpu.memory_space<semaphore_mem>>) src(%dma_wait3A_245 : memref<10000x32xf32, #tpu.memory_space<hbm>>) dst(%dma_wait3A_239 : memref<128x32xf32, #tpu.memory_space<vmem>>)
      %run_scoped3A_246 = arith.constant 1 : i32
      "tpu.region"() ({
        %run_scoped3A_323 = tpu.sem_alloc : memref<!tpu.dma_semaphore, #tpu.memory_space<semaphore_mem>>
        %dma_start3A_324 = arith.constant 0 : i32
        %dma_start3A_325 = arith.constant 0 : i32
        %dma_start3A_326 = tpu.memref_slice %arg8[%run_scoped3A_246, %dma_start3A_324, %dma_start3A_325] : memref<4x128x32xf32, #tpu.memory_space<vmem>> -> memref<1x128x32xf32, #tpu.memory_space<vmem>>
        %dma_start3A_327 = tpu.memref_squeeze %dma_start3A_326 : memref<1x128x32xf32, #tpu.memory_space<vmem>> -> memref<128x32xf32, #tpu.memory_space<vmem>>
        %dma_start3A_328 = arith.constant 0 : i32
        %dma_start3A_329 = tpu.memref_slice %arg7[%add3A_233, %dma_start3A_328] : memref<128x128xi32, #tpu.memory_space<vmem>> -> memref<1x128xi32, #tpu.memory_space<vmem>>
        %dma_start3A_330 = tpu.memref_squeeze %dma_start3A_329 : memref<1x128xi32, #tpu.memory_space<vmem>> -> memref<128xi32, #tpu.memory_space<vmem>>
        %dma_start3A_331 = arith.constant 0 : i32
        %dma_start3A_332 = arith.constant 0 : i32
        %dma_start3A_333 = tpu.memref_slice %arg14[%dma_start3A_331, %dma_start3A_332] : memref<10240x32xf32, #tpu.memory_space<vmem_shared>> -> memref<10240x32xf32, #tpu.memory_space<vmem_shared>>
        tpu.enqueue_indirect_dma source(%dma_start3A_327 : memref<128x32xf32, #tpu.memory_space<vmem>>) target(%dma_start3A_333 : memref<10240x32xf32, #tpu.memory_space<vmem_shared>>) offsets(%dma_start3A_330 : memref<128xi32, #tpu.memory_space<vmem>>) semaphore(%run_scoped3A_323 : memref<!tpu.dma_semaphore, #tpu.memory_space<semaphore_mem>>) {add = true}
        %dma_wait3A_334 = arith.constant 0 : i32
        %dma_wait3A_335 = arith.constant 0 : i32
        %dma_wait3A_336 = tpu.memref_slice %arg8[%run_scoped3A_246, %dma_wait3A_334, %dma_wait3A_335] : memref<4x128x32xf32, #tpu.memory_space<vmem>> -> memref<1x128x32xf32, #tpu.memory_space<vmem>>
        %dma_wait3A_337 = tpu.memref_squeeze %dma_wait3A_336 : memref<1x128x32xf32, #tpu.memory_space<vmem>> -> memref<128x32xf32, #tpu.memory_space<vmem>>
        %dma_wait3A_338 = arith.constant 0 : i32
        %dma_wait3A_339 = tpu.memref_slice %arg7[%add3A_233, %dma_wait3A_338] : memref<128x128xi32, #tpu.memory_space<vmem>> -> memref<1x128xi32, #tpu.memory_space<vmem>>
        %dma_wait3A_340 = tpu.memref_squeeze %dma_wait3A_339 : memref<1x128xi32, #tpu.memory_space<vmem>> -> memref<128xi32, #tpu.memory_space<vmem>>
        %dma_wait3A_341 = arith.constant 0 : i32
        %dma_wait3A_342 = arith.constant 0 : i32
        %dma_wait3A_343 = tpu.memref_slice %arg14[%dma_wait3A_341, %dma_wait3A_342] : memref<10240x32xf32, #tpu.memory_space<vmem_shared>> -> memref<10240x32xf32, #tpu.memory_space<vmem_shared>>
        tpu.wait_indirect_dma semaphore(%run_scoped3A_323 : memref<!tpu.dma_semaphore, #tpu.memory_space<semaphore_mem>>) src(%dma_wait3A_337 : memref<128x32xf32, #tpu.memory_space<vmem>>) dst(%dma_wait3A_343 : memref<10240x32xf32, #tpu.memory_space<vmem_shared>>)
        tpu.yield
      }) : () -> ()
      %add3A_247 = arith.constant 4 : i32
      %add3A_248 = arith.addi %add3A_233, %add3A_247 : i32
      %rem3A_249 = arith.remsi %add3A_248, %select_n3A : i32
      %dma_start3A_250 = arith.constant 1 : i32
      %dma_start3A_251 = arith.constant 0 : i32
      %dma_start3A_252 = arith.constant 0 : i32
      %dma_start3A_253 = tpu.memref_slice %arg8[%dma_start3A_250, %dma_start3A_251, %dma_start3A_252] : memref<4x128x32xf32, #tpu.memory_space<vmem>> -> memref<1x128x32xf32, #tpu.memory_space<vmem>>
      %dma_start3A_254 = tpu.memref_squeeze %dma_start3A_253 : memref<1x128x32xf32, #tpu.memory_space<vmem>> -> memref<128x32xf32, #tpu.memory_space<vmem>>
      %dma_start3A_255 = arith.constant 0 : i32
      %dma_start3A_256 = tpu.memref_slice %arg6[%rem3A_249, %dma_start3A_255] : memref<128x128xi32, #tpu.memory_space<vmem>> -> memref<1x128xi32, #tpu.memory_space<vmem>>
      %dma_start3A_257 = tpu.memref_squeeze %dma_start3A_256 : memref<1x128xi32, #tpu.memory_space<vmem>> -> memref<128xi32, #tpu.memory_space<vmem>>
      %dma_start3A_258 = arith.constant 0 : i32
      %dma_start3A_259 = arith.constant 0 : i32
      %dma_start3A_260 = tpu.memref_slice %arg4[%dma_start3A_258, %dma_start3A_259] : memref<10000x32xf32, #tpu.memory_space<hbm>> -> memref<10000x32xf32, #tpu.memory_space<hbm>>
      tpu.enqueue_indirect_dma source(%dma_start3A_260 : memref<10000x32xf32, #tpu.memory_space<hbm>>) target(%dma_start3A_254 : memref<128x32xf32, #tpu.memory_space<vmem>>) offsets(%dma_start3A_257 : memref<128xi32, #tpu.memory_space<vmem>>) semaphore(%arg11 : memref<!tpu.dma_semaphore, #tpu.memory_space<semaphore_mem>>)
      %mul3A_261 = arith.constant 4 : i32
      %mul3A_262 = arith.muli %while3A_199, %mul3A_261 : i32
      %add3A_263 = arith.constant 2 : i32
      %add3A_264 = arith.addi %mul3A_262, %add3A_263 : i32
      %dma_wait3A_265 = arith.constant 2 : i32
      %dma_wait3A_266 = arith.constant 2 : i32
      %dma_wait3A_267 = arith.constant 0 : i32
      %dma_wait3A_268 = arith.constant 0 : i32
      %dma_wait3A_269 = tpu.memref_slice %arg8[%dma_wait3A_266, %dma_wait3A_267, %dma_wait3A_268] : memref<4x128x32xf32, #tpu.memory_space<vmem>> -> memref<1x128x32xf32, #tpu.memory_space<vmem>>
      %dma_wait3A_270 = tpu.memref_squeeze %dma_wait3A_269 : memref<1x128x32xf32, #tpu.memory_space<vmem>> -> memref<128x32xf32, #tpu.memory_space<vmem>>
      %dma_wait3A_271 = arith.constant 0 : i32
      %dma_wait3A_272 = tpu.memref_slice %arg6[%dma_wait3A_265, %dma_wait3A_271] : memref<128x128xi32, #tpu.memory_space<vmem>> -> memref<1x128xi32, #tpu.memory_space<vmem>>
      %dma_wait3A_273 = tpu.memref_squeeze %dma_wait3A_272 : memref<1x128xi32, #tpu.memory_space<vmem>> -> memref<128xi32, #tpu.memory_space<vmem>>
      %dma_wait3A_274 = arith.constant 0 : i32
      %dma_wait3A_275 = arith.constant 0 : i32
      %dma_wait3A_276 = tpu.memref_slice %arg4[%dma_wait3A_274, %dma_wait3A_275] : memref<10000x32xf32, #tpu.memory_space<hbm>> -> memref<10000x32xf32, #tpu.memory_space<hbm>>
      tpu.wait_indirect_dma semaphore(%arg12 : memref<!tpu.dma_semaphore, #tpu.memory_space<semaphore_mem>>) src(%dma_wait3A_276 : memref<10000x32xf32, #tpu.memory_space<hbm>>) dst(%dma_wait3A_270 : memref<128x32xf32, #tpu.memory_space<vmem>>)
      %run_scoped3A_277 = arith.constant 2 : i32
      "tpu.region"() ({
        %run_scoped3A_323 = tpu.sem_alloc : memref<!tpu.dma_semaphore, #tpu.memory_space<semaphore_mem>>
        %dma_start3A_324 = arith.constant 0 : i32
        %dma_start3A_325 = arith.constant 0 : i32
        %dma_start3A_326 = tpu.memref_slice %arg8[%run_scoped3A_277, %dma_start3A_324, %dma_start3A_325] : memref<4x128x32xf32, #tpu.memory_space<vmem>> -> memref<1x128x32xf32, #tpu.memory_space<vmem>>
        %dma_start3A_327 = tpu.memref_squeeze %dma_start3A_326 : memref<1x128x32xf32, #tpu.memory_space<vmem>> -> memref<128x32xf32, #tpu.memory_space<vmem>>
        %dma_start3A_328 = arith.constant 0 : i32
        %dma_start3A_329 = tpu.memref_slice %arg7[%add3A_264, %dma_start3A_328] : memref<128x128xi32, #tpu.memory_space<vmem>> -> memref<1x128xi32, #tpu.memory_space<vmem>>
        %dma_start3A_330 = tpu.memref_squeeze %dma_start3A_329 : memref<1x128xi32, #tpu.memory_space<vmem>> -> memref<128xi32, #tpu.memory_space<vmem>>
        %dma_start3A_331 = arith.constant 0 : i32
        %dma_start3A_332 = arith.constant 0 : i32
        %dma_start3A_333 = tpu.memref_slice %arg14[%dma_start3A_331, %dma_start3A_332] : memref<10240x32xf32, #tpu.memory_space<vmem_shared>> -> memref<10240x32xf32, #tpu.memory_space<vmem_shared>>
        tpu.enqueue_indirect_dma source(%dma_start3A_327 : memref<128x32xf32, #tpu.memory_space<vmem>>) target(%dma_start3A_333 : memref<10240x32xf32, #tpu.memory_space<vmem_shared>>) offsets(%dma_start3A_330 : memref<128xi32, #tpu.memory_space<vmem>>) semaphore(%run_scoped3A_323 : memref<!tpu.dma_semaphore, #tpu.memory_space<semaphore_mem>>) {add = true}
        %dma_wait3A_334 = arith.constant 0 : i32
        %dma_wait3A_335 = arith.constant 0 : i32
        %dma_wait3A_336 = tpu.memref_slice %arg8[%run_scoped3A_277, %dma_wait3A_334, %dma_wait3A_335] : memref<4x128x32xf32, #tpu.memory_space<vmem>> -> memref<1x128x32xf32, #tpu.memory_space<vmem>>
        %dma_wait3A_337 = tpu.memref_squeeze %dma_wait3A_336 : memref<1x128x32xf32, #tpu.memory_space<vmem>> -> memref<128x32xf32, #tpu.memory_space<vmem>>
        %dma_wait3A_338 = arith.constant 0 : i32
        %dma_wait3A_339 = tpu.memref_slice %arg7[%add3A_264, %dma_wait3A_338] : memref<128x128xi32, #tpu.memory_space<vmem>> -> memref<1x128xi32, #tpu.memory_space<vmem>>
        %dma_wait3A_340 = tpu.memref_squeeze %dma_wait3A_339 : memref<1x128xi32, #tpu.memory_space<vmem>> -> memref<128xi32, #tpu.memory_space<vmem>>
        %dma_wait3A_341 = arith.constant 0 : i32
        %dma_wait3A_342 = arith.constant 0 : i32
        %dma_wait3A_343 = tpu.memref_slice %arg14[%dma_wait3A_341, %dma_wait3A_342] : memref<10240x32xf32, #tpu.memory_space<vmem_shared>> -> memref<10240x32xf32, #tpu.memory_space<vmem_shared>>
        tpu.wait_indirect_dma semaphore(%run_scoped3A_323 : memref<!tpu.dma_semaphore, #tpu.memory_space<semaphore_mem>>) src(%dma_wait3A_337 : memref<128x32xf32, #tpu.memory_space<vmem>>) dst(%dma_wait3A_343 : memref<10240x32xf32, #tpu.memory_space<vmem_shared>>)
        tpu.yield
      }) : () -> ()
      %add3A_278 = arith.constant 4 : i32
      %add3A_279 = arith.addi %add3A_264, %add3A_278 : i32
      %rem3A_280 = arith.remsi %add3A_279, %select_n3A : i32
      %dma_start3A_281 = arith.constant 2 : i32
      %dma_start3A_282 = arith.constant 0 : i32
      %dma_start3A_283 = arith.constant 0 : i32
      %dma_start3A_284 = tpu.memref_slice %arg8[%dma_start3A_281, %dma_start3A_282, %dma_start3A_283] : memref<4x128x32xf32, #tpu.memory_space<vmem>> -> memref<1x128x32xf32, #tpu.memory_space<vmem>>
      %dma_start3A_285 = tpu.memref_squeeze %dma_start3A_284 : memref<1x128x32xf32, #tpu.memory_space<vmem>> -> memref<128x32xf32, #tpu.memory_space<vmem>>
      %dma_start3A_286 = arith.constant 0 : i32
      %dma_start3A_287 = tpu.memref_slice %arg6[%rem3A_280, %dma_start3A_286] : memref<128x128xi32, #tpu.memory_space<vmem>> -> memref<1x128xi32, #tpu.memory_space<vmem>>
      %dma_start3A_288 = tpu.memref_squeeze %dma_start3A_287 : memref<1x128xi32, #tpu.memory_space<vmem>> -> memref<128xi32, #tpu.memory_space<vmem>>
      %dma_start3A_289 = arith.constant 0 : i32
      %dma_start3A_290 = arith.constant 0 : i32
      %dma_start3A_291 = tpu.memref_slice %arg4[%dma_start3A_289, %dma_start3A_290] : memref<10000x32xf32, #tpu.memory_space<hbm>> -> memref<10000x32xf32, #tpu.memory_space<hbm>>
      tpu.enqueue_indirect_dma source(%dma_start3A_291 : memref<10000x32xf32, #tpu.memory_space<hbm>>) target(%dma_start3A_285 : memref<128x32xf32, #tpu.memory_space<vmem>>) offsets(%dma_start3A_288 : memref<128xi32, #tpu.memory_space<vmem>>) semaphore(%arg12 : memref<!tpu.dma_semaphore, #tpu.memory_space<semaphore_mem>>)
      %mul3A_292 = arith.constant 4 : i32
      %mul3A_293 = arith.muli %while3A_199, %mul3A_292 : i32
      %add3A_294 = arith.constant 3 : i32
      %add3A_295 = arith.addi %mul3A_293, %add3A_294 : i32
      %dma_wait3A_296 = arith.constant 3 : i32
      %dma_wait3A_297 = arith.constant 3 : i32
      %dma_wait3A_298 = arith.constant 0 : i32
      %dma_wait3A_299 = arith.constant 0 : i32
      %dma_wait3A_300 = tpu.memref_slice %arg8[%dma_wait3A_297, %dma_wait3A_298, %dma_wait3A_299] : memref<4x128x32xf32, #tpu.memory_space<vmem>> -> memref<1x128x32xf32, #tpu.memory_space<vmem>>
      %dma_wait3A_301 = tpu.memref_squeeze %dma_wait3A_300 : memref<1x128x32xf32, #tpu.memory_space<vmem>> -> memref<128x32xf32, #tpu.memory_space<vmem>>
      %dma_wait3A_302 = arith.constant 0 : i32
      %dma_wait3A_303 = tpu.memref_slice %arg6[%dma_wait3A_296, %dma_wait3A_302] : memref<128x128xi32, #tpu.memory_space<vmem>> -> memref<1x128xi32, #tpu.memory_space<vmem>>
      %dma_wait3A_304 = tpu.memref_squeeze %dma_wait3A_303 : memref<1x128xi32, #tpu.memory_space<vmem>> -> memref<128xi32, #tpu.memory_space<vmem>>
      %dma_wait3A_305 = arith.constant 0 : i32
      %dma_wait3A_306 = arith.constant 0 : i32
      %dma_wait3A_307 = tpu.memref_slice %arg4[%dma_wait3A_305, %dma_wait3A_306] : memref<10000x32xf32, #tpu.memory_space<hbm>> -> memref<10000x32xf32, #tpu.memory_space<hbm>>
      tpu.wait_indirect_dma semaphore(%arg13 : memref<!tpu.dma_semaphore, #tpu.memory_space<semaphore_mem>>) src(%dma_wait3A_307 : memref<10000x32xf32, #tpu.memory_space<hbm>>) dst(%dma_wait3A_301 : memref<128x32xf32, #tpu.memory_space<vmem>>)
      %run_scoped3A_308 = arith.constant 3 : i32
      "tpu.region"() ({
        %run_scoped3A_323 = tpu.sem_alloc : memref<!tpu.dma_semaphore, #tpu.memory_space<semaphore_mem>>
        %dma_start3A_324 = arith.constant 0 : i32
        %dma_start3A_325 = arith.constant 0 : i32
        %dma_start3A_326 = tpu.memref_slice %arg8[%run_scoped3A_308, %dma_start3A_324, %dma_start3A_325] : memref<4x128x32xf32, #tpu.memory_space<vmem>> -> memref<1x128x32xf32, #tpu.memory_space<vmem>>
        %dma_start3A_327 = tpu.memref_squeeze %dma_start3A_326 : memref<1x128x32xf32, #tpu.memory_space<vmem>> -> memref<128x32xf32, #tpu.memory_space<vmem>>
        %dma_start3A_328 = arith.constant 0 : i32
        %dma_start3A_329 = tpu.memref_slice %arg7[%add3A_295, %dma_start3A_328] : memref<128x128xi32, #tpu.memory_space<vmem>> -> memref<1x128xi32, #tpu.memory_space<vmem>>
        %dma_start3A_330 = tpu.memref_squeeze %dma_start3A_329 : memref<1x128xi32, #tpu.memory_space<vmem>> -> memref<128xi32, #tpu.memory_space<vmem>>
        %dma_start3A_331 = arith.constant 0 : i32
        %dma_start3A_332 = arith.constant 0 : i32
        %dma_start3A_333 = tpu.memref_slice %arg14[%dma_start3A_331, %dma_start3A_332] : memref<10240x32xf32, #tpu.memory_space<vmem_shared>> -> memref<10240x32xf32, #tpu.memory_space<vmem_shared>>
        tpu.enqueue_indirect_dma source(%dma_start3A_327 : memref<128x32xf32, #tpu.memory_space<vmem>>) target(%dma_start3A_333 : memref<10240x32xf32, #tpu.memory_space<vmem_shared>>) offsets(%dma_start3A_330 : memref<128xi32, #tpu.memory_space<vmem>>) semaphore(%run_scoped3A_323 : memref<!tpu.dma_semaphore, #tpu.memory_space<semaphore_mem>>) {add = true}
        %dma_wait3A_334 = arith.constant 0 : i32
        %dma_wait3A_335 = arith.constant 0 : i32
        %dma_wait3A_336 = tpu.memref_slice %arg8[%run_scoped3A_308, %dma_wait3A_334, %dma_wait3A_335] : memref<4x128x32xf32, #tpu.memory_space<vmem>> -> memref<1x128x32xf32, #tpu.memory_space<vmem>>
        %dma_wait3A_337 = tpu.memref_squeeze %dma_wait3A_336 : memref<1x128x32xf32, #tpu.memory_space<vmem>> -> memref<128x32xf32, #tpu.memory_space<vmem>>
        %dma_wait3A_338 = arith.constant 0 : i32
        %dma_wait3A_339 = tpu.memref_slice %arg7[%add3A_295, %dma_wait3A_338] : memref<128x128xi32, #tpu.memory_space<vmem>> -> memref<1x128xi32, #tpu.memory_space<vmem>>
        %dma_wait3A_340 = tpu.memref_squeeze %dma_wait3A_339 : memref<1x128xi32, #tpu.memory_space<vmem>> -> memref<128xi32, #tpu.memory_space<vmem>>
        %dma_wait3A_341 = arith.constant 0 : i32
        %dma_wait3A_342 = arith.constant 0 : i32
        %dma_wait3A_343 = tpu.memref_slice %arg14[%dma_wait3A_341, %dma_wait3A_342] : memref<10240x32xf32, #tpu.memory_space<vmem_shared>> -> memref<10240x32xf32, #tpu.memory_space<vmem_shared>>
        tpu.wait_indirect_dma semaphore(%run_scoped3A_323 : memref<!tpu.dma_semaphore, #tpu.memory_space<semaphore_mem>>) src(%dma_wait3A_337 : memref<128x32xf32, #tpu.memory_space<vmem>>) dst(%dma_wait3A_343 : memref<10240x32xf32, #tpu.memory_space<vmem_shared>>)
        tpu.yield
      }) : () -> ()
      %add3A_309 = arith.constant 4 : i32
      %add3A_310 = arith.addi %add3A_295, %add3A_309 : i32
      %rem3A_311 = arith.remsi %add3A_310, %select_n3A : i32
      %dma_start3A_312 = arith.constant 3 : i32
      %dma_start3A_313 = arith.constant 0 : i32
      %dma_start3A_314 = arith.constant 0 : i32
      %dma_start3A_315 = tpu.memref_slice %arg8[%dma_start3A_312, %dma_start3A_313, %dma_start3A_314] : memref<4x128x32xf32, #tpu.memory_space<vmem>> -> memref<1x128x32xf32, #tpu.memory_space<vmem>>
      %dma_start3A_316 = tpu.memref_squeeze %dma_start3A_315 : memref<1x128x32xf32, #tpu.memory_space<vmem>> -> memref<128x32xf32, #tpu.memory_space<vmem>>
      %dma_start3A_317 = arith.constant 0 : i32
      %dma_start3A_318 = tpu.memref_slice %arg6[%rem3A_311, %dma_start3A_317] : memref<128x128xi32, #tpu.memory_space<vmem>> -> memref<1x128xi32, #tpu.memory_space<vmem>>
      %dma_start3A_319 = tpu.memref_squeeze %dma_start3A_318 : memref<1x128xi32, #tpu.memory_space<vmem>> -> memref<128xi32, #tpu.memory_space<vmem>>
      %dma_start3A_320 = arith.constant 0 : i32
      %dma_start3A_321 = arith.constant 0 : i32
      %dma_start3A_322 = tpu.memref_slice %arg4[%dma_start3A_320, %dma_start3A_321] : memref<10000x32xf32, #tpu.memory_space<hbm>> -> memref<10000x32xf32, #tpu.memory_space<hbm>>
      tpu.enqueue_indirect_dma source(%dma_start3A_322 : memref<10000x32xf32, #tpu.memory_space<hbm>>) target(%dma_start3A_316 : memref<128x32xf32, #tpu.memory_space<vmem>>) offsets(%dma_start3A_319 : memref<128xi32, #tpu.memory_space<vmem>>) semaphore(%arg13 : memref<!tpu.dma_semaphore, #tpu.memory_space<semaphore_mem>>)
    }
    %dma_wait3A = arith.constant 0 : i32
    %dma_wait3A_111 = arith.constant 0 : i32
    %dma_wait3A_112 = arith.constant 0 : i32
    %dma_wait3A_113 = arith.constant 0 : i32
    %dma_wait3A_114 = tpu.memref_slice %arg8[%dma_wait3A_111, %dma_wait3A_112, %dma_wait3A_113] : memref<4x128x32xf32, #tpu.memory_space<vmem>> -> memref<1x128x32xf32, #tpu.memory_space<vmem>>
    %dma_wait3A_115 = tpu.memref_squeeze %dma_wait3A_114 : memref<1x128x32xf32, #tpu.memory_space<vmem>> -> memref<128x32xf32, #tpu.memory_space<vmem>>
    %dma_wait3A_116 = arith.constant 0 : i32
    %dma_wait3A_117 = tpu.memref_slice %arg6[%dma_wait3A, %dma_wait3A_116] : memref<128x128xi32, #tpu.memory_space<vmem>> -> memref<1x128xi32, #tpu.memory_space<vmem>>
    %dma_wait3A_118 = tpu.memref_squeeze %dma_wait3A_117 : memref<1x128xi32, #tpu.memory_space<vmem>> -> memref<128xi32, #tpu.memory_space<vmem>>
    %dma_wait3A_119 = arith.constant 0 : i32
    %dma_wait3A_120 = arith.constant 0 : i32
    %dma_wait3A_121 = tpu.memref_slice %arg4[%dma_wait3A_119, %dma_wait3A_120] : memref<10000x32xf32, #tpu.memory_space<hbm>> -> memref<10000x32xf32, #tpu.memory_space<hbm>>
    tpu.wait_indirect_dma semaphore(%arg10 : memref<!tpu.dma_semaphore, #tpu.memory_space<semaphore_mem>>) src(%dma_wait3A_121 : memref<10000x32xf32, #tpu.memory_space<hbm>>) dst(%dma_wait3A_115 : memref<128x32xf32, #tpu.memory_space<vmem>>)
    %dma_wait3A_122 = arith.constant 1 : i32
    %dma_wait3A_123 = arith.constant 1 : i32
    %dma_wait3A_124 = arith.constant 0 : i32
    %dma_wait3A_125 = arith.constant 0 : i32
    %dma_wait3A_126 = tpu.memref_slice %arg8[%dma_wait3A_123, %dma_wait3A_124, %dma_wait3A_125] : memref<4x128x32xf32, #tpu.memory_space<vmem>> -> memref<1x128x32xf32, #tpu.memory_space<vmem>>
    %dma_wait3A_127 = tpu.memref_squeeze %dma_wait3A_126 : memref<1x128x32xf32, #tpu.memory_space<vmem>> -> memref<128x32xf32, #tpu.memory_space<vmem>>
    %dma_wait3A_128 = arith.constant 0 : i32
    %dma_wait3A_129 = tpu.memref_slice %arg6[%dma_wait3A_122, %dma_wait3A_128] : memref<128x128xi32, #tpu.memory_space<vmem>> -> memref<1x128xi32, #tpu.memory_space<vmem>>
    %dma_wait3A_130 = tpu.memref_squeeze %dma_wait3A_129 : memref<1x128xi32, #tpu.memory_space<vmem>> -> memref<128xi32, #tpu.memory_space<vmem>>
    %dma_wait3A_131 = arith.constant 0 : i32
    %dma_wait3A_132 = arith.constant 0 : i32
    %dma_wait3A_133 = tpu.memref_slice %arg4[%dma_wait3A_131, %dma_wait3A_132] : memref<10000x32xf32, #tpu.memory_space<hbm>> -> memref<10000x32xf32, #tpu.memory_space<hbm>>
    tpu.wait_indirect_dma semaphore(%arg11 : memref<!tpu.dma_semaphore, #tpu.memory_space<semaphore_mem>>) src(%dma_wait3A_133 : memref<10000x32xf32, #tpu.memory_space<hbm>>) dst(%dma_wait3A_127 : memref<128x32xf32, #tpu.memory_space<vmem>>)
    %dma_wait3A_134 = arith.constant 2 : i32
    %dma_wait3A_135 = arith.constant 2 : i32
    %dma_wait3A_136 = arith.constant 0 : i32
    %dma_wait3A_137 = arith.constant 0 : i32
    %dma_wait3A_138 = tpu.memref_slice %arg8[%dma_wait3A_135, %dma_wait3A_136, %dma_wait3A_137] : memref<4x128x32xf32, #tpu.memory_space<vmem>> -> memref<1x128x32xf32, #tpu.memory_space<vmem>>
    %dma_wait3A_139 = tpu.memref_squeeze %dma_wait3A_138 : memref<1x128x32xf32, #tpu.memory_space<vmem>> -> memref<128x32xf32, #tpu.memory_space<vmem>>
    %dma_wait3A_140 = arith.constant 0 : i32
    %dma_wait3A_141 = tpu.memref_slice %arg6[%dma_wait3A_134, %dma_wait3A_140] : memref<128x128xi32, #tpu.memory_space<vmem>> -> memref<1x128xi32, #tpu.memory_space<vmem>>
    %dma_wait3A_142 = tpu.memref_squeeze %dma_wait3A_141 : memref<1x128xi32, #tpu.memory_space<vmem>> -> memref<128xi32, #tpu.memory_space<vmem>>
    %dma_wait3A_143 = arith.constant 0 : i32
    %dma_wait3A_144 = arith.constant 0 : i32
    %dma_wait3A_145 = tpu.memref_slice %arg4[%dma_wait3A_143, %dma_wait3A_144] : memref<10000x32xf32, #tpu.memory_space<hbm>> -> memref<10000x32xf32, #tpu.memory_space<hbm>>
    tpu.wait_indirect_dma semaphore(%arg12 : memref<!tpu.dma_semaphore, #tpu.memory_space<semaphore_mem>>) src(%dma_wait3A_145 : memref<10000x32xf32, #tpu.memory_space<hbm>>) dst(%dma_wait3A_139 : memref<128x32xf32, #tpu.memory_space<vmem>>)
    %dma_wait3A_146 = arith.constant 3 : i32
    %dma_wait3A_147 = arith.constant 3 : i32
    %dma_wait3A_148 = arith.constant 0 : i32
    %dma_wait3A_149 = arith.constant 0 : i32
    %dma_wait3A_150 = tpu.memref_slice %arg8[%dma_wait3A_147, %dma_wait3A_148, %dma_wait3A_149] : memref<4x128x32xf32, #tpu.memory_space<vmem>> -> memref<1x128x32xf32, #tpu.memory_space<vmem>>
    %dma_wait3A_151 = tpu.memref_squeeze %dma_wait3A_150 : memref<1x128x32xf32, #tpu.memory_space<vmem>> -> memref<128x32xf32, #tpu.memory_space<vmem>>
    %dma_wait3A_152 = arith.constant 0 : i32
    %dma_wait3A_153 = tpu.memref_slice %arg6[%dma_wait3A_146, %dma_wait3A_152] : memref<128x128xi32, #tpu.memory_space<vmem>> -> memref<1x128xi32, #tpu.memory_space<vmem>>
    %dma_wait3A_154 = tpu.memref_squeeze %dma_wait3A_153 : memref<1x128xi32, #tpu.memory_space<vmem>> -> memref<128xi32, #tpu.memory_space<vmem>>
    %dma_wait3A_155 = arith.constant 0 : i32
    %dma_wait3A_156 = arith.constant 0 : i32
    %dma_wait3A_157 = tpu.memref_slice %arg4[%dma_wait3A_155, %dma_wait3A_156] : memref<10000x32xf32, #tpu.memory_space<hbm>> -> memref<10000x32xf32, #tpu.memory_space<hbm>>
    tpu.wait_indirect_dma semaphore(%arg13 : memref<!tpu.dma_semaphore, #tpu.memory_space<semaphore_mem>>) src(%dma_wait3A_157 : memref<10000x32xf32, #tpu.memory_space<hbm>>) dst(%dma_wait3A_151 : memref<128x32xf32, #tpu.memory_space<vmem>>)
    %barrier3A_158 = arith.constant 0 : index
    tpu.barrier barrier_id(%barrier3A_158)
    %mul3A_159 = arith.constant 640 : i32
    %mul3A_160 = arith.muli %arg1, %mul3A_159 : i32
    %add3A_161 = arith.constant 0 : i32
    %add3A_162 = arith.addi %mul3A_160, %add3A_161 : i32
    "tpu.region"() ({
      %run_scoped3A = tpu.sem_alloc : memref<!tpu.dma_semaphore, #tpu.memory_space<semaphore_mem>>
      %dma_start3A_199 = arith.constant 0 : i32
      %dma_start3A_200 = tpu.memref_slice %arg14[%add3A_162, %dma_start3A_199] : memref<10240x32xf32, #tpu.memory_space<vmem_shared>> -> memref<128x32xf32, #tpu.memory_space<vmem_shared>>
      %dma_start3A_201 = arith.constant 0 : i32
      %dma_start3A_202 = tpu.memref_slice %arg14[%add3A_162, %dma_start3A_201] : memref<10240x32xf32, #tpu.memory_space<vmem_shared>> -> memref<128x32xf32, #tpu.memory_space<vmem_shared>>
      tpu.enqueue_dma source(%dma_start3A_202 : memref<128x32xf32, #tpu.memory_space<vmem_shared>>) target(%arg9 : memref<128x32xf32, #tpu.memory_space<vmem>>) target_semaphore(%run_scoped3A : memref<!tpu.dma_semaphore, #tpu.memory_space<semaphore_mem>>)
      %dma_wait3A_203 = arith.constant 0 : i32
      %dma_wait3A_204 = tpu.memref_slice %arg14[%add3A_162, %dma_wait3A_203] : memref<10240x32xf32, #tpu.memory_space<vmem_shared>> -> memref<128x32xf32, #tpu.memory_space<vmem_shared>>
      %dma_wait3A_205 = arith.constant 0 : i32
      %dma_wait3A_206 = tpu.memref_slice %arg14[%add3A_162, %dma_wait3A_205] : memref<10240x32xf32, #tpu.memory_space<vmem_shared>> -> memref<128x32xf32, #tpu.memory_space<vmem_shared>>
      tpu.wait_dma2 semaphore(%run_scoped3A : memref<!tpu.dma_semaphore, #tpu.memory_space<semaphore_mem>>) src(%dma_wait3A_206 : memref<128x32xf32, #tpu.memory_space<vmem_shared>>) dst(%arg9 : memref<128x32xf32, #tpu.memory_space<vmem>>)
      tpu.yield
    }) : () -> ()
    %mul3A_163 = arith.constant 640 : i32
    %mul3A_164 = arith.muli %arg1, %mul3A_163 : i32
    %add3A_165 = arith.constant 0 : i32
    %add3A_166 = arith.addi %mul3A_164, %add3A_165 : i32
    "tpu.region"() ({
      %run_scoped3A = tpu.sem_alloc : memref<!tpu.dma_semaphore, #tpu.memory_space<semaphore_mem>>
      %dma_start3A_199 = arith.constant 0 : i32
      %dma_start3A_200 = tpu.memref_slice %arg5[%arg0, %add3A_166, %dma_start3A_199] : memref<2x10240x32xf32, #tpu.memory_space<hbm>> -> memref<1x128x32xf32, #tpu.memory_space<hbm>>
      %dma_start3A_201 = tpu.memref_squeeze %dma_start3A_200 : memref<1x128x32xf32, #tpu.memory_space<hbm>> -> memref<128x32xf32, #tpu.memory_space<hbm>>
      %dma_start3A_202 = arith.constant 0 : i32
      %dma_start3A_203 = tpu.memref_slice %arg5[%arg0, %add3A_166, %dma_start3A_202] : memref<2x10240x32xf32, #tpu.memory_space<hbm>> -> memref<1x128x32xf32, #tpu.memory_space<hbm>>
      %dma_start3A_204 = tpu.memref_squeeze %dma_start3A_203 : memref<1x128x32xf32, #tpu.memory_space<hbm>> -> memref<128x32xf32, #tpu.memory_space<hbm>>
      tpu.enqueue_dma source(%arg9 : memref<128x32xf32, #tpu.memory_space<vmem>>) target(%dma_start3A_204 : memref<128x32xf32, #tpu.memory_space<hbm>>) target_semaphore(%run_scoped3A : memref<!tpu.dma_semaphore, #tpu.memory_space<semaphore_mem>>)
      %dma_wait3A_205 = arith.constant 0 : i32
      %dma_wait3A_206 = tpu.memref_slice %arg5[%arg0, %add3A_166, %dma_wait3A_205] : memref<2x10240x32xf32, #tpu.memory_space<hbm>> -> memref<1x128x32xf32, #tpu.memory_space<hbm>>
      %dma_wait3A_207 = tpu.memref_squeeze %dma_wait3A_206 : memref<1x128x32xf32, #tpu.memory_space<hbm>> -> memref<128x32xf32, #tpu.memory_space<hbm>>
      %dma_wait3A_208 = arith.constant 0 : i32
      %dma_wait3A_209 = tpu.memref_slice %arg5[%arg0, %add3A_166, %dma_wait3A_208] : memref<2x10240x32xf32, #tpu.memory_space<hbm>> -> memref<1x128x32xf32, #tpu.memory_space<hbm>>
      %dma_wait3A_210 = tpu.memref_squeeze %dma_wait3A_209 : memref<1x128x32xf32, #tpu.memory_space<hbm>> -> memref<128x32xf32, #tpu.memory_space<hbm>>
      tpu.wait_dma2 semaphore(%run_scoped3A : memref<!tpu.dma_semaphore, #tpu.memory_space<semaphore_mem>>) src(%arg9 : memref<128x32xf32, #tpu.memory_space<vmem>>) dst(%dma_wait3A_210 : memref<128x32xf32, #tpu.memory_space<hbm>>)
      tpu.yield
    }) : () -> ()
    %mul3A_167 = arith.constant 640 : i32
    %mul3A_168 = arith.muli %arg1, %mul3A_167 : i32
    %add3A_169 = arith.constant 128 : i32
    %add3A_170 = arith.addi %mul3A_168, %add3A_169 : i32
    "tpu.region"() ({
      %run_scoped3A = tpu.sem_alloc : memref<!tpu.dma_semaphore, #tpu.memory_space<semaphore_mem>>
      %dma_start3A_199 = arith.constant 0 : i32
      %dma_start3A_200 = tpu.memref_slice %arg14[%add3A_170, %dma_start3A_199] : memref<10240x32xf32, #tpu.memory_space<vmem_shared>> -> memref<128x32xf32, #tpu.memory_space<vmem_shared>>
      %dma_start3A_201 = arith.constant 0 : i32
      %dma_start3A_202 = tpu.memref_slice %arg14[%add3A_170, %dma_start3A_201] : memref<10240x32xf32, #tpu.memory_space<vmem_shared>> -> memref<128x32xf32, #tpu.memory_space<vmem_shared>>
      tpu.enqueue_dma source(%dma_start3A_202 : memref<128x32xf32, #tpu.memory_space<vmem_shared>>) target(%arg9 : memref<128x32xf32, #tpu.memory_space<vmem>>) target_semaphore(%run_scoped3A : memref<!tpu.dma_semaphore, #tpu.memory_space<semaphore_mem>>)
      %dma_wait3A_203 = arith.constant 0 : i32
      %dma_wait3A_204 = tpu.memref_slice %arg14[%add3A_170, %dma_wait3A_203] : memref<10240x32xf32, #tpu.memory_space<vmem_shared>> -> memref<128x32xf32, #tpu.memory_space<vmem_shared>>
      %dma_wait3A_205 = arith.constant 0 : i32
      %dma_wait3A_206 = tpu.memref_slice %arg14[%add3A_170, %dma_wait3A_205] : memref<10240x32xf32, #tpu.memory_space<vmem_shared>> -> memref<128x32xf32, #tpu.memory_space<vmem_shared>>
      tpu.wait_dma2 semaphore(%run_scoped3A : memref<!tpu.dma_semaphore, #tpu.memory_space<semaphore_mem>>) src(%dma_wait3A_206 : memref<128x32xf32, #tpu.memory_space<vmem_shared>>) dst(%arg9 : memref<128x32xf32, #tpu.memory_space<vmem>>)
      tpu.yield
    }) : () -> ()
    %mul3A_171 = arith.constant 640 : i32
    %mul3A_172 = arith.muli %arg1, %mul3A_171 : i32
    %add3A_173 = arith.constant 128 : i32
    %add3A_174 = arith.addi %mul3A_172, %add3A_173 : i32
    "tpu.region"() ({
      %run_scoped3A = tpu.sem_alloc : memref<!tpu.dma_semaphore, #tpu.memory_space<semaphore_mem>>
      %dma_start3A_199 = arith.constant 0 : i32
      %dma_start3A_200 = tpu.memref_slice %arg5[%arg0, %add3A_174, %dma_start3A_199] : memref<2x10240x32xf32, #tpu.memory_space<hbm>> -> memref<1x128x32xf32, #tpu.memory_space<hbm>>
      %dma_start3A_201 = tpu.memref_squeeze %dma_start3A_200 : memref<1x128x32xf32, #tpu.memory_space<hbm>> -> memref<128x32xf32, #tpu.memory_space<hbm>>
      %dma_start3A_202 = arith.constant 0 : i32
      %dma_start3A_203 = tpu.memref_slice %arg5[%arg0, %add3A_174, %dma_start3A_202] : memref<2x10240x32xf32, #tpu.memory_space<hbm>> -> memref<1x128x32xf32, #tpu.memory_space<hbm>>
      %dma_start3A_204 = tpu.memref_squeeze %dma_start3A_203 : memref<1x128x32xf32, #tpu.memory_space<hbm>> -> memref<128x32xf32, #tpu.memory_space<hbm>>
      tpu.enqueue_dma source(%arg9 : memref<128x32xf32, #tpu.memory_space<vmem>>) target(%dma_start3A_204 : memref<128x32xf32, #tpu.memory_space<hbm>>) target_semaphore(%run_scoped3A : memref<!tpu.dma_semaphore, #tpu.memory_space<semaphore_mem>>)
      %dma_wait3A_205 = arith.constant 0 : i32
      %dma_wait3A_206 = tpu.memref_slice %arg5[%arg0, %add3A_174, %dma_wait3A_205] : memref<2x10240x32xf32, #tpu.memory_space<hbm>> -> memref<1x128x32xf32, #tpu.memory_space<hbm>>
      %dma_wait3A_207 = tpu.memref_squeeze %dma_wait3A_206 : memref<1x128x32xf32, #tpu.memory_space<hbm>> -> memref<128x32xf32, #tpu.memory_space<hbm>>
      %dma_wait3A_208 = arith.constant 0 : i32
      %dma_wait3A_209 = tpu.memref_slice %arg5[%arg0, %add3A_174, %dma_wait3A_208] : memref<2x10240x32xf32, #tpu.memory_space<hbm>> -> memref<1x128x32xf32, #tpu.memory_space<hbm>>
      %dma_wait3A_210 = tpu.memref_squeeze %dma_wait3A_209 : memref<1x128x32xf32, #tpu.memory_space<hbm>> -> memref<128x32xf32, #tpu.memory_space<hbm>>
      tpu.wait_dma2 semaphore(%run_scoped3A : memref<!tpu.dma_semaphore, #tpu.memory_space<semaphore_mem>>) src(%arg9 : memref<128x32xf32, #tpu.memory_space<vmem>>) dst(%dma_wait3A_210 : memref<128x32xf32, #tpu.memory_space<hbm>>)
      tpu.yield
    }) : () -> ()
    %mul3A_175 = arith.constant 640 : i32
    %mul3A_176 = arith.muli %arg1, %mul3A_175 : i32
    %add3A_177 = arith.constant 256 : i32
    %add3A_178 = arith.addi %mul3A_176, %add3A_177 : i32
    "tpu.region"() ({
      %run_scoped3A = tpu.sem_alloc : memref<!tpu.dma_semaphore, #tpu.memory_space<semaphore_mem>>
      %dma_start3A_199 = arith.constant 0 : i32
      %dma_start3A_200 = tpu.memref_slice %arg14[%add3A_178, %dma_start3A_199] : memref<10240x32xf32, #tpu.memory_space<vmem_shared>> -> memref<128x32xf32, #tpu.memory_space<vmem_shared>>
      %dma_start3A_201 = arith.constant 0 : i32
      %dma_start3A_202 = tpu.memref_slice %arg14[%add3A_178, %dma_start3A_201] : memref<10240x32xf32, #tpu.memory_space<vmem_shared>> -> memref<128x32xf32, #tpu.memory_space<vmem_shared>>
      tpu.enqueue_dma source(%dma_start3A_202 : memref<128x32xf32, #tpu.memory_space<vmem_shared>>) target(%arg9 : memref<128x32xf32, #tpu.memory_space<vmem>>) target_semaphore(%run_scoped3A : memref<!tpu.dma_semaphore, #tpu.memory_space<semaphore_mem>>)
      %dma_wait3A_203 = arith.constant 0 : i32
      %dma_wait3A_204 = tpu.memref_slice %arg14[%add3A_178, %dma_wait3A_203] : memref<10240x32xf32, #tpu.memory_space<vmem_shared>> -> memref<128x32xf32, #tpu.memory_space<vmem_shared>>
      %dma_wait3A_205 = arith.constant 0 : i32
      %dma_wait3A_206 = tpu.memref_slice %arg14[%add3A_178, %dma_wait3A_205] : memref<10240x32xf32, #tpu.memory_space<vmem_shared>> -> memref<128x32xf32, #tpu.memory_space<vmem_shared>>
      tpu.wait_dma2 semaphore(%run_scoped3A : memref<!tpu.dma_semaphore, #tpu.memory_space<semaphore_mem>>) src(%dma_wait3A_206 : memref<128x32xf32, #tpu.memory_space<vmem_shared>>) dst(%arg9 : memref<128x32xf32, #tpu.memory_space<vmem>>)
      tpu.yield
    }) : () -> ()
    %mul3A_179 = arith.constant 640 : i32
    %mul3A_180 = arith.muli %arg1, %mul3A_179 : i32
    %add3A_181 = arith.constant 256 : i32
    %add3A_182 = arith.addi %mul3A_180, %add3A_181 : i32
    "tpu.region"() ({
      %run_scoped3A = tpu.sem_alloc : memref<!tpu.dma_semaphore, #tpu.memory_space<semaphore_mem>>
      %dma_start3A_199 = arith.constant 0 : i32
      %dma_start3A_200 = tpu.memref_slice %arg5[%arg0, %add3A_182, %dma_start3A_199] : memref<2x10240x32xf32, #tpu.memory_space<hbm>> -> memref<1x128x32xf32, #tpu.memory_space<hbm>>
      %dma_start3A_201 = tpu.memref_squeeze %dma_start3A_200 : memref<1x128x32xf32, #tpu.memory_space<hbm>> -> memref<128x32xf32, #tpu.memory_space<hbm>>
      %dma_start3A_202 = arith.constant 0 : i32
      %dma_start3A_203 = tpu.memref_slice %arg5[%arg0, %add3A_182, %dma_start3A_202] : memref<2x10240x32xf32, #tpu.memory_space<hbm>> -> memref<1x128x32xf32, #tpu.memory_space<hbm>>
      %dma_start3A_204 = tpu.memref_squeeze %dma_start3A_203 : memref<1x128x32xf32, #tpu.memory_space<hbm>> -> memref<128x32xf32, #tpu.memory_space<hbm>>
      tpu.enqueue_dma source(%arg9 : memref<128x32xf32, #tpu.memory_space<vmem>>) target(%dma_start3A_204 : memref<128x32xf32, #tpu.memory_space<hbm>>) target_semaphore(%run_scoped3A : memref<!tpu.dma_semaphore, #tpu.memory_space<semaphore_mem>>)
      %dma_wait3A_205 = arith.constant 0 : i32
      %dma_wait3A_206 = tpu.memref_slice %arg5[%arg0, %add3A_182, %dma_wait3A_205] : memref<2x10240x32xf32, #tpu.memory_space<hbm>> -> memref<1x128x32xf32, #tpu.memory_space<hbm>>
      %dma_wait3A_207 = tpu.memref_squeeze %dma_wait3A_206 : memref<1x128x32xf32, #tpu.memory_space<hbm>> -> memref<128x32xf32, #tpu.memory_space<hbm>>
      %dma_wait3A_208 = arith.constant 0 : i32
      %dma_wait3A_209 = tpu.memref_slice %arg5[%arg0, %add3A_182, %dma_wait3A_208] : memref<2x10240x32xf32, #tpu.memory_space<hbm>> -> memref<1x128x32xf32, #tpu.memory_space<hbm>>
      %dma_wait3A_210 = tpu.memref_squeeze %dma_wait3A_209 : memref<1x128x32xf32, #tpu.memory_space<hbm>> -> memref<128x32xf32, #tpu.memory_space<hbm>>
      tpu.wait_dma2 semaphore(%run_scoped3A : memref<!tpu.dma_semaphore, #tpu.memory_space<semaphore_mem>>) src(%arg9 : memref<128x32xf32, #tpu.memory_space<vmem>>) dst(%dma_wait3A_210 : memref<128x32xf32, #tpu.memory_space<hbm>>)
      tpu.yield
    }) : () -> ()
    %mul3A_183 = arith.constant 640 : i32
    %mul3A_184 = arith.muli %arg1, %mul3A_183 : i32
    %add3A_185 = arith.constant 384 : i32
    %add3A_186 = arith.addi %mul3A_184, %add3A_185 : i32
    "tpu.region"() ({
      %run_scoped3A = tpu.sem_alloc : memref<!tpu.dma_semaphore, #tpu.memory_space<semaphore_mem>>
      %dma_start3A_199 = arith.constant 0 : i32
      %dma_start3A_200 = tpu.memref_slice %arg14[%add3A_186, %dma_start3A_199] : memref<10240x32xf32, #tpu.memory_space<vmem_shared>> -> memref<128x32xf32, #tpu.memory_space<vmem_shared>>
      %dma_start3A_201 = arith.constant 0 : i32
      %dma_start3A_202 = tpu.memref_slice %arg14[%add3A_186, %dma_start3A_201] : memref<10240x32xf32, #tpu.memory_space<vmem_shared>> -> memref<128x32xf32, #tpu.memory_space<vmem_shared>>
      tpu.enqueue_dma source(%dma_start3A_202 : memref<128x32xf32, #tpu.memory_space<vmem_shared>>) target(%arg9 : memref<128x32xf32, #tpu.memory_space<vmem>>) target_semaphore(%run_scoped3A : memref<!tpu.dma_semaphore, #tpu.memory_space<semaphore_mem>>)
      %dma_wait3A_203 = arith.constant 0 : i32
      %dma_wait3A_204 = tpu.memref_slice %arg14[%add3A_186, %dma_wait3A_203] : memref<10240x32xf32, #tpu.memory_space<vmem_shared>> -> memref<128x32xf32, #tpu.memory_space<vmem_shared>>
      %dma_wait3A_205 = arith.constant 0 : i32
      %dma_wait3A_206 = tpu.memref_slice %arg14[%add3A_186, %dma_wait3A_205] : memref<10240x32xf32, #tpu.memory_space<vmem_shared>> -> memref<128x32xf32, #tpu.memory_space<vmem_shared>>
      tpu.wait_dma2 semaphore(%run_scoped3A : memref<!tpu.dma_semaphore, #tpu.memory_space<semaphore_mem>>) src(%dma_wait3A_206 : memref<128x32xf32, #tpu.memory_space<vmem_shared>>) dst(%arg9 : memref<128x32xf32, #tpu.memory_space<vmem>>)
      tpu.yield
    }) : () -> ()
    %mul3A_187 = arith.constant 640 : i32
    %mul3A_188 = arith.muli %arg1, %mul3A_187 : i32
    %add3A_189 = arith.constant 384 : i32
    %add3A_190 = arith.addi %mul3A_188, %add3A_189 : i32
    "tpu.region"() ({
      %run_scoped3A = tpu.sem_alloc : memref<!tpu.dma_semaphore, #tpu.memory_space<semaphore_mem>>
      %dma_start3A_199 = arith.constant 0 : i32
      %dma_start3A_200 = tpu.memref_slice %arg5[%arg0, %add3A_190, %dma_start3A_199] : memref<2x10240x32xf32, #tpu.memory_space<hbm>> -> memref<1x128x32xf32, #tpu.memory_space<hbm>>
      %dma_start3A_201 = tpu.memref_squeeze %dma_start3A_200 : memref<1x128x32xf32, #tpu.memory_space<hbm>> -> memref<128x32xf32, #tpu.memory_space<hbm>>
      %dma_start3A_202 = arith.constant 0 : i32
      %dma_start3A_203 = tpu.memref_slice %arg5[%arg0, %add3A_190, %dma_start3A_202] : memref<2x10240x32xf32, #tpu.memory_space<hbm>> -> memref<1x128x32xf32, #tpu.memory_space<hbm>>
      %dma_start3A_204 = tpu.memref_squeeze %dma_start3A_203 : memref<1x128x32xf32, #tpu.memory_space<hbm>> -> memref<128x32xf32, #tpu.memory_space<hbm>>
      tpu.enqueue_dma source(%arg9 : memref<128x32xf32, #tpu.memory_space<vmem>>) target(%dma_start3A_204 : memref<128x32xf32, #tpu.memory_space<hbm>>) target_semaphore(%run_scoped3A : memref<!tpu.dma_semaphore, #tpu.memory_space<semaphore_mem>>)
      %dma_wait3A_205 = arith.constant 0 : i32
      %dma_wait3A_206 = tpu.memref_slice %arg5[%arg0, %add3A_190, %dma_wait3A_205] : memref<2x10240x32xf32, #tpu.memory_space<hbm>> -> memref<1x128x32xf32, #tpu.memory_space<hbm>>
      %dma_wait3A_207 = tpu.memref_squeeze %dma_wait3A_206 : memref<1x128x32xf32, #tpu.memory_space<hbm>> -> memref<128x32xf32, #tpu.memory_space<hbm>>
      %dma_wait3A_208 = arith.constant 0 : i32
      %dma_wait3A_209 = tpu.memref_slice %arg5[%arg0, %add3A_190, %dma_wait3A_208] : memref<2x10240x32xf32, #tpu.memory_space<hbm>> -> memref<1x128x32xf32, #tpu.memory_space<hbm>>
      %dma_wait3A_210 = tpu.memref_squeeze %dma_wait3A_209 : memref<1x128x32xf32, #tpu.memory_space<hbm>> -> memref<128x32xf32, #tpu.memory_space<hbm>>
      tpu.wait_dma2 semaphore(%run_scoped3A : memref<!tpu.dma_semaphore, #tpu.memory_space<semaphore_mem>>) src(%arg9 : memref<128x32xf32, #tpu.memory_space<vmem>>) dst(%dma_wait3A_210 : memref<128x32xf32, #tpu.memory_space<hbm>>)
      tpu.yield
    }) : () -> ()
    %mul3A_191 = arith.constant 640 : i32
    %mul3A_192 = arith.muli %arg1, %mul3A_191 : i32
    %add3A_193 = arith.constant 512 : i32
    %add3A_194 = arith.addi %mul3A_192, %add3A_193 : i32
    "tpu.region"() ({
      %run_scoped3A = tpu.sem_alloc : memref<!tpu.dma_semaphore, #tpu.memory_space<semaphore_mem>>
      %dma_start3A_199 = arith.constant 0 : i32
      %dma_start3A_200 = tpu.memref_slice %arg14[%add3A_194, %dma_start3A_199] : memref<10240x32xf32, #tpu.memory_space<vmem_shared>> -> memref<128x32xf32, #tpu.memory_space<vmem_shared>>
      %dma_start3A_201 = arith.constant 0 : i32
      %dma_start3A_202 = tpu.memref_slice %arg14[%add3A_194, %dma_start3A_201] : memref<10240x32xf32, #tpu.memory_space<vmem_shared>> -> memref<128x32xf32, #tpu.memory_space<vmem_shared>>
      tpu.enqueue_dma source(%dma_start3A_202 : memref<128x32xf32, #tpu.memory_space<vmem_shared>>) target(%arg9 : memref<128x32xf32, #tpu.memory_space<vmem>>) target_semaphore(%run_scoped3A : memref<!tpu.dma_semaphore, #tpu.memory_space<semaphore_mem>>)
      %dma_wait3A_203 = arith.constant 0 : i32
      %dma_wait3A_204 = tpu.memref_slice %arg14[%add3A_194, %dma_wait3A_203] : memref<10240x32xf32, #tpu.memory_space<vmem_shared>> -> memref<128x32xf32, #tpu.memory_space<vmem_shared>>
      %dma_wait3A_205 = arith.constant 0 : i32
      %dma_wait3A_206 = tpu.memref_slice %arg14[%add3A_194, %dma_wait3A_205] : memref<10240x32xf32, #tpu.memory_space<vmem_shared>> -> memref<128x32xf32, #tpu.memory_space<vmem_shared>>
      tpu.wait_dma2 semaphore(%run_scoped3A : memref<!tpu.dma_semaphore, #tpu.memory_space<semaphore_mem>>) src(%dma_wait3A_206 : memref<128x32xf32, #tpu.memory_space<vmem_shared>>) dst(%arg9 : memref<128x32xf32, #tpu.memory_space<vmem>>)
      tpu.yield
    }) : () -> ()
    %mul3A_195 = arith.constant 640 : i32
    %mul3A_196 = arith.muli %arg1, %mul3A_195 : i32
    %add3A_197 = arith.constant 512 : i32
    %add3A_198 = arith.addi %mul3A_196, %add3A_197 : i32
    "tpu.region"() ({
      %run_scoped3A = tpu.sem_alloc : memref<!tpu.dma_semaphore, #tpu.memory_space<semaphore_mem>>
      %dma_start3A_199 = arith.constant 0 : i32
      %dma_start3A_200 = tpu.memref_slice %arg5[%arg0, %add3A_198, %dma_start3A_199] : memref<2x10240x32xf32, #tpu.memory_space<hbm>> -> memref<1x128x32xf32, #tpu.memory_space<hbm>>
      %dma_start3A_201 = tpu.memref_squeeze %dma_start3A_200 : memref<1x128x32xf32, #tpu.memory_space<hbm>> -> memref<128x32xf32, #tpu.memory_space<hbm>>
      %dma_start3A_202 = arith.constant 0 : i32
      %dma_start3A_203 = tpu.memref_slice %arg5[%arg0, %add3A_198, %dma_start3A_202] : memref<2x10240x32xf32, #tpu.memory_space<hbm>> -> memref<1x128x32xf32, #tpu.memory_space<hbm>>
      %dma_start3A_204 = tpu.memref_squeeze %dma_start3A_203 : memref<1x128x32xf32, #tpu.memory_space<hbm>> -> memref<128x32xf32, #tpu.memory_space<hbm>>
      tpu.enqueue_dma source(%arg9 : memref<128x32xf32, #tpu.memory_space<vmem>>) target(%dma_start3A_204 : memref<128x32xf32, #tpu.memory_space<hbm>>) target_semaphore(%run_scoped3A : memref<!tpu.dma_semaphore, #tpu.memory_space<semaphore_mem>>)
      %dma_wait3A_205 = arith.constant 0 : i32
      %dma_wait3A_206 = tpu.memref_slice %arg5[%arg0, %add3A_198, %dma_wait3A_205] : memref<2x10240x32xf32, #tpu.memory_space<hbm>> -> memref<1x128x32xf32, #tpu.memory_space<hbm>>
      %dma_wait3A_207 = tpu.memref_squeeze %dma_wait3A_206 : memref<1x128x32xf32, #tpu.memory_space<hbm>> -> memref<128x32xf32, #tpu.memory_space<hbm>>
      %dma_wait3A_208 = arith.constant 0 : i32
      %dma_wait3A_209 = tpu.memref_slice %arg5[%arg0, %add3A_198, %dma_wait3A_208] : memref<2x10240x32xf32, #tpu.memory_space<hbm>> -> memref<1x128x32xf32, #tpu.memory_space<hbm>>
      %dma_wait3A_210 = tpu.memref_squeeze %dma_wait3A_209 : memref<1x128x32xf32, #tpu.memory_space<hbm>> -> memref<128x32xf32, #tpu.memory_space<hbm>>
      tpu.wait_dma2 semaphore(%run_scoped3A : memref<!tpu.dma_semaphore, #tpu.memory_space<semaphore_mem>>) src(%arg9 : memref<128x32xf32, #tpu.memory_space<vmem>>) dst(%dma_wait3A_210 : memref<128x32xf32, #tpu.memory_space<hbm>>)
      tpu.yield
    }) : () -> ()
    return
  }
}

#map = affine_map<(d0, d1) -> (0, 0)>
#map1 = affine_map<(d0, d1) -> (0, 0, 0)>
module attributes {stable_mosaic.version = 14 : i64} {
  func.func @_sc_edge_pass(%arg0: i32, %arg1: i32, %arg2: memref<2560x128xi32, #tpu.memory_space<hbm>>, %arg3: memref<2560x128xi32, #tpu.memory_space<hbm>>, %arg4: memref<10000x32xf32, #tpu.memory_space<hbm>>, %arg5: memref<2x10240x32xf32, #tpu.memory_space<hbm>>, %arg6: memref<128x128xi32, #tpu.memory_space<vmem>>, %arg7: memref<128x128xi32, #tpu.memory_space<vmem>>, %arg8: memref<4x128x32xf32, #tpu.memory_space<vmem>>, %arg9: memref<128x32xf32, #tpu.memory_space<vmem>>, %arg10: memref<!tpu.dma_semaphore, #tpu.memory_space<semaphore_mem>>, %arg11: memref<!tpu.dma_semaphore, #tpu.memory_space<semaphore_mem>>, %arg12: memref<!tpu.dma_semaphore, #tpu.memory_space<semaphore_mem>>, %arg13: memref<!tpu.dma_semaphore, #tpu.memory_space<semaphore_mem>>, %arg14: memref<10240x32xf32, #tpu.memory_space<vmem_shared>>) attributes {dimension_semantics = [#tpu.dimension_semantics<core_parallel>, #tpu.dimension_semantics<subcore_parallel>], iteration_bounds = array<i64: 2, 16>, scalar_prefetch = 0 : i64, scratch_operands = 9 : i64, tpu.core_type = #tpu.core_type<sc_vector_subcore>, window_params = [{transform_indices = #map}, {transform_indices = #map}, {transform_indices = #map}, {transform_indices = #map1}]} {
    %eq3A = arith.constant 0 : i32
    %eq3A_0 = arith.cmpi eq, %arg0, %eq3A : i32
    %jit3A = arith.constant 128 : i32
    %jit3A_1 = arith.constant 32 : i32
    %select_n3A = arith.select %eq3A_0, %jit3A, %jit3A_1 : i32
    %eq3A_2 = arith.constant 0 : i32
    %eq3A_3 = arith.cmpi eq, %arg0, %eq3A_2 : i32
    %mul3A = arith.constant 128 : i32
    %mul3A_4 = arith.muli %arg1, %mul3A : i32
    %mul3A_5 = arith.constant 32 : i32
    %mul3A_6 = arith.muli %arg1, %mul3A_5 : i32
    %add3A = arith.constant 2048 : i32
    %add3A_7 = arith.addi %add3A, %mul3A_6 : i32
    %select_n3A_8 = arith.select %eq3A_3, %mul3A_4, %add3A_7 : i32
    %scan3A = arith.constant 0 : i32
    %scan3A_9 = arith.constant 0 : i32
    %scan3A_10 = arith.constant 128 : i32
    %scan3A_11 = arith.addi %scan3A_9, %scan3A_10 : i32
    %scan3A_12 = arith.constant 1 : i32
    scf.for %scan3A_199 = %scan3A_9 to %scan3A_11 step %scan3A_12  : i32 {
      %broadcast_in_dim3A = arith.constant 0.000000e+00 : f32
      %broadcast_in_dim3A_200 = vector.broadcast %broadcast_in_dim3A : f32 to vector<16xf32>
      %swap3A = arith.index_cast %scan3A_199 : i32 to index
      %swap3A_201 = arith.constant 0 : index
      %swap3A_202 = tpu.vector_load %arg9[%swap3A, %swap3A_201] {strides = array<i32>} : memref<128x32xf32, #tpu.memory_space<vmem>>, vector<1x16xf32>,
      %swap3A_203 = vector.shape_cast %swap3A_202 : vector<1x16xf32> to vector<16xf32>
      %swap3A_204 = vector.shape_cast %broadcast_in_dim3A_200 : vector<16xf32> to vector<1x16xf32>
      tpu.vector_store %arg9[%swap3A, %swap3A_201], %swap3A_204 {strides = array<i32>} : memref<128x32xf32, #tpu.memory_space<vmem>>, vector<1x16xf32>,
      %broadcast_in_dim3A_205 = arith.constant 0.000000e+00 : f32
      %broadcast_in_dim3A_206 = vector.broadcast %broadcast_in_dim3A_205 : f32 to vector<16xf32>
      %swap3A_207 = arith.index_cast %scan3A_199 : i32 to index
      %swap3A_208 = arith.constant 16 : index
      %swap3A_209 = tpu.vector_load %arg9[%swap3A_207, %swap3A_208] {strides = array<i32>} : memref<128x32xf32, #tpu.memory_space<vmem>>, vector<1x16xf32>,
      %swap3A_210 = vector.shape_cast %swap3A_209 : vector<1x16xf32> to vector<16xf32>
      %swap3A_211 = vector.shape_cast %broadcast_in_dim3A_206 : vector<16xf32> to vector<1x16xf32>
      tpu.vector_store %arg9[%swap3A_207, %swap3A_208], %swap3A_211 {strides = array<i32>} : memref<128x32xf32, #tpu.memory_space<vmem>>, vector<1x16xf32>,
    }
    %scan3A_13 = arith.constant 128 : i32
    "tpu.region"() ({
      %run_scoped3A = tpu.sem_alloc : memref<!tpu.dma_semaphore, #tpu.memory_space<semaphore_mem>>
      %dma_start3A_199 = arith.constant 0 : i32
      %dma_start3A_200 = arith.constant 0 : i32
      %dma_start3A_201 = tpu.memref_slice %arg6[%dma_start3A_199, %dma_start3A_200] : memref<128x128xi32, #tpu.memory_space<vmem>> -> memref<32x128xi32, #tpu.memory_space<vmem>>
      %dma_start3A_202 = arith.constant 0 : i32
      %dma_start3A_203 = tpu.memref_slice %arg2[%select_n3A_8, %dma_start3A_202] : memref<2560x128xi32, #tpu.memory_space<hbm>> -> memref<32x128xi32, #tpu.memory_space<hbm>>
      %dma_start3A_204 = arith.constant 0 : i32
      %dma_start3A_205 = arith.constant 0 : i32
      %dma_start3A_206 = tpu.memref_slice %arg6[%dma_start3A_204, %dma_start3A_205] : memref<128x128xi32, #tpu.memory_space<vmem>> -> memref<32x128xi32, #tpu.memory_space<vmem>>
      %dma_start3A_207 = arith.constant 0 : i32
      %dma_start3A_208 = tpu.memref_slice %arg2[%select_n3A_8, %dma_start3A_207] : memref<2560x128xi32, #tpu.memory_space<hbm>> -> memref<32x128xi32, #tpu.memory_space<hbm>>
      tpu.enqueue_dma source(%dma_start3A_208 : memref<32x128xi32, #tpu.memory_space<hbm>>) target(%dma_start3A_206 : memref<32x128xi32, #tpu.memory_space<vmem>>) target_semaphore(%run_scoped3A : memref<!tpu.dma_semaphore, #tpu.memory_space<semaphore_mem>>)
      %dma_wait3A_209 = arith.constant 0 : i32
      %dma_wait3A_210 = arith.constant 0 : i32
      %dma_wait3A_211 = tpu.memref_slice %arg6[%dma_wait3A_209, %dma_wait3A_210] : memref<128x128xi32, #tpu.memory_space<vmem>> -> memref<32x128xi32, #tpu.memory_space<vmem>>
      %dma_wait3A_212 = arith.constant 0 : i32
      %dma_wait3A_213 = tpu.memref_slice %arg2[%select_n3A_8, %dma_wait3A_212] : memref<2560x128xi32, #tpu.memory_space<hbm>> -> memref<32x128xi32, #tpu.memory_space<hbm>>
      %dma_wait3A_214 = arith.constant 0 : i32
      %dma_wait3A_215 = arith.constant 0 : i32
      %dma_wait3A_216 = tpu.memref_slice %arg6[%dma_wait3A_214, %dma_wait3A_215] : memref<128x128xi32, #tpu.memory_space<vmem>> -> memref<32x128xi32, #tpu.memory_space<vmem>>
      %dma_wait3A_217 = arith.constant 0 : i32
      %dma_wait3A_218 = tpu.memref_slice %arg2[%select_n3A_8, %dma_wait3A_217] : memref<2560x128xi32, #tpu.memory_space<hbm>> -> memref<32x128xi32, #tpu.memory_space<hbm>>
      tpu.wait_dma2 semaphore(%run_scoped3A : memref<!tpu.dma_semaphore, #tpu.memory_space<semaphore_mem>>) src(%dma_wait3A_218 : memref<32x128xi32, #tpu.memory_space<hbm>>) dst(%dma_wait3A_216 : memref<32x128xi32, #tpu.memory_space<vmem>>)
      tpu.yield
    }) : () -> ()
    "tpu.region"() ({
      %run_scoped3A = tpu.sem_alloc : memref<!tpu.dma_semaphore, #tpu.memory_space<semaphore_mem>>
      %dma_start3A_199 = arith.constant 0 : i32
      %dma_start3A_200 = arith.constant 0 : i32
      %dma_start3A_201 = tpu.memref_slice %arg7[%dma_start3A_199, %dma_start3A_200] : memref<128x128xi32, #tpu.memory_space<vmem>> -> memref<32x128xi32, #tpu.memory_space<vmem>>
      %dma_start3A_202 = arith.constant 0 : i32
      %dma_start3A_203 = tpu.memref_slice %arg3[%select_n3A_8, %dma_start3A_202] : memref<2560x128xi32, #tpu.memory_space<hbm>> -> memref<32x128xi32, #tpu.memory_space<hbm>>
      %dma_start3A_204 = arith.constant 0 : i32
      %dma_start3A_205 = arith.constant 0 : i32
      %dma_start3A_206 = tpu.memref_slice %arg7[%dma_start3A_204, %dma_start3A_205] : memref<128x128xi32, #tpu.memory_space<vmem>> -> memref<32x128xi32, #tpu.memory_space<vmem>>
      %dma_start3A_207 = arith.constant 0 : i32
      %dma_start3A_208 = tpu.memref_slice %arg3[%select_n3A_8, %dma_start3A_207] : memref<2560x128xi32, #tpu.memory_space<hbm>> -> memref<32x128xi32, #tpu.memory_space<hbm>>
      tpu.enqueue_dma source(%dma_start3A_208 : memref<32x128xi32, #tpu.memory_space<hbm>>) target(%dma_start3A_206 : memref<32x128xi32, #tpu.memory_space<vmem>>) target_semaphore(%run_scoped3A : memref<!tpu.dma_semaphore, #tpu.memory_space<semaphore_mem>>)
      %dma_wait3A_209 = arith.constant 0 : i32
      %dma_wait3A_210 = arith.constant 0 : i32
      %dma_wait3A_211 = tpu.memref_slice %arg7[%dma_wait3A_209, %dma_wait3A_210] : memref<128x128xi32, #tpu.memory_space<vmem>> -> memref<32x128xi32, #tpu.memory_space<vmem>>
      %dma_wait3A_212 = arith.constant 0 : i32
      %dma_wait3A_213 = tpu.memref_slice %arg3[%select_n3A_8, %dma_wait3A_212] : memref<2560x128xi32, #tpu.memory_space<hbm>> -> memref<32x128xi32, #tpu.memory_space<hbm>>
      %dma_wait3A_214 = arith.constant 0 : i32
      %dma_wait3A_215 = arith.constant 0 : i32
      %dma_wait3A_216 = tpu.memref_slice %arg7[%dma_wait3A_214, %dma_wait3A_215] : memref<128x128xi32, #tpu.memory_space<vmem>> -> memref<32x128xi32, #tpu.memory_space<vmem>>
      %dma_wait3A_217 = arith.constant 0 : i32
      %dma_wait3A_218 = tpu.memref_slice %arg3[%select_n3A_8, %dma_wait3A_217] : memref<2560x128xi32, #tpu.memory_space<hbm>> -> memref<32x128xi32, #tpu.memory_space<hbm>>
      tpu.wait_dma2 semaphore(%run_scoped3A : memref<!tpu.dma_semaphore, #tpu.memory_space<semaphore_mem>>) src(%dma_wait3A_218 : memref<32x128xi32, #tpu.memory_space<hbm>>) dst(%dma_wait3A_216 : memref<32x128xi32, #tpu.memory_space<vmem>>)
      tpu.yield
    }) : () -> ()
    %eq3A_14 = arith.constant 0 : i32
    %eq3A_15 = arith.cmpi eq, %arg0, %eq3A_14 : i32
    %convert_element_type3A = arith.extui %eq3A_15 : i1 to i32
    %cond3A = arith.constant 0 : i32
    %cond3A_16 = arith.cmpi ne, %convert_element_type3A, %cond3A : i32
    scf.if %cond3A_16 {
      %add3A_199 = arith.constant 32 : i32
      %add3A_200 = arith.addi %select_n3A_8, %add3A_199 : i32
      "tpu.region"() ({
        %run_scoped3A = tpu.sem_alloc : memref<!tpu.dma_semaphore, #tpu.memory_space<semaphore_mem>>
        %dma_start3A_203 = arith.constant 32 : i32
        %dma_start3A_204 = arith.constant 0 : i32
        %dma_start3A_205 = tpu.memref_slice %arg6[%dma_start3A_203, %dma_start3A_204] : memref<128x128xi32, #tpu.memory_space<vmem>> -> memref<96x128xi32, #tpu.memory_space<vmem>>
        %dma_start3A_206 = arith.constant 0 : i32
        %dma_start3A_207 = tpu.memref_slice %arg2[%add3A_200, %dma_start3A_206] : memref<2560x128xi32, #tpu.memory_space<hbm>> -> memref<96x128xi32, #tpu.memory_space<hbm>>
        %dma_start3A_208 = arith.constant 32 : i32
        %dma_start3A_209 = arith.constant 0 : i32
        %dma_start3A_210 = tpu.memref_slice %arg6[%dma_start3A_208, %dma_start3A_209] : memref<128x128xi32, #tpu.memory_space<vmem>> -> memref<96x128xi32, #tpu.memory_space<vmem>>
        %dma_start3A_211 = arith.constant 0 : i32
        %dma_start3A_212 = tpu.memref_slice %arg2[%add3A_200, %dma_start3A_211] : memref<2560x128xi32, #tpu.memory_space<hbm>> -> memref<96x128xi32, #tpu.memory_space<hbm>>
        tpu.enqueue_dma source(%dma_start3A_212 : memref<96x128xi32, #tpu.memory_space<hbm>>) target(%dma_start3A_210 : memref<96x128xi32, #tpu.memory_space<vmem>>) target_semaphore(%run_scoped3A : memref<!tpu.dma_semaphore, #tpu.memory_space<semaphore_mem>>)
        %dma_wait3A_213 = arith.constant 32 : i32
        %dma_wait3A_214 = arith.constant 0 : i32
        %dma_wait3A_215 = tpu.memref_slice %arg6[%dma_wait3A_213, %dma_wait3A_214] : memref<128x128xi32, #tpu.memory_space<vmem>> -> memref<96x128xi32, #tpu.memory_space<vmem>>
        %dma_wait3A_216 = arith.constant 0 : i32
        %dma_wait3A_217 = tpu.memref_slice %arg2[%add3A_200, %dma_wait3A_216] : memref<2560x128xi32, #tpu.memory_space<hbm>> -> memref<96x128xi32, #tpu.memory_space<hbm>>
        %dma_wait3A_218 = arith.constant 32 : i32
        %dma_wait3A_219 = arith.constant 0 : i32
        %dma_wait3A_220 = tpu.memref_slice %arg6[%dma_wait3A_218, %dma_wait3A_219] : memref<128x128xi32, #tpu.memory_space<vmem>> -> memref<96x128xi32, #tpu.memory_space<vmem>>
        %dma_wait3A_221 = arith.constant 0 : i32
        %dma_wait3A_222 = tpu.memref_slice %arg2[%add3A_200, %dma_wait3A_221] : memref<2560x128xi32, #tpu.memory_space<hbm>> -> memref<96x128xi32, #tpu.memory_space<hbm>>
        tpu.wait_dma2 semaphore(%run_scoped3A : memref<!tpu.dma_semaphore, #tpu.memory_space<semaphore_mem>>) src(%dma_wait3A_222 : memref<96x128xi32, #tpu.memory_space<hbm>>) dst(%dma_wait3A_220 : memref<96x128xi32, #tpu.memory_space<vmem>>)
        tpu.yield
      }) : () -> ()
      %add3A_201 = arith.constant 32 : i32
      %add3A_202 = arith.addi %select_n3A_8, %add3A_201 : i32
      "tpu.region"() ({
        %run_scoped3A = tpu.sem_alloc : memref<!tpu.dma_semaphore, #tpu.memory_space<semaphore_mem>>
        %dma_start3A_203 = arith.constant 32 : i32
        %dma_start3A_204 = arith.constant 0 : i32
        %dma_start3A_205 = tpu.memref_slice %arg7[%dma_start3A_203, %dma_start3A_204] : memref<128x128xi32, #tpu.memory_space<vmem>> -> memref<96x128xi32, #tpu.memory_space<vmem>>
        %dma_start3A_206 = arith.constant 0 : i32
        %dma_start3A_207 = tpu.memref_slice %arg3[%add3A_202, %dma_start3A_206] : memref<2560x128xi32, #tpu.memory_space<hbm>> -> memref<96x128xi32, #tpu.memory_space<hbm>>
        %dma_start3A_208 = arith.constant 32 : i32
        %dma_start3A_209 = arith.constant 0 : i32
        %dma_start3A_210 = tpu.memref_slice %arg7[%dma_start3A_208, %dma_start3A_209] : memref<128x128xi32, #tpu.memory_space<vmem>> -> memref<96x128xi32, #tpu.memory_space<vmem>>
        %dma_start3A_211 = arith.constant 0 : i32
        %dma_start3A_212 = tpu.memref_slice %arg3[%add3A_202, %dma_start3A_211] : memref<2560x128xi32, #tpu.memory_space<hbm>> -> memref<96x128xi32, #tpu.memory_space<hbm>>
        tpu.enqueue_dma source(%dma_start3A_212 : memref<96x128xi32, #tpu.memory_space<hbm>>) target(%dma_start3A_210 : memref<96x128xi32, #tpu.memory_space<vmem>>) target_semaphore(%run_scoped3A : memref<!tpu.dma_semaphore, #tpu.memory_space<semaphore_mem>>)
        %dma_wait3A_213 = arith.constant 32 : i32
        %dma_wait3A_214 = arith.constant 0 : i32
        %dma_wait3A_215 = tpu.memref_slice %arg7[%dma_wait3A_213, %dma_wait3A_214] : memref<128x128xi32, #tpu.memory_space<vmem>> -> memref<96x128xi32, #tpu.memory_space<vmem>>
        %dma_wait3A_216 = arith.constant 0 : i32
        %dma_wait3A_217 = tpu.memref_slice %arg3[%add3A_202, %dma_wait3A_216] : memref<2560x128xi32, #tpu.memory_space<hbm>> -> memref<96x128xi32, #tpu.memory_space<hbm>>
        %dma_wait3A_218 = arith.constant 32 : i32
        %dma_wait3A_219 = arith.constant 0 : i32
        %dma_wait3A_220 = tpu.memref_slice %arg7[%dma_wait3A_218, %dma_wait3A_219] : memref<128x128xi32, #tpu.memory_space<vmem>> -> memref<96x128xi32, #tpu.memory_space<vmem>>
        %dma_wait3A_221 = arith.constant 0 : i32
        %dma_wait3A_222 = tpu.memref_slice %arg3[%add3A_202, %dma_wait3A_221] : memref<2560x128xi32, #tpu.memory_space<hbm>> -> memref<96x128xi32, #tpu.memory_space<hbm>>
        tpu.wait_dma2 semaphore(%run_scoped3A : memref<!tpu.dma_semaphore, #tpu.memory_space<semaphore_mem>>) src(%dma_wait3A_222 : memref<96x128xi32, #tpu.memory_space<hbm>>) dst(%dma_wait3A_220 : memref<96x128xi32, #tpu.memory_space<vmem>>)
        tpu.yield
      }) : () -> ()
    } else {
    }
    %mul3A_17 = arith.constant 640 : i32
    %mul3A_18 = arith.muli %arg1, %mul3A_17 : i32
    %add3A_19 = arith.constant 0 : i32
    %add3A_20 = arith.addi %mul3A_18, %add3A_19 : i32
    "tpu.region"() ({
      %run_scoped3A = tpu.sem_alloc : memref<!tpu.dma_semaphore, #tpu.memory_space<semaphore_mem>>
      %dma_start3A_199 = arith.constant 0 : i32
      %dma_start3A_200 = tpu.memref_slice %arg14[%add3A_20, %dma_start3A_199] : memref<10240x32xf32, #tpu.memory_space<vmem_shared>> -> memref<128x32xf32, #tpu.memory_space<vmem_shared>>
      %dma_start3A_201 = arith.constant 0 : i32
      %dma_start3A_202 = tpu.memref_slice %arg14[%add3A_20, %dma_start3A_201] : memref<10240x32xf32, #tpu.memory_space<vmem_shared>> -> memref<128x32xf32, #tpu.memory_space<vmem_shared>>
      tpu.enqueue_dma source(%arg9 : memref<128x32xf32, #tpu.memory_space<vmem>>) target(%dma_start3A_202 : memref<128x32xf32, #tpu.memory_space<vmem_shared>>) target_semaphore(%run_scoped3A : memref<!tpu.dma_semaphore, #tpu.memory_space<semaphore_mem>>)
      %dma_wait3A_203 = arith.constant 0 : i32
      %dma_wait3A_204 = tpu.memref_slice %arg14[%add3A_20, %dma_wait3A_203] : memref<10240x32xf32, #tpu.memory_space<vmem_shared>> -> memref<128x32xf32, #tpu.memory_space<vmem_shared>>
      %dma_wait3A_205 = arith.constant 0 : i32
      %dma_wait3A_206 = tpu.memref_slice %arg14[%add3A_20, %dma_wait3A_205] : memref<10240x32xf32, #tpu.memory_space<vmem_shared>> -> memref<128x32xf32, #tpu.memory_space<vmem_shared>>
      tpu.wait_dma2 semaphore(%run_scoped3A : memref<!tpu.dma_semaphore, #tpu.memory_space<semaphore_mem>>) src(%arg9 : memref<128x32xf32, #tpu.memory_space<vmem>>) dst(%dma_wait3A_206 : memref<128x32xf32, #tpu.memory_space<vmem_shared>>)
      tpu.yield
    }) : () -> ()
    %mul3A_21 = arith.constant 640 : i32
    %mul3A_22 = arith.muli %arg1, %mul3A_21 : i32
    %add3A_23 = arith.constant 128 : i32
    %add3A_24 = arith.addi %mul3A_22, %add3A_23 : i32
    "tpu.region"() ({
      %run_scoped3A = tpu.sem_alloc : memref<!tpu.dma_semaphore, #tpu.memory_space<semaphore_mem>>
      %dma_start3A_199 = arith.constant 0 : i32
      %dma_start3A_200 = tpu.memref_slice %arg14[%add3A_24, %dma_start3A_199] : memref<10240x32xf32, #tpu.memory_space<vmem_shared>> -> memref<128x32xf32, #tpu.memory_space<vmem_shared>>
      %dma_start3A_201 = arith.constant 0 : i32
      %dma_start3A_202 = tpu.memref_slice %arg14[%add3A_24, %dma_start3A_201] : memref<10240x32xf32, #tpu.memory_space<vmem_shared>> -> memref<128x32xf32, #tpu.memory_space<vmem_shared>>
      tpu.enqueue_dma source(%arg9 : memref<128x32xf32, #tpu.memory_space<vmem>>) target(%dma_start3A_202 : memref<128x32xf32, #tpu.memory_space<vmem_shared>>) target_semaphore(%run_scoped3A : memref<!tpu.dma_semaphore, #tpu.memory_space<semaphore_mem>>)
      %dma_wait3A_203 = arith.constant 0 : i32
      %dma_wait3A_204 = tpu.memref_slice %arg14[%add3A_24, %dma_wait3A_203] : memref<10240x32xf32, #tpu.memory_space<vmem_shared>> -> memref<128x32xf32, #tpu.memory_space<vmem_shared>>
      %dma_wait3A_205 = arith.constant 0 : i32
      %dma_wait3A_206 = tpu.memref_slice %arg14[%add3A_24, %dma_wait3A_205] : memref<10240x32xf32, #tpu.memory_space<vmem_shared>> -> memref<128x32xf32, #tpu.memory_space<vmem_shared>>
      tpu.wait_dma2 semaphore(%run_scoped3A : memref<!tpu.dma_semaphore, #tpu.memory_space<semaphore_mem>>) src(%arg9 : memref<128x32xf32, #tpu.memory_space<vmem>>) dst(%dma_wait3A_206 : memref<128x32xf32, #tpu.memory_space<vmem_shared>>)
      tpu.yield
    }) : () -> ()
    %mul3A_25 = arith.constant 640 : i32
    %mul3A_26 = arith.muli %arg1, %mul3A_25 : i32
    %add3A_27 = arith.constant 256 : i32
    %add3A_28 = arith.addi %mul3A_26, %add3A_27 : i32
    "tpu.region"() ({
      %run_scoped3A = tpu.sem_alloc : memref<!tpu.dma_semaphore, #tpu.memory_space<semaphore_mem>>
      %dma_start3A_199 = arith.constant 0 : i32
      %dma_start3A_200 = tpu.memref_slice %arg14[%add3A_28, %dma_start3A_199] : memref<10240x32xf32, #tpu.memory_space<vmem_shared>> -> memref<128x32xf32, #tpu.memory_space<vmem_shared>>
      %dma_start3A_201 = arith.constant 0 : i32
      %dma_start3A_202 = tpu.memref_slice %arg14[%add3A_28, %dma_start3A_201] : memref<10240x32xf32, #tpu.memory_space<vmem_shared>> -> memref<128x32xf32, #tpu.memory_space<vmem_shared>>
      tpu.enqueue_dma source(%arg9 : memref<128x32xf32, #tpu.memory_space<vmem>>) target(%dma_start3A_202 : memref<128x32xf32, #tpu.memory_space<vmem_shared>>) target_semaphore(%run_scoped3A : memref<!tpu.dma_semaphore, #tpu.memory_space<semaphore_mem>>)
      %dma_wait3A_203 = arith.constant 0 : i32
      %dma_wait3A_204 = tpu.memref_slice %arg14[%add3A_28, %dma_wait3A_203] : memref<10240x32xf32, #tpu.memory_space<vmem_shared>> -> memref<128x32xf32, #tpu.memory_space<vmem_shared>>
      %dma_wait3A_205 = arith.constant 0 : i32
      %dma_wait3A_206 = tpu.memref_slice %arg14[%add3A_28, %dma_wait3A_205] : memref<10240x32xf32, #tpu.memory_space<vmem_shared>> -> memref<128x32xf32, #tpu.memory_space<vmem_shared>>
      tpu.wait_dma2 semaphore(%run_scoped3A : memref<!tpu.dma_semaphore, #tpu.memory_space<semaphore_mem>>) src(%arg9 : memref<128x32xf32, #tpu.memory_space<vmem>>) dst(%dma_wait3A_206 : memref<128x32xf32, #tpu.memory_space<vmem_shared>>)
      tpu.yield
    }) : () -> ()
    %mul3A_29 = arith.constant 640 : i32
    %mul3A_30 = arith.muli %arg1, %mul3A_29 : i32
    %add3A_31 = arith.constant 384 : i32
    %add3A_32 = arith.addi %mul3A_30, %add3A_31 : i32
    "tpu.region"() ({
      %run_scoped3A = tpu.sem_alloc : memref<!tpu.dma_semaphore, #tpu.memory_space<semaphore_mem>>
      %dma_start3A_199 = arith.constant 0 : i32
      %dma_start3A_200 = tpu.memref_slice %arg14[%add3A_32, %dma_start3A_199] : memref<10240x32xf32, #tpu.memory_space<vmem_shared>> -> memref<128x32xf32, #tpu.memory_space<vmem_shared>>
      %dma_start3A_201 = arith.constant 0 : i32
      %dma_start3A_202 = tpu.memref_slice %arg14[%add3A_32, %dma_start3A_201] : memref<10240x32xf32, #tpu.memory_space<vmem_shared>> -> memref<128x32xf32, #tpu.memory_space<vmem_shared>>
      tpu.enqueue_dma source(%arg9 : memref<128x32xf32, #tpu.memory_space<vmem>>) target(%dma_start3A_202 : memref<128x32xf32, #tpu.memory_space<vmem_shared>>) target_semaphore(%run_scoped3A : memref<!tpu.dma_semaphore, #tpu.memory_space<semaphore_mem>>)
      %dma_wait3A_203 = arith.constant 0 : i32
      %dma_wait3A_204 = tpu.memref_slice %arg14[%add3A_32, %dma_wait3A_203] : memref<10240x32xf32, #tpu.memory_space<vmem_shared>> -> memref<128x32xf32, #tpu.memory_space<vmem_shared>>
      %dma_wait3A_205 = arith.constant 0 : i32
      %dma_wait3A_206 = tpu.memref_slice %arg14[%add3A_32, %dma_wait3A_205] : memref<10240x32xf32, #tpu.memory_space<vmem_shared>> -> memref<128x32xf32, #tpu.memory_space<vmem_shared>>
      tpu.wait_dma2 semaphore(%run_scoped3A : memref<!tpu.dma_semaphore, #tpu.memory_space<semaphore_mem>>) src(%arg9 : memref<128x32xf32, #tpu.memory_space<vmem>>) dst(%dma_wait3A_206 : memref<128x32xf32, #tpu.memory_space<vmem_shared>>)
      tpu.yield
    }) : () -> ()
    %mul3A_33 = arith.constant 640 : i32
    %mul3A_34 = arith.muli %arg1, %mul3A_33 : i32
    %add3A_35 = arith.constant 512 : i32
    %add3A_36 = arith.addi %mul3A_34, %add3A_35 : i32
    "tpu.region"() ({
      %run_scoped3A = tpu.sem_alloc : memref<!tpu.dma_semaphore, #tpu.memory_space<semaphore_mem>>
      %dma_start3A_199 = arith.constant 0 : i32
      %dma_start3A_200 = tpu.memref_slice %arg14[%add3A_36, %dma_start3A_199] : memref<10240x32xf32, #tpu.memory_space<vmem_shared>> -> memref<128x32xf32, #tpu.memory_space<vmem_shared>>
      %dma_start3A_201 = arith.constant 0 : i32
      %dma_start3A_202 = tpu.memref_slice %arg14[%add3A_36, %dma_start3A_201] : memref<10240x32xf32, #tpu.memory_space<vmem_shared>> -> memref<128x32xf32, #tpu.memory_space<vmem_shared>>
      tpu.enqueue_dma source(%arg9 : memref<128x32xf32, #tpu.memory_space<vmem>>) target(%dma_start3A_202 : memref<128x32xf32, #tpu.memory_space<vmem_shared>>) target_semaphore(%run_scoped3A : memref<!tpu.dma_semaphore, #tpu.memory_space<semaphore_mem>>)
      %dma_wait3A_203 = arith.constant 0 : i32
      %dma_wait3A_204 = tpu.memref_slice %arg14[%add3A_36, %dma_wait3A_203] : memref<10240x32xf32, #tpu.memory_space<vmem_shared>> -> memref<128x32xf32, #tpu.memory_space<vmem_shared>>
      %dma_wait3A_205 = arith.constant 0 : i32
      %dma_wait3A_206 = tpu.memref_slice %arg14[%add3A_36, %dma_wait3A_205] : memref<10240x32xf32, #tpu.memory_space<vmem_shared>> -> memref<128x32xf32, #tpu.memory_space<vmem_shared>>
      tpu.wait_dma2 semaphore(%run_scoped3A : memref<!tpu.dma_semaphore, #tpu.memory_space<semaphore_mem>>) src(%arg9 : memref<128x32xf32, #tpu.memory_space<vmem>>) dst(%dma_wait3A_206 : memref<128x32xf32, #tpu.memory_space<vmem_shared>>)
      tpu.yield
    }) : () -> ()
    %dma_start3A = arith.constant 0 : i32
    %dma_start3A_37 = arith.constant 0 : i32
    %dma_start3A_38 = arith.constant 0 : i32
    %dma_start3A_39 = arith.constant 0 : i32
    %dma_start3A_40 = tpu.memref_slice %arg8[%dma_start3A_37, %dma_start3A_38, %dma_start3A_39] : memref<4x128x32xf32, #tpu.memory_space<vmem>> -> memref<1x128x32xf32, #tpu.memory_space<vmem>>
    %dma_start3A_41 = tpu.memref_squeeze %dma_start3A_40 : memref<1x128x32xf32, #tpu.memory_space<vmem>> -> memref<128x32xf32, #tpu.memory_space<vmem>>
    %dma_start3A_42 = arith.constant 0 : i32
    %dma_start3A_43 = tpu.memref_slice %arg6[%dma_start3A, %dma_start3A_42] : memref<128x128xi32, #tpu.memory_space<vmem>> -> memref<1x128xi32, #tpu.memory_space<vmem>>
    %dma_start3A_44 = tpu.memref_squeeze %dma_start3A_43 : memref<1x128xi32, #tpu.memory_space<vmem>> -> memref<128xi32, #tpu.memory_space<vmem>>
    %dma_start3A_45 = arith.constant 0 : i32
    %dma_start3A_46 = arith.constant 0 : i32
    %dma_start3A_47 = tpu.memref_slice %arg4[%dma_start3A_45, %dma_start3A_46] : memref<10000x32xf32, #tpu.memory_space<hbm>> -> memref<10000x32xf32, #tpu.memory_space<hbm>>
    tpu.enqueue_indirect_dma source(%dma_start3A_47 : memref<10000x32xf32, #tpu.memory_space<hbm>>) target(%dma_start3A_41 : memref<128x32xf32, #tpu.memory_space<vmem>>) offsets(%dma_start3A_44 : memref<128xi32, #tpu.memory_space<vmem>>) semaphore(%arg10 : memref<!tpu.dma_semaphore, #tpu.memory_space<semaphore_mem>>)
    %dma_start3A_48 = arith.constant 1 : i32
    %dma_start3A_49 = arith.constant 1 : i32
    %dma_start3A_50 = arith.constant 0 : i32
    %dma_start3A_51 = arith.constant 0 : i32
    %dma_start3A_52 = tpu.memref_slice %arg8[%dma_start3A_49, %dma_start3A_50, %dma_start3A_51] : memref<4x128x32xf32, #tpu.memory_space<vmem>> -> memref<1x128x32xf32, #tpu.memory_space<vmem>>
    %dma_start3A_53 = tpu.memref_squeeze %dma_start3A_52 : memref<1x128x32xf32, #tpu.memory_space<vmem>> -> memref<128x32xf32, #tpu.memory_space<vmem>>
    %dma_start3A_54 = arith.constant 0 : i32
    %dma_start3A_55 = tpu.memref_slice %arg6[%dma_start3A_48, %dma_start3A_54] : memref<128x128xi32, #tpu.memory_space<vmem>> -> memref<1x128xi32, #tpu.memory_space<vmem>>
    %dma_start3A_56 = tpu.memref_squeeze %dma_start3A_55 : memref<1x128xi32, #tpu.memory_space<vmem>> -> memref<128xi32, #tpu.memory_space<vmem>>
    %dma_start3A_57 = arith.constant 0 : i32
    %dma_start3A_58 = arith.constant 0 : i32
    %dma_start3A_59 = tpu.memref_slice %arg4[%dma_start3A_57, %dma_start3A_58] : memref<10000x32xf32, #tpu.memory_space<hbm>> -> memref<10000x32xf32, #tpu.memory_space<hbm>>
    tpu.enqueue_indirect_dma source(%dma_start3A_59 : memref<10000x32xf32, #tpu.memory_space<hbm>>) target(%dma_start3A_53 : memref<128x32xf32, #tpu.memory_space<vmem>>) offsets(%dma_start3A_56 : memref<128xi32, #tpu.memory_space<vmem>>) semaphore(%arg11 : memref<!tpu.dma_semaphore, #tpu.memory_space<semaphore_mem>>)
    %dma_start3A_60 = arith.constant 2 : i32
    %dma_start3A_61 = arith.constant 2 : i32
    %dma_start3A_62 = arith.constant 0 : i32
    %dma_start3A_63 = arith.constant 0 : i32
    %dma_start3A_64 = tpu.memref_slice %arg8[%dma_start3A_61, %dma_start3A_62, %dma_start3A_63] : memref<4x128x32xf32, #tpu.memory_space<vmem>> -> memref<1x128x32xf32, #tpu.memory_space<vmem>>
    %dma_start3A_65 = tpu.memref_squeeze %dma_start3A_64 : memref<1x128x32xf32, #tpu.memory_space<vmem>> -> memref<128x32xf32, #tpu.memory_space<vmem>>
    %dma_start3A_66 = arith.constant 0 : i32
    %dma_start3A_67 = tpu.memref_slice %arg6[%dma_start3A_60, %dma_start3A_66] : memref<128x128xi32, #tpu.memory_space<vmem>> -> memref<1x128xi32, #tpu.memory_space<vmem>>
    %dma_start3A_68 = tpu.memref_squeeze %dma_start3A_67 : memref<1x128xi32, #tpu.memory_space<vmem>> -> memref<128xi32, #tpu.memory_space<vmem>>
    %dma_start3A_69 = arith.constant 0 : i32
    %dma_start3A_70 = arith.constant 0 : i32
    %dma_start3A_71 = tpu.memref_slice %arg4[%dma_start3A_69, %dma_start3A_70] : memref<10000x32xf32, #tpu.memory_space<hbm>> -> memref<10000x32xf32, #tpu.memory_space<hbm>>
    tpu.enqueue_indirect_dma source(%dma_start3A_71 : memref<10000x32xf32, #tpu.memory_space<hbm>>) target(%dma_start3A_65 : memref<128x32xf32, #tpu.memory_space<vmem>>) offsets(%dma_start3A_68 : memref<128xi32, #tpu.memory_space<vmem>>) semaphore(%arg12 : memref<!tpu.dma_semaphore, #tpu.memory_space<semaphore_mem>>)
    %dma_start3A_72 = arith.constant 3 : i32
    %dma_start3A_73 = arith.constant 3 : i32
    %dma_start3A_74 = arith.constant 0 : i32
    %dma_start3A_75 = arith.constant 0 : i32
    %dma_start3A_76 = tpu.memref_slice %arg8[%dma_start3A_73, %dma_start3A_74, %dma_start3A_75] : memref<4x128x32xf32, #tpu.memory_space<vmem>> -> memref<1x128x32xf32, #tpu.memory_space<vmem>>
    %dma_start3A_77 = tpu.memref_squeeze %dma_start3A_76 : memref<1x128x32xf32, #tpu.memory_space<vmem>> -> memref<128x32xf32, #tpu.memory_space<vmem>>
    %dma_start3A_78 = arith.constant 0 : i32
    %dma_start3A_79 = tpu.memref_slice %arg6[%dma_start3A_72, %dma_start3A_78] : memref<128x128xi32, #tpu.memory_space<vmem>> -> memref<1x128xi32, #tpu.memory_space<vmem>>
    %dma_start3A_80 = tpu.memref_squeeze %dma_start3A_79 : memref<1x128xi32, #tpu.memory_space<vmem>> -> memref<128xi32, #tpu.memory_space<vmem>>
    %dma_start3A_81 = arith.constant 0 : i32
    %dma_start3A_82 = arith.constant 0 : i32
    %dma_start3A_83 = tpu.memref_slice %arg4[%dma_start3A_81, %dma_start3A_82] : memref<10000x32xf32, #tpu.memory_space<hbm>> -> memref<10000x32xf32, #tpu.memory_space<hbm>>
    tpu.enqueue_indirect_dma source(%dma_start3A_83 : memref<10000x32xf32, #tpu.memory_space<hbm>>) target(%dma_start3A_77 : memref<128x32xf32, #tpu.memory_space<vmem>>) offsets(%dma_start3A_80 : memref<128xi32, #tpu.memory_space<vmem>>) semaphore(%arg13 : memref<!tpu.dma_semaphore, #tpu.memory_space<semaphore_mem>>)
    %barrier3A = arith.constant 0 : index
    tpu.barrier barrier_id(%barrier3A)
    %jit3A_84 = arith.constant 4 : i32
    %div3A = arith.divsi %select_n3A, %jit3A_84 : i32
    %sign3A = arith.constant 0 : i32
    %sign3A_85 = arith.cmpi sgt, %select_n3A, %sign3A : i32
    %sign3A_86 = arith.extui %sign3A_85 : i1 to i32
    %sign3A_87 = arith.constant 0 : i32
    %sign3A_88 = arith.cmpi slt, %select_n3A, %sign3A_87 : i32
    %sign3A_89 = arith.extui %sign3A_88 : i1 to i32
    %sign3A_90 = arith.subi %sign3A_86, %sign3A_89 : i32
    %sign3A_91 = arith.constant 0 : i32
    %sign3A_92 = arith.cmpi sgt, %jit3A_84, %sign3A_91 : i32
    %sign3A_93 = arith.extui %sign3A_92 : i1 to i32
    %sign3A_94 = arith.constant 0 : i32
    %sign3A_95 = arith.cmpi slt, %jit3A_84, %sign3A_94 : i32
    %sign3A_96 = arith.extui %sign3A_95 : i1 to i32
    %sign3A_97 = arith.subi %sign3A_93, %sign3A_96 : i32
    %ne3A = arith.cmpi ne, %sign3A_90, %sign3A_97 : i32
    %rem3A = arith.remsi %select_n3A, %jit3A_84 : i32
    %ne3A_98 = arith.constant 0 : i32
    %ne3A_99 = arith.cmpi ne, %rem3A, %ne3A_98 : i32
    %and3A = arith.andi %ne3A, %ne3A_99 : i1
    %sub3A = arith.constant 1 : i32
    %sub3A_100 = arith.subi %div3A, %sub3A : i32
    %select_n3A_101 = arith.select %and3A, %sub3A_100, %div3A : i32
    %while3A = arith.constant 0 : i32
    %while3A_102 = arith.constant 0 : i32
    %while3A_103 = arith.subi %select_n3A_101, %while3A_102 : i32
    %while3A_104 = arith.addi %while3A_102, %while3A_103 : i32
    %while3A_105 = arith.constant 1 : i32
    %while3A_106 = arith.divsi %while3A_103, %while3A_105 : i32
    %while3A_107 = arith.muli %while3A_106, %while3A_105 : i32
    %while3A_108 = arith.addi %while3A_102, %while3A_107 : i32
    %while3A_109 = arith.constant 1 : i32
    scf.for %while3A_199 = %while3A_102 to %while3A_108 step %while3A_109  : i32 {
      %mul3A_200 = arith.constant 4 : i32
      %mul3A_201 = arith.muli %while3A_199, %mul3A_200 : i32
      %add3A_202 = arith.constant 0 : i32
      %add3A_203 = arith.addi %mul3A_201, %add3A_202 : i32
      %dma_wait3A_204 = arith.constant 0 : i32
      %dma_wait3A_205 = arith.constant 0 : i32
      %dma_wait3A_206 = arith.constant 0 : i32
      %dma_wait3A_207 = arith.constant 0 : i32
      %dma_wait3A_208 = tpu.memref_slice %arg8[%dma_wait3A_205, %dma_wait3A_206, %dma_wait3A_207] : memref<4x128x32xf32, #tpu.memory_space<vmem>> -> memref<1x128x32xf32, #tpu.memory_space<vmem>>
      %dma_wait3A_209 = tpu.memref_squeeze %dma_wait3A_208 : memref<1x128x32xf32, #tpu.memory_space<vmem>> -> memref<128x32xf32, #tpu.memory_space<vmem>>
      %dma_wait3A_210 = arith.constant 0 : i32
      %dma_wait3A_211 = tpu.memref_slice %arg6[%dma_wait3A_204, %dma_wait3A_210] : memref<128x128xi32, #tpu.memory_space<vmem>> -> memref<1x128xi32, #tpu.memory_space<vmem>>
      %dma_wait3A_212 = tpu.memref_squeeze %dma_wait3A_211 : memref<1x128xi32, #tpu.memory_space<vmem>> -> memref<128xi32, #tpu.memory_space<vmem>>
      %dma_wait3A_213 = arith.constant 0 : i32
      %dma_wait3A_214 = arith.constant 0 : i32
      %dma_wait3A_215 = tpu.memref_slice %arg4[%dma_wait3A_213, %dma_wait3A_214] : memref<10000x32xf32, #tpu.memory_space<hbm>> -> memref<10000x32xf32, #tpu.memory_space<hbm>>
      tpu.wait_indirect_dma semaphore(%arg10 : memref<!tpu.dma_semaphore, #tpu.memory_space<semaphore_mem>>) src(%dma_wait3A_215 : memref<10000x32xf32, #tpu.memory_space<hbm>>) dst(%dma_wait3A_209 : memref<128x32xf32, #tpu.memory_space<vmem>>)
      %run_scoped3A = arith.constant 0 : i32
      "tpu.region"() ({
        %run_scoped3A_323 = tpu.sem_alloc : memref<!tpu.dma_semaphore, #tpu.memory_space<semaphore_mem>>
        %dma_start3A_324 = arith.constant 0 : i32
        %dma_start3A_325 = arith.constant 0 : i32
        %dma_start3A_326 = tpu.memref_slice %arg8[%run_scoped3A, %dma_start3A_324, %dma_start3A_325] : memref<4x128x32xf32, #tpu.memory_space<vmem>> -> memref<1x128x32xf32, #tpu.memory_space<vmem>>
        %dma_start3A_327 = tpu.memref_squeeze %dma_start3A_326 : memref<1x128x32xf32, #tpu.memory_space<vmem>> -> memref<128x32xf32, #tpu.memory_space<vmem>>
        %dma_start3A_328 = arith.constant 0 : i32
        %dma_start3A_329 = tpu.memref_slice %arg7[%add3A_203, %dma_start3A_328] : memref<128x128xi32, #tpu.memory_space<vmem>> -> memref<1x128xi32, #tpu.memory_space<vmem>>
        %dma_start3A_330 = tpu.memref_squeeze %dma_start3A_329 : memref<1x128xi32, #tpu.memory_space<vmem>> -> memref<128xi32, #tpu.memory_space<vmem>>
        %dma_start3A_331 = arith.constant 0 : i32
        %dma_start3A_332 = arith.constant 0 : i32
        %dma_start3A_333 = tpu.memref_slice %arg14[%dma_start3A_331, %dma_start3A_332] : memref<10240x32xf32, #tpu.memory_space<vmem_shared>> -> memref<10240x32xf32, #tpu.memory_space<vmem_shared>>
        tpu.enqueue_indirect_dma source(%dma_start3A_327 : memref<128x32xf32, #tpu.memory_space<vmem>>) target(%dma_start3A_333 : memref<10240x32xf32, #tpu.memory_space<vmem_shared>>) offsets(%dma_start3A_330 : memref<128xi32, #tpu.memory_space<vmem>>) semaphore(%run_scoped3A_323 : memref<!tpu.dma_semaphore, #tpu.memory_space<semaphore_mem>>) {add = true}
        %dma_wait3A_334 = arith.constant 0 : i32
        %dma_wait3A_335 = arith.constant 0 : i32
        %dma_wait3A_336 = tpu.memref_slice %arg8[%run_scoped3A, %dma_wait3A_334, %dma_wait3A_335] : memref<4x128x32xf32, #tpu.memory_space<vmem>> -> memref<1x128x32xf32, #tpu.memory_space<vmem>>
        %dma_wait3A_337 = tpu.memref_squeeze %dma_wait3A_336 : memref<1x128x32xf32, #tpu.memory_space<vmem>> -> memref<128x32xf32, #tpu.memory_space<vmem>>
        %dma_wait3A_338 = arith.constant 0 : i32
        %dma_wait3A_339 = tpu.memref_slice %arg7[%add3A_203, %dma_wait3A_338] : memref<128x128xi32, #tpu.memory_space<vmem>> -> memref<1x128xi32, #tpu.memory_space<vmem>>
        %dma_wait3A_340 = tpu.memref_squeeze %dma_wait3A_339 : memref<1x128xi32, #tpu.memory_space<vmem>> -> memref<128xi32, #tpu.memory_space<vmem>>
        %dma_wait3A_341 = arith.constant 0 : i32
        %dma_wait3A_342 = arith.constant 0 : i32
        %dma_wait3A_343 = tpu.memref_slice %arg14[%dma_wait3A_341, %dma_wait3A_342] : memref<10240x32xf32, #tpu.memory_space<vmem_shared>> -> memref<10240x32xf32, #tpu.memory_space<vmem_shared>>
        tpu.wait_indirect_dma semaphore(%run_scoped3A_323 : memref<!tpu.dma_semaphore, #tpu.memory_space<semaphore_mem>>) src(%dma_wait3A_337 : memref<128x32xf32, #tpu.memory_space<vmem>>) dst(%dma_wait3A_343 : memref<10240x32xf32, #tpu.memory_space<vmem_shared>>)
        tpu.yield
      }) : () -> ()
      %add3A_216 = arith.constant 4 : i32
      %add3A_217 = arith.addi %add3A_203, %add3A_216 : i32
      %rem3A_218 = arith.remsi %add3A_217, %select_n3A : i32
      %dma_start3A_219 = arith.constant 0 : i32
      %dma_start3A_220 = arith.constant 0 : i32
      %dma_start3A_221 = arith.constant 0 : i32
      %dma_start3A_222 = tpu.memref_slice %arg8[%dma_start3A_219, %dma_start3A_220, %dma_start3A_221] : memref<4x128x32xf32, #tpu.memory_space<vmem>> -> memref<1x128x32xf32, #tpu.memory_space<vmem>>
      %dma_start3A_223 = tpu.memref_squeeze %dma_start3A_222 : memref<1x128x32xf32, #tpu.memory_space<vmem>> -> memref<128x32xf32, #tpu.memory_space<vmem>>
      %dma_start3A_224 = arith.constant 0 : i32
      %dma_start3A_225 = tpu.memref_slice %arg6[%rem3A_218, %dma_start3A_224] : memref<128x128xi32, #tpu.memory_space<vmem>> -> memref<1x128xi32, #tpu.memory_space<vmem>>
      %dma_start3A_226 = tpu.memref_squeeze %dma_start3A_225 : memref<1x128xi32, #tpu.memory_space<vmem>> -> memref<128xi32, #tpu.memory_space<vmem>>
      %dma_start3A_227 = arith.constant 0 : i32
      %dma_start3A_228 = arith.constant 0 : i32
      %dma_start3A_229 = tpu.memref_slice %arg4[%dma_start3A_227, %dma_start3A_228] : memref<10000x32xf32, #tpu.memory_space<hbm>> -> memref<10000x32xf32, #tpu.memory_space<hbm>>
      tpu.enqueue_indirect_dma source(%dma_start3A_229 : memref<10000x32xf32, #tpu.memory_space<hbm>>) target(%dma_start3A_223 : memref<128x32xf32, #tpu.memory_space<vmem>>) offsets(%dma_start3A_226 : memref<128xi32, #tpu.memory_space<vmem>>) semaphore(%arg10 : memref<!tpu.dma_semaphore, #tpu.memory_space<semaphore_mem>>)
      %mul3A_230 = arith.constant 4 : i32
      %mul3A_231 = arith.muli %while3A_199, %mul3A_230 : i32
      %add3A_232 = arith.constant 1 : i32
      %add3A_233 = arith.addi %mul3A_231, %add3A_232 : i32
      %dma_wait3A_234 = arith.constant 1 : i32
      %dma_wait3A_235 = arith.constant 1 : i32
      %dma_wait3A_236 = arith.constant 0 : i32
      %dma_wait3A_237 = arith.constant 0 : i32
      %dma_wait3A_238 = tpu.memref_slice %arg8[%dma_wait3A_235, %dma_wait3A_236, %dma_wait3A_237] : memref<4x128x32xf32, #tpu.memory_space<vmem>> -> memref<1x128x32xf32, #tpu.memory_space<vmem>>
      %dma_wait3A_239 = tpu.memref_squeeze %dma_wait3A_238 : memref<1x128x32xf32, #tpu.memory_space<vmem>> -> memref<128x32xf32, #tpu.memory_space<vmem>>
      %dma_wait3A_240 = arith.constant 0 : i32
      %dma_wait3A_241 = tpu.memref_slice %arg6[%dma_wait3A_234, %dma_wait3A_240] : memref<128x128xi32, #tpu.memory_space<vmem>> -> memref<1x128xi32, #tpu.memory_space<vmem>>
      %dma_wait3A_242 = tpu.memref_squeeze %dma_wait3A_241 : memref<1x128xi32, #tpu.memory_space<vmem>> -> memref<128xi32, #tpu.memory_space<vmem>>
      %dma_wait3A_243 = arith.constant 0 : i32
      %dma_wait3A_244 = arith.constant 0 : i32
      %dma_wait3A_245 = tpu.memref_slice %arg4[%dma_wait3A_243, %dma_wait3A_244] : memref<10000x32xf32, #tpu.memory_space<hbm>> -> memref<10000x32xf32, #tpu.memory_space<hbm>>
      tpu.wait_indirect_dma semaphore(%arg11 : memref<!tpu.dma_semaphore, #tpu.memory_space<semaphore_mem>>) src(%dma_wait3A_245 : memref<10000x32xf32, #tpu.memory_space<hbm>>) dst(%dma_wait3A_239 : memref<128x32xf32, #tpu.memory_space<vmem>>)
      %run_scoped3A_246 = arith.constant 1 : i32
      "tpu.region"() ({
        %run_scoped3A_323 = tpu.sem_alloc : memref<!tpu.dma_semaphore, #tpu.memory_space<semaphore_mem>>
        %dma_start3A_324 = arith.constant 0 : i32
        %dma_start3A_325 = arith.constant 0 : i32
        %dma_start3A_326 = tpu.memref_slice %arg8[%run_scoped3A_246, %dma_start3A_324, %dma_start3A_325] : memref<4x128x32xf32, #tpu.memory_space<vmem>> -> memref<1x128x32xf32, #tpu.memory_space<vmem>>
        %dma_start3A_327 = tpu.memref_squeeze %dma_start3A_326 : memref<1x128x32xf32, #tpu.memory_space<vmem>> -> memref<128x32xf32, #tpu.memory_space<vmem>>
        %dma_start3A_328 = arith.constant 0 : i32
        %dma_start3A_329 = tpu.memref_slice %arg7[%add3A_233, %dma_start3A_328] : memref<128x128xi32, #tpu.memory_space<vmem>> -> memref<1x128xi32, #tpu.memory_space<vmem>>
        %dma_start3A_330 = tpu.memref_squeeze %dma_start3A_329 : memref<1x128xi32, #tpu.memory_space<vmem>> -> memref<128xi32, #tpu.memory_space<vmem>>
        %dma_start3A_331 = arith.constant 0 : i32
        %dma_start3A_332 = arith.constant 0 : i32
        %dma_start3A_333 = tpu.memref_slice %arg14[%dma_start3A_331, %dma_start3A_332] : memref<10240x32xf32, #tpu.memory_space<vmem_shared>> -> memref<10240x32xf32, #tpu.memory_space<vmem_shared>>
        tpu.enqueue_indirect_dma source(%dma_start3A_327 : memref<128x32xf32, #tpu.memory_space<vmem>>) target(%dma_start3A_333 : memref<10240x32xf32, #tpu.memory_space<vmem_shared>>) offsets(%dma_start3A_330 : memref<128xi32, #tpu.memory_space<vmem>>) semaphore(%run_scoped3A_323 : memref<!tpu.dma_semaphore, #tpu.memory_space<semaphore_mem>>) {add = true}
        %dma_wait3A_334 = arith.constant 0 : i32
        %dma_wait3A_335 = arith.constant 0 : i32
        %dma_wait3A_336 = tpu.memref_slice %arg8[%run_scoped3A_246, %dma_wait3A_334, %dma_wait3A_335] : memref<4x128x32xf32, #tpu.memory_space<vmem>> -> memref<1x128x32xf32, #tpu.memory_space<vmem>>
        %dma_wait3A_337 = tpu.memref_squeeze %dma_wait3A_336 : memref<1x128x32xf32, #tpu.memory_space<vmem>> -> memref<128x32xf32, #tpu.memory_space<vmem>>
        %dma_wait3A_338 = arith.constant 0 : i32
        %dma_wait3A_339 = tpu.memref_slice %arg7[%add3A_233, %dma_wait3A_338] : memref<128x128xi32, #tpu.memory_space<vmem>> -> memref<1x128xi32, #tpu.memory_space<vmem>>
        %dma_wait3A_340 = tpu.memref_squeeze %dma_wait3A_339 : memref<1x128xi32, #tpu.memory_space<vmem>> -> memref<128xi32, #tpu.memory_space<vmem>>
        %dma_wait3A_341 = arith.constant 0 : i32
        %dma_wait3A_342 = arith.constant 0 : i32
        %dma_wait3A_343 = tpu.memref_slice %arg14[%dma_wait3A_341, %dma_wait3A_342] : memref<10240x32xf32, #tpu.memory_space<vmem_shared>> -> memref<10240x32xf32, #tpu.memory_space<vmem_shared>>
        tpu.wait_indirect_dma semaphore(%run_scoped3A_323 : memref<!tpu.dma_semaphore, #tpu.memory_space<semaphore_mem>>) src(%dma_wait3A_337 : memref<128x32xf32, #tpu.memory_space<vmem>>) dst(%dma_wait3A_343 : memref<10240x32xf32, #tpu.memory_space<vmem_shared>>)
        tpu.yield
      }) : () -> ()
      %add3A_247 = arith.constant 4 : i32
      %add3A_248 = arith.addi %add3A_233, %add3A_247 : i32
      %rem3A_249 = arith.remsi %add3A_248, %select_n3A : i32
      %dma_start3A_250 = arith.constant 1 : i32
      %dma_start3A_251 = arith.constant 0 : i32
      %dma_start3A_252 = arith.constant 0 : i32
      %dma_start3A_253 = tpu.memref_slice %arg8[%dma_start3A_250, %dma_start3A_251, %dma_start3A_252] : memref<4x128x32xf32, #tpu.memory_space<vmem>> -> memref<1x128x32xf32, #tpu.memory_space<vmem>>
      %dma_start3A_254 = tpu.memref_squeeze %dma_start3A_253 : memref<1x128x32xf32, #tpu.memory_space<vmem>> -> memref<128x32xf32, #tpu.memory_space<vmem>>
      %dma_start3A_255 = arith.constant 0 : i32
      %dma_start3A_256 = tpu.memref_slice %arg6[%rem3A_249, %dma_start3A_255] : memref<128x128xi32, #tpu.memory_space<vmem>> -> memref<1x128xi32, #tpu.memory_space<vmem>>
      %dma_start3A_257 = tpu.memref_squeeze %dma_start3A_256 : memref<1x128xi32, #tpu.memory_space<vmem>> -> memref<128xi32, #tpu.memory_space<vmem>>
      %dma_start3A_258 = arith.constant 0 : i32
      %dma_start3A_259 = arith.constant 0 : i32
      %dma_start3A_260 = tpu.memref_slice %arg4[%dma_start3A_258, %dma_start3A_259] : memref<10000x32xf32, #tpu.memory_space<hbm>> -> memref<10000x32xf32, #tpu.memory_space<hbm>>
      tpu.enqueue_indirect_dma source(%dma_start3A_260 : memref<10000x32xf32, #tpu.memory_space<hbm>>) target(%dma_start3A_254 : memref<128x32xf32, #tpu.memory_space<vmem>>) offsets(%dma_start3A_257 : memref<128xi32, #tpu.memory_space<vmem>>) semaphore(%arg11 : memref<!tpu.dma_semaphore, #tpu.memory_space<semaphore_mem>>)
      %mul3A_261 = arith.constant 4 : i32
      %mul3A_262 = arith.muli %while3A_199, %mul3A_261 : i32
      %add3A_263 = arith.constant 2 : i32
      %add3A_264 = arith.addi %mul3A_262, %add3A_263 : i32
      %dma_wait3A_265 = arith.constant 2 : i32
      %dma_wait3A_266 = arith.constant 2 : i32
      %dma_wait3A_267 = arith.constant 0 : i32
      %dma_wait3A_268 = arith.constant 0 : i32
      %dma_wait3A_269 = tpu.memref_slice %arg8[%dma_wait3A_266, %dma_wait3A_267, %dma_wait3A_268] : memref<4x128x32xf32, #tpu.memory_space<vmem>> -> memref<1x128x32xf32, #tpu.memory_space<vmem>>
      %dma_wait3A_270 = tpu.memref_squeeze %dma_wait3A_269 : memref<1x128x32xf32, #tpu.memory_space<vmem>> -> memref<128x32xf32, #tpu.memory_space<vmem>>
      %dma_wait3A_271 = arith.constant 0 : i32
      %dma_wait3A_272 = tpu.memref_slice %arg6[%dma_wait3A_265, %dma_wait3A_271] : memref<128x128xi32, #tpu.memory_space<vmem>> -> memref<1x128xi32, #tpu.memory_space<vmem>>
      %dma_wait3A_273 = tpu.memref_squeeze %dma_wait3A_272 : memref<1x128xi32, #tpu.memory_space<vmem>> -> memref<128xi32, #tpu.memory_space<vmem>>
      %dma_wait3A_274 = arith.constant 0 : i32
      %dma_wait3A_275 = arith.constant 0 : i32
      %dma_wait3A_276 = tpu.memref_slice %arg4[%dma_wait3A_274, %dma_wait3A_275] : memref<10000x32xf32, #tpu.memory_space<hbm>> -> memref<10000x32xf32, #tpu.memory_space<hbm>>
      tpu.wait_indirect_dma semaphore(%arg12 : memref<!tpu.dma_semaphore, #tpu.memory_space<semaphore_mem>>) src(%dma_wait3A_276 : memref<10000x32xf32, #tpu.memory_space<hbm>>) dst(%dma_wait3A_270 : memref<128x32xf32, #tpu.memory_space<vmem>>)
      %run_scoped3A_277 = arith.constant 2 : i32
      "tpu.region"() ({
        %run_scoped3A_323 = tpu.sem_alloc : memref<!tpu.dma_semaphore, #tpu.memory_space<semaphore_mem>>
        %dma_start3A_324 = arith.constant 0 : i32
        %dma_start3A_325 = arith.constant 0 : i32
        %dma_start3A_326 = tpu.memref_slice %arg8[%run_scoped3A_277, %dma_start3A_324, %dma_start3A_325] : memref<4x128x32xf32, #tpu.memory_space<vmem>> -> memref<1x128x32xf32, #tpu.memory_space<vmem>>
        %dma_start3A_327 = tpu.memref_squeeze %dma_start3A_326 : memref<1x128x32xf32, #tpu.memory_space<vmem>> -> memref<128x32xf32, #tpu.memory_space<vmem>>
        %dma_start3A_328 = arith.constant 0 : i32
        %dma_start3A_329 = tpu.memref_slice %arg7[%add3A_264, %dma_start3A_328] : memref<128x128xi32, #tpu.memory_space<vmem>> -> memref<1x128xi32, #tpu.memory_space<vmem>>
        %dma_start3A_330 = tpu.memref_squeeze %dma_start3A_329 : memref<1x128xi32, #tpu.memory_space<vmem>> -> memref<128xi32, #tpu.memory_space<vmem>>
        %dma_start3A_331 = arith.constant 0 : i32
        %dma_start3A_332 = arith.constant 0 : i32
        %dma_start3A_333 = tpu.memref_slice %arg14[%dma_start3A_331, %dma_start3A_332] : memref<10240x32xf32, #tpu.memory_space<vmem_shared>> -> memref<10240x32xf32, #tpu.memory_space<vmem_shared>>
        tpu.enqueue_indirect_dma source(%dma_start3A_327 : memref<128x32xf32, #tpu.memory_space<vmem>>) target(%dma_start3A_333 : memref<10240x32xf32, #tpu.memory_space<vmem_shared>>) offsets(%dma_start3A_330 : memref<128xi32, #tpu.memory_space<vmem>>) semaphore(%run_scoped3A_323 : memref<!tpu.dma_semaphore, #tpu.memory_space<semaphore_mem>>) {add = true}
        %dma_wait3A_334 = arith.constant 0 : i32
        %dma_wait3A_335 = arith.constant 0 : i32
        %dma_wait3A_336 = tpu.memref_slice %arg8[%run_scoped3A_277, %dma_wait3A_334, %dma_wait3A_335] : memref<4x128x32xf32, #tpu.memory_space<vmem>> -> memref<1x128x32xf32, #tpu.memory_space<vmem>>
        %dma_wait3A_337 = tpu.memref_squeeze %dma_wait3A_336 : memref<1x128x32xf32, #tpu.memory_space<vmem>> -> memref<128x32xf32, #tpu.memory_space<vmem>>
        %dma_wait3A_338 = arith.constant 0 : i32
        %dma_wait3A_339 = tpu.memref_slice %arg7[%add3A_264, %dma_wait3A_338] : memref<128x128xi32, #tpu.memory_space<vmem>> -> memref<1x128xi32, #tpu.memory_space<vmem>>
        %dma_wait3A_340 = tpu.memref_squeeze %dma_wait3A_339 : memref<1x128xi32, #tpu.memory_space<vmem>> -> memref<128xi32, #tpu.memory_space<vmem>>
        %dma_wait3A_341 = arith.constant 0 : i32
        %dma_wait3A_342 = arith.constant 0 : i32
        %dma_wait3A_343 = tpu.memref_slice %arg14[%dma_wait3A_341, %dma_wait3A_342] : memref<10240x32xf32, #tpu.memory_space<vmem_shared>> -> memref<10240x32xf32, #tpu.memory_space<vmem_shared>>
        tpu.wait_indirect_dma semaphore(%run_scoped3A_323 : memref<!tpu.dma_semaphore, #tpu.memory_space<semaphore_mem>>) src(%dma_wait3A_337 : memref<128x32xf32, #tpu.memory_space<vmem>>) dst(%dma_wait3A_343 : memref<10240x32xf32, #tpu.memory_space<vmem_shared>>)
        tpu.yield
      }) : () -> ()
      %add3A_278 = arith.constant 4 : i32
      %add3A_279 = arith.addi %add3A_264, %add3A_278 : i32
      %rem3A_280 = arith.remsi %add3A_279, %select_n3A : i32
      %dma_start3A_281 = arith.constant 2 : i32
      %dma_start3A_282 = arith.constant 0 : i32
      %dma_start3A_283 = arith.constant 0 : i32
      %dma_start3A_284 = tpu.memref_slice %arg8[%dma_start3A_281, %dma_start3A_282, %dma_start3A_283] : memref<4x128x32xf32, #tpu.memory_space<vmem>> -> memref<1x128x32xf32, #tpu.memory_space<vmem>>
      %dma_start3A_285 = tpu.memref_squeeze %dma_start3A_284 : memref<1x128x32xf32, #tpu.memory_space<vmem>> -> memref<128x32xf32, #tpu.memory_space<vmem>>
      %dma_start3A_286 = arith.constant 0 : i32
      %dma_start3A_287 = tpu.memref_slice %arg6[%rem3A_280, %dma_start3A_286] : memref<128x128xi32, #tpu.memory_space<vmem>> -> memref<1x128xi32, #tpu.memory_space<vmem>>
      %dma_start3A_288 = tpu.memref_squeeze %dma_start3A_287 : memref<1x128xi32, #tpu.memory_space<vmem>> -> memref<128xi32, #tpu.memory_space<vmem>>
      %dma_start3A_289 = arith.constant 0 : i32
      %dma_start3A_290 = arith.constant 0 : i32
      %dma_start3A_291 = tpu.memref_slice %arg4[%dma_start3A_289, %dma_start3A_290] : memref<10000x32xf32, #tpu.memory_space<hbm>> -> memref<10000x32xf32, #tpu.memory_space<hbm>>
      tpu.enqueue_indirect_dma source(%dma_start3A_291 : memref<10000x32xf32, #tpu.memory_space<hbm>>) target(%dma_start3A_285 : memref<128x32xf32, #tpu.memory_space<vmem>>) offsets(%dma_start3A_288 : memref<128xi32, #tpu.memory_space<vmem>>) semaphore(%arg12 : memref<!tpu.dma_semaphore, #tpu.memory_space<semaphore_mem>>)
      %mul3A_292 = arith.constant 4 : i32
      %mul3A_293 = arith.muli %while3A_199, %mul3A_292 : i32
      %add3A_294 = arith.constant 3 : i32
      %add3A_295 = arith.addi %mul3A_293, %add3A_294 : i32
      %dma_wait3A_296 = arith.constant 3 : i32
      %dma_wait3A_297 = arith.constant 3 : i32
      %dma_wait3A_298 = arith.constant 0 : i32
      %dma_wait3A_299 = arith.constant 0 : i32
      %dma_wait3A_300 = tpu.memref_slice %arg8[%dma_wait3A_297, %dma_wait3A_298, %dma_wait3A_299] : memref<4x128x32xf32, #tpu.memory_space<vmem>> -> memref<1x128x32xf32, #tpu.memory_space<vmem>>
      %dma_wait3A_301 = tpu.memref_squeeze %dma_wait3A_300 : memref<1x128x32xf32, #tpu.memory_space<vmem>> -> memref<128x32xf32, #tpu.memory_space<vmem>>
      %dma_wait3A_302 = arith.constant 0 : i32
      %dma_wait3A_303 = tpu.memref_slice %arg6[%dma_wait3A_296, %dma_wait3A_302] : memref<128x128xi32, #tpu.memory_space<vmem>> -> memref<1x128xi32, #tpu.memory_space<vmem>>
      %dma_wait3A_304 = tpu.memref_squeeze %dma_wait3A_303 : memref<1x128xi32, #tpu.memory_space<vmem>> -> memref<128xi32, #tpu.memory_space<vmem>>
      %dma_wait3A_305 = arith.constant 0 : i32
      %dma_wait3A_306 = arith.constant 0 : i32
      %dma_wait3A_307 = tpu.memref_slice %arg4[%dma_wait3A_305, %dma_wait3A_306] : memref<10000x32xf32, #tpu.memory_space<hbm>> -> memref<10000x32xf32, #tpu.memory_space<hbm>>
      tpu.wait_indirect_dma semaphore(%arg13 : memref<!tpu.dma_semaphore, #tpu.memory_space<semaphore_mem>>) src(%dma_wait3A_307 : memref<10000x32xf32, #tpu.memory_space<hbm>>) dst(%dma_wait3A_301 : memref<128x32xf32, #tpu.memory_space<vmem>>)
      %run_scoped3A_308 = arith.constant 3 : i32
      "tpu.region"() ({
        %run_scoped3A_323 = tpu.sem_alloc : memref<!tpu.dma_semaphore, #tpu.memory_space<semaphore_mem>>
        %dma_start3A_324 = arith.constant 0 : i32
        %dma_start3A_325 = arith.constant 0 : i32
        %dma_start3A_326 = tpu.memref_slice %arg8[%run_scoped3A_308, %dma_start3A_324, %dma_start3A_325] : memref<4x128x32xf32, #tpu.memory_space<vmem>> -> memref<1x128x32xf32, #tpu.memory_space<vmem>>
        %dma_start3A_327 = tpu.memref_squeeze %dma_start3A_326 : memref<1x128x32xf32, #tpu.memory_space<vmem>> -> memref<128x32xf32, #tpu.memory_space<vmem>>
        %dma_start3A_328 = arith.constant 0 : i32
        %dma_start3A_329 = tpu.memref_slice %arg7[%add3A_295, %dma_start3A_328] : memref<128x128xi32, #tpu.memory_space<vmem>> -> memref<1x128xi32, #tpu.memory_space<vmem>>
        %dma_start3A_330 = tpu.memref_squeeze %dma_start3A_329 : memref<1x128xi32, #tpu.memory_space<vmem>> -> memref<128xi32, #tpu.memory_space<vmem>>
        %dma_start3A_331 = arith.constant 0 : i32
        %dma_start3A_332 = arith.constant 0 : i32
        %dma_start3A_333 = tpu.memref_slice %arg14[%dma_start3A_331, %dma_start3A_332] : memref<10240x32xf32, #tpu.memory_space<vmem_shared>> -> memref<10240x32xf32, #tpu.memory_space<vmem_shared>>
        tpu.enqueue_indirect_dma source(%dma_start3A_327 : memref<128x32xf32, #tpu.memory_space<vmem>>) target(%dma_start3A_333 : memref<10240x32xf32, #tpu.memory_space<vmem_shared>>) offsets(%dma_start3A_330 : memref<128xi32, #tpu.memory_space<vmem>>) semaphore(%run_scoped3A_323 : memref<!tpu.dma_semaphore, #tpu.memory_space<semaphore_mem>>) {add = true}
        %dma_wait3A_334 = arith.constant 0 : i32
        %dma_wait3A_335 = arith.constant 0 : i32
        %dma_wait3A_336 = tpu.memref_slice %arg8[%run_scoped3A_308, %dma_wait3A_334, %dma_wait3A_335] : memref<4x128x32xf32, #tpu.memory_space<vmem>> -> memref<1x128x32xf32, #tpu.memory_space<vmem>>
        %dma_wait3A_337 = tpu.memref_squeeze %dma_wait3A_336 : memref<1x128x32xf32, #tpu.memory_space<vmem>> -> memref<128x32xf32, #tpu.memory_space<vmem>>
        %dma_wait3A_338 = arith.constant 0 : i32
        %dma_wait3A_339 = tpu.memref_slice %arg7[%add3A_295, %dma_wait3A_338] : memref<128x128xi32, #tpu.memory_space<vmem>> -> memref<1x128xi32, #tpu.memory_space<vmem>>
        %dma_wait3A_340 = tpu.memref_squeeze %dma_wait3A_339 : memref<1x128xi32, #tpu.memory_space<vmem>> -> memref<128xi32, #tpu.memory_space<vmem>>
        %dma_wait3A_341 = arith.constant 0 : i32
        %dma_wait3A_342 = arith.constant 0 : i32
        %dma_wait3A_343 = tpu.memref_slice %arg14[%dma_wait3A_341, %dma_wait3A_342] : memref<10240x32xf32, #tpu.memory_space<vmem_shared>> -> memref<10240x32xf32, #tpu.memory_space<vmem_shared>>
        tpu.wait_indirect_dma semaphore(%run_scoped3A_323 : memref<!tpu.dma_semaphore, #tpu.memory_space<semaphore_mem>>) src(%dma_wait3A_337 : memref<128x32xf32, #tpu.memory_space<vmem>>) dst(%dma_wait3A_343 : memref<10240x32xf32, #tpu.memory_space<vmem_shared>>)
        tpu.yield
      }) : () -> ()
      %add3A_309 = arith.constant 4 : i32
      %add3A_310 = arith.addi %add3A_295, %add3A_309 : i32
      %rem3A_311 = arith.remsi %add3A_310, %select_n3A : i32
      %dma_start3A_312 = arith.constant 3 : i32
      %dma_start3A_313 = arith.constant 0 : i32
      %dma_start3A_314 = arith.constant 0 : i32
      %dma_start3A_315 = tpu.memref_slice %arg8[%dma_start3A_312, %dma_start3A_313, %dma_start3A_314] : memref<4x128x32xf32, #tpu.memory_space<vmem>> -> memref<1x128x32xf32, #tpu.memory_space<vmem>>
      %dma_start3A_316 = tpu.memref_squeeze %dma_start3A_315 : memref<1x128x32xf32, #tpu.memory_space<vmem>> -> memref<128x32xf32, #tpu.memory_space<vmem>>
      %dma_start3A_317 = arith.constant 0 : i32
      %dma_start3A_318 = tpu.memref_slice %arg6[%rem3A_311, %dma_start3A_317] : memref<128x128xi32, #tpu.memory_space<vmem>> -> memref<1x128xi32, #tpu.memory_space<vmem>>
      %dma_start3A_319 = tpu.memref_squeeze %dma_start3A_318 : memref<1x128xi32, #tpu.memory_space<vmem>> -> memref<128xi32, #tpu.memory_space<vmem>>
      %dma_start3A_320 = arith.constant 0 : i32
      %dma_start3A_321 = arith.constant 0 : i32
      %dma_start3A_322 = tpu.memref_slice %arg4[%dma_start3A_320, %dma_start3A_321] : memref<10000x32xf32, #tpu.memory_space<hbm>> -> memref<10000x32xf32, #tpu.memory_space<hbm>>
      tpu.enqueue_indirect_dma source(%dma_start3A_322 : memref<10000x32xf32, #tpu.memory_space<hbm>>) target(%dma_start3A_316 : memref<128x32xf32, #tpu.memory_space<vmem>>) offsets(%dma_start3A_319 : memref<128xi32, #tpu.memory_space<vmem>>) semaphore(%arg13 : memref<!tpu.dma_semaphore, #tpu.memory_space<semaphore_mem>>)
    }
    %while3A_110 = arith.constant 1 : i32
    scf.for %while3A_199 = %while3A_108 to %while3A_104 step %while3A_110  : i32 {
      %mul3A_200 = arith.constant 4 : i32
      %mul3A_201 = arith.muli %while3A_199, %mul3A_200 : i32
      %add3A_202 = arith.constant 0 : i32
      %add3A_203 = arith.addi %mul3A_201, %add3A_202 : i32
      %dma_wait3A_204 = arith.constant 0 : i32
      %dma_wait3A_205 = arith.constant 0 : i32
      %dma_wait3A_206 = arith.constant 0 : i32
      %dma_wait3A_207 = arith.constant 0 : i32
      %dma_wait3A_208 = tpu.memref_slice %arg8[%dma_wait3A_205, %dma_wait3A_206, %dma_wait3A_207] : memref<4x128x32xf32, #tpu.memory_space<vmem>> -> memref<1x128x32xf32, #tpu.memory_space<vmem>>
      %dma_wait3A_209 = tpu.memref_squeeze %dma_wait3A_208 : memref<1x128x32xf32, #tpu.memory_space<vmem>> -> memref<128x32xf32, #tpu.memory_space<vmem>>
      %dma_wait3A_210 = arith.constant 0 : i32
      %dma_wait3A_211 = tpu.memref_slice %arg6[%dma_wait3A_204, %dma_wait3A_210] : memref<128x128xi32, #tpu.memory_space<vmem>> -> memref<1x128xi32, #tpu.memory_space<vmem>>
      %dma_wait3A_212 = tpu.memref_squeeze %dma_wait3A_211 : memref<1x128xi32, #tpu.memory_space<vmem>> -> memref<128xi32, #tpu.memory_space<vmem>>
      %dma_wait3A_213 = arith.constant 0 : i32
      %dma_wait3A_214 = arith.constant 0 : i32
      %dma_wait3A_215 = tpu.memref_slice %arg4[%dma_wait3A_213, %dma_wait3A_214] : memref<10000x32xf32, #tpu.memory_space<hbm>> -> memref<10000x32xf32, #tpu.memory_space<hbm>>
      tpu.wait_indirect_dma semaphore(%arg10 : memref<!tpu.dma_semaphore, #tpu.memory_space<semaphore_mem>>) src(%dma_wait3A_215 : memref<10000x32xf32, #tpu.memory_space<hbm>>) dst(%dma_wait3A_209 : memref<128x32xf32, #tpu.memory_space<vmem>>)
      %run_scoped3A = arith.constant 0 : i32
      "tpu.region"() ({
        %run_scoped3A_323 = tpu.sem_alloc : memref<!tpu.dma_semaphore, #tpu.memory_space<semaphore_mem>>
        %dma_start3A_324 = arith.constant 0 : i32
        %dma_start3A_325 = arith.constant 0 : i32
        %dma_start3A_326 = tpu.memref_slice %arg8[%run_scoped3A, %dma_start3A_324, %dma_start3A_325] : memref<4x128x32xf32, #tpu.memory_space<vmem>> -> memref<1x128x32xf32, #tpu.memory_space<vmem>>
        %dma_start3A_327 = tpu.memref_squeeze %dma_start3A_326 : memref<1x128x32xf32, #tpu.memory_space<vmem>> -> memref<128x32xf32, #tpu.memory_space<vmem>>
        %dma_start3A_328 = arith.constant 0 : i32
        %dma_start3A_329 = tpu.memref_slice %arg7[%add3A_203, %dma_start3A_328] : memref<128x128xi32, #tpu.memory_space<vmem>> -> memref<1x128xi32, #tpu.memory_space<vmem>>
        %dma_start3A_330 = tpu.memref_squeeze %dma_start3A_329 : memref<1x128xi32, #tpu.memory_space<vmem>> -> memref<128xi32, #tpu.memory_space<vmem>>
        %dma_start3A_331 = arith.constant 0 : i32
        %dma_start3A_332 = arith.constant 0 : i32
        %dma_start3A_333 = tpu.memref_slice %arg14[%dma_start3A_331, %dma_start3A_332] : memref<10240x32xf32, #tpu.memory_space<vmem_shared>> -> memref<10240x32xf32, #tpu.memory_space<vmem_shared>>
        tpu.enqueue_indirect_dma source(%dma_start3A_327 : memref<128x32xf32, #tpu.memory_space<vmem>>) target(%dma_start3A_333 : memref<10240x32xf32, #tpu.memory_space<vmem_shared>>) offsets(%dma_start3A_330 : memref<128xi32, #tpu.memory_space<vmem>>) semaphore(%run_scoped3A_323 : memref<!tpu.dma_semaphore, #tpu.memory_space<semaphore_mem>>) {add = true}
        %dma_wait3A_334 = arith.constant 0 : i32
        %dma_wait3A_335 = arith.constant 0 : i32
        %dma_wait3A_336 = tpu.memref_slice %arg8[%run_scoped3A, %dma_wait3A_334, %dma_wait3A_335] : memref<4x128x32xf32, #tpu.memory_space<vmem>> -> memref<1x128x32xf32, #tpu.memory_space<vmem>>
        %dma_wait3A_337 = tpu.memref_squeeze %dma_wait3A_336 : memref<1x128x32xf32, #tpu.memory_space<vmem>> -> memref<128x32xf32, #tpu.memory_space<vmem>>
        %dma_wait3A_338 = arith.constant 0 : i32
        %dma_wait3A_339 = tpu.memref_slice %arg7[%add3A_203, %dma_wait3A_338] : memref<128x128xi32, #tpu.memory_space<vmem>> -> memref<1x128xi32, #tpu.memory_space<vmem>>
        %dma_wait3A_340 = tpu.memref_squeeze %dma_wait3A_339 : memref<1x128xi32, #tpu.memory_space<vmem>> -> memref<128xi32, #tpu.memory_space<vmem>>
        %dma_wait3A_341 = arith.constant 0 : i32
        %dma_wait3A_342 = arith.constant 0 : i32
        %dma_wait3A_343 = tpu.memref_slice %arg14[%dma_wait3A_341, %dma_wait3A_342] : memref<10240x32xf32, #tpu.memory_space<vmem_shared>> -> memref<10240x32xf32, #tpu.memory_space<vmem_shared>>
        tpu.wait_indirect_dma semaphore(%run_scoped3A_323 : memref<!tpu.dma_semaphore, #tpu.memory_space<semaphore_mem>>) src(%dma_wait3A_337 : memref<128x32xf32, #tpu.memory_space<vmem>>) dst(%dma_wait3A_343 : memref<10240x32xf32, #tpu.memory_space<vmem_shared>>)
        tpu.yield
      }) : () -> ()
      %add3A_216 = arith.constant 4 : i32
      %add3A_217 = arith.addi %add3A_203, %add3A_216 : i32
      %rem3A_218 = arith.remsi %add3A_217, %select_n3A : i32
      %dma_start3A_219 = arith.constant 0 : i32
      %dma_start3A_220 = arith.constant 0 : i32
      %dma_start3A_221 = arith.constant 0 : i32
      %dma_start3A_222 = tpu.memref_slice %arg8[%dma_start3A_219, %dma_start3A_220, %dma_start3A_221] : memref<4x128x32xf32, #tpu.memory_space<vmem>> -> memref<1x128x32xf32, #tpu.memory_space<vmem>>
      %dma_start3A_223 = tpu.memref_squeeze %dma_start3A_222 : memref<1x128x32xf32, #tpu.memory_space<vmem>> -> memref<128x32xf32, #tpu.memory_space<vmem>>
      %dma_start3A_224 = arith.constant 0 : i32
      %dma_start3A_225 = tpu.memref_slice %arg6[%rem3A_218, %dma_start3A_224] : memref<128x128xi32, #tpu.memory_space<vmem>> -> memref<1x128xi32, #tpu.memory_space<vmem>>
      %dma_start3A_226 = tpu.memref_squeeze %dma_start3A_225 : memref<1x128xi32, #tpu.memory_space<vmem>> -> memref<128xi32, #tpu.memory_space<vmem>>
      %dma_start3A_227 = arith.constant 0 : i32
      %dma_start3A_228 = arith.constant 0 : i32
      %dma_start3A_229 = tpu.memref_slice %arg4[%dma_start3A_227, %dma_start3A_228] : memref<10000x32xf32, #tpu.memory_space<hbm>> -> memref<10000x32xf32, #tpu.memory_space<hbm>>
      tpu.enqueue_indirect_dma source(%dma_start3A_229 : memref<10000x32xf32, #tpu.memory_space<hbm>>) target(%dma_start3A_223 : memref<128x32xf32, #tpu.memory_space<vmem>>) offsets(%dma_start3A_226 : memref<128xi32, #tpu.memory_space<vmem>>) semaphore(%arg10 : memref<!tpu.dma_semaphore, #tpu.memory_space<semaphore_mem>>)
      %mul3A_230 = arith.constant 4 : i32
      %mul3A_231 = arith.muli %while3A_199, %mul3A_230 : i32
      %add3A_232 = arith.constant 1 : i32
      %add3A_233 = arith.addi %mul3A_231, %add3A_232 : i32
      %dma_wait3A_234 = arith.constant 1 : i32
      %dma_wait3A_235 = arith.constant 1 : i32
      %dma_wait3A_236 = arith.constant 0 : i32
      %dma_wait3A_237 = arith.constant 0 : i32
      %dma_wait3A_238 = tpu.memref_slice %arg8[%dma_wait3A_235, %dma_wait3A_236, %dma_wait3A_237] : memref<4x128x32xf32, #tpu.memory_space<vmem>> -> memref<1x128x32xf32, #tpu.memory_space<vmem>>
      %dma_wait3A_239 = tpu.memref_squeeze %dma_wait3A_238 : memref<1x128x32xf32, #tpu.memory_space<vmem>> -> memref<128x32xf32, #tpu.memory_space<vmem>>
      %dma_wait3A_240 = arith.constant 0 : i32
      %dma_wait3A_241 = tpu.memref_slice %arg6[%dma_wait3A_234, %dma_wait3A_240] : memref<128x128xi32, #tpu.memory_space<vmem>> -> memref<1x128xi32, #tpu.memory_space<vmem>>
      %dma_wait3A_242 = tpu.memref_squeeze %dma_wait3A_241 : memref<1x128xi32, #tpu.memory_space<vmem>> -> memref<128xi32, #tpu.memory_space<vmem>>
      %dma_wait3A_243 = arith.constant 0 : i32
      %dma_wait3A_244 = arith.constant 0 : i32
      %dma_wait3A_245 = tpu.memref_slice %arg4[%dma_wait3A_243, %dma_wait3A_244] : memref<10000x32xf32, #tpu.memory_space<hbm>> -> memref<10000x32xf32, #tpu.memory_space<hbm>>
      tpu.wait_indirect_dma semaphore(%arg11 : memref<!tpu.dma_semaphore, #tpu.memory_space<semaphore_mem>>) src(%dma_wait3A_245 : memref<10000x32xf32, #tpu.memory_space<hbm>>) dst(%dma_wait3A_239 : memref<128x32xf32, #tpu.memory_space<vmem>>)
      %run_scoped3A_246 = arith.constant 1 : i32
      "tpu.region"() ({
        %run_scoped3A_323 = tpu.sem_alloc : memref<!tpu.dma_semaphore, #tpu.memory_space<semaphore_mem>>
        %dma_start3A_324 = arith.constant 0 : i32
        %dma_start3A_325 = arith.constant 0 : i32
        %dma_start3A_326 = tpu.memref_slice %arg8[%run_scoped3A_246, %dma_start3A_324, %dma_start3A_325] : memref<4x128x32xf32, #tpu.memory_space<vmem>> -> memref<1x128x32xf32, #tpu.memory_space<vmem>>
        %dma_start3A_327 = tpu.memref_squeeze %dma_start3A_326 : memref<1x128x32xf32, #tpu.memory_space<vmem>> -> memref<128x32xf32, #tpu.memory_space<vmem>>
        %dma_start3A_328 = arith.constant 0 : i32
        %dma_start3A_329 = tpu.memref_slice %arg7[%add3A_233, %dma_start3A_328] : memref<128x128xi32, #tpu.memory_space<vmem>> -> memref<1x128xi32, #tpu.memory_space<vmem>>
        %dma_start3A_330 = tpu.memref_squeeze %dma_start3A_329 : memref<1x128xi32, #tpu.memory_space<vmem>> -> memref<128xi32, #tpu.memory_space<vmem>>
        %dma_start3A_331 = arith.constant 0 : i32
        %dma_start3A_332 = arith.constant 0 : i32
        %dma_start3A_333 = tpu.memref_slice %arg14[%dma_start3A_331, %dma_start3A_332] : memref<10240x32xf32, #tpu.memory_space<vmem_shared>> -> memref<10240x32xf32, #tpu.memory_space<vmem_shared>>
        tpu.enqueue_indirect_dma source(%dma_start3A_327 : memref<128x32xf32, #tpu.memory_space<vmem>>) target(%dma_start3A_333 : memref<10240x32xf32, #tpu.memory_space<vmem_shared>>) offsets(%dma_start3A_330 : memref<128xi32, #tpu.memory_space<vmem>>) semaphore(%run_scoped3A_323 : memref<!tpu.dma_semaphore, #tpu.memory_space<semaphore_mem>>) {add = true}
        %dma_wait3A_334 = arith.constant 0 : i32
        %dma_wait3A_335 = arith.constant 0 : i32
        %dma_wait3A_336 = tpu.memref_slice %arg8[%run_scoped3A_246, %dma_wait3A_334, %dma_wait3A_335] : memref<4x128x32xf32, #tpu.memory_space<vmem>> -> memref<1x128x32xf32, #tpu.memory_space<vmem>>
        %dma_wait3A_337 = tpu.memref_squeeze %dma_wait3A_336 : memref<1x128x32xf32, #tpu.memory_space<vmem>> -> memref<128x32xf32, #tpu.memory_space<vmem>>
        %dma_wait3A_338 = arith.constant 0 : i32
        %dma_wait3A_339 = tpu.memref_slice %arg7[%add3A_233, %dma_wait3A_338] : memref<128x128xi32, #tpu.memory_space<vmem>> -> memref<1x128xi32, #tpu.memory_space<vmem>>
        %dma_wait3A_340 = tpu.memref_squeeze %dma_wait3A_339 : memref<1x128xi32, #tpu.memory_space<vmem>> -> memref<128xi32, #tpu.memory_space<vmem>>
        %dma_wait3A_341 = arith.constant 0 : i32
        %dma_wait3A_342 = arith.constant 0 : i32
        %dma_wait3A_343 = tpu.memref_slice %arg14[%dma_wait3A_341, %dma_wait3A_342] : memref<10240x32xf32, #tpu.memory_space<vmem_shared>> -> memref<10240x32xf32, #tpu.memory_space<vmem_shared>>
        tpu.wait_indirect_dma semaphore(%run_scoped3A_323 : memref<!tpu.dma_semaphore, #tpu.memory_space<semaphore_mem>>) src(%dma_wait3A_337 : memref<128x32xf32, #tpu.memory_space<vmem>>) dst(%dma_wait3A_343 : memref<10240x32xf32, #tpu.memory_space<vmem_shared>>)
        tpu.yield
      }) : () -> ()
      %add3A_247 = arith.constant 4 : i32
      %add3A_248 = arith.addi %add3A_233, %add3A_247 : i32
      %rem3A_249 = arith.remsi %add3A_248, %select_n3A : i32
      %dma_start3A_250 = arith.constant 1 : i32
      %dma_start3A_251 = arith.constant 0 : i32
      %dma_start3A_252 = arith.constant 0 : i32
      %dma_start3A_253 = tpu.memref_slice %arg8[%dma_start3A_250, %dma_start3A_251, %dma_start3A_252] : memref<4x128x32xf32, #tpu.memory_space<vmem>> -> memref<1x128x32xf32, #tpu.memory_space<vmem>>
      %dma_start3A_254 = tpu.memref_squeeze %dma_start3A_253 : memref<1x128x32xf32, #tpu.memory_space<vmem>> -> memref<128x32xf32, #tpu.memory_space<vmem>>
      %dma_start3A_255 = arith.constant 0 : i32
      %dma_start3A_256 = tpu.memref_slice %arg6[%rem3A_249, %dma_start3A_255] : memref<128x128xi32, #tpu.memory_space<vmem>> -> memref<1x128xi32, #tpu.memory_space<vmem>>
      %dma_start3A_257 = tpu.memref_squeeze %dma_start3A_256 : memref<1x128xi32, #tpu.memory_space<vmem>> -> memref<128xi32, #tpu.memory_space<vmem>>
      %dma_start3A_258 = arith.constant 0 : i32
      %dma_start3A_259 = arith.constant 0 : i32
      %dma_start3A_260 = tpu.memref_slice %arg4[%dma_start3A_258, %dma_start3A_259] : memref<10000x32xf32, #tpu.memory_space<hbm>> -> memref<10000x32xf32, #tpu.memory_space<hbm>>
      tpu.enqueue_indirect_dma source(%dma_start3A_260 : memref<10000x32xf32, #tpu.memory_space<hbm>>) target(%dma_start3A_254 : memref<128x32xf32, #tpu.memory_space<vmem>>) offsets(%dma_start3A_257 : memref<128xi32, #tpu.memory_space<vmem>>) semaphore(%arg11 : memref<!tpu.dma_semaphore, #tpu.memory_space<semaphore_mem>>)
      %mul3A_261 = arith.constant 4 : i32
      %mul3A_262 = arith.muli %while3A_199, %mul3A_261 : i32
      %add3A_263 = arith.constant 2 : i32
      %add3A_264 = arith.addi %mul3A_262, %add3A_263 : i32
      %dma_wait3A_265 = arith.constant 2 : i32
      %dma_wait3A_266 = arith.constant 2 : i32
      %dma_wait3A_267 = arith.constant 0 : i32
      %dma_wait3A_268 = arith.constant 0 : i32
      %dma_wait3A_269 = tpu.memref_slice %arg8[%dma_wait3A_266, %dma_wait3A_267, %dma_wait3A_268] : memref<4x128x32xf32, #tpu.memory_space<vmem>> -> memref<1x128x32xf32, #tpu.memory_space<vmem>>
      %dma_wait3A_270 = tpu.memref_squeeze %dma_wait3A_269 : memref<1x128x32xf32, #tpu.memory_space<vmem>> -> memref<128x32xf32, #tpu.memory_space<vmem>>
      %dma_wait3A_271 = arith.constant 0 : i32
      %dma_wait3A_272 = tpu.memref_slice %arg6[%dma_wait3A_265, %dma_wait3A_271] : memref<128x128xi32, #tpu.memory_space<vmem>> -> memref<1x128xi32, #tpu.memory_space<vmem>>
      %dma_wait3A_273 = tpu.memref_squeeze %dma_wait3A_272 : memref<1x128xi32, #tpu.memory_space<vmem>> -> memref<128xi32, #tpu.memory_space<vmem>>
      %dma_wait3A_274 = arith.constant 0 : i32
      %dma_wait3A_275 = arith.constant 0 : i32
      %dma_wait3A_276 = tpu.memref_slice %arg4[%dma_wait3A_274, %dma_wait3A_275] : memref<10000x32xf32, #tpu.memory_space<hbm>> -> memref<10000x32xf32, #tpu.memory_space<hbm>>
      tpu.wait_indirect_dma semaphore(%arg12 : memref<!tpu.dma_semaphore, #tpu.memory_space<semaphore_mem>>) src(%dma_wait3A_276 : memref<10000x32xf32, #tpu.memory_space<hbm>>) dst(%dma_wait3A_270 : memref<128x32xf32, #tpu.memory_space<vmem>>)
      %run_scoped3A_277 = arith.constant 2 : i32
      "tpu.region"() ({
        %run_scoped3A_323 = tpu.sem_alloc : memref<!tpu.dma_semaphore, #tpu.memory_space<semaphore_mem>>
        %dma_start3A_324 = arith.constant 0 : i32
        %dma_start3A_325 = arith.constant 0 : i32
        %dma_start3A_326 = tpu.memref_slice %arg8[%run_scoped3A_277, %dma_start3A_324, %dma_start3A_325] : memref<4x128x32xf32, #tpu.memory_space<vmem>> -> memref<1x128x32xf32, #tpu.memory_space<vmem>>
        %dma_start3A_327 = tpu.memref_squeeze %dma_start3A_326 : memref<1x128x32xf32, #tpu.memory_space<vmem>> -> memref<128x32xf32, #tpu.memory_space<vmem>>
        %dma_start3A_328 = arith.constant 0 : i32
        %dma_start3A_329 = tpu.memref_slice %arg7[%add3A_264, %dma_start3A_328] : memref<128x128xi32, #tpu.memory_space<vmem>> -> memref<1x128xi32, #tpu.memory_space<vmem>>
        %dma_start3A_330 = tpu.memref_squeeze %dma_start3A_329 : memref<1x128xi32, #tpu.memory_space<vmem>> -> memref<128xi32, #tpu.memory_space<vmem>>
        %dma_start3A_331 = arith.constant 0 : i32
        %dma_start3A_332 = arith.constant 0 : i32
        %dma_start3A_333 = tpu.memref_slice %arg14[%dma_start3A_331, %dma_start3A_332] : memref<10240x32xf32, #tpu.memory_space<vmem_shared>> -> memref<10240x32xf32, #tpu.memory_space<vmem_shared>>
        tpu.enqueue_indirect_dma source(%dma_start3A_327 : memref<128x32xf32, #tpu.memory_space<vmem>>) target(%dma_start3A_333 : memref<10240x32xf32, #tpu.memory_space<vmem_shared>>) offsets(%dma_start3A_330 : memref<128xi32, #tpu.memory_space<vmem>>) semaphore(%run_scoped3A_323 : memref<!tpu.dma_semaphore, #tpu.memory_space<semaphore_mem>>) {add = true}
        %dma_wait3A_334 = arith.constant 0 : i32
        %dma_wait3A_335 = arith.constant 0 : i32
        %dma_wait3A_336 = tpu.memref_slice %arg8[%run_scoped3A_277, %dma_wait3A_334, %dma_wait3A_335] : memref<4x128x32xf32, #tpu.memory_space<vmem>> -> memref<1x128x32xf32, #tpu.memory_space<vmem>>
        %dma_wait3A_337 = tpu.memref_squeeze %dma_wait3A_336 : memref<1x128x32xf32, #tpu.memory_space<vmem>> -> memref<128x32xf32, #tpu.memory_space<vmem>>
        %dma_wait3A_338 = arith.constant 0 : i32
        %dma_wait3A_339 = tpu.memref_slice %arg7[%add3A_264, %dma_wait3A_338] : memref<128x128xi32, #tpu.memory_space<vmem>> -> memref<1x128xi32, #tpu.memory_space<vmem>>
        %dma_wait3A_340 = tpu.memref_squeeze %dma_wait3A_339 : memref<1x128xi32, #tpu.memory_space<vmem>> -> memref<128xi32, #tpu.memory_space<vmem>>
        %dma_wait3A_341 = arith.constant 0 : i32
        %dma_wait3A_342 = arith.constant 0 : i32
        %dma_wait3A_343 = tpu.memref_slice %arg14[%dma_wait3A_341, %dma_wait3A_342] : memref<10240x32xf32, #tpu.memory_space<vmem_shared>> -> memref<10240x32xf32, #tpu.memory_space<vmem_shared>>
        tpu.wait_indirect_dma semaphore(%run_scoped3A_323 : memref<!tpu.dma_semaphore, #tpu.memory_space<semaphore_mem>>) src(%dma_wait3A_337 : memref<128x32xf32, #tpu.memory_space<vmem>>) dst(%dma_wait3A_343 : memref<10240x32xf32, #tpu.memory_space<vmem_shared>>)
        tpu.yield
      }) : () -> ()
      %add3A_278 = arith.constant 4 : i32
      %add3A_279 = arith.addi %add3A_264, %add3A_278 : i32
      %rem3A_280 = arith.remsi %add3A_279, %select_n3A : i32
      %dma_start3A_281 = arith.constant 2 : i32
      %dma_start3A_282 = arith.constant 0 : i32
      %dma_start3A_283 = arith.constant 0 : i32
      %dma_start3A_284 = tpu.memref_slice %arg8[%dma_start3A_281, %dma_start3A_282, %dma_start3A_283] : memref<4x128x32xf32, #tpu.memory_space<vmem>> -> memref<1x128x32xf32, #tpu.memory_space<vmem>>
      %dma_start3A_285 = tpu.memref_squeeze %dma_start3A_284 : memref<1x128x32xf32, #tpu.memory_space<vmem>> -> memref<128x32xf32, #tpu.memory_space<vmem>>
      %dma_start3A_286 = arith.constant 0 : i32
      %dma_start3A_287 = tpu.memref_slice %arg6[%rem3A_280, %dma_start3A_286] : memref<128x128xi32, #tpu.memory_space<vmem>> -> memref<1x128xi32, #tpu.memory_space<vmem>>
      %dma_start3A_288 = tpu.memref_squeeze %dma_start3A_287 : memref<1x128xi32, #tpu.memory_space<vmem>> -> memref<128xi32, #tpu.memory_space<vmem>>
      %dma_start3A_289 = arith.constant 0 : i32
      %dma_start3A_290 = arith.constant 0 : i32
      %dma_start3A_291 = tpu.memref_slice %arg4[%dma_start3A_289, %dma_start3A_290] : memref<10000x32xf32, #tpu.memory_space<hbm>> -> memref<10000x32xf32, #tpu.memory_space<hbm>>
      tpu.enqueue_indirect_dma source(%dma_start3A_291 : memref<10000x32xf32, #tpu.memory_space<hbm>>) target(%dma_start3A_285 : memref<128x32xf32, #tpu.memory_space<vmem>>) offsets(%dma_start3A_288 : memref<128xi32, #tpu.memory_space<vmem>>) semaphore(%arg12 : memref<!tpu.dma_semaphore, #tpu.memory_space<semaphore_mem>>)
      %mul3A_292 = arith.constant 4 : i32
      %mul3A_293 = arith.muli %while3A_199, %mul3A_292 : i32
      %add3A_294 = arith.constant 3 : i32
      %add3A_295 = arith.addi %mul3A_293, %add3A_294 : i32
      %dma_wait3A_296 = arith.constant 3 : i32
      %dma_wait3A_297 = arith.constant 3 : i32
      %dma_wait3A_298 = arith.constant 0 : i32
      %dma_wait3A_299 = arith.constant 0 : i32
      %dma_wait3A_300 = tpu.memref_slice %arg8[%dma_wait3A_297, %dma_wait3A_298, %dma_wait3A_299] : memref<4x128x32xf32, #tpu.memory_space<vmem>> -> memref<1x128x32xf32, #tpu.memory_space<vmem>>
      %dma_wait3A_301 = tpu.memref_squeeze %dma_wait3A_300 : memref<1x128x32xf32, #tpu.memory_space<vmem>> -> memref<128x32xf32, #tpu.memory_space<vmem>>
      %dma_wait3A_302 = arith.constant 0 : i32
      %dma_wait3A_303 = tpu.memref_slice %arg6[%dma_wait3A_296, %dma_wait3A_302] : memref<128x128xi32, #tpu.memory_space<vmem>> -> memref<1x128xi32, #tpu.memory_space<vmem>>
      %dma_wait3A_304 = tpu.memref_squeeze %dma_wait3A_303 : memref<1x128xi32, #tpu.memory_space<vmem>> -> memref<128xi32, #tpu.memory_space<vmem>>
      %dma_wait3A_305 = arith.constant 0 : i32
      %dma_wait3A_306 = arith.constant 0 : i32
      %dma_wait3A_307 = tpu.memref_slice %arg4[%dma_wait3A_305, %dma_wait3A_306] : memref<10000x32xf32, #tpu.memory_space<hbm>> -> memref<10000x32xf32, #tpu.memory_space<hbm>>
      tpu.wait_indirect_dma semaphore(%arg13 : memref<!tpu.dma_semaphore, #tpu.memory_space<semaphore_mem>>) src(%dma_wait3A_307 : memref<10000x32xf32, #tpu.memory_space<hbm>>) dst(%dma_wait3A_301 : memref<128x32xf32, #tpu.memory_space<vmem>>)
      %run_scoped3A_308 = arith.constant 3 : i32
      "tpu.region"() ({
        %run_scoped3A_323 = tpu.sem_alloc : memref<!tpu.dma_semaphore, #tpu.memory_space<semaphore_mem>>
        %dma_start3A_324 = arith.constant 0 : i32
        %dma_start3A_325 = arith.constant 0 : i32
        %dma_start3A_326 = tpu.memref_slice %arg8[%run_scoped3A_308, %dma_start3A_324, %dma_start3A_325] : memref<4x128x32xf32, #tpu.memory_space<vmem>> -> memref<1x128x32xf32, #tpu.memory_space<vmem>>
        %dma_start3A_327 = tpu.memref_squeeze %dma_start3A_326 : memref<1x128x32xf32, #tpu.memory_space<vmem>> -> memref<128x32xf32, #tpu.memory_space<vmem>>
        %dma_start3A_328 = arith.constant 0 : i32
        %dma_start3A_329 = tpu.memref_slice %arg7[%add3A_295, %dma_start3A_328] : memref<128x128xi32, #tpu.memory_space<vmem>> -> memref<1x128xi32, #tpu.memory_space<vmem>>
        %dma_start3A_330 = tpu.memref_squeeze %dma_start3A_329 : memref<1x128xi32, #tpu.memory_space<vmem>> -> memref<128xi32, #tpu.memory_space<vmem>>
        %dma_start3A_331 = arith.constant 0 : i32
        %dma_start3A_332 = arith.constant 0 : i32
        %dma_start3A_333 = tpu.memref_slice %arg14[%dma_start3A_331, %dma_start3A_332] : memref<10240x32xf32, #tpu.memory_space<vmem_shared>> -> memref<10240x32xf32, #tpu.memory_space<vmem_shared>>
        tpu.enqueue_indirect_dma source(%dma_start3A_327 : memref<128x32xf32, #tpu.memory_space<vmem>>) target(%dma_start3A_333 : memref<10240x32xf32, #tpu.memory_space<vmem_shared>>) offsets(%dma_start3A_330 : memref<128xi32, #tpu.memory_space<vmem>>) semaphore(%run_scoped3A_323 : memref<!tpu.dma_semaphore, #tpu.memory_space<semaphore_mem>>) {add = true}
        %dma_wait3A_334 = arith.constant 0 : i32
        %dma_wait3A_335 = arith.constant 0 : i32
        %dma_wait3A_336 = tpu.memref_slice %arg8[%run_scoped3A_308, %dma_wait3A_334, %dma_wait3A_335] : memref<4x128x32xf32, #tpu.memory_space<vmem>> -> memref<1x128x32xf32, #tpu.memory_space<vmem>>
        %dma_wait3A_337 = tpu.memref_squeeze %dma_wait3A_336 : memref<1x128x32xf32, #tpu.memory_space<vmem>> -> memref<128x32xf32, #tpu.memory_space<vmem>>
        %dma_wait3A_338 = arith.constant 0 : i32
        %dma_wait3A_339 = tpu.memref_slice %arg7[%add3A_295, %dma_wait3A_338] : memref<128x128xi32, #tpu.memory_space<vmem>> -> memref<1x128xi32, #tpu.memory_space<vmem>>
        %dma_wait3A_340 = tpu.memref_squeeze %dma_wait3A_339 : memref<1x128xi32, #tpu.memory_space<vmem>> -> memref<128xi32, #tpu.memory_space<vmem>>
        %dma_wait3A_341 = arith.constant 0 : i32
        %dma_wait3A_342 = arith.constant 0 : i32
        %dma_wait3A_343 = tpu.memref_slice %arg14[%dma_wait3A_341, %dma_wait3A_342] : memref<10240x32xf32, #tpu.memory_space<vmem_shared>> -> memref<10240x32xf32, #tpu.memory_space<vmem_shared>>
        tpu.wait_indirect_dma semaphore(%run_scoped3A_323 : memref<!tpu.dma_semaphore, #tpu.memory_space<semaphore_mem>>) src(%dma_wait3A_337 : memref<128x32xf32, #tpu.memory_space<vmem>>) dst(%dma_wait3A_343 : memref<10240x32xf32, #tpu.memory_space<vmem_shared>>)
        tpu.yield
      }) : () -> ()
      %add3A_309 = arith.constant 4 : i32
      %add3A_310 = arith.addi %add3A_295, %add3A_309 : i32
      %rem3A_311 = arith.remsi %add3A_310, %select_n3A : i32
      %dma_start3A_312 = arith.constant 3 : i32
      %dma_start3A_313 = arith.constant 0 : i32
      %dma_start3A_314 = arith.constant 0 : i32
      %dma_start3A_315 = tpu.memref_slice %arg8[%dma_start3A_312, %dma_start3A_313, %dma_start3A_314] : memref<4x128x32xf32, #tpu.memory_space<vmem>> -> memref<1x128x32xf32, #tpu.memory_space<vmem>>
      %dma_start3A_316 = tpu.memref_squeeze %dma_start3A_315 : memref<1x128x32xf32, #tpu.memory_space<vmem>> -> memref<128x32xf32, #tpu.memory_space<vmem>>
      %dma_start3A_317 = arith.constant 0 : i32
      %dma_start3A_318 = tpu.memref_slice %arg6[%rem3A_311, %dma_start3A_317] : memref<128x128xi32, #tpu.memory_space<vmem>> -> memref<1x128xi32, #tpu.memory_space<vmem>>
      %dma_start3A_319 = tpu.memref_squeeze %dma_start3A_318 : memref<1x128xi32, #tpu.memory_space<vmem>> -> memref<128xi32, #tpu.memory_space<vmem>>
      %dma_start3A_320 = arith.constant 0 : i32
      %dma_start3A_321 = arith.constant 0 : i32
      %dma_start3A_322 = tpu.memref_slice %arg4[%dma_start3A_320, %dma_start3A_321] : memref<10000x32xf32, #tpu.memory_space<hbm>> -> memref<10000x32xf32, #tpu.memory_space<hbm>>
      tpu.enqueue_indirect_dma source(%dma_start3A_322 : memref<10000x32xf32, #tpu.memory_space<hbm>>) target(%dma_start3A_316 : memref<128x32xf32, #tpu.memory_space<vmem>>) offsets(%dma_start3A_319 : memref<128xi32, #tpu.memory_space<vmem>>) semaphore(%arg13 : memref<!tpu.dma_semaphore, #tpu.memory_space<semaphore_mem>>)
    }
    %dma_wait3A = arith.constant 0 : i32
    %dma_wait3A_111 = arith.constant 0 : i32
    %dma_wait3A_112 = arith.constant 0 : i32
    %dma_wait3A_113 = arith.constant 0 : i32
    %dma_wait3A_114 = tpu.memref_slice %arg8[%dma_wait3A_111, %dma_wait3A_112, %dma_wait3A_113] : memref<4x128x32xf32, #tpu.memory_space<vmem>> -> memref<1x128x32xf32, #tpu.memory_space<vmem>>
    %dma_wait3A_115 = tpu.memref_squeeze %dma_wait3A_114 : memref<1x128x32xf32, #tpu.memory_space<vmem>> -> memref<128x32xf32, #tpu.memory_space<vmem>>
    %dma_wait3A_116 = arith.constant 0 : i32
    %dma_wait3A_117 = tpu.memref_slice %arg6[%dma_wait3A, %dma_wait3A_116] : memref<128x128xi32, #tpu.memory_space<vmem>> -> memref<1x128xi32, #tpu.memory_space<vmem>>
    %dma_wait3A_118 = tpu.memref_squeeze %dma_wait3A_117 : memref<1x128xi32, #tpu.memory_space<vmem>> -> memref<128xi32, #tpu.memory_space<vmem>>
    %dma_wait3A_119 = arith.constant 0 : i32
    %dma_wait3A_120 = arith.constant 0 : i32
    %dma_wait3A_121 = tpu.memref_slice %arg4[%dma_wait3A_119, %dma_wait3A_120] : memref<10000x32xf32, #tpu.memory_space<hbm>> -> memref<10000x32xf32, #tpu.memory_space<hbm>>
    tpu.wait_indirect_dma semaphore(%arg10 : memref<!tpu.dma_semaphore, #tpu.memory_space<semaphore_mem>>) src(%dma_wait3A_121 : memref<10000x32xf32, #tpu.memory_space<hbm>>) dst(%dma_wait3A_115 : memref<128x32xf32, #tpu.memory_space<vmem>>)
    %dma_wait3A_122 = arith.constant 1 : i32
    %dma_wait3A_123 = arith.constant 1 : i32
    %dma_wait3A_124 = arith.constant 0 : i32
    %dma_wait3A_125 = arith.constant 0 : i32
    %dma_wait3A_126 = tpu.memref_slice %arg8[%dma_wait3A_123, %dma_wait3A_124, %dma_wait3A_125] : memref<4x128x32xf32, #tpu.memory_space<vmem>> -> memref<1x128x32xf32, #tpu.memory_space<vmem>>
    %dma_wait3A_127 = tpu.memref_squeeze %dma_wait3A_126 : memref<1x128x32xf32, #tpu.memory_space<vmem>> -> memref<128x32xf32, #tpu.memory_space<vmem>>
    %dma_wait3A_128 = arith.constant 0 : i32
    %dma_wait3A_129 = tpu.memref_slice %arg6[%dma_wait3A_122, %dma_wait3A_128] : memref<128x128xi32, #tpu.memory_space<vmem>> -> memref<1x128xi32, #tpu.memory_space<vmem>>
    %dma_wait3A_130 = tpu.memref_squeeze %dma_wait3A_129 : memref<1x128xi32, #tpu.memory_space<vmem>> -> memref<128xi32, #tpu.memory_space<vmem>>
    %dma_wait3A_131 = arith.constant 0 : i32
    %dma_wait3A_132 = arith.constant 0 : i32
    %dma_wait3A_133 = tpu.memref_slice %arg4[%dma_wait3A_131, %dma_wait3A_132] : memref<10000x32xf32, #tpu.memory_space<hbm>> -> memref<10000x32xf32, #tpu.memory_space<hbm>>
    tpu.wait_indirect_dma semaphore(%arg11 : memref<!tpu.dma_semaphore, #tpu.memory_space<semaphore_mem>>) src(%dma_wait3A_133 : memref<10000x32xf32, #tpu.memory_space<hbm>>) dst(%dma_wait3A_127 : memref<128x32xf32, #tpu.memory_space<vmem>>)
    %dma_wait3A_134 = arith.constant 2 : i32
    %dma_wait3A_135 = arith.constant 2 : i32
    %dma_wait3A_136 = arith.constant 0 : i32
    %dma_wait3A_137 = arith.constant 0 : i32
    %dma_wait3A_138 = tpu.memref_slice %arg8[%dma_wait3A_135, %dma_wait3A_136, %dma_wait3A_137] : memref<4x128x32xf32, #tpu.memory_space<vmem>> -> memref<1x128x32xf32, #tpu.memory_space<vmem>>
    %dma_wait3A_139 = tpu.memref_squeeze %dma_wait3A_138 : memref<1x128x32xf32, #tpu.memory_space<vmem>> -> memref<128x32xf32, #tpu.memory_space<vmem>>
    %dma_wait3A_140 = arith.constant 0 : i32
    %dma_wait3A_141 = tpu.memref_slice %arg6[%dma_wait3A_134, %dma_wait3A_140] : memref<128x128xi32, #tpu.memory_space<vmem>> -> memref<1x128xi32, #tpu.memory_space<vmem>>
    %dma_wait3A_142 = tpu.memref_squeeze %dma_wait3A_141 : memref<1x128xi32, #tpu.memory_space<vmem>> -> memref<128xi32, #tpu.memory_space<vmem>>
    %dma_wait3A_143 = arith.constant 0 : i32
    %dma_wait3A_144 = arith.constant 0 : i32
    %dma_wait3A_145 = tpu.memref_slice %arg4[%dma_wait3A_143, %dma_wait3A_144] : memref<10000x32xf32, #tpu.memory_space<hbm>> -> memref<10000x32xf32, #tpu.memory_space<hbm>>
    tpu.wait_indirect_dma semaphore(%arg12 : memref<!tpu.dma_semaphore, #tpu.memory_space<semaphore_mem>>) src(%dma_wait3A_145 : memref<10000x32xf32, #tpu.memory_space<hbm>>) dst(%dma_wait3A_139 : memref<128x32xf32, #tpu.memory_space<vmem>>)
    %dma_wait3A_146 = arith.constant 3 : i32
    %dma_wait3A_147 = arith.constant 3 : i32
    %dma_wait3A_148 = arith.constant 0 : i32
    %dma_wait3A_149 = arith.constant 0 : i32
    %dma_wait3A_150 = tpu.memref_slice %arg8[%dma_wait3A_147, %dma_wait3A_148, %dma_wait3A_149] : memref<4x128x32xf32, #tpu.memory_space<vmem>> -> memref<1x128x32xf32, #tpu.memory_space<vmem>>
    %dma_wait3A_151 = tpu.memref_squeeze %dma_wait3A_150 : memref<1x128x32xf32, #tpu.memory_space<vmem>> -> memref<128x32xf32, #tpu.memory_space<vmem>>
    %dma_wait3A_152 = arith.constant 0 : i32
    %dma_wait3A_153 = tpu.memref_slice %arg6[%dma_wait3A_146, %dma_wait3A_152] : memref<128x128xi32, #tpu.memory_space<vmem>> -> memref<1x128xi32, #tpu.memory_space<vmem>>
    %dma_wait3A_154 = tpu.memref_squeeze %dma_wait3A_153 : memref<1x128xi32, #tpu.memory_space<vmem>> -> memref<128xi32, #tpu.memory_space<vmem>>
    %dma_wait3A_155 = arith.constant 0 : i32
    %dma_wait3A_156 = arith.constant 0 : i32
    %dma_wait3A_157 = tpu.memref_slice %arg4[%dma_wait3A_155, %dma_wait3A_156] : memref<10000x32xf32, #tpu.memory_space<hbm>> -> memref<10000x32xf32, #tpu.memory_space<hbm>>
    tpu.wait_indirect_dma semaphore(%arg13 : memref<!tpu.dma_semaphore, #tpu.memory_space<semaphore_mem>>) src(%dma_wait3A_157 : memref<10000x32xf32, #tpu.memory_space<hbm>>) dst(%dma_wait3A_151 : memref<128x32xf32, #tpu.memory_space<vmem>>)
    %barrier3A_158 = arith.constant 0 : index
    tpu.barrier barrier_id(%barrier3A_158)
    %mul3A_159 = arith.constant 640 : i32
    %mul3A_160 = arith.muli %arg1, %mul3A_159 : i32
    %add3A_161 = arith.constant 0 : i32
    %add3A_162 = arith.addi %mul3A_160, %add3A_161 : i32
    "tpu.region"() ({
      %run_scoped3A = tpu.sem_alloc : memref<!tpu.dma_semaphore, #tpu.memory_space<semaphore_mem>>
      %dma_start3A_199 = arith.constant 0 : i32
      %dma_start3A_200 = tpu.memref_slice %arg14[%add3A_162, %dma_start3A_199] : memref<10240x32xf32, #tpu.memory_space<vmem_shared>> -> memref<128x32xf32, #tpu.memory_space<vmem_shared>>
      %dma_start3A_201 = arith.constant 0 : i32
      %dma_start3A_202 = tpu.memref_slice %arg14[%add3A_162, %dma_start3A_201] : memref<10240x32xf32, #tpu.memory_space<vmem_shared>> -> memref<128x32xf32, #tpu.memory_space<vmem_shared>>
      tpu.enqueue_dma source(%dma_start3A_202 : memref<128x32xf32, #tpu.memory_space<vmem_shared>>) target(%arg9 : memref<128x32xf32, #tpu.memory_space<vmem>>) target_semaphore(%run_scoped3A : memref<!tpu.dma_semaphore, #tpu.memory_space<semaphore_mem>>)
      %dma_wait3A_203 = arith.constant 0 : i32
      %dma_wait3A_204 = tpu.memref_slice %arg14[%add3A_162, %dma_wait3A_203] : memref<10240x32xf32, #tpu.memory_space<vmem_shared>> -> memref<128x32xf32, #tpu.memory_space<vmem_shared>>
      %dma_wait3A_205 = arith.constant 0 : i32
      %dma_wait3A_206 = tpu.memref_slice %arg14[%add3A_162, %dma_wait3A_205] : memref<10240x32xf32, #tpu.memory_space<vmem_shared>> -> memref<128x32xf32, #tpu.memory_space<vmem_shared>>
      tpu.wait_dma2 semaphore(%run_scoped3A : memref<!tpu.dma_semaphore, #tpu.memory_space<semaphore_mem>>) src(%dma_wait3A_206 : memref<128x32xf32, #tpu.memory_space<vmem_shared>>) dst(%arg9 : memref<128x32xf32, #tpu.memory_space<vmem>>)
      tpu.yield
    }) : () -> ()
    %mul3A_163 = arith.constant 640 : i32
    %mul3A_164 = arith.muli %arg1, %mul3A_163 : i32
    %add3A_165 = arith.constant 0 : i32
    %add3A_166 = arith.addi %mul3A_164, %add3A_165 : i32
    "tpu.region"() ({
      %run_scoped3A = tpu.sem_alloc : memref<!tpu.dma_semaphore, #tpu.memory_space<semaphore_mem>>
      %dma_start3A_199 = arith.constant 0 : i32
      %dma_start3A_200 = tpu.memref_slice %arg5[%arg0, %add3A_166, %dma_start3A_199] : memref<2x10240x32xf32, #tpu.memory_space<hbm>> -> memref<1x128x32xf32, #tpu.memory_space<hbm>>
      %dma_start3A_201 = tpu.memref_squeeze %dma_start3A_200 : memref<1x128x32xf32, #tpu.memory_space<hbm>> -> memref<128x32xf32, #tpu.memory_space<hbm>>
      %dma_start3A_202 = arith.constant 0 : i32
      %dma_start3A_203 = tpu.memref_slice %arg5[%arg0, %add3A_166, %dma_start3A_202] : memref<2x10240x32xf32, #tpu.memory_space<hbm>> -> memref<1x128x32xf32, #tpu.memory_space<hbm>>
      %dma_start3A_204 = tpu.memref_squeeze %dma_start3A_203 : memref<1x128x32xf32, #tpu.memory_space<hbm>> -> memref<128x32xf32, #tpu.memory_space<hbm>>
      tpu.enqueue_dma source(%arg9 : memref<128x32xf32, #tpu.memory_space<vmem>>) target(%dma_start3A_204 : memref<128x32xf32, #tpu.memory_space<hbm>>) target_semaphore(%run_scoped3A : memref<!tpu.dma_semaphore, #tpu.memory_space<semaphore_mem>>)
      %dma_wait3A_205 = arith.constant 0 : i32
      %dma_wait3A_206 = tpu.memref_slice %arg5[%arg0, %add3A_166, %dma_wait3A_205] : memref<2x10240x32xf32, #tpu.memory_space<hbm>> -> memref<1x128x32xf32, #tpu.memory_space<hbm>>
      %dma_wait3A_207 = tpu.memref_squeeze %dma_wait3A_206 : memref<1x128x32xf32, #tpu.memory_space<hbm>> -> memref<128x32xf32, #tpu.memory_space<hbm>>
      %dma_wait3A_208 = arith.constant 0 : i32
      %dma_wait3A_209 = tpu.memref_slice %arg5[%arg0, %add3A_166, %dma_wait3A_208] : memref<2x10240x32xf32, #tpu.memory_space<hbm>> -> memref<1x128x32xf32, #tpu.memory_space<hbm>>
      %dma_wait3A_210 = tpu.memref_squeeze %dma_wait3A_209 : memref<1x128x32xf32, #tpu.memory_space<hbm>> -> memref<128x32xf32, #tpu.memory_space<hbm>>
      tpu.wait_dma2 semaphore(%run_scoped3A : memref<!tpu.dma_semaphore, #tpu.memory_space<semaphore_mem>>) src(%arg9 : memref<128x32xf32, #tpu.memory_space<vmem>>) dst(%dma_wait3A_210 : memref<128x32xf32, #tpu.memory_space<hbm>>)
      tpu.yield
    }) : () -> ()
    %mul3A_167 = arith.constant 640 : i32
    %mul3A_168 = arith.muli %arg1, %mul3A_167 : i32
    %add3A_169 = arith.constant 128 : i32
    %add3A_170 = arith.addi %mul3A_168, %add3A_169 : i32
    "tpu.region"() ({
      %run_scoped3A = tpu.sem_alloc : memref<!tpu.dma_semaphore, #tpu.memory_space<semaphore_mem>>
      %dma_start3A_199 = arith.constant 0 : i32
      %dma_start3A_200 = tpu.memref_slice %arg14[%add3A_170, %dma_start3A_199] : memref<10240x32xf32, #tpu.memory_space<vmem_shared>> -> memref<128x32xf32, #tpu.memory_space<vmem_shared>>
      %dma_start3A_201 = arith.constant 0 : i32
      %dma_start3A_202 = tpu.memref_slice %arg14[%add3A_170, %dma_start3A_201] : memref<10240x32xf32, #tpu.memory_space<vmem_shared>> -> memref<128x32xf32, #tpu.memory_space<vmem_shared>>
      tpu.enqueue_dma source(%dma_start3A_202 : memref<128x32xf32, #tpu.memory_space<vmem_shared>>) target(%arg9 : memref<128x32xf32, #tpu.memory_space<vmem>>) target_semaphore(%run_scoped3A : memref<!tpu.dma_semaphore, #tpu.memory_space<semaphore_mem>>)
      %dma_wait3A_203 = arith.constant 0 : i32
      %dma_wait3A_204 = tpu.memref_slice %arg14[%add3A_170, %dma_wait3A_203] : memref<10240x32xf32, #tpu.memory_space<vmem_shared>> -> memref<128x32xf32, #tpu.memory_space<vmem_shared>>
      %dma_wait3A_205 = arith.constant 0 : i32
      %dma_wait3A_206 = tpu.memref_slice %arg14[%add3A_170, %dma_wait3A_205] : memref<10240x32xf32, #tpu.memory_space<vmem_shared>> -> memref<128x32xf32, #tpu.memory_space<vmem_shared>>
      tpu.wait_dma2 semaphore(%run_scoped3A : memref<!tpu.dma_semaphore, #tpu.memory_space<semaphore_mem>>) src(%dma_wait3A_206 : memref<128x32xf32, #tpu.memory_space<vmem_shared>>) dst(%arg9 : memref<128x32xf32, #tpu.memory_space<vmem>>)
      tpu.yield
    }) : () -> ()
    %mul3A_171 = arith.constant 640 : i32
    %mul3A_172 = arith.muli %arg1, %mul3A_171 : i32
    %add3A_173 = arith.constant 128 : i32
    %add3A_174 = arith.addi %mul3A_172, %add3A_173 : i32
    "tpu.region"() ({
      %run_scoped3A = tpu.sem_alloc : memref<!tpu.dma_semaphore, #tpu.memory_space<semaphore_mem>>
      %dma_start3A_199 = arith.constant 0 : i32
      %dma_start3A_200 = tpu.memref_slice %arg5[%arg0, %add3A_174, %dma_start3A_199] : memref<2x10240x32xf32, #tpu.memory_space<hbm>> -> memref<1x128x32xf32, #tpu.memory_space<hbm>>
      %dma_start3A_201 = tpu.memref_squeeze %dma_start3A_200 : memref<1x128x32xf32, #tpu.memory_space<hbm>> -> memref<128x32xf32, #tpu.memory_space<hbm>>
      %dma_start3A_202 = arith.constant 0 : i32
      %dma_start3A_203 = tpu.memref_slice %arg5[%arg0, %add3A_174, %dma_start3A_202] : memref<2x10240x32xf32, #tpu.memory_space<hbm>> -> memref<1x128x32xf32, #tpu.memory_space<hbm>>
      %dma_start3A_204 = tpu.memref_squeeze %dma_start3A_203 : memref<1x128x32xf32, #tpu.memory_space<hbm>> -> memref<128x32xf32, #tpu.memory_space<hbm>>
      tpu.enqueue_dma source(%arg9 : memref<128x32xf32, #tpu.memory_space<vmem>>) target(%dma_start3A_204 : memref<128x32xf32, #tpu.memory_space<hbm>>) target_semaphore(%run_scoped3A : memref<!tpu.dma_semaphore, #tpu.memory_space<semaphore_mem>>)
      %dma_wait3A_205 = arith.constant 0 : i32
      %dma_wait3A_206 = tpu.memref_slice %arg5[%arg0, %add3A_174, %dma_wait3A_205] : memref<2x10240x32xf32, #tpu.memory_space<hbm>> -> memref<1x128x32xf32, #tpu.memory_space<hbm>>
      %dma_wait3A_207 = tpu.memref_squeeze %dma_wait3A_206 : memref<1x128x32xf32, #tpu.memory_space<hbm>> -> memref<128x32xf32, #tpu.memory_space<hbm>>
      %dma_wait3A_208 = arith.constant 0 : i32
      %dma_wait3A_209 = tpu.memref_slice %arg5[%arg0, %add3A_174, %dma_wait3A_208] : memref<2x10240x32xf32, #tpu.memory_space<hbm>> -> memref<1x128x32xf32, #tpu.memory_space<hbm>>
      %dma_wait3A_210 = tpu.memref_squeeze %dma_wait3A_209 : memref<1x128x32xf32, #tpu.memory_space<hbm>> -> memref<128x32xf32, #tpu.memory_space<hbm>>
      tpu.wait_dma2 semaphore(%run_scoped3A : memref<!tpu.dma_semaphore, #tpu.memory_space<semaphore_mem>>) src(%arg9 : memref<128x32xf32, #tpu.memory_space<vmem>>) dst(%dma_wait3A_210 : memref<128x32xf32, #tpu.memory_space<hbm>>)
      tpu.yield
    }) : () -> ()
    %mul3A_175 = arith.constant 640 : i32
    %mul3A_176 = arith.muli %arg1, %mul3A_175 : i32
    %add3A_177 = arith.constant 256 : i32
    %add3A_178 = arith.addi %mul3A_176, %add3A_177 : i32
    "tpu.region"() ({
      %run_scoped3A = tpu.sem_alloc : memref<!tpu.dma_semaphore, #tpu.memory_space<semaphore_mem>>
      %dma_start3A_199 = arith.constant 0 : i32
      %dma_start3A_200 = tpu.memref_slice %arg14[%add3A_178, %dma_start3A_199] : memref<10240x32xf32, #tpu.memory_space<vmem_shared>> -> memref<128x32xf32, #tpu.memory_space<vmem_shared>>
      %dma_start3A_201 = arith.constant 0 : i32
      %dma_start3A_202 = tpu.memref_slice %arg14[%add3A_178, %dma_start3A_201] : memref<10240x32xf32, #tpu.memory_space<vmem_shared>> -> memref<128x32xf32, #tpu.memory_space<vmem_shared>>
      tpu.enqueue_dma source(%dma_start3A_202 : memref<128x32xf32, #tpu.memory_space<vmem_shared>>) target(%arg9 : memref<128x32xf32, #tpu.memory_space<vmem>>) target_semaphore(%run_scoped3A : memref<!tpu.dma_semaphore, #tpu.memory_space<semaphore_mem>>)
      %dma_wait3A_203 = arith.constant 0 : i32
      %dma_wait3A_204 = tpu.memref_slice %arg14[%add3A_178, %dma_wait3A_203] : memref<10240x32xf32, #tpu.memory_space<vmem_shared>> -> memref<128x32xf32, #tpu.memory_space<vmem_shared>>
      %dma_wait3A_205 = arith.constant 0 : i32
      %dma_wait3A_206 = tpu.memref_slice %arg14[%add3A_178, %dma_wait3A_205] : memref<10240x32xf32, #tpu.memory_space<vmem_shared>> -> memref<128x32xf32, #tpu.memory_space<vmem_shared>>
      tpu.wait_dma2 semaphore(%run_scoped3A : memref<!tpu.dma_semaphore, #tpu.memory_space<semaphore_mem>>) src(%dma_wait3A_206 : memref<128x32xf32, #tpu.memory_space<vmem_shared>>) dst(%arg9 : memref<128x32xf32, #tpu.memory_space<vmem>>)
      tpu.yield
    }) : () -> ()
    %mul3A_179 = arith.constant 640 : i32
    %mul3A_180 = arith.muli %arg1, %mul3A_179 : i32
    %add3A_181 = arith.constant 256 : i32
    %add3A_182 = arith.addi %mul3A_180, %add3A_181 : i32
    "tpu.region"() ({
      %run_scoped3A = tpu.sem_alloc : memref<!tpu.dma_semaphore, #tpu.memory_space<semaphore_mem>>
      %dma_start3A_199 = arith.constant 0 : i32
      %dma_start3A_200 = tpu.memref_slice %arg5[%arg0, %add3A_182, %dma_start3A_199] : memref<2x10240x32xf32, #tpu.memory_space<hbm>> -> memref<1x128x32xf32, #tpu.memory_space<hbm>>
      %dma_start3A_201 = tpu.memref_squeeze %dma_start3A_200 : memref<1x128x32xf32, #tpu.memory_space<hbm>> -> memref<128x32xf32, #tpu.memory_space<hbm>>
      %dma_start3A_202 = arith.constant 0 : i32
      %dma_start3A_203 = tpu.memref_slice %arg5[%arg0, %add3A_182, %dma_start3A_202] : memref<2x10240x32xf32, #tpu.memory_space<hbm>> -> memref<1x128x32xf32, #tpu.memory_space<hbm>>
      %dma_start3A_204 = tpu.memref_squeeze %dma_start3A_203 : memref<1x128x32xf32, #tpu.memory_space<hbm>> -> memref<128x32xf32, #tpu.memory_space<hbm>>
      tpu.enqueue_dma source(%arg9 : memref<128x32xf32, #tpu.memory_space<vmem>>) target(%dma_start3A_204 : memref<128x32xf32, #tpu.memory_space<hbm>>) target_semaphore(%run_scoped3A : memref<!tpu.dma_semaphore, #tpu.memory_space<semaphore_mem>>)
      %dma_wait3A_205 = arith.constant 0 : i32
      %dma_wait3A_206 = tpu.memref_slice %arg5[%arg0, %add3A_182, %dma_wait3A_205] : memref<2x10240x32xf32, #tpu.memory_space<hbm>> -> memref<1x128x32xf32, #tpu.memory_space<hbm>>
      %dma_wait3A_207 = tpu.memref_squeeze %dma_wait3A_206 : memref<1x128x32xf32, #tpu.memory_space<hbm>> -> memref<128x32xf32, #tpu.memory_space<hbm>>
      %dma_wait3A_208 = arith.constant 0 : i32
      %dma_wait3A_209 = tpu.memref_slice %arg5[%arg0, %add3A_182, %dma_wait3A_208] : memref<2x10240x32xf32, #tpu.memory_space<hbm>> -> memref<1x128x32xf32, #tpu.memory_space<hbm>>
      %dma_wait3A_210 = tpu.memref_squeeze %dma_wait3A_209 : memref<1x128x32xf32, #tpu.memory_space<hbm>> -> memref<128x32xf32, #tpu.memory_space<hbm>>
      tpu.wait_dma2 semaphore(%run_scoped3A : memref<!tpu.dma_semaphore, #tpu.memory_space<semaphore_mem>>) src(%arg9 : memref<128x32xf32, #tpu.memory_space<vmem>>) dst(%dma_wait3A_210 : memref<128x32xf32, #tpu.memory_space<hbm>>)
      tpu.yield
    }) : () -> ()
    %mul3A_183 = arith.constant 640 : i32
    %mul3A_184 = arith.muli %arg1, %mul3A_183 : i32
    %add3A_185 = arith.constant 384 : i32
    %add3A_186 = arith.addi %mul3A_184, %add3A_185 : i32
    "tpu.region"() ({
      %run_scoped3A = tpu.sem_alloc : memref<!tpu.dma_semaphore, #tpu.memory_space<semaphore_mem>>
      %dma_start3A_199 = arith.constant 0 : i32
      %dma_start3A_200 = tpu.memref_slice %arg14[%add3A_186, %dma_start3A_199] : memref<10240x32xf32, #tpu.memory_space<vmem_shared>> -> memref<128x32xf32, #tpu.memory_space<vmem_shared>>
      %dma_start3A_201 = arith.constant 0 : i32
      %dma_start3A_202 = tpu.memref_slice %arg14[%add3A_186, %dma_start3A_201] : memref<10240x32xf32, #tpu.memory_space<vmem_shared>> -> memref<128x32xf32, #tpu.memory_space<vmem_shared>>
      tpu.enqueue_dma source(%dma_start3A_202 : memref<128x32xf32, #tpu.memory_space<vmem_shared>>) target(%arg9 : memref<128x32xf32, #tpu.memory_space<vmem>>) target_semaphore(%run_scoped3A : memref<!tpu.dma_semaphore, #tpu.memory_space<semaphore_mem>>)
      %dma_wait3A_203 = arith.constant 0 : i32
      %dma_wait3A_204 = tpu.memref_slice %arg14[%add3A_186, %dma_wait3A_203] : memref<10240x32xf32, #tpu.memory_space<vmem_shared>> -> memref<128x32xf32, #tpu.memory_space<vmem_shared>>
      %dma_wait3A_205 = arith.constant 0 : i32
      %dma_wait3A_206 = tpu.memref_slice %arg14[%add3A_186, %dma_wait3A_205] : memref<10240x32xf32, #tpu.memory_space<vmem_shared>> -> memref<128x32xf32, #tpu.memory_space<vmem_shared>>
      tpu.wait_dma2 semaphore(%run_scoped3A : memref<!tpu.dma_semaphore, #tpu.memory_space<semaphore_mem>>) src(%dma_wait3A_206 : memref<128x32xf32, #tpu.memory_space<vmem_shared>>) dst(%arg9 : memref<128x32xf32, #tpu.memory_space<vmem>>)
      tpu.yield
    }) : () -> ()
    %mul3A_187 = arith.constant 640 : i32
    %mul3A_188 = arith.muli %arg1, %mul3A_187 : i32
    %add3A_189 = arith.constant 384 : i32
    %add3A_190 = arith.addi %mul3A_188, %add3A_189 : i32
    "tpu.region"() ({
      %run_scoped3A = tpu.sem_alloc : memref<!tpu.dma_semaphore, #tpu.memory_space<semaphore_mem>>
      %dma_start3A_199 = arith.constant 0 : i32
      %dma_start3A_200 = tpu.memref_slice %arg5[%arg0, %add3A_190, %dma_start3A_199] : memref<2x10240x32xf32, #tpu.memory_space<hbm>> -> memref<1x128x32xf32, #tpu.memory_space<hbm>>
      %dma_start3A_201 = tpu.memref_squeeze %dma_start3A_200 : memref<1x128x32xf32, #tpu.memory_space<hbm>> -> memref<128x32xf32, #tpu.memory_space<hbm>>
      %dma_start3A_202 = arith.constant 0 : i32
      %dma_start3A_203 = tpu.memref_slice %arg5[%arg0, %add3A_190, %dma_start3A_202] : memref<2x10240x32xf32, #tpu.memory_space<hbm>> -> memref<1x128x32xf32, #tpu.memory_space<hbm>>
      %dma_start3A_204 = tpu.memref_squeeze %dma_start3A_203 : memref<1x128x32xf32, #tpu.memory_space<hbm>> -> memref<128x32xf32, #tpu.memory_space<hbm>>
      tpu.enqueue_dma source(%arg9 : memref<128x32xf32, #tpu.memory_space<vmem>>) target(%dma_start3A_204 : memref<128x32xf32, #tpu.memory_space<hbm>>) target_semaphore(%run_scoped3A : memref<!tpu.dma_semaphore, #tpu.memory_space<semaphore_mem>>)
      %dma_wait3A_205 = arith.constant 0 : i32
      %dma_wait3A_206 = tpu.memref_slice %arg5[%arg0, %add3A_190, %dma_wait3A_205] : memref<2x10240x32xf32, #tpu.memory_space<hbm>> -> memref<1x128x32xf32, #tpu.memory_space<hbm>>
      %dma_wait3A_207 = tpu.memref_squeeze %dma_wait3A_206 : memref<1x128x32xf32, #tpu.memory_space<hbm>> -> memref<128x32xf32, #tpu.memory_space<hbm>>
      %dma_wait3A_208 = arith.constant 0 : i32
      %dma_wait3A_209 = tpu.memref_slice %arg5[%arg0, %add3A_190, %dma_wait3A_208] : memref<2x10240x32xf32, #tpu.memory_space<hbm>> -> memref<1x128x32xf32, #tpu.memory_space<hbm>>
      %dma_wait3A_210 = tpu.memref_squeeze %dma_wait3A_209 : memref<1x128x32xf32, #tpu.memory_space<hbm>> -> memref<128x32xf32, #tpu.memory_space<hbm>>
      tpu.wait_dma2 semaphore(%run_scoped3A : memref<!tpu.dma_semaphore, #tpu.memory_space<semaphore_mem>>) src(%arg9 : memref<128x32xf32, #tpu.memory_space<vmem>>) dst(%dma_wait3A_210 : memref<128x32xf32, #tpu.memory_space<hbm>>)
      tpu.yield
    }) : () -> ()
    %mul3A_191 = arith.constant 640 : i32
    %mul3A_192 = arith.muli %arg1, %mul3A_191 : i32
    %add3A_193 = arith.constant 512 : i32
    %add3A_194 = arith.addi %mul3A_192, %add3A_193 : i32
    "tpu.region"() ({
      %run_scoped3A = tpu.sem_alloc : memref<!tpu.dma_semaphore, #tpu.memory_space<semaphore_mem>>
      %dma_start3A_199 = arith.constant 0 : i32
      %dma_start3A_200 = tpu.memref_slice %arg14[%add3A_194, %dma_start3A_199] : memref<10240x32xf32, #tpu.memory_space<vmem_shared>> -> memref<128x32xf32, #tpu.memory_space<vmem_shared>>
      %dma_start3A_201 = arith.constant 0 : i32
      %dma_start3A_202 = tpu.memref_slice %arg14[%add3A_194, %dma_start3A_201] : memref<10240x32xf32, #tpu.memory_space<vmem_shared>> -> memref<128x32xf32, #tpu.memory_space<vmem_shared>>
      tpu.enqueue_dma source(%dma_start3A_202 : memref<128x32xf32, #tpu.memory_space<vmem_shared>>) target(%arg9 : memref<128x32xf32, #tpu.memory_space<vmem>>) target_semaphore(%run_scoped3A : memref<!tpu.dma_semaphore, #tpu.memory_space<semaphore_mem>>)
      %dma_wait3A_203 = arith.constant 0 : i32
      %dma_wait3A_204 = tpu.memref_slice %arg14[%add3A_194, %dma_wait3A_203] : memref<10240x32xf32, #tpu.memory_space<vmem_shared>> -> memref<128x32xf32, #tpu.memory_space<vmem_shared>>
      %dma_wait3A_205 = arith.constant 0 : i32
      %dma_wait3A_206 = tpu.memref_slice %arg14[%add3A_194, %dma_wait3A_205] : memref<10240x32xf32, #tpu.memory_space<vmem_shared>> -> memref<128x32xf32, #tpu.memory_space<vmem_shared>>
      tpu.wait_dma2 semaphore(%run_scoped3A : memref<!tpu.dma_semaphore, #tpu.memory_space<semaphore_mem>>) src(%dma_wait3A_206 : memref<128x32xf32, #tpu.memory_space<vmem_shared>>) dst(%arg9 : memref<128x32xf32, #tpu.memory_space<vmem>>)
      tpu.yield
    }) : () -> ()
    %mul3A_195 = arith.constant 640 : i32
    %mul3A_196 = arith.muli %arg1, %mul3A_195 : i32
    %add3A_197 = arith.constant 512 : i32
    %add3A_198 = arith.addi %mul3A_196, %add3A_197 : i32
    "tpu.region"() ({
      %run_scoped3A = tpu.sem_alloc : memref<!tpu.dma_semaphore, #tpu.memory_space<semaphore_mem>>
      %dma_start3A_199 = arith.constant 0 : i32
      %dma_start3A_200 = tpu.memref_slice %arg5[%arg0, %add3A_198, %dma_start3A_199] : memref<2x10240x32xf32, #tpu.memory_space<hbm>> -> memref<1x128x32xf32, #tpu.memory_space<hbm>>
      %dma_start3A_201 = tpu.memref_squeeze %dma_start3A_200 : memref<1x128x32xf32, #tpu.memory_space<hbm>> -> memref<128x32xf32, #tpu.memory_space<hbm>>
      %dma_start3A_202 = arith.constant 0 : i32
      %dma_start3A_203 = tpu.memref_slice %arg5[%arg0, %add3A_198, %dma_start3A_202] : memref<2x10240x32xf32, #tpu.memory_space<hbm>> -> memref<1x128x32xf32, #tpu.memory_space<hbm>>
      %dma_start3A_204 = tpu.memref_squeeze %dma_start3A_203 : memref<1x128x32xf32, #tpu.memory_space<hbm>> -> memref<128x32xf32, #tpu.memory_space<hbm>>
      tpu.enqueue_dma source(%arg9 : memref<128x32xf32, #tpu.memory_space<vmem>>) target(%dma_start3A_204 : memref<128x32xf32, #tpu.memory_space<hbm>>) target_semaphore(%run_scoped3A : memref<!tpu.dma_semaphore, #tpu.memory_space<semaphore_mem>>)
      %dma_wait3A_205 = arith.constant 0 : i32
      %dma_wait3A_206 = tpu.memref_slice %arg5[%arg0, %add3A_198, %dma_wait3A_205] : memref<2x10240x32xf32, #tpu.memory_space<hbm>> -> memref<1x128x32xf32, #tpu.memory_space<hbm>>
      %dma_wait3A_207 = tpu.memref_squeeze %dma_wait3A_206 : memref<1x128x32xf32, #tpu.memory_space<hbm>> -> memref<128x32xf32, #tpu.memory_space<hbm>>
      %dma_wait3A_208 = arith.constant 0 : i32
      %dma_wait3A_209 = tpu.memref_slice %arg5[%arg0, %add3A_198, %dma_wait3A_208] : memref<2x10240x32xf32, #tpu.memory_space<hbm>> -> memref<1x128x32xf32, #tpu.memory_space<hbm>>
      %dma_wait3A_210 = tpu.memref_squeeze %dma_wait3A_209 : memref<1x128x32xf32, #tpu.memory_space<hbm>> -> memref<128x32xf32, #tpu.memory_space<hbm>>
      tpu.wait_dma2 semaphore(%run_scoped3A : memref<!tpu.dma_semaphore, #tpu.memory_space<semaphore_mem>>) src(%arg9 : memref<128x32xf32, #tpu.memory_space<vmem>>) dst(%dma_wait3A_210 : memref<128x32xf32, #tpu.memory_space<hbm>>)
      tpu.yield
    }) : () -> ()
    return
  }
}

module attributes {stable_mosaic.version = 14 : i64} {
  func.func @_tc1a_body(%arg0: i32, %arg1: memref<5000x128xf32, #tpu.memory_space<vmem>>, %arg2: memref<128x32xf32, #tpu.memory_space<vmem>>, %arg3: memref<5000x32xf32, #tpu.memory_space<vmem>>) attributes {dimension_semantics = [#tpu.dimension_semantics<arbitrary>], iteration_bounds = array<i64: 2>, scalar_prefetch = 0 : i64, scratch_operands = 0 : i64, tpu.core_type = #tpu.core_type<tc>, window_params = [{transform_indices = @transform_0, window_bounds = array<i64: 5000, 128>}, {pipeline_mode = #tpu.pipeline_mode<synchronous>, transform_indices = @transform_1, window_bounds = array<i64: 128, 32>}, {transform_indices = @transform_2, window_bounds = array<i64: 5000, 32>}]} {
    %get3A = arith.constant 0 : index
    %get3A_0 = arith.constant 0 : index
    %get3A_1 = vector.load %arg1[%get3A, %get3A_0] : memref<5000x128xf32, #tpu.memory_space<vmem>>, vector<5000x128xf32>
    %get3A_2 = arith.constant 0 : index
    %get3A_3 = arith.constant 0 : index
    %get3A_4 = vector.load %arg2[%get3A_2, %get3A_3] : memref<128x32xf32, #tpu.memory_space<vmem>>, vector<128x32xf32>
    %dot_general3A = arith.constant dense<0.000000e+00> : vector<5000x32xf32>
    %dot_general3A_5 = tpu.matmul %get3A_1, %get3A_4, %dot_general3A {dimension_numbers = #tpu.dot_dimension_numbers<[1], [0], [0], [1], [0, 0, 1, 1], [], []>, transpose_lhs_hint = false} : vector<5000x128xf32>, vector<128x32xf32>, vector<5000x32xf32> -> vector<5000x32xf32>
    %swap3A = arith.constant 0 : index
    %swap3A_6 = arith.constant 0 : index
    %swap3A_7 = vector.load %arg3[%swap3A, %swap3A_6] : memref<5000x32xf32, #tpu.memory_space<vmem>>, vector<5000x32xf32>
    tpu.vector_store %arg3[%swap3A, %swap3A_6], %dot_general3A_5 {strides = array<i32>} : memref<5000x32xf32, #tpu.memory_space<vmem>>, vector<5000x32xf32>,
    return
  }
  func.func @transform_0(%arg0: i32) -> (i32, i32) {
    %c0_i32 = arith.constant 0 : i32
    %c0_i32_0 = arith.constant 0 : i32
    return %arg0, %c0_i32 : i32, i32
  }
  func.func @transform_1(%arg0: i32) -> (i32, i32) {
    %c0_i32 = arith.constant 0 : i32
    %c0_i32_0 = arith.constant 0 : i32
    %c0_i32_1 = arith.constant 0 : i32
    return %c0_i32, %c0_i32_0 : i32, i32
  }
  func.func @transform_2(%arg0: i32) -> (i32, i32) {
    %c0_i32 = arith.constant 0 : i32
    %c0_i32_0 = arith.constant 0 : i32
    return %arg0, %c0_i32 : i32, i32
  }
}

module attributes {stable_mosaic.version = 14 : i64} {
  func.func @_tc1b_body(%arg0: i32, %arg1: memref<5000x32xf32, #tpu.memory_space<vmem>>, %arg2: memref<5000x2xf32, #tpu.memory_space<vmem>>, %arg3: memref<5000x32xf32, #tpu.memory_space<vmem>>, %arg4: memref<5000x1xf32, #tpu.memory_space<vmem>>) attributes {dimension_semantics = [#tpu.dimension_semantics<arbitrary>], iteration_bounds = array<i64: 2>, scalar_prefetch = 0 : i64, scratch_operands = 0 : i64, tpu.core_type = #tpu.core_type<tc>, window_params = [{transform_indices = @transform_0, window_bounds = array<i64: 5000, 32>}, {transform_indices = @transform_1, window_bounds = array<i64: 5000, 2>}, {transform_indices = @transform_2, window_bounds = array<i64: 5000, 32>}, {transform_indices = @transform_3, window_bounds = array<i64: 5000, 1>}]} {
    %get3A = arith.constant 0 : index
    %get3A_0 = arith.constant 0 : index
    %get3A_1 = vector.load %arg2[%get3A, %get3A_0] : memref<5000x2xf32, #tpu.memory_space<vmem>>, vector<5000x2xf32>
    %slice3A = vector.extract_strided_slice %get3A_1 {offsets = [0, 0], sizes = [5000, 1], strides = [1, 1]} : vector<5000x2xf32> to vector<5000x1xf32>
    %slice3A_2 = vector.extract_strided_slice %get3A_1 {offsets = [0, 1], sizes = [5000, 1], strides = [1, 1]} : vector<5000x2xf32> to vector<5000x1xf32>
    %add3A = arith.addf %slice3A, %slice3A_2 : vector<5000x1xf32>
    %add3A_3 = arith.constant 1.000000e+00 : f32
    %add3A_4 = vector.broadcast %add3A_3 : f32 to vector<5000x1xf32>
    %add3A_5 = arith.addf %add3A, %add3A_4 : vector<5000x1xf32>
    %rsqrt3A = math.rsqrt %add3A_5 : vector<5000x1xf32>
    %get3A_6 = arith.constant 0 : index
    %get3A_7 = arith.constant 0 : index
    %get3A_8 = vector.load %arg1[%get3A_6, %get3A_7] : memref<5000x32xf32, #tpu.memory_space<vmem>>, vector<5000x32xf32>
    %mul3A = vector.broadcast %rsqrt3A : vector<5000x1xf32> to vector<5000x32xf32>
    %mul3A_9 = arith.mulf %get3A_8, %mul3A : vector<5000x32xf32>
    %swap3A = arith.constant 0 : index
    %swap3A_10 = arith.constant 0 : index
    %swap3A_11 = vector.load %arg3[%swap3A, %swap3A_10] : memref<5000x32xf32, #tpu.memory_space<vmem>>, vector<5000x32xf32>
    tpu.vector_store %arg3[%swap3A, %swap3A_10], %mul3A_9 {strides = array<i32>} : memref<5000x32xf32, #tpu.memory_space<vmem>>, vector<5000x32xf32>,
    %swap3A_12 = arith.constant 0 : index
    %swap3A_13 = arith.constant 0 : index
    %swap3A_14 = vector.load %arg4[%swap3A_12, %swap3A_13] : memref<5000x1xf32, #tpu.memory_space<vmem>>, vector<5000x1xf32>
    tpu.vector_store %arg4[%swap3A_12, %swap3A_13], %rsqrt3A {strides = array<i32>} : memref<5000x1xf32, #tpu.memory_space<vmem>>, vector<5000x1xf32>,
    return
  }
  func.func @transform_0(%arg0: i32) -> (i32, i32) {
    %c0_i32 = arith.constant 0 : i32
    %c0_i32_0 = arith.constant 0 : i32
    return %arg0, %c0_i32 : i32, i32
  }
  func.func @transform_1(%arg0: i32) -> (i32, i32) {
    %c0_i32 = arith.constant 0 : i32
    %c0_i32_0 = arith.constant 0 : i32
    return %arg0, %c0_i32 : i32, i32
  }
  func.func @transform_2(%arg0: i32) -> (i32, i32) {
    %c0_i32 = arith.constant 0 : i32
    %c0_i32_0 = arith.constant 0 : i32
    return %arg0, %c0_i32 : i32, i32
  }
  func.func @transform_3(%arg0: i32) -> (i32, i32) {
    %c0_i32 = arith.constant 0 : i32
    %c0_i32_0 = arith.constant 0 : i32
    return %arg0, %c0_i32 : i32, i32
  }
}

module attributes {stable_mosaic.version = 14 : i64} {
  func.func @_tc2_body(%arg0: i32, %arg1: memref<2x5000x32xf32, #tpu.memory_space<vmem>>, %arg2: memref<5000x32xf32, #tpu.memory_space<vmem>>, %arg3: memref<5000x1xf32, #tpu.memory_space<vmem>>, %arg4: memref<1x32xf32, #tpu.memory_space<vmem>>, %arg5: memref<32x32xf32, #tpu.memory_space<vmem>>, %arg6: memref<5000x32xf32, #tpu.memory_space<vmem>>) attributes {dimension_semantics = [#tpu.dimension_semantics<arbitrary>], iteration_bounds = array<i64: 2>, scalar_prefetch = 0 : i64, scratch_operands = 0 : i64, tpu.core_type = #tpu.core_type<tc>, window_params = [{transform_indices = @transform_0, window_bounds = array<i64: 2, 5000, 32>}, {transform_indices = @transform_1, window_bounds = array<i64: 5000, 32>}, {transform_indices = @transform_2, window_bounds = array<i64: 5000, 1>}, {pipeline_mode = #tpu.pipeline_mode<synchronous>, transform_indices = @transform_3, window_bounds = array<i64: 1, 32>}, {pipeline_mode = #tpu.pipeline_mode<synchronous>, transform_indices = @transform_4, window_bounds = array<i64: 32, 32>}, {transform_indices = @transform_5, window_bounds = array<i64: 5000, 32>}]} {
    %get3A = arith.constant 0 : index
    %get3A_0 = arith.constant 0 : index
    %get3A_1 = vector.load %arg3[%get3A, %get3A_0] : memref<5000x1xf32, #tpu.memory_space<vmem>>, vector<5000x1xf32>
    %get3A_2 = arith.constant 0 : index
    %get3A_3 = arith.constant 0 : index
    %get3A_4 = arith.constant 0 : index
    %get3A_5 = vector.load %arg1[%get3A_2, %get3A_3, %get3A_4] : memref<2x5000x32xf32, #tpu.memory_space<vmem>>, vector<1x5000x32xf32>
    %get3A_6 = vector.shape_cast %get3A_5 : vector<1x5000x32xf32> to vector<5000x32xf32>
    %get3A_7 = arith.constant 1 : index
    %get3A_8 = arith.constant 0 : index
    %get3A_9 = arith.constant 0 : index
    %get3A_10 = vector.load %arg1[%get3A_7, %get3A_8, %get3A_9] : memref<2x5000x32xf32, #tpu.memory_space<vmem>>, vector<1x5000x32xf32>
    %get3A_11 = vector.shape_cast %get3A_10 : vector<1x5000x32xf32> to vector<5000x32xf32>
    %add3A = arith.addf %get3A_6, %get3A_11 : vector<5000x32xf32>
    %get3A_12 = arith.constant 0 : index
    %get3A_13 = arith.constant 0 : index
    %get3A_14 = vector.load %arg2[%get3A_12, %get3A_13] : memref<5000x32xf32, #tpu.memory_space<vmem>>, vector<5000x32xf32>
    %add3A_15 = arith.addf %add3A, %get3A_14 : vector<5000x32xf32>
    %mul3A = vector.broadcast %get3A_1 : vector<5000x1xf32> to vector<5000x32xf32>
    %mul3A_16 = arith.mulf %mul3A, %add3A_15 : vector<5000x32xf32>
    %get3A_17 = arith.constant 0 : index
    %get3A_18 = arith.constant 0 : index
    %get3A_19 = vector.load %arg4[%get3A_17, %get3A_18] : memref<1x32xf32, #tpu.memory_space<vmem>>, vector<1x32xf32>
    %add3A_20 = vector.broadcast %get3A_19 : vector<1x32xf32> to vector<5000x32xf32>
    %add3A_21 = arith.addf %mul3A_16, %add3A_20 : vector<5000x32xf32>
    %max3A = arith.constant 0.000000e+00 : f32
    %max3A_22 = vector.broadcast %max3A : f32 to vector<5000x32xf32>
    %max3A_23 = arith.maximumf %add3A_21, %max3A_22 : vector<5000x32xf32>
    %mul3A_24 = vector.broadcast %get3A_1 : vector<5000x1xf32> to vector<5000x32xf32>
    %mul3A_25 = arith.mulf %max3A_23, %mul3A_24 : vector<5000x32xf32>
    %get3A_26 = arith.constant 0 : index
    %get3A_27 = arith.constant 0 : index
    %get3A_28 = vector.load %arg5[%get3A_26, %get3A_27] : memref<32x32xf32, #tpu.memory_space<vmem>>, vector<32x32xf32>
    %dot_general3A = arith.constant dense<0.000000e+00> : vector<5000x32xf32>
    %dot_general3A_29 = tpu.matmul %mul3A_25, %get3A_28, %dot_general3A {dimension_numbers = #tpu.dot_dimension_numbers<[1], [0], [0], [1], [0, 0, 1, 1], [], []>, transpose_lhs_hint = false} : vector<5000x32xf32>, vector<32x32xf32>, vector<5000x32xf32> -> vector<5000x32xf32>
    %swap3A = arith.constant 0 : index
    %swap3A_30 = arith.constant 0 : index
    %swap3A_31 = vector.load %arg6[%swap3A, %swap3A_30] : memref<5000x32xf32, #tpu.memory_space<vmem>>, vector<5000x32xf32>
    tpu.vector_store %arg6[%swap3A, %swap3A_30], %dot_general3A_29 {strides = array<i32>} : memref<5000x32xf32, #tpu.memory_space<vmem>>, vector<5000x32xf32>,
    return
  }
  func.func @transform_0(%arg0: i32) -> (i32, i32, i32) {
    %c0_i32 = arith.constant 0 : i32
    %c0_i32_0 = arith.constant 0 : i32
    %c0_i32_1 = arith.constant 0 : i32
    return %c0_i32, %arg0, %c0_i32_0 : i32, i32, i32
  }
  func.func @transform_1(%arg0: i32) -> (i32, i32) {
    %c0_i32 = arith.constant 0 : i32
    %c0_i32_0 = arith.constant 0 : i32
    return %arg0, %c0_i32 : i32, i32
  }
  func.func @transform_2(%arg0: i32) -> (i32, i32) {
    %c0_i32 = arith.constant 0 : i32
    %c0_i32_0 = arith.constant 0 : i32
    return %arg0, %c0_i32 : i32, i32
  }
  func.func @transform_3(%arg0: i32) -> (i32, i32) {
    %c0_i32 = arith.constant 0 : i32
    %c0_i32_0 = arith.constant 0 : i32
    %c0_i32_1 = arith.constant 0 : i32
    return %c0_i32, %c0_i32_0 : i32, i32
  }
  func.func @transform_4(%arg0: i32) -> (i32, i32) {
    %c0_i32 = arith.constant 0 : i32
    %c0_i32_0 = arith.constant 0 : i32
    %c0_i32_1 = arith.constant 0 : i32
    return %c0_i32, %c0_i32_0 : i32, i32
  }
  func.func @transform_5(%arg0: i32) -> (i32, i32) {
    %c0_i32 = arith.constant 0 : i32
    %c0_i32_0 = arith.constant 0 : i32
    return %arg0, %c0_i32 : i32, i32
  }
}

module attributes {stable_mosaic.version = 14 : i64} {
  func.func @_tc3_body(%arg0: i32, %arg1: memref<2x5000x32xf32, #tpu.memory_space<vmem>>, %arg2: memref<5000x32xf32, #tpu.memory_space<vmem>>, %arg3: memref<5000x1xf32, #tpu.memory_space<vmem>>, %arg4: memref<1x32xf32, #tpu.memory_space<vmem>>, %arg5: memref<5000x16xf32, #tpu.memory_space<vmem>>, %arg6: memref<5000x1xf32, #tpu.memory_space<vmem>>) attributes {dimension_semantics = [#tpu.dimension_semantics<arbitrary>], iteration_bounds = array<i64: 2>, scalar_prefetch = 0 : i64, scratch_operands = 0 : i64, tpu.core_type = #tpu.core_type<tc>, window_params = [{transform_indices = @transform_0, window_bounds = array<i64: 2, 5000, 32>}, {transform_indices = @transform_1, window_bounds = array<i64: 5000, 32>}, {transform_indices = @transform_2, window_bounds = array<i64: 5000, 1>}, {pipeline_mode = #tpu.pipeline_mode<synchronous>, transform_indices = @transform_3, window_bounds = array<i64: 1, 32>}, {transform_indices = @transform_4, window_bounds = array<i64: 5000, 16>}, {transform_indices = @transform_5, window_bounds = array<i64: 5000, 1>}]} {
    %get3A = arith.constant 0 : index
    %get3A_0 = arith.constant 0 : index
    %get3A_1 = vector.load %arg3[%get3A, %get3A_0] : memref<5000x1xf32, #tpu.memory_space<vmem>>, vector<5000x1xf32>
    %get3A_2 = arith.constant 0 : index
    %get3A_3 = arith.constant 0 : index
    %get3A_4 = arith.constant 0 : index
    %get3A_5 = vector.load %arg1[%get3A_2, %get3A_3, %get3A_4] : memref<2x5000x32xf32, #tpu.memory_space<vmem>>, vector<1x5000x32xf32>
    %get3A_6 = vector.shape_cast %get3A_5 : vector<1x5000x32xf32> to vector<5000x32xf32>
    %get3A_7 = arith.constant 1 : index
    %get3A_8 = arith.constant 0 : index
    %get3A_9 = arith.constant 0 : index
    %get3A_10 = vector.load %arg1[%get3A_7, %get3A_8, %get3A_9] : memref<2x5000x32xf32, #tpu.memory_space<vmem>>, vector<1x5000x32xf32>
    %get3A_11 = vector.shape_cast %get3A_10 : vector<1x5000x32xf32> to vector<5000x32xf32>
    %add3A = arith.addf %get3A_6, %get3A_11 : vector<5000x32xf32>
    %get3A_12 = arith.constant 0 : index
    %get3A_13 = arith.constant 0 : index
    %get3A_14 = vector.load %arg2[%get3A_12, %get3A_13] : memref<5000x32xf32, #tpu.memory_space<vmem>>, vector<5000x32xf32>
    %add3A_15 = arith.addf %add3A, %get3A_14 : vector<5000x32xf32>
    %mul3A = vector.broadcast %get3A_1 : vector<5000x1xf32> to vector<5000x32xf32>
    %mul3A_16 = arith.mulf %mul3A, %add3A_15 : vector<5000x32xf32>
    %get3A_17 = arith.constant 0 : index
    %get3A_18 = arith.constant 0 : index
    %get3A_19 = vector.load %arg4[%get3A_17, %get3A_18] : memref<1x32xf32, #tpu.memory_space<vmem>>, vector<1x32xf32>
    %add3A_20 = vector.broadcast %get3A_19 : vector<1x32xf32> to vector<5000x32xf32>
    %add3A_21 = arith.addf %mul3A_16, %add3A_20 : vector<5000x32xf32>
    %slice3A = vector.extract_strided_slice %add3A_21 {offsets = [0, 0], sizes = [5000, 16], strides = [1, 1]} : vector<5000x32xf32> to vector<5000x16xf32>
    %mul3A_22 = arith.mulf %slice3A, %slice3A : vector<5000x16xf32>
    %reduce_sum3A = arith.constant dense<0.000000e+00> : vector<5000xf32>
    %reduce_sum3A_23 = vector.multi_reduction <add>, %mul3A_22, %reduce_sum3A [1] : vector<5000x16xf32> to vector<5000xf32>
    %broadcast_in_dim3A = vector.shape_cast %reduce_sum3A_23 : vector<5000xf32> to vector<5000x1xf32>
    %sqrt3A = math.sqrt %broadcast_in_dim3A : vector<5000x1xf32>
    %div3A = vector.broadcast %sqrt3A : vector<5000x1xf32> to vector<5000x16xf32>
    %div3A_24 = arith.divf %slice3A, %div3A : vector<5000x16xf32>
    %swap3A = arith.constant 0 : index
    %swap3A_25 = arith.constant 0 : index
    %swap3A_26 = vector.load %arg5[%swap3A, %swap3A_25] : memref<5000x16xf32, #tpu.memory_space<vmem>>, vector<5000x16xf32>
    tpu.vector_store %arg5[%swap3A, %swap3A_25], %div3A_24 {strides = array<i32>} : memref<5000x16xf32, #tpu.memory_space<vmem>>, vector<5000x16xf32>,
    %slice3A_27 = vector.extract_strided_slice %add3A_21 {offsets = [0, 16], sizes = [5000, 1], strides = [1, 1]} : vector<5000x32xf32> to vector<5000x1xf32>
    %abs3A = math.absf %slice3A_27 : vector<5000x1xf32>
    %neg3A = arith.constant 0.000000e+00 : f32
    %neg3A_28 = vector.broadcast %neg3A : f32 to vector<5000x1xf32>
    %neg3A_29 = arith.subf %neg3A_28, %abs3A : vector<5000x1xf32>
    %exp3A = math.exp %neg3A_29 : vector<5000x1xf32>
    %add3A_30 = arith.constant 1.000000e+00 : f32
    %add3A_31 = vector.broadcast %add3A_30 : f32 to vector<5000x1xf32>
    %add3A_32 = arith.addf %add3A_31, %exp3A : vector<5000x1xf32>
    %log3A = math.log %add3A_32 : vector<5000x1xf32>
    %max3A = arith.constant 0.000000e+00 : f32
    %max3A_33 = vector.broadcast %max3A : f32 to vector<5000x1xf32>
    %max3A_34 = arith.maximumf %slice3A_27, %max3A_33 : vector<5000x1xf32>
    %add3A_35 = arith.addf %log3A, %max3A_34 : vector<5000x1xf32>
    %add3A_36 = arith.constant 1.000000e+00 : f32
    %add3A_37 = vector.broadcast %add3A_36 : f32 to vector<5000x1xf32>
    %add3A_38 = arith.addf %add3A_35, %add3A_37 : vector<5000x1xf32>
    %swap3A_39 = arith.constant 0 : index
    %swap3A_40 = arith.constant 0 : index
    %swap3A_41 = vector.load %arg6[%swap3A_39, %swap3A_40] : memref<5000x1xf32, #tpu.memory_space<vmem>>, vector<5000x1xf32>
    tpu.vector_store %arg6[%swap3A_39, %swap3A_40], %add3A_38 {strides = array<i32>} : memref<5000x1xf32, #tpu.memory_space<vmem>>, vector<5000x1xf32>,
    return
  }
  func.func @transform_0(%arg0: i32) -> (i32, i32, i32) {
    %c0_i32 = arith.constant 0 : i32
    %c0_i32_0 = arith.constant 0 : i32
    %c0_i32_1 = arith.constant 0 : i32
    return %c0_i32, %arg0, %c0_i32_0 : i32, i32, i32
  }
  func.func @transform_1(%arg0: i32) -> (i32, i32) {
    %c0_i32 = arith.constant 0 : i32
    %c0_i32_0 = arith.constant 0 : i32
    return %arg0, %c0_i32 : i32, i32
  }
  func.func @transform_2(%arg0: i32) -> (i32, i32) {
    %c0_i32 = arith.constant 0 : i32
    %c0_i32_0 = arith.constant 0 : i32
    return %arg0, %c0_i32 : i32, i32
  }
  func.func @transform_3(%arg0: i32) -> (i32, i32) {
    %c0_i32 = arith.constant 0 : i32
    %c0_i32_0 = arith.constant 0 : i32
    %c0_i32_1 = arith.constant 0 : i32
    return %c0_i32, %c0_i32_0 : i32, i32
  }
  func.func @transform_4(%arg0: i32) -> (i32, i32) {
    %c0_i32 = arith.constant 0 : i32
    %c0_i32_0 = arith.constant 0 : i32
    return %arg0, %c0_i32 : i32, i32
  }
  func.func @transform_5(%arg0: i32) -> (i32, i32) {
    %c0_i32 = arith.constant 0 : i32
    %c0_i32_0 = arith.constant 0 : i32
    return %arg0, %c0_i32 : i32, i32
  }
}

</mosaic_0001>

<sc_bundles>
// kernel: kernel.12.cloned.1.call-start
scs
__scs_entry_jumppad:
0x0: {  	(pc) =	sbr.rel $0x88, $3  }
0x1: {  	(tag) =	ssettag $0x0;
	lr =	simm.s32 $0x1  }
0x2: {  	[smem:$0x3F99] =	sst lr;
	_ =	strace $0xD0000000  }
0x3: {  	_ = 	snop  }
0x4: {  	_ = 	snop  }
0x5: {  	_ = 	snop  }
0x6: {  	_ = 	snop  }
0x7: {  	_ = 	snop  }
__scs_overlays_trampoline_lowered:
0x8: {  	[smem:$0x3FA8] =	sst s0  }
0x9: {  	[smem:$0x3FA9] =	sst s1  }
0xa: {  	[smem:$0x3FAA] =	sst s2  }
0xb: {  	[smem:$0x3FAB] =	sst s3  }
0xc: {  	[smem:$0x3FAC] =	sst s4  }
0xd: {  	[smem:$0x3FAD] =	sst s5  }
0xe: {  	[smem:$0x3FAE] =	sst s6  }
0xf: {  	[smem:$0x3FAF] =	sst s7  }
0x10: {  	[smem:$0x3FB0] =	sst s8  }
0x11: {  	[smem:$0x3FB1] =	sst s9;
	s0 =	simm.s32 @!p0 $0x0  }
0x12: {  	s1 =	sld [smem:$0x3F97];
	s0 =	simm.s32 @p0 $0x1  }
0x13: {  	[smem:$0x3FB2] =	sst s0;
	s0 =	simm.s32 @!p1 $0x0  }
0x14: {  	s2 =	sld [smem:$0x3F96];
	s0 =	simm.s32 @p1 $0x1  }
0x15: {  	[smem:$0x3FB3] =	sst s0;
	s0 =	simm.s32 @!p2 $0x0  }
0x16: {  	s3 =	sld [smem:$0x3FDB];
	s0 =	simm.s32 @p2 $0x1  }
0x17: {  	s4 =	simm.s32 $0x1BF5;
	[smem:$0x3FB5] =	sst s0  }
0x18: {  	s0 =	sld [smem:$0x3F98];
	_ =	swait.ge [sflag:s4], $0x0  }
0x19: {  	s7 =	sld [smem:$0x3F99]  }
0x1a: {  	s8 =	sadd.s32 $0xFFFFE003, lr  }
0x1b: {  	s9 =	sadd.s32 $0xFFFFFEF7, lr;
	s5 =	simm.s32 $0xFFFFFFFF;
	p2 =	slt.u32 s8, $0xFFFFF086  }
0x1c: {  	p1 =	slt.u32 s9, $0xF7A;
	s5 =	simm.s32 @!p2 $0x0  }
0x1d: {  	s5 =	simm.s32 @p1 $0x1;
	p0 =	seq.s32 s7, s2  }
0x1e: {  	s7 =	smul.u32 @!p0 $0xF7A, s2;
	p2 =	seq.s32 @!p0 s5, $0x0  }
0x1f: {  	s9 =	smul.u32 $0xF7A, s1;
	s8 =	simm.s32 @!p0 $0x1BF5;
	p2 =	por !p2, p0  }
0x20: {  	[sflag:s8] =	ssyncset.s32 @!p0 $0xFFFFF086;
	s6 =	sadd.s32 @!p0 s3, s7;
	s7 =	simm.s32 @!p0 $0x108  }
0x21: {  	s3 =	sadd.s32 s3, s9;
	s6 =	sadd.s32 @!p0 $0x88, s6;
	s7 =	simm.s32 @p2 $0x1082  }
0x22: {  	[simem:s7], [sflag:s8] =	dma.local @!p0 [hbm:s6], $0xF7A  }
0x23: {  	s9 =	sor.u32 $0xD0000000, s2;
	s6 =	simm.s32 $0x108;
	_ =	swait.ge @!p0 [sflag:s8], $0x0  }
0x24: {  	s3 =	sadd.s32 $0x88, s3;
	s6 =	simm.s32 @!p1 $0x1082;
	[sflag:s4] =	ssyncset.s32 $0xFFFFF086  }
0x25: {  	[simem:s6], [sflag:s4] =	dma.local [hbm:s3], $0xF7A  }
0x26: {  	[smem:$0x3F99] =	sst s1;
	(tag) =	ssettag s2;
	_ =	strace s9  }
0x27: {  	s1 =	sld [smem:$0x3FA9]  }
0x28: {  	s2 =	sld [smem:$0x3FAA]  }
0x29: {  	s4 =	sld [smem:$0x3FAC]  }
0x2a: {  	p0 =	seq.s32 s5, $0x0;
	s5 =	sld [smem:$0x3FAD]  }
0x2b: {  	s6 =	sld [smem:$0x3FAE]  }
0x2c: {  	s7 =	sld [smem:$0x3FAF]  }
0x2d: {  	s3 =	simm.s32 $0x108;
	s8 =	sld [smem:$0x3FB0]  }
0x2e: {  	s3 =	simm.s32 @!p0 $0x1082;
	s9 =	sld [smem:$0x3FB1]  }
0x2f: {  	lr =	sadd.s32 s0, s3;
	s0 =	sld [smem:$0x3FA8]  }
0x30: {  	s3 =	sld [smem:$0x3FAB]  }
0x31: {  	[smem:$0x3FB4] =	sst s10  }
0x32: {  	s10 =	sld [smem:$0x3FB2];
	_ =	sdelay $0x3  }
0x33: {  	p0 =	seq.s32 s10, $0x1;
	s10 =	sld [smem:$0x3FB4];
	_ =	sdelay $0x3  }
0x34: {  	[smem:$0x3FB4] =	sst s10  }
0x35: {  	s10 =	sld [smem:$0x3FB3];
	_ =	sdelay $0x3  }
0x36: {  	p1 =	seq.s32 s10, $0x1;
	s10 =	sld [smem:$0x3FB4];
	_ =	sdelay $0x3  }
0x37: {  	[smem:$0x3FB4] =	sst s10  }
0x38: {  	s10 =	sld [smem:$0x3FB5]  }
0x39: {  	_ = 	snop;
	(pc) =	sbr.ind lr, $3  }
0x3a: {  	_ = 	snop  }
0x3b: {  	_ = 	snop  }
0x3c: {  	p2 =	seq.s32 s10, $0x1;
	s10 =	sld [smem:$0x3FB4]  }
0x3d: {  	_ =	shalt  }
0x3e: {  	_ =	shalt  }
0x3f: {  	_ =	shalt  }
0x40: {  	_ =	shalt  }
0x41: {  	_ =	shalt  }
0x42: {  	_ =	shalt  }
0x43: {  	_ =	shalt  }
0x44: {  	_ =	shalt  }
0x45: {  	_ =	shalt  }
0x46: {  	_ =	shalt  }
0x47: {  	_ =	shalt  }
0x48: {  	_ =	shalt  }
0x49: {  	_ =	shalt  }
0x4a: {  	_ =	shalt  }
0x4b: {  	_ =	shalt  }
0x4c: {  	_ =	shalt  }
0x4d: {  	_ =	shalt  }
0x4e: {  	_ =	shalt  }
0x4f: {  	_ =	shalt  }
0x50: {  	_ =	shalt  }
0x51: {  	_ =	shalt  }
0x52: {  	_ =	shalt  }
0x53: {  	_ =	shalt  }
0x54: {  	_ =	shalt  }
0x55: {  	_ =	shalt  }
0x56: {  	_ =	shalt  }
0x57: {  	_ =	shalt  }
0x58: {  	_ =	shalt  }
0x59: {  	_ =	shalt  }
0x5a: {  	_ =	shalt  }
0x5b: {  	_ =	shalt  }
0x5c: {  	_ =	shalt  }
0x5d: {  	_ =	shalt  }
0x5e: {  	_ =	shalt  }
0x5f: {  	_ =	shalt  }
0x60: {  	_ =	shalt  }
0x61: {  	_ =	shalt  }
0x62: {  	_ =	shalt  }
0x63: {  	_ =	shalt  }
0x64: {  	_ =	shalt  }
0x65: {  	_ =	shalt  }
0x66: {  	_ =	shalt  }
0x67: {  	_ =	shalt  }
0x68: {  	_ =	shalt  }
0x69: {  	_ =	shalt  }
0x6a: {  	_ =	shalt  }
0x6b: {  	_ =	shalt  }
0x6c: {  	_ =	shalt  }
0x6d: {  	_ =	shalt  }
0x6e: {  	_ =	shalt  }
0x6f: {  	_ =	shalt  }
0x70: {  	_ =	shalt  }
0x71: {  	_ =	shalt  }
0x72: {  	_ =	shalt  }
0x73: {  	_ =	shalt  }
0x74: {  	_ =	shalt  }
0x75: {  	_ =	shalt  }
0x76: {  	_ =	shalt  }
0x77: {  	_ =	shalt  }
0x78: {  	_ =	shalt  }
0x79: {  	_ =	shalt  }
0x7a: {  	_ =	shalt  }
0x7b: {  	_ =	shalt  }
0x7c: {  	_ =	shalt  }
0x7d: {  	_ =	shalt  }
0x7e: {  	_ =	shalt  }
0x7f: {  	_ =	shalt  }
0x80: {  	_ =	shalt  }
0x81: {  	_ =	shalt  }
0x82: {  	_ =	shalt  }
0x83: {  	_ =	shalt  }
0x84: {  	_ =	shalt  }
0x85: {  	_ =	shalt  }
0x86: {  	_ =	shalt  }
0x87: {  	_ =	shalt  }
.Lfunc_end0:
.L_simem_size_0:
called_computation.1_lowered:
.L_overlay_start_0:
0x88: {  	s2 =	sld [smem:$0x3FD9]  }
0x89: {  	s3 =	sld [smem:$0x3FFE];
	_ =	sdelay $0x1  }
0x8a: {  	s1 =	srdreg.scid  }
0x8b: {  	s0 =	sand.u32 $0x1, s1  }
0x8c: {  	s16 =	sshll.u32 s0, $0xA;
	s2 =	sadd.s32 s3, s2  }
0x8d: {  	s2 =	sadd.s32 s2, s16  }
0x8e: {  	[smem:$0x3FC0] =	sst s2  }
0x8f: {  	_ = 	snop  }
0x90: {  	(tm) =	ssettm $0x1  }
0x91: {  	s17 =	sld [smem:$0x3FFB];
	_ =	sdelay $0x3  }
0x92: {  	_ =	strace s17  }
0x93: {  	s2 =	sld [smem:$0x3FFC];
	_ =	sdelay $0x3  }
0x94: {  	_ =	strace s2  }
0x95: {  	s2 =	sld [smem:$0x3FFD];
	_ =	sdelay $0x3  }
0x96: {  	_ =	strace s2  }
0x97: {  	_ =	strace $0x8FFFFFFF  }
0x98: {  	s18 =	sld [smem:$0x3FDB];
	_ =	sdelay $0x1  }
0x99: {  	s19 =	simm.s32 $_scs_section_size  }
0x9a: {  	s4 =	simm.s32 $_size__tile_overlayer_lowered;
	s5 =	simm.s32 $_tile_overlayer_lowered  }
0x9b: {  	s22 =	simm.s32 $0x1BFF;
	s21 =	sshll.u32 s5, $0x1;
	s2 =	sadd.s32 s19, s18  }
0x9c: {  	s6 =	simm.s32 $0x0;
	s20 =	sshll.u32 s4, $0x1;
	s4 =	sadd.s32 s21, s2  }
0x9d: {  	[timem:s6], [sflag:s22] =	dma.local [hbm:s4], s20  }
0x9e: {  	_ =	swait.ge [sflag:s22], s20  }
0x9f: {  	s3 =	ssub.s32 $0x0, s20;
	[sflag:s22] =	ssyncset.done $0x0  }
0xa0: {  	[sflag:s22] =	ssyncadd.s32 s3;
	_ =	sdelay $0x1  }
0xa1: {  	s23 =	simm.s32 $0x1B8B  }
0xa2: {  	_ =	swait.ge [sflag:s23], $0x1  }
0xa3: {  	[sflag:s23] =	ssyncset.done $0x0  }
0xa4: {  	s25 =	simm.s32 $0x1B8E;
	s24 =	sld [smem:$0x3FFE];
	[sflag:s23] =	ssyncadd.s32 $0xFFFFFFFF  }
0xa5: {  	s26 =	simm.s32 $execute0_lowered;
	[smem:$0x3FD2] =	sst s25  }
0xa6: {  	s4 =	sshll.u32 s26, $0x1;
	_ =	strace $0x80000049;
	[dreg:$0x1] =	wrdreg $0xFFFFFFFF  }
0xa7: {  	s28 =	simm.s32 $_size_execute0_lowered;
	s2 =	sadd.s32 s2, s4;
	[dreg:$0x0] =	wrdreg $0x0  }
0xa8: {  	s4 =	sshll.u32 s28, $0x1;
	[dreg:$0x2] =	wrdreg s2  }
0xa9: {  	[dreg:$0x3] =	wrdreg s4  }
0xaa: {  	[dreg:$0x4] =	wrdreg $0xC0  }
0xab: {  	_ =	task [dreg:s6], $0x5FFFF  }
0xac: {  	[dreg:$0x1] =	wrdreg $0xFFFFFFFF  }
0xad: {  	[dreg:$0x0] =	wrdreg $0x60  }
0xae: {  	[dreg:$0x2] =	wrdreg s24  }
0xaf: {  	[dreg:$0x3] =	wrdreg $0xD0000  }
0xb0: {  	[dreg:$0x4] =	wrdreg $0x9  }
0xb1: {  	_ =	task.clear_ibuf [dreg:s6], $0x5FFFF;
	_ =	strace $0x90000049  }
0xb2: {  	s29 =	simm.s32 $0x9;
	_ =	strace $0x8000004B  }
0xb3: {  	_ =	swait.ge [sflag:s29], $0x1  }
0xb4: {  	[sflag:s29] =	ssyncadd.s32 $0xFFFFFFFF  }
0xb5: {  	_ =	strace $0x9000004B  }
0xb6: {  	_ =	sfence  }
0xb7: {  	s30 =	sld [smem:$0x0];
	_ =	sdelay $0x2  }
0xb8: {  	s31 =	sshll.u32 s1, $0xD;
	s1 =	sshrl.u32 s1, $0x2  }
0xb9: {  	s3 =	sand.u32 $0x4000, s31;
	s1 =	sadd.s32 s1, s30  }
0xba: {  	s0 =	sor.u32 s3, s0;
	s1 =	sshll.u32 s1, $0x11  }
0xbb: {  	s0 =	sor.u32 s1, s0  }
0xbc: {  	s0 =	sadd.s32 $0x8F2B, s0  }
0xbd: {  	[sflag:s0] =	ssyncadd.remote.s32 $0x1  }
0xbe: {  	_ =	sfence.sel $0xFFFF  }
0xbf: {  	[dreg:$0x0] =	wrdreg $0xFFFFFFFF;
	(pc) =	sbr.abs _section_cstart, $3  }
0xc0: {  	[dreg:$0x1] =	wrdreg $0xFFFFFFFF  }
0xc1: {  	_ =	task.clear_ibuf [dreg:s6], $0x2FFFF;
	_ =	strace $0x9FFFFFFF  }
0xc2: {  	(tm) =	ssettm $0x7FFFFFFF  }
0xc3: {  	_ =	shalt  }
tec
execute0_lowered:
.L_overlay_start_1:
0x0: {  	(tag) =	ssettag $0x1  }
0x1: {  	s0 =	rddreg [dreg:$0x0]  }
0x2: {  	s1 =	rddreg [dreg:$0x1];
	s2 =	simm.s32 $0x0  }
0x3: {  	s3 =	srdreg.scid;
	s12 =	stileid.u32;
	s9 =	simm.s32 $0x80  }
0x4: {  	s28 =	simm.s32 $0x9000;
	s30 =	simm.s32 $0xA000;
	s29 =	simm.s32 $0x3  }
0x5: {  	s31 =	simm.s32 $0x4;
	[smem:$0x7FF] =	sst s2;
	s3 =	sand.u32 $0x1, s3  }
0x6: {  	s6 =	sadd.s32 $0x15C00, s0;
	s7 =	sadd.s32 $0xBC00, s0;
	s4 =	sadd.s32 $0x1C00, s0  }
0x7: {  	s0 =	sadd.s32 $0x1FC00, s0;
	s19 =	sshll.u32 s12, $0x9;
	s10 =	sshll.u32 s12, $0xB  }
0x8: {  	s14 =	smul.u32 $0x5000, s12;
	_ =	strace $0x8000004A;
	s5 =	ssub.s32 $0x2, s3  }
0x9: {  	p0 =	seq.s32 s3, $0x0;
	s11 =	sor.u32 $0x8000, s19;
	s16 =	smul.u32 $0x50000, s3  }
0xa: {  	s8 =	sshrl.u32 s5, $0x1;
	s9 =	simm.s32 @!p0 $0x20;
	s11 =	smov.u32 @p0 s10  }
0xb: {  	s10 =	sor.u32 $0x200, s10;
	s22 =	sadd.s32 $0x1000, s14;
	s23 =	sadd.s32 $0x2000, s14  }
0xc: {  	s18 =	sadd.s32 $0x3000, s14;
	s19 =	sadd.s32 $0x4000, s14;
	p0 =	sne.s32 s3, $0x0  }
0xd: {  	s3 =	simm.s32 $0x1;
	s8 =	ssub.s32 s5, s8;
	s5 =	simm.s32 $0x80  }
0xe: {  	s20 =	sadd.s32 s6, s11;
	s11 =	sadd.s32 s7, s11;
	s6 =	sadd.s32 s6, s10  }
0xf: {  	s21 =	sadd.s32 s7, s10;
	s10 =	sadd.s32 s14, s1;
	s12 =	sadd.s32 s23, s1  }
0x10: {  	s13 =	sadd.s32 s18, s1;
	s15 =	sadd.s32 s14, s16;
	[dreg:$0x3] =	wrdreg s20  }
0x11: {  	s14 =	sadd.s32 s19, s1;
	s24 =	sadd.s32 s16, s23;
	[dreg:$0x4] =	wrdreg s11  }
0x12: {  	s25 =	sadd.s32 s16, s18;
	s23 =	simm.s32 $0x5;
	[dreg:$0x5] =	wrdreg s6  }
0x13: {  	[dreg:$0x6] =	wrdreg s21;
	s11 =	sadd.s32 s22, s1;
	s17 =	sshrl.u32 s15, $0x3  }
0x14: {  	s6 =	sadd.s32 s16, s22;
	s15 =	sshrl.u32 s9, $0x2;
	s7 =	sshrl.u32 s25, $0x3  }
0x15: {  	s16 =	sadd.s32 s16, s19;
	s21 =	smax.u32 s8, $0x1;
	s22 =	sadd.s32 $0xFFFFFFFF, s9  }
0x16: {  	s25 =	simm.s32 $0xC000;
	s17 =	sadd.s32 s0, s17;
	s6 =	sshrl.u32 s6, $0x3  }
0x17: {  	s19 =	sadd.s32 s0, s7;
	s26 =	sshrl.u32 s16, $0x3;
	[dreg:$0x7] =	wrdreg s17  }
0x18: {  	s6 =	sadd.s32 s0, s6;
	s20 =	sadd.s32 s0, s26;
	s26 =	simm.s32 $0x8000  }
0x19: {  	[dreg:$0x8] =	wrdreg s6;
	s6 =	sshrl.u32 s24, $0x3;
	s24 =	simm.s32 $0x2  }
0x1a: {  	v0 =	vimm.f32 $0.0e+00;
	s18 =	sadd.s32 s0, s6;
	s0 =	simm.s32 $0xB000;
	s6 =	simm.s32 $0x0  }
.LBB2_1:
0x1b: {  	s7 =	simm.s32 $0x80;
	s8 =	simm.s32 $0x0  }
.LBB2_2:
0x1c: {  	p1 =	sne.s32 s7, $0x3F80;
	[tilespmem:s8+$0xC000] =	vst v0;
	s9 =	smov.u32 s7;
	s7 =	sadd.s32 $0x80, s7  }
.Ltmp0:
0x1d: {  	[tilespmem:s8+$0xC010] =	vst v0;
	(pc) =	sbr.rel @p1 .LBB2_2-.Ltmp0, $2  }
0x1e: {  	_ =	sdelay $0x2  }
0x1f: {  	s8 =	sshra.s32 s9, $0x2  }
0x20: {  	[tilespmem:s8+$0xC000] =	vst v0  }
0x21: {  	[tilespmem:s8+$0xC010] =	vst v0;
	s7 =	rddreg [dreg:$0x3]  }
0x22: {  	[tilespmem:s2], [sflag:$0x5] =	stream.linear.gather [hbm4b:s7+s2], $0x1000, $0x38;
	[tilespmem:$0x12000] =	vst v63  }
0x23: {  	_ =	swait.ge [sflag:s23], $0x1000  }
0x24: {  	[sflag:s23] =	ssyncset.done $0x0  }
0x25: {  	s17 =	simm.s32 $0x4000;
	s16 =	rddreg [dreg:$0x4];
	[sflag:s23] =	ssyncadd.s32 $0xFFFFF000  }
0x26: {  	[tilespmem:s17], [sflag:$0x5] =	stream.linear.gather [hbm4b:s16+s2], $0x1000, $0x38;
	[tilespmem:$0x12000] =	vst v63  }
0x27: {  	_ =	swait.ge [sflag:s23], $0x1000  }
0x28: {  	s8 =	simm.s32 @!p0 $0x1000;
	[sflag:s23] =	ssyncset.done $0x0  }
0x29: {  	s7 =	simm.s32 @!p0 $0x0;
	s9 =	rddreg [dreg:$0x5];
	[sflag:s23] =	ssyncadd.s32 $0xFFFFF000  }
0x2a: {  	[tilespmem:s8], [sflag:$0x5] =	stream.linear.gather @!p0 [hbm4b:s9+s7], $0x3000, $0x38;
	[tilespmem:$0x12000] =	vst v63  }
0x2b: {  	s8 =	simm.s32 @!p0 $0x5  }
0x2c: {  	_ =	swait.ge @!p0 [sflag:s8], $0x3000  }
0x2d: {  	[sflag:s8] =	ssyncset.done @!p0 $0x0  }
0x2e: {  	s9 =	simm.s32 @!p0 $0x5000;
	s16 =	rddreg [dreg:$0x6];
	[sflag:s8] =	ssyncadd.s32 @!p0 $0xFFFFD000  }
0x2f: {  	[tilespmem:s9], [sflag:$0x5] =	stream.linear.gather @!p0 [hbm4b:s16+s7], $0x3000, $0x38;
	[tilespmem:$0x12000] =	vst v63  }
0x30: {  	_ =	swait.ge @!p0 [sflag:s8], $0x3000  }
0x31: {  	[sflag:s8] =	ssyncset.done @!p0 $0x0  }
0x32: {  	[sflag:s8] =	ssyncadd.s32 @!p0 $0xFFFFD000  }
0x33: {  	[spmem:s10] =	stream.linear.scatter [tilespmem:s25], [sflag:$0x5], $0x1000, $0x38;
	[tilespmem:$0x12000] =	vst v63  }
0x34: {  	_ =	swait.ge [sflag:s23], $0x1000  }
0x35: {  	[sflag:s23] =	ssyncset.done $0x0  }
0x36: {  	[sflag:s23] =	ssyncadd.s32 $0xFFFFF000  }
0x37: {  	[spmem:s11] =	stream.linear.scatter [tilespmem:s25], [sflag:$0x5], $0x1000, $0x38;
	[tilespmem:$0x12000] =	vst v63  }
0x38: {  	_ =	swait.ge [sflag:s23], $0x1000  }
0x39: {  	[sflag:s23] =	ssyncset.done $0x0  }
0x3a: {  	[sflag:s23] =	ssyncadd.s32 $0xFFFFF000  }
0x3b: {  	[spmem:s12] =	stream.linear.scatter [tilespmem:s25], [sflag:$0x5], $0x1000, $0x38;
	[tilespmem:$0x12000] =	vst v63  }
0x3c: {  	_ =	swait.ge [sflag:s23], $0x1000  }
0x3d: {  	[sflag:s23] =	ssyncset.done $0x0  }
0x3e: {  	[sflag:s23] =	ssyncadd.s32 $0xFFFFF000  }
0x3f: {  	[spmem:s13] =	stream.linear.scatter [tilespmem:s25], [sflag:$0x5], $0x1000, $0x38;
	[tilespmem:$0x12000] =	vst v63  }
0x40: {  	_ =	swait.ge [sflag:s23], $0x1000  }
0x41: {  	[sflag:s23] =	ssyncset.done $0x0  }
0x42: {  	[sflag:s23] =	ssyncadd.s32 $0xFFFFF000  }
0x43: {  	[spmem:s14] =	stream.linear.scatter [tilespmem:s25], [sflag:$0x5], $0x1000, $0x38;
	[tilespmem:$0x12000] =	vst v63  }
0x44: {  	_ =	swait.ge [sflag:s23], $0x1000  }
0x45: {  	[sflag:s23] =	ssyncset.done $0x0  }
0x46: {  	[sflag:s23] =	ssyncadd.s32 $0xFFFFF000  }
0x47: {  	[tilespmem:s26], [sflag:$0x1] =	stream.indirect.gather [hbm4b:s4+s5], $0x20, s2, s5, $0xb8;
	[tilespmem:$0x12000] =	vst v63  }
0x48: {  	_ = 	snop  }
0x49: {  	[tilespmem:s28], [sflag:$0x2] =	stream.indirect.gather [hbm4b:s4+s5], $0x20, s5, s5, $0xb8;
	[tilespmem:$0x12000] =	vst v63  }
0x4a: {  	s9 =	simm.s32 $0x100  }
0x4b: {  	[tilespmem:s30], [sflag:$0x3] =	stream.indirect.gather [hbm4b:s4+s5], $0x20, s9, s5, $0xb8;
	[tilespmem:$0x12000] =	vst v63  }
0x4c: {  	s16 =	simm.s32 $0x180  }
0x4d: {  	[tilespmem:s0], [sflag:$0x4] =	stream.indirect.gather [hbm4b:s4+s5], $0x20, s16, s5, $0xb8;
	[tilespmem:$0x12000] =	vst v63  }
0x4e: {  	[bflag:$0x0] =	sbarrier.arrive $0xFFFF  }
0x4f: {  	_ =	swait.ge [sflag:s3], $0x1000  }
0x50: {  	[sflag:s3] =	ssyncset.done $0x0  }
0x51: {  	s17 =	simm.s32 $0x4;
	s9 =	simm.s32 $0x4000;
	[sflag:s3] =	ssyncadd.s32 $0xFFFFF000  }
0x52: {  	[spmem:s1] =	stream.indirect.scatter.add.f32 [tilespmem:s26], [sflag:$0x5], $0x20, s9, s5, $0xb8;
	[tilespmem:$0x12000] =	vst v63  }
0x53: {  	s7 =	sand.u32 s22, s17;
	_ =	swait.ge [sflag:s23], $0x1000  }
0x54: {  	s7 =	sshll.u32 s7, $0x7;
	[sflag:s23] =	ssyncset.done $0x0  }
0x55: {  	s7 =	sand.u32 $0x3FFFFF80, s7;
	[sflag:s23] =	ssyncadd.s32 $0xFFFFF000  }
0x56: {  	[tilespmem:s26], [sflag:$0x1] =	stream.indirect.gather [hbm4b:s4+s5], $0x20, s7, s5, $0xb8;
	[tilespmem:$0x12000] =	vst v63  }
0x57: {  	_ =	swait.ge [sflag:s24], $0x1000  }
0x58: {  	[sflag:s24] =	ssyncset.done $0x0  }
0x59: {  	s17 =	simm.s32 $0x5;
	s16 =	simm.s32 $0x4080;
	[sflag:s24] =	ssyncadd.s32 $0xFFFFF000  }
0x5a: {  	[spmem:s1] =	stream.indirect.scatter.add.f32 [tilespmem:s28], [sflag:$0x5], $0x20, s16, s5, $0xb8;
	[tilespmem:$0x12000] =	vst v63  }
0x5b: {  	s9 =	sand.u32 s22, s17;
	_ =	swait.ge [sflag:s23], $0x1000  }
0x5c: {  	s7 =	sshll.u32 s9, $0x7;
	[sflag:s23] =	ssyncset.done $0x0  }
0x5d: {  	s7 =	sand.u32 $0x3FFFFF80, s7;
	[sflag:s23] =	ssyncadd.s32 $0xFFFFF000  }
0x5e: {  	[tilespmem:s28], [sflag:$0x2] =	stream.indirect.gather [hbm4b:s4+s5], $0x20, s7, s5, $0xb8;
	[tilespmem:$0x12000] =	vst v63  }
0x5f: {  	_ =	swait.ge [sflag:s29], $0x1000  }
0x60: {  	[sflag:s29] =	ssyncset.done $0x0  }
0x61: {  	s17 =	simm.s32 $0x6;
	s16 =	simm.s32 $0x4100;
	[sflag:s29] =	ssyncadd.s32 $0xFFFFF000  }
0x62: {  	[spmem:s1] =	stream.indirect.scatter.add.f32 [tilespmem:s30], [sflag:$0x5], $0x20, s16, s5, $0xb8;
	[tilespmem:$0x12000] =	vst v63  }
0x63: {  	s8 =	sand.u32 s22, s17;
	_ =	swait.ge [sflag:s23], $0x1000  }
0x64: {  	s7 =	sshll.u32 s8, $0x7;
	[sflag:s23] =	ssyncset.done $0x0  }
0x65: {  	s7 =	sand.u32 $0x3FFFFF80, s7;
	[sflag:s23] =	ssyncadd.s32 $0xFFFFF000  }
0x66: {  	[tilespmem:s30], [sflag:$0x3] =	stream.indirect.gather [hbm4b:s4+s5], $0x20, s7, s5, $0xb8;
	[tilespmem:$0x12000] =	vst v63  }
0x67: {  	p1 =	sne.s32 s15, $0x1;
	_ =	swait.ge [sflag:s31], $0x1000  }
0x68: {  	s9 =	simm.s32 $0x4180;
	s16 =	simm.s32 $0x7;
	[sflag:s31] =	ssyncset.done $0x0  }
.Ltmp1:
0x69: {  	s8 =	sand.u32 s22, s16;
	[sflag:s31] =	ssyncadd.s32 $0xFFFFF000;
	(pc) =	sbr.rel @!p1 .LBB2_5-.Ltmp1, $4  }
0x6a: {  	[spmem:s1] =	stream.indirect.scatter.add.f32 [tilespmem:s0], [sflag:$0x5], $0x20, s9, s5, $0xb8;
	[tilespmem:$0x12000] =	vst v63  }
0x6b: {  	s17 =	sshll.u32 s8, $0x7;
	_ =	swait.ge [sflag:s23], $0x1000  }
0x6c: {  	s8 =	simm.s32 $0x8;
	s16 =	sand.u32 $0x3FFFFF80, s17;
	[sflag:s23] =	ssyncset.done $0x0  }
0x6d: {  	s7 =	sadd.s32 $0xFFFFFFFF, s15;
	s9 =	simm.s32 $0x4380;
	[sflag:s23] =	ssyncadd.s32 $0xFFFFF000  }
.LBB2_4:
0x6e: {  	[tilespmem:s0], [sflag:$0x4] =	stream.indirect.gather [hbm4b:s4+s5], $0x20, s16, s5, $0xb8;
	[tilespmem:$0x12000] =	vst v63  }
0x6f: {  	p1 =	sne.s32 s7, $0x1;
	s7 =	sadd.s32 $0xFFFFFFFF, s7;
	_ =	swait.ge [sflag:s3], $0x1000  }
0x70: {  	[sflag:s3] =	ssyncset.done $0x0  }
0x71: {  	s16 =	sadd.s32 $0xFFFFFE80, s9;
	[sflag:s3] =	ssyncadd.s32 $0xFFFFF000  }
0x72: {  	[spmem:s1] =	stream.indirect.scatter.add.f32 [tilespmem:s26], [sflag:$0x5], $0x20, s16, s5, $0xb8;
	[tilespmem:$0x12000] =	vst v63  }
0x73: {  	s16 =	sand.u32 s22, s8;
	_ =	swait.ge [sflag:s23], $0x1000  }
0x74: {  	s16 =	sshll.u32 s16, $0x7;
	[sflag:s23] =	ssyncset.done $0x0  }
0x75: {  	s16 =	sand.u32 $0x3FFFFF80, s16;
	[sflag:s23] =	ssyncadd.s32 $0xFFFFF000  }
0x76: {  	[tilespmem:s26], [sflag:$0x1] =	stream.indirect.gather [hbm4b:s4+s5], $0x20, s16, s5, $0xb8;
	[tilespmem:$0x12000] =	vst v63  }
0x77: {  	_ =	swait.ge [sflag:s24], $0x1000  }
0x78: {  	[sflag:s24] =	ssyncset.done $0x0  }
0x79: {  	s17 =	sadd.s32 $0x1, s8;
	s16 =	sadd.s32 $0xFFFFFF00, s9;
	[sflag:s24] =	ssyncadd.s32 $0xFFFFF000  }
0x7a: {  	[spmem:s1] =	stream.indirect.scatter.add.f32 [tilespmem:s28], [sflag:$0x5], $0x20, s16, s5, $0xb8;
	[tilespmem:$0x12000] =	vst v63  }
0x7b: {  	s16 =	sand.u32 s22, s17;
	_ =	swait.ge [sflag:s23], $0x1000  }
0x7c: {  	s16 =	sshll.u32 s16, $0x7;
	[sflag:s23] =	ssyncset.done $0x0  }
0x7d: {  	s16 =	sand.u32 $0x3FFFFF80, s16;
	[sflag:s23] =	ssyncadd.s32 $0xFFFFF000  }
0x7e: {  	[tilespmem:s28], [sflag:$0x2] =	stream.indirect.gather [hbm4b:s4+s5], $0x20, s16, s5, $0xb8;
	[tilespmem:$0x12000] =	vst v63  }
0x7f: {  	_ =	swait.ge [sflag:s29], $0x1000  }
0x80: {  	[sflag:s29] =	ssyncset.done $0x0  }
0x81: {  	s17 =	sadd.s32 $0x2, s8;
	s16 =	sadd.s32 $0xFFFFFF80, s9;
	[sflag:s29] =	ssyncadd.s32 $0xFFFFF000  }
0x82: {  	[spmem:s1] =	stream.indirect.scatter.add.f32 [tilespmem:s30], [sflag:$0x5], $0x20, s16, s5, $0xb8;
	[tilespmem:$0x12000] =	vst v63  }
0x83: {  	s16 =	sand.u32 s22, s17;
	_ =	swait.ge [sflag:s23], $0x1000  }
0x84: {  	s16 =	sshll.u32 s16, $0x7;
	[sflag:s23] =	ssyncset.done $0x0  }
0x85: {  	s16 =	sand.u32 $0x3FFFFF80, s16;
	[sflag:s23] =	ssyncadd.s32 $0xFFFFF000  }
0x86: {  	[tilespmem:s30], [sflag:$0x3] =	stream.indirect.gather [hbm4b:s4+s5], $0x20, s16, s5, $0xb8;
	[tilespmem:$0x12000] =	vst v63  }
0x87: {  	_ =	swait.ge [sflag:s31], $0x1000  }
0x88: {  	[sflag:s31] =	ssyncset.done $0x0  }
.Ltmp2:
0x89: {  	s16 =	sadd.s32 $0x3, s8;
	[sflag:s31] =	ssyncadd.s32 $0xFFFFF000;
	(pc) =	sbr.rel @p1 .LBB2_4-.Ltmp2, $4  }
0x8a: {  	[spmem:s1] =	stream.indirect.scatter.add.f32 [tilespmem:s0], [sflag:$0x5], $0x20, s9, s5, $0xb8;
	[tilespmem:$0x12000] =	vst v63  }
0x8b: {  	s16 =	sand.u32 s22, s16;
	_ =	swait.ge [sflag:s23], $0x1000  }
0x8c: {  	s8 =	sadd.s32 $0x4, s8;
	s16 =	sshll.u32 s16, $0x7;
	[sflag:s23] =	ssyncset.done $0x0  }
0x8d: {  	s16 =	sand.u32 $0x3FFFFF80, s16;
	s9 =	sadd.s32 $0x200, s9;
	[sflag:s23] =	ssyncadd.s32 $0xFFFFF000  }
.LBB2_5:
0x8e: {  	[tilespmem:s0], [sflag:$0x4] =	stream.indirect.gather [hbm4b:s4+s5], $0x20, s16, s5, $0xb8;
	[tilespmem:$0x12000] =	vst v63  }
0x8f: {  	_ =	swait.ge [sflag:s3], $0x1000  }
0x90: {  	[sflag:s3] =	ssyncset.done $0x0  }
0x91: {  	[sflag:s3] =	ssyncadd.s32 $0xFFFFF000  }
0x92: {  	_ =	swait.ge [sflag:s24], $0x1000  }
0x93: {  	[sflag:s24] =	ssyncset.done $0x0  }
0x94: {  	[sflag:s24] =	ssyncadd.s32 $0xFFFFF000  }
0x95: {  	_ =	swait.ge [sflag:s29], $0x1000  }
0x96: {  	[sflag:s29] =	ssyncset.done $0x0  }
0x97: {  	[sflag:s29] =	ssyncadd.s32 $0xFFFFF000  }
0x98: {  	_ =	swait.ge [sflag:s31], $0x1000  }
0x99: {  	[sflag:s31] =	ssyncset.done $0x0  }
0x9a: {  	[sflag:s31] =	ssyncadd.s32 $0xFFFFF000  }
0x9b: {  	[bflag:$0x0] =	sbarrier.arrive $0xFFFF  }
0x9c: {  	[tilespmem:s25], [sflag:$0x5] =	stream.linear.gather [spmem:s10], $0x1000, $0x38;
	[tilespmem:$0x12000] =	vst v63  }
0x9d: {  	_ =	swait.ge [sflag:s23], $0x1000  }
0x9e: {  	[sflag:s23] =	ssyncset.done $0x0  }
0x9f: {  	s7 =	rddreg [dreg:$0x7];
	[sflag:s23] =	ssyncadd.s32 $0xFFFFF000  }
0xa0: {  	[hbm4b:s7+s2] =	stream.linear.scatter [tilespmem:s25], [sflag:$0x5], $0x1000, $0x38;
	[tilespmem:$0x12000] =	vst v63  }
0xa1: {  	_ =	swait.ge [sflag:s23], $0x1000  }
0xa2: {  	[sflag:s23] =	ssyncset.done $0x0  }
0xa3: {  	[sflag:s23] =	ssyncadd.s32 $0xFFFFF000  }
0xa4: {  	[tilespmem:s25], [sflag:$0x5] =	stream.linear.gather [spmem:s11], $0x1000, $0x38;
	[tilespmem:$0x12000] =	vst v63  }
0xa5: {  	_ =	swait.ge [sflag:s23], $0x1000  }
0xa6: {  	[sflag:s23] =	ssyncset.done $0x0  }
0xa7: {  	s17 =	rddreg [dreg:$0x8];
	[sflag:s23] =	ssyncadd.s32 $0xFFFFF000  }
0xa8: {  	[hbm4b:s17+s2] =	stream.linear.scatter [tilespmem:s25], [sflag:$0x5], $0x1000, $0x38;
	[tilespmem:$0x12000] =	vst v63  }
0xa9: {  	_ =	swait.ge [sflag:s23], $0x1000  }
0xaa: {  	[sflag:s23] =	ssyncset.done $0x0  }
0xab: {  	[sflag:s23] =	ssyncadd.s32 $0xFFFFF000  }
0xac: {  	[tilespmem:s25], [sflag:$0x5] =	stream.linear.gather [spmem:s12], $0x1000, $0x38;
	[tilespmem:$0x12000] =	vst v63  }
0xad: {  	_ =	swait.ge [sflag:s23], $0x1000  }
0xae: {  	[sflag:s23] =	ssyncset.done $0x0  }
0xaf: {  	[sflag:s23] =	ssyncadd.s32 $0xFFFFF000  }
0xb0: {  	[hbm4b:s18+s2] =	stream.linear.scatter [tilespmem:s25], [sflag:$0x5], $0x1000, $0x38;
	[tilespmem:$0x12000] =	vst v63  }
0xb1: {  	_ =	swait.ge [sflag:s23], $0x1000  }
0xb2: {  	[sflag:s23] =	ssyncset.done $0x0  }
0xb3: {  	[sflag:s23] =	ssyncadd.s32 $0xFFFFF000  }
0xb4: {  	[tilespmem:s25], [sflag:$0x5] =	stream.linear.gather [spmem:s13], $0x1000, $0x38;
	[tilespmem:$0x12000] =	vst v63  }
0xb5: {  	_ =	swait.ge [sflag:s23], $0x1000  }
0xb6: {  	[sflag:s23] =	ssyncset.done $0x0  }
0xb7: {  	[sflag:s23] =	ssyncadd.s32 $0xFFFFF000  }
0xb8: {  	[hbm4b:s19+s2] =	stream.linear.scatter [tilespmem:s25], [sflag:$0x5], $0x1000, $0x38;
	[tilespmem:$0x12000] =	vst v63  }
0xb9: {  	_ =	swait.ge [sflag:s23], $0x1000  }
0xba: {  	[sflag:s23] =	ssyncset.done $0x0  }
0xbb: {  	[sflag:s23] =	ssyncadd.s32 $0xFFFFF000  }
0xbc: {  	[tilespmem:s25], [sflag:$0x5] =	stream.linear.gather [spmem:s14], $0x1000, $0x38;
	[tilespmem:$0x12000] =	vst v63  }
0xbd: {  	s6 =	sadd.s32 $0x1, s6;
	_ =	swait.ge [sflag:s23], $0x1000  }
0xbe: {  	p1 =	sne.s32 s6, s21;
	[sflag:s23] =	ssyncset.done $0x0  }
.Ltmp3:
0xbf: {  	[sflag:s23] =	ssyncadd.s32 $0xFFFFF000;
	(pc) =	sbr.rel @p1 .LBB2_1-.Ltmp3, $4  }
0xc0: {  	[hbm4b:s20+s2] =	stream.linear.scatter [tilespmem:s25], [sflag:$0x5], $0x1000, $0x38;
	[tilespmem:$0x12000] =	vst v63  }
0xc1: {  	_ =	swait.ge [sflag:s23], $0x1000  }
0xc2: {  	[sflag:s23] =	ssyncset.done $0x0  }
0xc3: {  	[sflag:s23] =	ssyncadd.s32 $0xFFFFF000  }
0xc4: {  	_ =	sfence.sel $0x180000  }
0xc5: {  	[bflag:$0x0] =	sbarrier.arrive $0xFFFF  }
0xc6: {  	_ =	strace $0x9000004A  }
0xc7: {  	s0 =	stileid.u32;
	[bflag:$0x2] =	sbarrier.arrive $0xFFFF  }
0xc8: {  	p0 =	sne.s32 s0, $0x0;
	s0 =	rddreg [dreg:$0x2]  }
0xc9: {  	s0 =	sadd.s32 @!p0 $0x100000, s0  }
0xca: {  	[sflag:s0] =	ssyncadd.tile.s32 @!p0 $0x1;
	_ =	shalt  }
.Lfunc_end2:
_tile_overlayer_lowered:
.L_overlay_start_2:
0xcb: {  	(tag) =	ssettag $0x2  }
0xcc: {  	s0 =	rddreg [dreg:$0x0];
	s2 =	stileid.u32  }
0xcd: {  	s1 =	rddreg [dreg:$0x1];
	p0 =	sne.s32 s2, $0x0  }
0xce: {  	s3 =	rddreg [dreg:$0x2];
	[bflag:$0x3] =	sbarrier.arrive $0xFFFF;
	s2 =	simm.s32 @!p0 $0x1C05  }
0xcf: {  	[timem:s3], [sflag:s2] =	dma.local @!p0 [hbm:s0], s1  }
0xd0: {  	s0 =	simm.s32 @!p0 $0x5  }
0xd1: {  	_ =	swait.ge @!p0 [sflag:s0], s1  }
0xd2: {  	s1 =	ssub.s32 @!p0 $0x0, s1;
	[sflag:s0] =	ssyncset.done @!p0 $0x0  }
0xd3: {  	[sflag:s0] =	ssyncadd.s32 @!p0 s1  }
0xd4: {  	[bflag:$0x3] =	sbarrier.arrive $0xFFFF  }
0xd5: {  	_ =	shalt  }

// kernel: kernel.15.cloned.1.call-start
scs
__scs_entry_jumppad:
0x0: {  	(pc) =	sbr.rel $0x88, $3  }
0x1: {  	(tag) =	ssettag $0x0;
	lr =	simm.s32 $0x1  }
0x2: {  	[smem:$0x3F99] =	sst lr;
	_ =	strace $0xD0000000  }
0x3: {  	_ = 	snop  }
0x4: {  	_ = 	snop  }
0x5: {  	_ = 	snop  }
0x6: {  	_ = 	snop  }
0x7: {  	_ = 	snop  }
__scs_overlays_trampoline_lowered:
0x8: {  	[smem:$0x3FA8] =	sst s0  }
0x9: {  	[smem:$0x3FA9] =	sst s1  }
0xa: {  	[smem:$0x3FAA] =	sst s2  }
0xb: {  	[smem:$0x3FAB] =	sst s3  }
0xc: {  	[smem:$0x3FAC] =	sst s4  }
0xd: {  	[smem:$0x3FAD] =	sst s5  }
0xe: {  	[smem:$0x3FAE] =	sst s6  }
0xf: {  	[smem:$0x3FAF] =	sst s7  }
0x10: {  	[smem:$0x3FB0] =	sst s8  }
0x11: {  	[smem:$0x3FB1] =	sst s9;
	s0 =	simm.s32 @!p0 $0x0  }
0x12: {  	s1 =	sld [smem:$0x3F97];
	s0 =	simm.s32 @p0 $0x1  }
0x13: {  	[smem:$0x3FB2] =	sst s0;
	s0 =	simm.s32 @!p1 $0x0  }
0x14: {  	s2 =	sld [smem:$0x3F96];
	s0 =	simm.s32 @p1 $0x1  }
0x15: {  	[smem:$0x3FB3] =	sst s0;
	s0 =	simm.s32 @!p2 $0x0  }
0x16: {  	s3 =	sld [smem:$0x3FDB];
	s0 =	simm.s32 @p2 $0x1  }
0x17: {  	s4 =	simm.s32 $0x1BF5;
	[smem:$0x3FB5] =	sst s0  }
0x18: {  	s0 =	sld [smem:$0x3F98];
	_ =	swait.ge [sflag:s4], $0x0  }
0x19: {  	s7 =	sld [smem:$0x3F99]  }
0x1a: {  	s8 =	sadd.s32 $0xFFFFE003, lr  }
0x1b: {  	s9 =	sadd.s32 $0xFFFFFEF7, lr;
	s5 =	simm.s32 $0xFFFFFFFF;
	p2 =	slt.u32 s8, $0xFFFFF086  }
0x1c: {  	p1 =	slt.u32 s9, $0xF7A;
	s5 =	simm.s32 @!p2 $0x0  }
0x1d: {  	s5 =	simm.s32 @p1 $0x1;
	p0 =	seq.s32 s7, s2  }
0x1e: {  	s7 =	smul.u32 @!p0 $0xF7A, s2;
	p2 =	seq.s32 @!p0 s5, $0x0  }
0x1f: {  	s9 =	smul.u32 $0xF7A, s1;
	s8 =	simm.s32 @!p0 $0x1BF5;
	p2 =	por !p2, p0  }
0x20: {  	[sflag:s8] =	ssyncset.s32 @!p0 $0xFFFFF086;
	s6 =	sadd.s32 @!p0 s3, s7;
	s7 =	simm.s32 @!p0 $0x108  }
0x21: {  	s3 =	sadd.s32 s3, s9;
	s6 =	sadd.s32 @!p0 $0x88, s6;
	s7 =	simm.s32 @p2 $0x1082  }
0x22: {  	[simem:s7], [sflag:s8] =	dma.local @!p0 [hbm:s6], $0xF7A  }
0x23: {  	s9 =	sor.u32 $0xD0000000, s2;
	s6 =	simm.s32 $0x108;
	_ =	swait.ge @!p0 [sflag:s8], $0x0  }
0x24: {  	s3 =	sadd.s32 $0x88, s3;
	s6 =	simm.s32 @!p1 $0x1082;
	[sflag:s4] =	ssyncset.s32 $0xFFFFF086  }
0x25: {  	[simem:s6], [sflag:s4] =	dma.local [hbm:s3], $0xF7A  }
0x26: {  	[smem:$0x3F99] =	sst s1;
	(tag) =	ssettag s2;
	_ =	strace s9  }
0x27: {  	s1 =	sld [smem:$0x3FA9]  }
0x28: {  	s2 =	sld [smem:$0x3FAA]  }
0x29: {  	s4 =	sld [smem:$0x3FAC]  }
0x2a: {  	p0 =	seq.s32 s5, $0x0;
	s5 =	sld [smem:$0x3FAD]  }
0x2b: {  	s6 =	sld [smem:$0x3FAE]  }
0x2c: {  	s7 =	sld [smem:$0x3FAF]  }
0x2d: {  	s3 =	simm.s32 $0x108;
	s8 =	sld [smem:$0x3FB0]  }
0x2e: {  	s3 =	simm.s32 @!p0 $0x1082;
	s9 =	sld [smem:$0x3FB1]  }
0x2f: {  	lr =	sadd.s32 s0, s3;
	s0 =	sld [smem:$0x3FA8]  }
0x30: {  	s3 =	sld [smem:$0x3FAB]  }
0x31: {  	[smem:$0x3FB4] =	sst s10  }
0x32: {  	s10 =	sld [smem:$0x3FB2];
	_ =	sdelay $0x3  }
0x33: {  	p0 =	seq.s32 s10, $0x1;
	s10 =	sld [smem:$0x3FB4];
	_ =	sdelay $0x3  }
0x34: {  	[smem:$0x3FB4] =	sst s10  }
0x35: {  	s10 =	sld [smem:$0x3FB3];
	_ =	sdelay $0x3  }
0x36: {  	p1 =	seq.s32 s10, $0x1;
	s10 =	sld [smem:$0x3FB4];
	_ =	sdelay $0x3  }
0x37: {  	[smem:$0x3FB4] =	sst s10  }
0x38: {  	s10 =	sld [smem:$0x3FB5]  }
0x39: {  	_ = 	snop;
	(pc) =	sbr.ind lr, $3  }
0x3a: {  	_ = 	snop  }
0x3b: {  	_ = 	snop  }
0x3c: {  	p2 =	seq.s32 s10, $0x1;
	s10 =	sld [smem:$0x3FB4]  }
0x3d: {  	_ =	shalt  }
0x3e: {  	_ =	shalt  }
0x3f: {  	_ =	shalt  }
0x40: {  	_ =	shalt  }
0x41: {  	_ =	shalt  }
0x42: {  	_ =	shalt  }
0x43: {  	_ =	shalt  }
0x44: {  	_ =	shalt  }
0x45: {  	_ =	shalt  }
0x46: {  	_ =	shalt  }
0x47: {  	_ =	shalt  }
0x48: {  	_ =	shalt  }
0x49: {  	_ =	shalt  }
0x4a: {  	_ =	shalt  }
0x4b: {  	_ =	shalt  }
0x4c: {  	_ =	shalt  }
0x4d: {  	_ =	shalt  }
0x4e: {  	_ =	shalt  }
0x4f: {  	_ =	shalt  }
0x50: {  	_ =	shalt  }
0x51: {  	_ =	shalt  }
0x52: {  	_ =	shalt  }
0x53: {  	_ =	shalt  }
0x54: {  	_ =	shalt  }
0x55: {  	_ =	shalt  }
0x56: {  	_ =	shalt  }
0x57: {  	_ =	shalt  }
0x58: {  	_ =	shalt  }
0x59: {  	_ =	shalt  }
0x5a: {  	_ =	shalt  }
0x5b: {  	_ =	shalt  }
0x5c: {  	_ =	shalt  }
0x5d: {  	_ =	shalt  }
0x5e: {  	_ =	shalt  }
0x5f: {  	_ =	shalt  }
0x60: {  	_ =	shalt  }
0x61: {  	_ =	shalt  }
0x62: {  	_ =	shalt  }
0x63: {  	_ =	shalt  }
0x64: {  	_ =	shalt  }
0x65: {  	_ =	shalt  }
0x66: {  	_ =	shalt  }
0x67: {  	_ =	shalt  }
0x68: {  	_ =	shalt  }
0x69: {  	_ =	shalt  }
0x6a: {  	_ =	shalt  }
0x6b: {  	_ =	shalt  }
0x6c: {  	_ =	shalt  }
0x6d: {  	_ =	shalt  }
0x6e: {  	_ =	shalt  }
0x6f: {  	_ =	shalt  }
0x70: {  	_ =	shalt  }
0x71: {  	_ =	shalt  }
0x72: {  	_ =	shalt  }
0x73: {  	_ =	shalt  }
0x74: {  	_ =	shalt  }
0x75: {  	_ =	shalt  }
0x76: {  	_ =	shalt  }
0x77: {  	_ =	shalt  }
0x78: {  	_ =	shalt  }
0x79: {  	_ =	shalt  }
0x7a: {  	_ =	shalt  }
0x7b: {  	_ =	shalt  }
0x7c: {  	_ =	shalt  }
0x7d: {  	_ =	shalt  }
0x7e: {  	_ =	shalt  }
0x7f: {  	_ =	shalt  }
0x80: {  	_ =	shalt  }
0x81: {  	_ =	shalt  }
0x82: {  	_ =	shalt  }
0x83: {  	_ =	shalt  }
0x84: {  	_ =	shalt  }
0x85: {  	_ =	shalt  }
0x86: {  	_ =	shalt  }
0x87: {  	_ =	shalt  }
.Lfunc_end0:
.L_simem_size_0:
called_computation.2_lowered:
.L_overlay_start_0:
0x88: {  	s2 =	sld [smem:$0x3FD9]  }
0x89: {  	s3 =	sld [smem:$0x3FFE];
	_ =	sdelay $0x1  }
0x8a: {  	s1 =	srdreg.scid  }
0x8b: {  	s0 =	sand.u32 $0x1, s1  }
0x8c: {  	s16 =	sshll.u32 s0, $0xA;
	s2 =	sadd.s32 s3, s2  }
0x8d: {  	s2 =	sadd.s32 s2, s16  }
0x8e: {  	[smem:$0x3FC0] =	sst s2  }
0x8f: {  	_ = 	snop  }
0x90: {  	(tm) =	ssettm $0x1  }
0x91: {  	s17 =	sld [smem:$0x3FFB];
	_ =	sdelay $0x3  }
0x92: {  	_ =	strace s17  }
0x93: {  	s2 =	sld [smem:$0x3FFC];
	_ =	sdelay $0x3  }
0x94: {  	_ =	strace s2  }
0x95: {  	s2 =	sld [smem:$0x3FFD];
	_ =	sdelay $0x3  }
0x96: {  	_ =	strace s2  }
0x97: {  	_ =	strace $0x8FFFFFFF  }
0x98: {  	s18 =	sld [smem:$0x3FDB];
	_ =	sdelay $0x1  }
0x99: {  	s19 =	simm.s32 $_scs_section_size  }
0x9a: {  	s4 =	simm.s32 $_size__tile_overlayer_lowered;
	s5 =	simm.s32 $_tile_overlayer_lowered  }
0x9b: {  	s22 =	simm.s32 $0x1BFF;
	s21 =	sshll.u32 s5, $0x1;
	s2 =	sadd.s32 s19, s18  }
0x9c: {  	s6 =	simm.s32 $0x0;
	s20 =	sshll.u32 s4, $0x1;
	s4 =	sadd.s32 s21, s2  }
0x9d: {  	[timem:s6], [sflag:s22] =	dma.local [hbm:s4], s20  }
0x9e: {  	_ =	swait.ge [sflag:s22], s20  }
0x9f: {  	s3 =	ssub.s32 $0x0, s20;
	[sflag:s22] =	ssyncset.done $0x0  }
0xa0: {  	[sflag:s22] =	ssyncadd.s32 s3;
	_ =	sdelay $0x1  }
0xa1: {  	s23 =	simm.s32 $0x1B8B  }
0xa2: {  	_ =	swait.ge [sflag:s23], $0x1  }
0xa3: {  	[sflag:s23] =	ssyncset.done $0x0  }
0xa4: {  	s25 =	simm.s32 $0x1B8E;
	s24 =	sld [smem:$0x3FFE];
	[sflag:s23] =	ssyncadd.s32 $0xFFFFFFFF  }
0xa5: {  	s26 =	simm.s32 $execute0_lowered;
	[smem:$0x3FD2] =	sst s25  }
0xa6: {  	s4 =	sshll.u32 s26, $0x1;
	_ =	strace $0x8000004C;
	[dreg:$0x1] =	wrdreg $0xFFFFFFFF  }
0xa7: {  	s28 =	simm.s32 $_size_execute0_lowered;
	s2 =	sadd.s32 s2, s4;
	[dreg:$0x0] =	wrdreg $0x0  }
0xa8: {  	s4 =	sshll.u32 s28, $0x1;
	[dreg:$0x2] =	wrdreg s2  }
0xa9: {  	[dreg:$0x3] =	wrdreg s4  }
0xaa: {  	[dreg:$0x4] =	wrdreg $0xC0  }
0xab: {  	_ =	task [dreg:s6], $0x5FFFF  }
0xac: {  	[dreg:$0x1] =	wrdreg $0xFFFFFFFF  }
0xad: {  	[dreg:$0x0] =	wrdreg $0x60  }
0xae: {  	[dreg:$0x2] =	wrdreg s24  }
0xaf: {  	[dreg:$0x3] =	wrdreg $0xD0000  }
0xb0: {  	[dreg:$0x4] =	wrdreg $0x9  }
0xb1: {  	_ =	task.clear_ibuf [dreg:s6], $0x5FFFF;
	_ =	strace $0x9000004C  }
0xb2: {  	s29 =	simm.s32 $0x9;
	_ =	strace $0x8000004E  }
0xb3: {  	_ =	swait.ge [sflag:s29], $0x1  }
0xb4: {  	[sflag:s29] =	ssyncadd.s32 $0xFFFFFFFF  }
0xb5: {  	_ =	strace $0x9000004E  }
0xb6: {  	_ =	sfence  }
0xb7: {  	s30 =	sld [smem:$0x0];
	_ =	sdelay $0x2  }
0xb8: {  	s31 =	sshll.u32 s1, $0xD;
	s1 =	sshrl.u32 s1, $0x2  }
0xb9: {  	s3 =	sand.u32 $0x4000, s31;
	s1 =	sadd.s32 s1, s30  }
0xba: {  	s0 =	sor.u32 s3, s0;
	s1 =	sshll.u32 s1, $0x11  }
0xbb: {  	s0 =	sor.u32 s1, s0  }
0xbc: {  	s0 =	sadd.s32 $0x8F2B, s0  }
0xbd: {  	[sflag:s0] =	ssyncadd.remote.s32 $0x1  }
0xbe: {  	_ =	sfence.sel $0xFFFF  }
0xbf: {  	[dreg:$0x0] =	wrdreg $0xFFFFFFFF;
	(pc) =	sbr.abs _section_cstart, $3  }
0xc0: {  	[dreg:$0x1] =	wrdreg $0xFFFFFFFF  }
0xc1: {  	_ =	task.clear_ibuf [dreg:s6], $0x2FFFF;
	_ =	strace $0x9FFFFFFF  }
0xc2: {  	(tm) =	ssettm $0x7FFFFFFF  }
0xc3: {  	_ =	shalt  }
tec
execute0_lowered:
.L_overlay_start_1:
0x0: {  	(tag) =	ssettag $0x1  }
0x1: {  	s0 =	rddreg [dreg:$0x0]  }
0x2: {  	s1 =	rddreg [dreg:$0x1];
	s2 =	simm.s32 $0x0  }
0x3: {  	s3 =	srdreg.scid;
	s12 =	stileid.u32;
	s9 =	simm.s32 $0x80  }
0x4: {  	s28 =	simm.s32 $0x9000;
	s30 =	simm.s32 $0xA000;
	s29 =	simm.s32 $0x3  }
0x5: {  	s31 =	simm.s32 $0x4;
	[smem:$0x7FF] =	sst s2;
	s3 =	sand.u32 $0x1, s3  }
0x6: {  	s6 =	sadd.s32 $0x15C00, s0;
	s7 =	sadd.s32 $0xBC00, s0;
	s4 =	sadd.s32 $0x1C00, s0  }
0x7: {  	s0 =	sadd.s32 $0x1FC00, s0;
	s19 =	sshll.u32 s12, $0x9;
	s10 =	sshll.u32 s12, $0xB  }
0x8: {  	s14 =	smul.u32 $0x5000, s12;
	_ =	strace $0x8000004D;
	s5 =	ssub.s32 $0x2, s3  }
0x9: {  	p0 =	seq.s32 s3, $0x0;
	s11 =	sor.u32 $0x8000, s19;
	s16 =	smul.u32 $0x50000, s3  }
0xa: {  	s8 =	sshrl.u32 s5, $0x1;
	s9 =	simm.s32 @!p0 $0x20;
	s11 =	smov.u32 @p0 s10  }
0xb: {  	s10 =	sor.u32 $0x200, s10;
	s22 =	sadd.s32 $0x1000, s14;
	s23 =	sadd.s32 $0x2000, s14  }
0xc: {  	s18 =	sadd.s32 $0x3000, s14;
	s19 =	sadd.s32 $0x4000, s14;
	p0 =	sne.s32 s3, $0x0  }
0xd: {  	s3 =	simm.s32 $0x1;
	s8 =	ssub.s32 s5, s8;
	s5 =	simm.s32 $0x80  }
0xe: {  	s20 =	sadd.s32 s6, s11;
	s11 =	sadd.s32 s7, s11;
	s6 =	sadd.s32 s6, s10  }
0xf: {  	s21 =	sadd.s32 s7, s10;
	s10 =	sadd.s32 s14, s1;
	s12 =	sadd.s32 s23, s1  }
0x10: {  	s13 =	sadd.s32 s18, s1;
	s15 =	sadd.s32 s14, s16;
	[dreg:$0x3] =	wrdreg s20  }
0x11: {  	s14 =	sadd.s32 s19, s1;
	s24 =	sadd.s32 s16, s23;
	[dreg:$0x4] =	wrdreg s11  }
0x12: {  	s25 =	sadd.s32 s16, s18;
	s23 =	simm.s32 $0x5;
	[dreg:$0x5] =	wrdreg s6  }
0x13: {  	[dreg:$0x6] =	wrdreg s21;
	s11 =	sadd.s32 s22, s1;
	s17 =	sshrl.u32 s15, $0x3  }
0x14: {  	s6 =	sadd.s32 s16, s22;
	s15 =	sshrl.u32 s9, $0x2;
	s7 =	sshrl.u32 s25, $0x3  }
0x15: {  	s16 =	sadd.s32 s16, s19;
	s21 =	smax.u32 s8, $0x1;
	s22 =	sadd.s32 $0xFFFFFFFF, s9  }
0x16: {  	s25 =	simm.s32 $0xC000;
	s17 =	sadd.s32 s0, s17;
	s6 =	sshrl.u32 s6, $0x3  }
0x17: {  	s19 =	sadd.s32 s0, s7;
	s26 =	sshrl.u32 s16, $0x3;
	[dreg:$0x7] =	wrdreg s17  }
0x18: {  	s6 =	sadd.s32 s0, s6;
	s20 =	sadd.s32 s0, s26;
	s26 =	simm.s32 $0x8000  }
0x19: {  	[dreg:$0x8] =	wrdreg s6;
	s6 =	sshrl.u32 s24, $0x3;
	s24 =	simm.s32 $0x2  }
0x1a: {  	v0 =	vimm.f32 $0.0e+00;
	s18 =	sadd.s32 s0, s6;
	s0 =	simm.s32 $0xB000;
	s6 =	simm.s32 $0x0  }
.LBB2_1:
0x1b: {  	s7 =	simm.s32 $0x80;
	s8 =	simm.s32 $0x0  }
.LBB2_2:
0x1c: {  	p1 =	sne.s32 s7, $0x3F80;
	[tilespmem:s8+$0xC000] =	vst v0;
	s9 =	smov.u32 s7;
	s7 =	sadd.s32 $0x80, s7  }
.Ltmp0:
0x1d: {  	[tilespmem:s8+$0xC010] =	vst v0;
	(pc) =	sbr.rel @p1 .LBB2_2-.Ltmp0, $2  }
0x1e: {  	_ =	sdelay $0x2  }
0x1f: {  	s8 =	sshra.s32 s9, $0x2  }
0x20: {  	[tilespmem:s8+$0xC000] =	vst v0  }
0x21: {  	[tilespmem:s8+$0xC010] =	vst v0;
	s7 =	rddreg [dreg:$0x3]  }
0x22: {  	[tilespmem:s2], [sflag:$0x5] =	stream.linear.gather [hbm4b:s7+s2], $0x1000, $0x38;
	[tilespmem:$0x12000] =	vst v63  }
0x23: {  	_ =	swait.ge [sflag:s23], $0x1000  }
0x24: {  	[sflag:s23] =	ssyncset.done $0x0  }
0x25: {  	s17 =	simm.s32 $0x4000;
	s16 =	rddreg [dreg:$0x4];
	[sflag:s23] =	ssyncadd.s32 $0xFFFFF000  }
0x26: {  	[tilespmem:s17], [sflag:$0x5] =	stream.linear.gather [hbm4b:s16+s2], $0x1000, $0x38;
	[tilespmem:$0x12000] =	vst v63  }
0x27: {  	_ =	swait.ge [sflag:s23], $0x1000  }
0x28: {  	s8 =	simm.s32 @!p0 $0x1000;
	[sflag:s23] =	ssyncset.done $0x0  }
0x29: {  	s7 =	simm.s32 @!p0 $0x0;
	s9 =	rddreg [dreg:$0x5];
	[sflag:s23] =	ssyncadd.s32 $0xFFFFF000  }
0x2a: {  	[tilespmem:s8], [sflag:$0x5] =	stream.linear.gather @!p0 [hbm4b:s9+s7], $0x3000, $0x38;
	[tilespmem:$0x12000] =	vst v63  }
0x2b: {  	s8 =	simm.s32 @!p0 $0x5  }
0x2c: {  	_ =	swait.ge @!p0 [sflag:s8], $0x3000  }
0x2d: {  	[sflag:s8] =	ssyncset.done @!p0 $0x0  }
0x2e: {  	s9 =	simm.s32 @!p0 $0x5000;
	s16 =	rddreg [dreg:$0x6];
	[sflag:s8] =	ssyncadd.s32 @!p0 $0xFFFFD000  }
0x2f: {  	[tilespmem:s9], [sflag:$0x5] =	stream.linear.gather @!p0 [hbm4b:s16+s7], $0x3000, $0x38;
	[tilespmem:$0x12000] =	vst v63  }
0x30: {  	_ =	swait.ge @!p0 [sflag:s8], $0x3000  }
0x31: {  	[sflag:s8] =	ssyncset.done @!p0 $0x0  }
0x32: {  	[sflag:s8] =	ssyncadd.s32 @!p0 $0xFFFFD000  }
0x33: {  	[spmem:s10] =	stream.linear.scatter [tilespmem:s25], [sflag:$0x5], $0x1000, $0x38;
	[tilespmem:$0x12000] =	vst v63  }
0x34: {  	_ =	swait.ge [sflag:s23], $0x1000  }
0x35: {  	[sflag:s23] =	ssyncset.done $0x0  }
0x36: {  	[sflag:s23] =	ssyncadd.s32 $0xFFFFF000  }
0x37: {  	[spmem:s11] =	stream.linear.scatter [tilespmem:s25], [sflag:$0x5], $0x1000, $0x38;
	[tilespmem:$0x12000] =	vst v63  }
0x38: {  	_ =	swait.ge [sflag:s23], $0x1000  }
0x39: {  	[sflag:s23] =	ssyncset.done $0x0  }
0x3a: {  	[sflag:s23] =	ssyncadd.s32 $0xFFFFF000  }
0x3b: {  	[spmem:s12] =	stream.linear.scatter [tilespmem:s25], [sflag:$0x5], $0x1000, $0x38;
	[tilespmem:$0x12000] =	vst v63  }
0x3c: {  	_ =	swait.ge [sflag:s23], $0x1000  }
0x3d: {  	[sflag:s23] =	ssyncset.done $0x0  }
0x3e: {  	[sflag:s23] =	ssyncadd.s32 $0xFFFFF000  }
0x3f: {  	[spmem:s13] =	stream.linear.scatter [tilespmem:s25], [sflag:$0x5], $0x1000, $0x38;
	[tilespmem:$0x12000] =	vst v63  }
0x40: {  	_ =	swait.ge [sflag:s23], $0x1000  }
0x41: {  	[sflag:s23] =	ssyncset.done $0x0  }
0x42: {  	[sflag:s23] =	ssyncadd.s32 $0xFFFFF000  }
0x43: {  	[spmem:s14] =	stream.linear.scatter [tilespmem:s25], [sflag:$0x5], $0x1000, $0x38;
	[tilespmem:$0x12000] =	vst v63  }
0x44: {  	_ =	swait.ge [sflag:s23], $0x1000  }
0x45: {  	[sflag:s23] =	ssyncset.done $0x0  }
0x46: {  	[sflag:s23] =	ssyncadd.s32 $0xFFFFF000  }
0x47: {  	[tilespmem:s26], [sflag:$0x1] =	stream.indirect.gather [hbm4b:s4+s5], $0x20, s2, s5, $0xb8;
	[tilespmem:$0x12000] =	vst v63  }
0x48: {  	_ = 	snop  }
0x49: {  	[tilespmem:s28], [sflag:$0x2] =	stream.indirect.gather [hbm4b:s4+s5], $0x20, s5, s5, $0xb8;
	[tilespmem:$0x12000] =	vst v63  }
0x4a: {  	s9 =	simm.s32 $0x100  }
0x4b: {  	[tilespmem:s30], [sflag:$0x3] =	stream.indirect.gather [hbm4b:s4+s5], $0x20, s9, s5, $0xb8;
	[tilespmem:$0x12000] =	vst v63  }
0x4c: {  	s16 =	simm.s32 $0x180  }
0x4d: {  	[tilespmem:s0], [sflag:$0x4] =	stream.indirect.gather [hbm4b:s4+s5], $0x20, s16, s5, $0xb8;
	[tilespmem:$0x12000] =	vst v63  }
0x4e: {  	[bflag:$0x0] =	sbarrier.arrive $0xFFFF  }
0x4f: {  	_ =	swait.ge [sflag:s3], $0x1000  }
0x50: {  	[sflag:s3] =	ssyncset.done $0x0  }
0x51: {  	s17 =	simm.s32 $0x4;
	s9 =	simm.s32 $0x4000;
	[sflag:s3] =	ssyncadd.s32 $0xFFFFF000  }
0x52: {  	[spmem:s1] =	stream.indirect.scatter.add.f32 [tilespmem:s26], [sflag:$0x5], $0x20, s9, s5, $0xb8;
	[tilespmem:$0x12000] =	vst v63  }
0x53: {  	s7 =	sand.u32 s22, s17;
	_ =	swait.ge [sflag:s23], $0x1000  }
0x54: {  	s7 =	sshll.u32 s7, $0x7;
	[sflag:s23] =	ssyncset.done $0x0  }
0x55: {  	s7 =	sand.u32 $0x3FFFFF80, s7;
	[sflag:s23] =	ssyncadd.s32 $0xFFFFF000  }
0x56: {  	[tilespmem:s26], [sflag:$0x1] =	stream.indirect.gather [hbm4b:s4+s5], $0x20, s7, s5, $0xb8;
	[tilespmem:$0x12000] =	vst v63  }
0x57: {  	_ =	swait.ge [sflag:s24], $0x1000  }
0x58: {  	[sflag:s24] =	ssyncset.done $0x0  }
0x59: {  	s17 =	simm.s32 $0x5;
	s16 =	simm.s32 $0x4080;
	[sflag:s24] =	ssyncadd.s32 $0xFFFFF000  }
0x5a: {  	[spmem:s1] =	stream.indirect.scatter.add.f32 [tilespmem:s28], [sflag:$0x5], $0x20, s16, s5, $0xb8;
	[tilespmem:$0x12000] =	vst v63  }
0x5b: {  	s9 =	sand.u32 s22, s17;
	_ =	swait.ge [sflag:s23], $0x1000  }
0x5c: {  	s7 =	sshll.u32 s9, $0x7;
	[sflag:s23] =	ssyncset.done $0x0  }
0x5d: {  	s7 =	sand.u32 $0x3FFFFF80, s7;
	[sflag:s23] =	ssyncadd.s32 $0xFFFFF000  }
0x5e: {  	[tilespmem:s28], [sflag:$0x2] =	stream.indirect.gather [hbm4b:s4+s5], $0x20, s7, s5, $0xb8;
	[tilespmem:$0x12000] =	vst v63  }
0x5f: {  	_ =	swait.ge [sflag:s29], $0x1000  }
0x60: {  	[sflag:s29] =	ssyncset.done $0x0  }
0x61: {  	s17 =	simm.s32 $0x6;
	s16 =	simm.s32 $0x4100;
	[sflag:s29] =	ssyncadd.s32 $0xFFFFF000  }
0x62: {  	[spmem:s1] =	stream.indirect.scatter.add.f32 [tilespmem:s30], [sflag:$0x5], $0x20, s16, s5, $0xb8;
	[tilespmem:$0x12000] =	vst v63  }
0x63: {  	s8 =	sand.u32 s22, s17;
	_ =	swait.ge [sflag:s23], $0x1000  }
0x64: {  	s7 =	sshll.u32 s8, $0x7;
	[sflag:s23] =	ssyncset.done $0x0  }
0x65: {  	s7 =	sand.u32 $0x3FFFFF80, s7;
	[sflag:s23] =	ssyncadd.s32 $0xFFFFF000  }
0x66: {  	[tilespmem:s30], [sflag:$0x3] =	stream.indirect.gather [hbm4b:s4+s5], $0x20, s7, s5, $0xb8;
	[tilespmem:$0x12000] =	vst v63  }
0x67: {  	p1 =	sne.s32 s15, $0x1;
	_ =	swait.ge [sflag:s31], $0x1000  }
0x68: {  	s9 =	simm.s32 $0x4180;
	s16 =	simm.s32 $0x7;
	[sflag:s31] =	ssyncset.done $0x0  }
.Ltmp1:
0x69: {  	s8 =	sand.u32 s22, s16;
	[sflag:s31] =	ssyncadd.s32 $0xFFFFF000;
	(pc) =	sbr.rel @!p1 .LBB2_5-.Ltmp1, $4  }
0x6a: {  	[spmem:s1] =	stream.indirect.scatter.add.f32 [tilespmem:s0], [sflag:$0x5], $0x20, s9, s5, $0xb8;
	[tilespmem:$0x12000] =	vst v63  }
0x6b: {  	s17 =	sshll.u32 s8, $0x7;
	_ =	swait.ge [sflag:s23], $0x1000  }
0x6c: {  	s8 =	simm.s32 $0x8;
	s16 =	sand.u32 $0x3FFFFF80, s17;
	[sflag:s23] =	ssyncset.done $0x0  }
0x6d: {  	s7 =	sadd.s32 $0xFFFFFFFF, s15;
	s9 =	simm.s32 $0x4380;
	[sflag:s23] =	ssyncadd.s32 $0xFFFFF000  }
.LBB2_4:
0x6e: {  	[tilespmem:s0], [sflag:$0x4] =	stream.indirect.gather [hbm4b:s4+s5], $0x20, s16, s5, $0xb8;
	[tilespmem:$0x12000] =	vst v63  }
0x6f: {  	p1 =	sne.s32 s7, $0x1;
	s7 =	sadd.s32 $0xFFFFFFFF, s7;
	_ =	swait.ge [sflag:s3], $0x1000  }
0x70: {  	[sflag:s3] =	ssyncset.done $0x0  }
0x71: {  	s16 =	sadd.s32 $0xFFFFFE80, s9;
	[sflag:s3] =	ssyncadd.s32 $0xFFFFF000  }
0x72: {  	[spmem:s1] =	stream.indirect.scatter.add.f32 [tilespmem:s26], [sflag:$0x5], $0x20, s16, s5, $0xb8;
	[tilespmem:$0x12000] =	vst v63  }
0x73: {  	s16 =	sand.u32 s22, s8;
	_ =	swait.ge [sflag:s23], $0x1000  }
0x74: {  	s16 =	sshll.u32 s16, $0x7;
	[sflag:s23] =	ssyncset.done $0x0  }
0x75: {  	s16 =	sand.u32 $0x3FFFFF80, s16;
	[sflag:s23] =	ssyncadd.s32 $0xFFFFF000  }
0x76: {  	[tilespmem:s26], [sflag:$0x1] =	stream.indirect.gather [hbm4b:s4+s5], $0x20, s16, s5, $0xb8;
	[tilespmem:$0x12000] =	vst v63  }
0x77: {  	_ =	swait.ge [sflag:s24], $0x1000  }
0x78: {  	[sflag:s24] =	ssyncset.done $0x0  }
0x79: {  	s17 =	sadd.s32 $0x1, s8;
	s16 =	sadd.s32 $0xFFFFFF00, s9;
	[sflag:s24] =	ssyncadd.s32 $0xFFFFF000  }
0x7a: {  	[spmem:s1] =	stream.indirect.scatter.add.f32 [tilespmem:s28], [sflag:$0x5], $0x20, s16, s5, $0xb8;
	[tilespmem:$0x12000] =	vst v63  }
0x7b: {  	s16 =	sand.u32 s22, s17;
	_ =	swait.ge [sflag:s23], $0x1000  }
0x7c: {  	s16 =	sshll.u32 s16, $0x7;
	[sflag:s23] =	ssyncset.done $0x0  }
0x7d: {  	s16 =	sand.u32 $0x3FFFFF80, s16;
	[sflag:s23] =	ssyncadd.s32 $0xFFFFF000  }
0x7e: {  	[tilespmem:s28], [sflag:$0x2] =	stream.indirect.gather [hbm4b:s4+s5], $0x20, s16, s5, $0xb8;
	[tilespmem:$0x12000] =	vst v63  }
0x7f: {  	_ =	swait.ge [sflag:s29], $0x1000  }
0x80: {  	[sflag:s29] =	ssyncset.done $0x0  }
0x81: {  	s17 =	sadd.s32 $0x2, s8;
	s16 =	sadd.s32 $0xFFFFFF80, s9;
	[sflag:s29] =	ssyncadd.s32 $0xFFFFF000  }
0x82: {  	[spmem:s1] =	stream.indirect.scatter.add.f32 [tilespmem:s30], [sflag:$0x5], $0x20, s16, s5, $0xb8;
	[tilespmem:$0x12000] =	vst v63  }
0x83: {  	s16 =	sand.u32 s22, s17;
	_ =	swait.ge [sflag:s23], $0x1000  }
0x84: {  	s16 =	sshll.u32 s16, $0x7;
	[sflag:s23] =	ssyncset.done $0x0  }
0x85: {  	s16 =	sand.u32 $0x3FFFFF80, s16;
	[sflag:s23] =	ssyncadd.s32 $0xFFFFF000  }
0x86: {  	[tilespmem:s30], [sflag:$0x3] =	stream.indirect.gather [hbm4b:s4+s5], $0x20, s16, s5, $0xb8;
	[tilespmem:$0x12000] =	vst v63  }
0x87: {  	_ =	swait.ge [sflag:s31], $0x1000  }
0x88: {  	[sflag:s31] =	ssyncset.done $0x0  }
.Ltmp2:
0x89: {  	s16 =	sadd.s32 $0x3, s8;
	[sflag:s31] =	ssyncadd.s32 $0xFFFFF000;
	(pc) =	sbr.rel @p1 .LBB2_4-.Ltmp2, $4  }
0x8a: {  	[spmem:s1] =	stream.indirect.scatter.add.f32 [tilespmem:s0], [sflag:$0x5], $0x20, s9, s5, $0xb8;
	[tilespmem:$0x12000] =	vst v63  }
0x8b: {  	s16 =	sand.u32 s22, s16;
	_ =	swait.ge [sflag:s23], $0x1000  }
0x8c: {  	s8 =	sadd.s32 $0x4, s8;
	s16 =	sshll.u32 s16, $0x7;
	[sflag:s23] =	ssyncset.done $0x0  }
0x8d: {  	s16 =	sand.u32 $0x3FFFFF80, s16;
	s9 =	sadd.s32 $0x200, s9;
	[sflag:s23] =	ssyncadd.s32 $0xFFFFF000  }
.LBB2_5:
0x8e: {  	[tilespmem:s0], [sflag:$0x4] =	stream.indirect.gather [hbm4b:s4+s5], $0x20, s16, s5, $0xb8;
	[tilespmem:$0x12000] =	vst v63  }
0x8f: {  	_ =	swait.ge [sflag:s3], $0x1000  }
0x90: {  	[sflag:s3] =	ssyncset.done $0x0  }
0x91: {  	[sflag:s3] =	ssyncadd.s32 $0xFFFFF000  }
0x92: {  	_ =	swait.ge [sflag:s24], $0x1000  }
0x93: {  	[sflag:s24] =	ssyncset.done $0x0  }
0x94: {  	[sflag:s24] =	ssyncadd.s32 $0xFFFFF000  }
0x95: {  	_ =	swait.ge [sflag:s29], $0x1000  }
0x96: {  	[sflag:s29] =	ssyncset.done $0x0  }
0x97: {  	[sflag:s29] =	ssyncadd.s32 $0xFFFFF000  }
0x98: {  	_ =	swait.ge [sflag:s31], $0x1000  }
0x99: {  	[sflag:s31] =	ssyncset.done $0x0  }
0x9a: {  	[sflag:s31] =	ssyncadd.s32 $0xFFFFF000  }
0x9b: {  	[bflag:$0x0] =	sbarrier.arrive $0xFFFF  }
0x9c: {  	[tilespmem:s25], [sflag:$0x5] =	stream.linear.gather [spmem:s10], $0x1000, $0x38;
	[tilespmem:$0x12000] =	vst v63  }
0x9d: {  	_ =	swait.ge [sflag:s23], $0x1000  }
0x9e: {  	[sflag:s23] =	ssyncset.done $0x0  }
0x9f: {  	s7 =	rddreg [dreg:$0x7];
	[sflag:s23] =	ssyncadd.s32 $0xFFFFF000  }
0xa0: {  	[hbm4b:s7+s2] =	stream.linear.scatter [tilespmem:s25], [sflag:$0x5], $0x1000, $0x38;
	[tilespmem:$0x12000] =	vst v63  }
0xa1: {  	_ =	swait.ge [sflag:s23], $0x1000  }
0xa2: {  	[sflag:s23] =	ssyncset.done $0x0  }
0xa3: {  	[sflag:s23] =	ssyncadd.s32 $0xFFFFF000  }
0xa4: {  	[tilespmem:s25], [sflag:$0x5] =	stream.linear.gather [spmem:s11], $0x1000, $0x38;
	[tilespmem:$0x12000] =	vst v63  }
0xa5: {  	_ =	swait.ge [sflag:s23], $0x1000  }
0xa6: {  	[sflag:s23] =	ssyncset.done $0x0  }
0xa7: {  	s17 =	rddreg [dreg:$0x8];
	[sflag:s23] =	ssyncadd.s32 $0xFFFFF000  }
0xa8: {  	[hbm4b:s17+s2] =	stream.linear.scatter [tilespmem:s25], [sflag:$0x5], $0x1000, $0x38;
	[tilespmem:$0x12000] =	vst v63  }
0xa9: {  	_ =	swait.ge [sflag:s23], $0x1000  }
0xaa: {  	[sflag:s23] =	ssyncset.done $0x0  }
0xab: {  	[sflag:s23] =	ssyncadd.s32 $0xFFFFF000  }
0xac: {  	[tilespmem:s25], [sflag:$0x5] =	stream.linear.gather [spmem:s12], $0x1000, $0x38;
	[tilespmem:$0x12000] =	vst v63  }
0xad: {  	_ =	swait.ge [sflag:s23], $0x1000  }
0xae: {  	[sflag:s23] =	ssyncset.done $0x0  }
0xaf: {  	[sflag:s23] =	ssyncadd.s32 $0xFFFFF000  }
0xb0: {  	[hbm4b:s18+s2] =	stream.linear.scatter [tilespmem:s25], [sflag:$0x5], $0x1000, $0x38;
	[tilespmem:$0x12000] =	vst v63  }
0xb1: {  	_ =	swait.ge [sflag:s23], $0x1000  }
0xb2: {  	[sflag:s23] =	ssyncset.done $0x0  }
0xb3: {  	[sflag:s23] =	ssyncadd.s32 $0xFFFFF000  }
0xb4: {  	[tilespmem:s25], [sflag:$0x5] =	stream.linear.gather [spmem:s13], $0x1000, $0x38;
	[tilespmem:$0x12000] =	vst v63  }
0xb5: {  	_ =	swait.ge [sflag:s23], $0x1000  }
0xb6: {  	[sflag:s23] =	ssyncset.done $0x0  }
0xb7: {  	[sflag:s23] =	ssyncadd.s32 $0xFFFFF000  }
0xb8: {  	[hbm4b:s19+s2] =	stream.linear.scatter [tilespmem:s25], [sflag:$0x5], $0x1000, $0x38;
	[tilespmem:$0x12000] =	vst v63  }
0xb9: {  	_ =	swait.ge [sflag:s23], $0x1000  }
0xba: {  	[sflag:s23] =	ssyncset.done $0x0  }
0xbb: {  	[sflag:s23] =	ssyncadd.s32 $0xFFFFF000  }
0xbc: {  	[tilespmem:s25], [sflag:$0x5] =	stream.linear.gather [spmem:s14], $0x1000, $0x38;
	[tilespmem:$0x12000] =	vst v63  }
0xbd: {  	s6 =	sadd.s32 $0x1, s6;
	_ =	swait.ge [sflag:s23], $0x1000  }
0xbe: {  	p1 =	sne.s32 s6, s21;
	[sflag:s23] =	ssyncset.done $0x0  }
.Ltmp3:
0xbf: {  	[sflag:s23] =	ssyncadd.s32 $0xFFFFF000;
	(pc) =	sbr.rel @p1 .LBB2_1-.Ltmp3, $4  }
0xc0: {  	[hbm4b:s20+s2] =	stream.linear.scatter [tilespmem:s25], [sflag:$0x5], $0x1000, $0x38;
	[tilespmem:$0x12000] =	vst v63  }
0xc1: {  	_ =	swait.ge [sflag:s23], $0x1000  }
0xc2: {  	[sflag:s23] =	ssyncset.done $0x0  }
0xc3: {  	[sflag:s23] =	ssyncadd.s32 $0xFFFFF000  }
0xc4: {  	_ =	sfence.sel $0x180000  }
0xc5: {  	[bflag:$0x0] =	sbarrier.arrive $0xFFFF  }
0xc6: {  	_ =	strace $0x9000004D  }
0xc7: {  	s0 =	stileid.u32;
	[bflag:$0x2] =	sbarrier.arrive $0xFFFF  }
0xc8: {  	p0 =	sne.s32 s0, $0x0;
	s0 =	rddreg [dreg:$0x2]  }
0xc9: {  	s0 =	sadd.s32 @!p0 $0x100000, s0  }
0xca: {  	[sflag:s0] =	ssyncadd.tile.s32 @!p0 $0x1;
	_ =	shalt  }
.Lfunc_end2:
_tile_overlayer_lowered:
.L_overlay_start_2:
0xcb: {  	(tag) =	ssettag $0x2  }
0xcc: {  	s0 =	rddreg [dreg:$0x0];
	s2 =	stileid.u32  }
0xcd: {  	s1 =	rddreg [dreg:$0x1];
	p0 =	sne.s32 s2, $0x0  }
0xce: {  	s3 =	rddreg [dreg:$0x2];
	[bflag:$0x3] =	sbarrier.arrive $0xFFFF;
	s2 =	simm.s32 @!p0 $0x1C05  }
0xcf: {  	[timem:s3], [sflag:s2] =	dma.local @!p0 [hbm:s0], s1  }
0xd0: {  	s0 =	simm.s32 @!p0 $0x5  }
0xd1: {  	_ =	swait.ge @!p0 [sflag:s0], s1  }
0xd2: {  	s1 =	ssub.s32 @!p0 $0x0, s1;
	[sflag:s0] =	ssyncset.done @!p0 $0x0  }
0xd3: {  	[sflag:s0] =	ssyncadd.s32 @!p0 s1  }
0xd4: {  	[bflag:$0x3] =	sbarrier.arrive $0xFFFF  }
0xd5: {  	_ =	shalt  }

// kernel: kernel.9.cloned.1.call-start
scs
__scs_entry_jumppad:
0x0: {  	(pc) =	sbr.rel $0x88, $3  }
0x1: {  	(tag) =	ssettag $0x0;
	lr =	simm.s32 $0x1  }
0x2: {  	[smem:$0x3F99] =	sst lr;
	_ =	strace $0xD0000000  }
0x3: {  	_ = 	snop  }
0x4: {  	_ = 	snop  }
0x5: {  	_ = 	snop  }
0x6: {  	_ = 	snop  }
0x7: {  	_ = 	snop  }
__scs_overlays_trampoline_lowered:
0x8: {  	[smem:$0x3FA8] =	sst s0  }
0x9: {  	[smem:$0x3FA9] =	sst s1  }
0xa: {  	[smem:$0x3FAA] =	sst s2  }
0xb: {  	[smem:$0x3FAB] =	sst s3  }
0xc: {  	[smem:$0x3FAC] =	sst s4  }
0xd: {  	[smem:$0x3FAD] =	sst s5  }
0xe: {  	[smem:$0x3FAE] =	sst s6  }
0xf: {  	[smem:$0x3FAF] =	sst s7  }
0x10: {  	[smem:$0x3FB0] =	sst s8  }
0x11: {  	[smem:$0x3FB1] =	sst s9;
	s0 =	simm.s32 @!p0 $0x0  }
0x12: {  	s1 =	sld [smem:$0x3F97];
	s0 =	simm.s32 @p0 $0x1  }
0x13: {  	[smem:$0x3FB2] =	sst s0;
	s0 =	simm.s32 @!p1 $0x0  }
0x14: {  	s2 =	sld [smem:$0x3F96];
	s0 =	simm.s32 @p1 $0x1  }
0x15: {  	[smem:$0x3FB3] =	sst s0;
	s0 =	simm.s32 @!p2 $0x0  }
0x16: {  	s3 =	sld [smem:$0x3FDB];
	s0 =	simm.s32 @p2 $0x1  }
0x17: {  	s4 =	simm.s32 $0x1BF5;
	[smem:$0x3FB5] =	sst s0  }
0x18: {  	s0 =	sld [smem:$0x3F98];
	_ =	swait.ge [sflag:s4], $0x0  }
0x19: {  	s7 =	sld [smem:$0x3F99]  }
0x1a: {  	s8 =	sadd.s32 $0xFFFFE003, lr  }
0x1b: {  	s9 =	sadd.s32 $0xFFFFFEF7, lr;
	s5 =	simm.s32 $0xFFFFFFFF;
	p2 =	slt.u32 s8, $0xFFFFF086  }
0x1c: {  	p1 =	slt.u32 s9, $0xF7A;
	s5 =	simm.s32 @!p2 $0x0  }
0x1d: {  	s5 =	simm.s32 @p1 $0x1;
	p0 =	seq.s32 s7, s2  }
0x1e: {  	s7 =	smul.u32 @!p0 $0xF7A, s2;
	p2 =	seq.s32 @!p0 s5, $0x0  }
0x1f: {  	s9 =	smul.u32 $0xF7A, s1;
	s8 =	simm.s32 @!p0 $0x1BF5;
	p2 =	por !p2, p0  }
0x20: {  	[sflag:s8] =	ssyncset.s32 @!p0 $0xFFFFF086;
	s6 =	sadd.s32 @!p0 s3, s7;
	s7 =	simm.s32 @!p0 $0x108  }
0x21: {  	s3 =	sadd.s32 s3, s9;
	s6 =	sadd.s32 @!p0 $0x88, s6;
	s7 =	simm.s32 @p2 $0x1082  }
0x22: {  	[simem:s7], [sflag:s8] =	dma.local @!p0 [hbm:s6], $0xF7A  }
0x23: {  	s9 =	sor.u32 $0xD0000000, s2;
	s6 =	simm.s32 $0x108;
	_ =	swait.ge @!p0 [sflag:s8], $0x0  }
0x24: {  	s3 =	sadd.s32 $0x88, s3;
	s6 =	simm.s32 @!p1 $0x1082;
	[sflag:s4] =	ssyncset.s32 $0xFFFFF086  }
0x25: {  	[simem:s6], [sflag:s4] =	dma.local [hbm:s3], $0xF7A  }
0x26: {  	[smem:$0x3F99] =	sst s1;
	(tag) =	ssettag s2;
	_ =	strace s9  }
0x27: {  	s1 =	sld [smem:$0x3FA9]  }
0x28: {  	s2 =	sld [smem:$0x3FAA]  }
0x29: {  	s4 =	sld [smem:$0x3FAC]  }
0x2a: {  	p0 =	seq.s32 s5, $0x0;
	s5 =	sld [smem:$0x3FAD]  }
0x2b: {  	s6 =	sld [smem:$0x3FAE]  }
0x2c: {  	s7 =	sld [smem:$0x3FAF]  }
0x2d: {  	s3 =	simm.s32 $0x108;
	s8 =	sld [smem:$0x3FB0]  }
0x2e: {  	s3 =	simm.s32 @!p0 $0x1082;
	s9 =	sld [smem:$0x3FB1]  }
0x2f: {  	lr =	sadd.s32 s0, s3;
	s0 =	sld [smem:$0x3FA8]  }
0x30: {  	s3 =	sld [smem:$0x3FAB]  }
0x31: {  	[smem:$0x3FB4] =	sst s10  }
0x32: {  	s10 =	sld [smem:$0x3FB2];
	_ =	sdelay $0x3  }
0x33: {  	p0 =	seq.s32 s10, $0x1;
	s10 =	sld [smem:$0x3FB4];
	_ =	sdelay $0x3  }
0x34: {  	[smem:$0x3FB4] =	sst s10  }
0x35: {  	s10 =	sld [smem:$0x3FB3];
	_ =	sdelay $0x3  }
0x36: {  	p1 =	seq.s32 s10, $0x1;
	s10 =	sld [smem:$0x3FB4];
	_ =	sdelay $0x3  }
0x37: {  	[smem:$0x3FB4] =	sst s10  }
0x38: {  	s10 =	sld [smem:$0x3FB5]  }
0x39: {  	_ = 	snop;
	(pc) =	sbr.ind lr, $3  }
0x3a: {  	_ = 	snop  }
0x3b: {  	_ = 	snop  }
0x3c: {  	p2 =	seq.s32 s10, $0x1;
	s10 =	sld [smem:$0x3FB4]  }
0x3d: {  	_ =	shalt  }
0x3e: {  	_ =	shalt  }
0x3f: {  	_ =	shalt  }
0x40: {  	_ =	shalt  }
0x41: {  	_ =	shalt  }
0x42: {  	_ =	shalt  }
0x43: {  	_ =	shalt  }
0x44: {  	_ =	shalt  }
0x45: {  	_ =	shalt  }
0x46: {  	_ =	shalt  }
0x47: {  	_ =	shalt  }
0x48: {  	_ =	shalt  }
0x49: {  	_ =	shalt  }
0x4a: {  	_ =	shalt  }
0x4b: {  	_ =	shalt  }
0x4c: {  	_ =	shalt  }
0x4d: {  	_ =	shalt  }
0x4e: {  	_ =	shalt  }
0x4f: {  	_ =	shalt  }
0x50: {  	_ =	shalt  }
0x51: {  	_ =	shalt  }
0x52: {  	_ =	shalt  }
0x53: {  	_ =	shalt  }
0x54: {  	_ =	shalt  }
0x55: {  	_ =	shalt  }
0x56: {  	_ =	shalt  }
0x57: {  	_ =	shalt  }
0x58: {  	_ =	shalt  }
0x59: {  	_ =	shalt  }
0x5a: {  	_ =	shalt  }
0x5b: {  	_ =	shalt  }
0x5c: {  	_ =	shalt  }
0x5d: {  	_ =	shalt  }
0x5e: {  	_ =	shalt  }
0x5f: {  	_ =	shalt  }
0x60: {  	_ =	shalt  }
0x61: {  	_ =	shalt  }
0x62: {  	_ =	shalt  }
0x63: {  	_ =	shalt  }
0x64: {  	_ =	shalt  }
0x65: {  	_ =	shalt  }
0x66: {  	_ =	shalt  }
0x67: {  	_ =	shalt  }
0x68: {  	_ =	shalt  }
0x69: {  	_ =	shalt  }
0x6a: {  	_ =	shalt  }
0x6b: {  	_ =	shalt  }
0x6c: {  	_ =	shalt  }
0x6d: {  	_ =	shalt  }
0x6e: {  	_ =	shalt  }
0x6f: {  	_ =	shalt  }
0x70: {  	_ =	shalt  }
0x71: {  	_ =	shalt  }
0x72: {  	_ =	shalt  }
0x73: {  	_ =	shalt  }
0x74: {  	_ =	shalt  }
0x75: {  	_ =	shalt  }
0x76: {  	_ =	shalt  }
0x77: {  	_ =	shalt  }
0x78: {  	_ =	shalt  }
0x79: {  	_ =	shalt  }
0x7a: {  	_ =	shalt  }
0x7b: {  	_ =	shalt  }
0x7c: {  	_ =	shalt  }
0x7d: {  	_ =	shalt  }
0x7e: {  	_ =	shalt  }
0x7f: {  	_ =	shalt  }
0x80: {  	_ =	shalt  }
0x81: {  	_ =	shalt  }
0x82: {  	_ =	shalt  }
0x83: {  	_ =	shalt  }
0x84: {  	_ =	shalt  }
0x85: {  	_ =	shalt  }
0x86: {  	_ =	shalt  }
0x87: {  	_ =	shalt  }
.Lfunc_end0:
.L_simem_size_0:
called_computation_lowered:
.L_overlay_start_0:
0x88: {  	s2 =	sld [smem:$0x3FD9]  }
0x89: {  	s3 =	sld [smem:$0x3FFE];
	_ =	sdelay $0x1  }
0x8a: {  	s1 =	srdreg.scid  }
0x8b: {  	s0 =	sand.u32 $0x1, s1  }
0x8c: {  	s14 =	sshll.u32 s0, $0xA;
	s2 =	sadd.s32 s3, s2  }
0x8d: {  	s2 =	sadd.s32 s2, s14  }
0x8e: {  	[smem:$0x3FC0] =	sst s2  }
0x8f: {  	_ = 	snop  }
0x90: {  	s2 =	sld [smem:$0x3FD0];
	_ =	sdelay $0x2  }
0x91: {  	s15 =	simm.s32 $0xA;
	s4 =	simm.s32 $0x10  }
0x92: {  	[smem:s4], [sflag:s15] =	dma.local [hbm:s2], $0x1  }
0x93: {  	_ =	swait.eq [sflag:s15], $0x1  }
0x94: {  	[sflag:s15] =	ssyncset.done $0x0  }
0x95: {  	[sflag:s15] =	ssyncadd.s32 $0xFFFFFFFF  }
0x96: {  	s16 =	sld [smem:$0x10];
	(tm) =	ssettm $0x1  }
0x97: {  	s17 =	sld [smem:$0x3FFB];
	_ =	sdelay $0x3  }
0x98: {  	_ =	strace s17  }
0x99: {  	s3 =	sld [smem:$0x3FFC];
	_ =	sdelay $0x3  }
0x9a: {  	_ =	strace s3  }
0x9b: {  	s3 =	sld [smem:$0x3FFD];
	_ =	sdelay $0x3  }
0x9c: {  	_ =	strace s3  }
0x9d: {  	_ =	strace $0x8FFFFFFF  }
0x9e: {  	s18 =	sld [smem:$0x3FDB];
	_ =	sdelay $0x1  }
0x9f: {  	s19 =	simm.s32 $_scs_section_size  }
0xa0: {  	s5 =	simm.s32 $_size__tile_overlayer_lowered;
	s6 =	simm.s32 $_tile_overlayer_lowered  }
0xa1: {  	s22 =	simm.s32 $0x1BFF;
	s21 =	sshll.u32 s6, $0x1;
	s3 =	sadd.s32 s19, s18  }
0xa2: {  	s7 =	simm.s32 $0x0;
	s20 =	sshll.u32 s5, $0x1;
	s5 =	sadd.s32 s21, s3  }
0xa3: {  	[timem:s7], [sflag:s22] =	dma.local [hbm:s5], s20  }
0xa4: {  	_ =	swait.ge [sflag:s22], s20  }
0xa5: {  	s4 =	ssub.s32 $0x0, s20;
	[sflag:s22] =	ssyncset.done $0x0  }
0xa6: {  	[sflag:s22] =	ssyncadd.s32 s4;
	_ =	sdelay $0x1  }
0xa7: {  	s23 =	simm.s32 $0x1B8B  }
0xa8: {  	_ =	swait.ge [sflag:s23], $0x1  }
0xa9: {  	[sflag:s23] =	ssyncset.done $0x0  }
0xaa: {  	s25 =	simm.s32 $0x1B8E;
	s24 =	sld [smem:$0x3FFE];
	[sflag:s23] =	ssyncadd.s32 $0xFFFFFFFF  }
0xab: {  	s26 =	simm.s32 $execute0_lowered;
	[smem:$0x3FD2] =	sst s25  }
0xac: {  	s5 =	sshll.u32 s26, $0x1;
	_ =	strace $0x80000046;
	[dreg:$0x1] =	wrdreg $0xFFFFFFFF  }
0xad: {  	s28 =	simm.s32 $_size_execute0_lowered;
	s3 =	sadd.s32 s3, s5;
	[dreg:$0x0] =	wrdreg $0x0  }
0xae: {  	s5 =	sshll.u32 s28, $0x1;
	[dreg:$0x2] =	wrdreg s3  }
0xaf: {  	[dreg:$0x3] =	wrdreg s5  }
0xb0: {  	[dreg:$0x4] =	wrdreg $0xC0  }
0xb1: {  	_ =	task [dreg:s7], $0x5FFFF  }
0xb2: {  	[dreg:$0x1] =	wrdreg $0xFFFFFFFF  }
0xb3: {  	[dreg:$0x0] =	wrdreg $0x60  }
0xb4: {  	[dreg:$0x2] =	wrdreg s24  }
0xb5: {  	[dreg:$0x3] =	wrdreg s16  }
0xb6: {  	[dreg:$0x4] =	wrdreg $0x43000  }
0xb7: {  	[dreg:$0x5] =	wrdreg $0x9  }
0xb8: {  	_ =	task.clear_ibuf [dreg:s7], $0x6FFFF;
	_ =	strace $0x90000046  }
0xb9: {  	s29 =	simm.s32 $0x9;
	_ =	strace $0x80000048  }
0xba: {  	_ =	swait.ge [sflag:s29], $0x1  }
0xbb: {  	[sflag:s29] =	ssyncadd.s32 $0xFFFFFFFF  }
0xbc: {  	_ =	strace $0x90000048  }
0xbd: {  	_ =	sfence  }
0xbe: {  	s30 =	sld [smem:$0x0];
	_ =	sdelay $0x2  }
0xbf: {  	s31 =	sshll.u32 s1, $0xD;
	s1 =	sshrl.u32 s1, $0x2  }
0xc0: {  	s3 =	sand.u32 $0x4000, s31;
	s1 =	sadd.s32 s1, s30  }
0xc1: {  	s0 =	sor.u32 s3, s0;
	s1 =	sshll.u32 s1, $0x11  }
0xc2: {  	s0 =	sor.u32 s1, s0  }
0xc3: {  	s0 =	sadd.s32 $0x8F2B, s0  }
0xc4: {  	[sflag:s0] =	ssyncadd.remote.s32 $0x1  }
0xc5: {  	_ =	sfence.sel $0xFFFF  }
0xc6: {  	[dreg:$0x0] =	wrdreg $0xFFFFFFFF;
	(pc) =	sbr.abs _section_cstart, $3  }
0xc7: {  	[dreg:$0x1] =	wrdreg $0xFFFFFFFF  }
0xc8: {  	_ =	task.clear_ibuf [dreg:s7], $0x2FFFF;
	_ =	strace $0x9FFFFFFF  }
0xc9: {  	(tm) =	ssettm $0x7FFFFFFF  }
tec
execute0_lowered:
.L_overlay_start_1:
0x0: {  	(tag) =	ssettag $0x1  }
0x1: {  	s3 =	rddreg [dreg:$0x0]  }
0x2: {  	s9 =	rddreg [dreg:$0x1]  }
0x3: {  	s1 =	rddreg [dreg:$0x2]  }
0x4: {  	s4 =	srdreg.scid;
	s0 =	rddreg [dreg:$0x3]  }
0x5: {  	s2 =	simm.s32 $0x0;
	s15 =	simm.s32 $0x100;
	s16 =	simm.s32 $0x0  }
0x6: {  	s11 =	sand.u32 $0x1, s4;
	[smem:$0x7FF] =	sst s2;
	s7 =	sadd.s32 $0x1C00, s3  }
0x7: {  	s3 =	stileid.u32;
	s4 =	ssub.s32 $0x2, s11;
	_ =	strace $0x80000047  }
0x8: {  	p0 =	seq.s32 s11, $0x0;
	s29 =	sshll.u32 s3, $0x9;
	s12 =	smul.u32 $0xA00, s3  }
0x9: {  	s8 =	sshll.u32 s3, $0xB;
	s13 =	smul.u32 $0x500, s3;
	s5 =	sshrl.u32 s4, $0x1  }
0xa: {  	s14 =	sshll.u32 s11, $0x7;
	s6 =	sor.u32 $0x8000, s29;
	s10 =	ssub.s32 s4, s5  }
0xb: {  	s4 =	simm.s32 $0x80;
	s5 =	simm.s32 $0x80;
	s6 =	smov.u32 @p0 s8  }
0xc: {  	s30 =	sshrl.u32 s12, $0x2;
	s31 =	sor.u32 s14, s13;
	s13 =	simm.s32 $0x4000  }
0xd: {  	s14 =	simm.s32 $0x1;
	s5 =	simm.s32 @!p0 $0x20;
	s6 =	sadd.s32 s7, s6  }
0xe: {  	s7 =	sadd.s32 s8, s7;
	s8 =	sadd.s32 s30, s1;
	s12 =	sshrl.u32 s31, $0x3  }
0xf: {  	s10 =	smax.u32 s10, $0x1;
	p0 =	sne.s32 s11, $0x0;
	s11 =	simm.s32 $0x2  }
0x10: {  	v0 =	vimm.f32 $1.000000000e+00;
	v1 =	vimm.f32 $0.0e+00;
	s7 =	sadd.s32 $0x200, s7;
	s9 =	sadd.s32 s9, s12;
	s12 =	simm.s32 $0x4080  }
.LBB2_1:
0x11: {  	[tilespmem:$0x4000] =	vst v0  }
0x12: {  	[tilespmem:$0x4010] =	vst v0  }
0x13: {  	[tilespmem:$0x4020] =	vst v0  }
0x14: {  	[tilespmem:$0x4030] =	vst v0  }
0x15: {  	[tilespmem:$0x4040] =	vst v0  }
0x16: {  	[tilespmem:$0x4050] =	vst v0  }
0x17: {  	[tilespmem:$0x4060] =	vst v0  }
0x18: {  	[tilespmem:$0x4070] =	vst v0  }
0x19: {  	[tilespmem:$0x4080] =	vst v1  }
0x1a: {  	[tilespmem:$0x4090] =	vst v1  }
0x1b: {  	[tilespmem:$0x40A0] =	vst v1  }
0x1c: {  	[tilespmem:$0x40B0] =	vst v1  }
0x1d: {  	[tilespmem:$0x40C0] =	vst v1  }
0x1e: {  	[tilespmem:$0x40D0] =	vst v1  }
0x1f: {  	[tilespmem:$0x40E0] =	vst v1  }
0x20: {  	[tilespmem:$0x40F0] =	vst v1  }
0x21: {  	[tilespmem:$0x4100] =	vst v1  }
0x22: {  	[tilespmem:$0x4110] =	vst v1  }
0x23: {  	[tilespmem:$0x4120] =	vst v1  }
0x24: {  	[tilespmem:$0x4130] =	vst v1  }
0x25: {  	[tilespmem:$0x4140] =	vst v1  }
0x26: {  	[tilespmem:$0x4150] =	vst v1  }
0x27: {  	[tilespmem:$0x4160] =	vst v1  }
0x28: {  	[tilespmem:$0x4170] =	vst v1  }
0x29: {  	[tilespmem:$0x4180] =	vst v1  }
0x2a: {  	[tilespmem:$0x4190] =	vst v1  }
0x2b: {  	[tilespmem:$0x41A0] =	vst v1  }
0x2c: {  	[tilespmem:$0x41B0] =	vst v1  }
0x2d: {  	[tilespmem:$0x41C0] =	vst v1  }
0x2e: {  	[tilespmem:$0x41D0] =	vst v1  }
0x2f: {  	[tilespmem:$0x41E0] =	vst v1  }
0x30: {  	[tilespmem:$0x41F0] =	vst v1  }
0x31: {  	[tilespmem:$0x4200] =	vst v1  }
0x32: {  	[tilespmem:$0x4210] =	vst v1  }
0x33: {  	[tilespmem:$0x4220] =	vst v1  }
0x34: {  	[tilespmem:$0x4230] =	vst v1  }
0x35: {  	[tilespmem:$0x4240] =	vst v1  }
0x36: {  	[tilespmem:$0x4250] =	vst v1  }
0x37: {  	[tilespmem:$0x4260] =	vst v1  }
0x38: {  	[tilespmem:$0x4270] =	vst v1  }
0x39: {  	[tilespmem:$0x4280] =	vst v1  }
0x3a: {  	[tilespmem:$0x4290] =	vst v1  }
0x3b: {  	[tilespmem:$0x42A0] =	vst v1  }
0x3c: {  	[tilespmem:$0x42B0] =	vst v1  }
0x3d: {  	[tilespmem:$0x42C0] =	vst v1  }
0x3e: {  	[tilespmem:$0x42D0] =	vst v1  }
0x3f: {  	[tilespmem:$0x42E0] =	vst v1  }
0x40: {  	[tilespmem:$0x42F0] =	vst v1  }
0x41: {  	[tilespmem:s2], [sflag:$0x2] =	stream.linear.gather [hbm4b:s6+s2], $0x1000, $0x38;
	[tilespmem:$0x4580] =	vst v63  }
0x42: {  	_ =	swait.ge [sflag:s11], $0x1000  }
0x43: {  	[sflag:s11] =	ssyncset.done $0x0  }
0x44: {  	s17 =	simm.s32 @!p0 $0x0;
	s18 =	simm.s32 @!p0 $0x1000;
	[sflag:s11] =	ssyncadd.s32 $0xFFFFF000  }
0x45: {  	[tilespmem:s18], [sflag:$0x2] =	stream.linear.gather @!p0 [hbm4b:s7+s17], $0x3000, $0x38;
	[tilespmem:$0x4580] =	vst v63  }
0x46: {  	s17 =	simm.s32 @!p0 $0x2  }
0x47: {  	_ =	swait.ge @!p0 [sflag:s17], $0x3000  }
0x48: {  	[sflag:s17] =	ssyncset.done @!p0 $0x0  }
0x49: {  	p1 =	sne.s32 s5, $0x1;
	[sflag:s17] =	ssyncadd.s32 @!p0 $0xFFFFD000  }
0x4a: {  	[spmem:s8] =	stream.linear.scatter [tilespmem:s12], [sflag:$0x2], $0x280, $0x38;
	[tilespmem:$0x4580] =	vst v63  }
.Ltmp0:
0x4b: {  	_ =	swait.ge [sflag:s11], $0x280;
	(pc) =	sbr.rel @!p1 .LBB2_3-.Ltmp0, $4  }
0x4c: {  	[sflag:s11] =	ssyncset.done $0x0  }
0x4d: {  	[sflag:s11] =	ssyncadd.s32 $0xFFFFFD80  }
0x4e: {  	s18 =	simm.s32 $0x0;
	s17 =	sadd.s32 $0xFFFFFFFF, s5;
	[bflag:$0x0] =	sbarrier.arrive $0xFFFF  }
0x4f: {  	[spmem:s1] =	stream.indirect.scatter.add.f32 [tilespmem:s13], [sflag:$0x1], $0x1, s2, s4, $0xb8;
	[tilespmem:$0x4580] =	vst v63  }
.LBB2_2:
0x50: {  	p2 =	sne.s32 s17, $0x1  }
.Ltmp1:
0x51: {  	_ = 	snop;
	(pc) =	sbr.rel @p2 .LBB2_2-.Ltmp1, $3  }
0x52: {  	_ = 	snop  }
0x53: {  	s17 =	sadd.s32 $0xFFFFFFFF, s17;
	s18 =	sadd.s32 $0x80, s18;
	_ =	sdelay $0x1  }
0x54: {  	[spmem:s1] =	stream.indirect.scatter.add.f32 [tilespmem:s13], [sflag:$0x1], $0x1, s18, s4, $0xb8;
	[tilespmem:$0x4580] =	vst v63  }
.LBB2_3:
.Ltmp2:
0x55: {  	(pc) =	sbr.rel @!p1 .LBB2_5-.Ltmp2, $3  }
0x56: {  	_ =	sdelay $0x1  }
0x57: {  	_ =	swait.ge [sflag:s14], $0x80  }
0x58: {  	s17 =	sadd.s32 $0xFFFFFFFF, s5;
	[sflag:s14] =	ssyncset.done $0x0  }
.LBB2_4:
0x59: {  	p1 =	sne.s32 s17, $0x1;
	s17 =	sadd.s32 $0xFFFFFFFF, s17;
	[sflag:s14] =	ssyncadd.s32 $0xFFFFFF80  }
.Ltmp3:
0x5a: {  	(pc) =	sbr.rel @p1 .LBB2_4-.Ltmp3, $3  }
0x5b: {  	_ =	sdelay $0x1  }
0x5c: {  	_ =	swait.ge [sflag:s14], $0x80  }
0x5d: {  	[sflag:s14] =	ssyncset.done $0x0  }
.LBB2_5:
0x5e: {  	[sflag:s14] =	ssyncadd.s32 $0xFFFFFF80  }
0x5f: {  	[bflag:$0x0] =	sbarrier.arrive $0xFFFF  }
0x60: {  	[tilespmem:s12], [sflag:$0x2] =	stream.linear.gather [spmem:s8], $0x280, $0x38;
	[tilespmem:$0x4580] =	vst v63  }
0x61: {  	s16 =	sadd.s32 $0x1, s16;
	_ =	swait.ge [sflag:s11], $0x280  }
0x62: {  	p1 =	sne.s32 s16, s10;
	[sflag:s11] =	ssyncset.done $0x0  }
.Ltmp4:
0x63: {  	[sflag:s11] =	ssyncadd.s32 $0xFFFFFD80;
	(pc) =	sbr.rel @p1 .LBB2_1-.Ltmp4, $4  }
0x64: {  	[hbm4b:s9+s4] =	stream.strided.scatter [tilespmem:s12], [sflag:$0x2], $0x280, s15, s4, $0x38;
	[tilespmem:$0x4580] =	vst v63  }
0x65: {  	_ =	swait.ge [sflag:s11], $0x280  }
0x66: {  	[sflag:s11] =	ssyncset.done $0x0  }
0x67: {  	[sflag:s11] =	ssyncadd.s32 $0xFFFFFD80  }
0x68: {  	_ =	sfence.sel $0x180000  }
0x69: {  	[bflag:$0x0] =	sbarrier.arrive $0xFFFF  }
0x6a: {  	p0 =	sne.s32 s3, $0x0;
	_ =	strace $0x90000047  }
0x6b: {  	s0 =	sadd.s32 @!p0 $0x100000, s0;
	[bflag:$0x2] =	sbarrier.arrive $0xFFFF  }
0x6c: {  	[sflag:s0] =	ssyncadd.tile.s32 @!p0 $0x1;
	_ =	shalt  }
.Lfunc_end2:
_tile_overlayer_lowered:
.L_overlay_start_2:
0x6d: {  	(tag) =	ssettag $0x2  }
0x6e: {  	s0 =	rddreg [dreg:$0x0];
	s2 =	stileid.u32  }
0x6f: {  	s1 =	rddreg [dreg:$0x1];
	p0 =	sne.s32 s2, $0x0  }
0x70: {  	s3 =	rddreg [dreg:$0x2];
	[bflag:$0x3] =	sbarrier.arrive $0xFFFF;
	s2 =	simm.s32 @!p0 $0x1C02  }
0x71: {  	[timem:s3], [sflag:s2] =	dma.local @!p0 [hbm:s0], s1  }
0x72: {  	s0 =	simm.s32 @!p0 $0x2  }
0x73: {  	_ =	swait.ge @!p0 [sflag:s0], s1  }
0x74: {  	s1 =	ssub.s32 @!p0 $0x0, s1;
	[sflag:s0] =	ssyncset.done @!p0 $0x0  }
0x75: {  	[sflag:s0] =	ssyncadd.s32 @!p0 s1  }
0x76: {  	[bflag:$0x3] =	sbarrier.arrive $0xFFFF  }
0x77: {  	_ =	shalt  }

</sc_bundles>
